<compile_context>
chip_gen: v7x
topology: tpu7x:2x2x1
jax: 0.10.2.dev20260603
libtpu: 0.0.44.dev20260713+nightly
codegen_flags: <defaults>
</compile_context>

<pallas_src>
import functools

import jax
import jax.numpy as jnp
from jax import lax
from jax.experimental import pallas as pl
from jax.experimental.pallas import tpu as pltpu
from jax.experimental.pallas import tpu_sc as plsc

N = 10000
NP = 10240
E = 320000
D1 = 128
NC = 2
NS = 16
NW = NC * NS
EPW = E // NW
CH = 80
NCHUNK = EPW // CH
RPT = NP // NS
RB = 2000


CPS = RPT // CH
VPC = CH // 16


def _zero_stripe(accum, zsrc, sid, sem):
  ds = []
  for j in range(CPS):
    ds.append(pltpu.async_copy(
        zsrc, accum.at[pl.ds(sid * RPT + j * CH, CH)], sem))
  for d in ds:
    d.wait()


def _copy_out(accum, b0, b1, out_hbm, cid, sid, sem):
  bs = (b0, b1)
  ds = []
  for j in range(CPS):
    b = bs[j % 2]
    if j >= 2:
      ds[j - 2].wait()
    base = sid * RPT + j * CH
    pltpu.sync_copy(accum.at[pl.ds(base, CH)], b)
    ds.append(pltpu.async_copy(b, out_hbm.at[cid, pl.ds(base, CH)], sem))
  ds[-2].wait()
  ds[-1].wait()


def _prop_pass(table_hbm, row_hbm, col_hbm, accum, slots, wid):

  def idx_start(k, s):
    cb, rb, _, _, isem = s
    base = wid * EPW + k * CH
    r = pltpu.async_copy(row_hbm.at[pl.ds(base, CH)], rb, isem)
    c = pltpu.async_copy(col_hbm.at[pl.ds(base, CH)], cb, isem)
    return r, c

  def idx_wait(d):
    d[0].wait()
    d[1].wait()

  def gather_start(s):
    cb, _, gb, gsem, _ = s
    return pltpu.async_copy(table_hbm.at[cb], gb, gsem)

  def scatter(s):
    _, rb, gb, _, _ = s
    pltpu.sync_copy(gb, accum.at[rb], add=True)

  def gather_wait(s):
    pltpu.make_async_copy(table_hbm.at[s[0]], s[2], s[3]).wait()

  s0, s1, s2 = slots
  d0 = idx_start(0, s0)
  d1 = idx_start(1, s1)
  d2 = idx_start(2, s2)
  idx_wait(d0)
  gather_start(s0)
  idx_wait(d1)
  gather_start(s1)

  def body(i, c):
    k = 3 * i
    gather_wait(s0)
    scatter(s0)
    idx_start(k + 3, s0)
    idx_wait(d2)
    gather_start(s2)
    gather_wait(s1)
    scatter(s1)
    idx_start(k + 4, s1)
    idx_wait(d0)
    gather_start(s0)
    gather_wait(s2)
    scatter(s2)
    idx_start(k + 5, s2)
    idx_wait(d1)
    gather_start(s1)
    return c

  lax.fori_loop(0, (NCHUNK - 5) // 3, body, 0)

  gather_wait(s0)
  scatter(s0)
  d3 = idx_start(NCHUNK - 2, s0)
  idx_wait(d2)
  gather_start(s2)
  gather_wait(s1)
  scatter(s1)
  d4 = idx_start(NCHUNK - 1, s1)
  idx_wait(d3)
  gather_start(s0)
  gather_wait(s2)
  scatter(s2)
  idx_wait(d4)
  gather_start(s1)
  gather_wait(s0)
  scatter(s0)
  gather_wait(s1)
  scatter(s1)


def _deg_pass(row_hbm, accum, ones_b, rb0, rb1, isem0, isem1, wid):

  def load(k, rb, sem):
    base = wid * EPW + k * CH
    return pltpu.async_copy(row_hbm.at[pl.ds(base, CH)], rb, sem)

  pltpu.sync_copy(row_hbm.at[pl.ds(wid * EPW, CH)], rb0)

  def body(i, c):
    k0 = 2 * i
    l1 = load(k0 + 1, rb1, isem1)
    pltpu.sync_copy(ones_b, accum.at[rb0], add=True)
    l1.wait()
    l0 = load(k0 + 2, rb0, isem0)
    pltpu.sync_copy(ones_b, accum.at[rb1], add=True)
    l0.wait()
    return c

  lax.fori_loop(0, (NCHUNK - 1) // 2, body, 0)
  pltpu.sync_copy(ones_b, accum.at[rb0], add=True)


def _sc1_body(xwl, xwh, row_h, col_h, z128_h, ones_h,
              low_o, high_o, deg_o,
              cb0, rb0, gb0, cb1, rb1, gb1, cb2, rb2, gb2, accum,
              gsem0, gsem1, gsem2, isem0, isem1, isem2):
  cid = lax.axis_index("c")
  sid = lax.axis_index("s")
  wid = sid * NC + cid
  slots = ((cb0, rb0, gb0, gsem0, isem0),
           (cb1, rb1, gb1, gsem1, isem1),
           (cb2, rb2, gb2, gsem2, isem2))

  pltpu.sync_copy(z128_h, gb0)
  _zero_stripe(accum, gb0, sid, gsem0)
  pltpu.sync_copy(ones_h, gb0)
  plsc.subcore_barrier()

  _deg_pass(row_h, accum, gb0, rb0, rb1, isem0, isem1, wid)
  plsc.subcore_barrier()
  _copy_out(accum, gb1, gb2, deg_o, cid, sid, gsem0)
  pltpu.sync_copy(z128_h, gb0)
  _zero_stripe(accum, gb0, sid, gsem1)
  plsc.subcore_barrier()

  _prop_pass(xwl, row_h, col_h, accum, slots, wid)
  plsc.subcore_barrier()
  _copy_out(accum, gb1, gb2, low_o, cid, sid, gsem0)
  pltpu.sync_copy(z128_h, gb0)
  _zero_stripe(accum, gb0, sid, gsem1)
  plsc.subcore_barrier()

  _prop_pass(xwh, row_h, col_h, accum, slots, wid)
  plsc.subcore_barrier()
  _copy_out(accum, gb1, gb2, high_o, cid, sid, gsem0)


def _sc2_body(hlh, row_h, col_h, z128_h, out_o,
              cb0, rb0, gb0, cb1, rb1, gb1, cb2, rb2, gb2, accum,
              gsem0, gsem1, gsem2, isem0, isem1, isem2):
  cid = lax.axis_index("c")
  sid = lax.axis_index("s")
  wid = sid * NC + cid
  slots = ((cb0, rb0, gb0, gsem0, isem0),
           (cb1, rb1, gb1, gsem1, isem1),
           (cb2, rb2, gb2, gsem2, isem2))

  pltpu.sync_copy(z128_h, gb0)
  _zero_stripe(accum, gb0, sid, gsem0)
  plsc.subcore_barrier()

  _prop_pass(hlh, row_h, col_h, accum, slots, wid)
  plsc.subcore_barrier()
  _copy_out(accum, gb1, gb2, out_o, cid, sid, gsem0)


@functools.cache
def _sc_kernels():
  mesh = plsc.VectorSubcoreMesh(core_axis_name="c", subcore_axis_name="s",
                                num_cores=NC, num_subcores=NS)
  sc1 = functools.partial(
      pl.kernel,
      out_type=[
          jax.ShapeDtypeStruct((NC, NP, D1), jnp.float32),
          jax.ShapeDtypeStruct((NC, NP, D1), jnp.float32),
          jax.ShapeDtypeStruct((NC, NP, D1), jnp.float32),
      ],
      mesh=mesh,
      scratch_types=[
          pltpu.VMEM((CH,), jnp.int32),
          pltpu.VMEM((CH,), jnp.int32),
          pltpu.VMEM((CH, D1), jnp.float32),
          pltpu.VMEM((CH,), jnp.int32),
          pltpu.VMEM((CH,), jnp.int32),
          pltpu.VMEM((CH, D1), jnp.float32),
          pltpu.VMEM((CH,), jnp.int32),
          pltpu.VMEM((CH,), jnp.int32),
          pltpu.VMEM((CH, D1), jnp.float32),
          pltpu.VMEM_SHARED((NP, D1), jnp.float32),
          pltpu.SemaphoreType.DMA,
          pltpu.SemaphoreType.DMA,
          pltpu.SemaphoreType.DMA,
          pltpu.SemaphoreType.DMA,
          pltpu.SemaphoreType.DMA,
          pltpu.SemaphoreType.DMA,
      ],
  )(_sc1_body)

  sc2 = functools.partial(
      pl.kernel,
      out_type=[jax.ShapeDtypeStruct((NC, NP, D1), jnp.float32)],
      mesh=mesh,
      scratch_types=[
          pltpu.VMEM((CH,), jnp.int32),
          pltpu.VMEM((CH,), jnp.int32),
          pltpu.VMEM((CH, D1), jnp.float32),
          pltpu.VMEM((CH,), jnp.int32),
          pltpu.VMEM((CH,), jnp.int32),
          pltpu.VMEM((CH, D1), jnp.float32),
          pltpu.VMEM((CH,), jnp.int32),
          pltpu.VMEM((CH,), jnp.int32),
          pltpu.VMEM((CH, D1), jnp.float32),
          pltpu.VMEM_SHARED((NP, D1), jnp.float32),
          pltpu.SemaphoreType.DMA,
          pltpu.SemaphoreType.DMA,
          pltpu.SemaphoreType.DMA,
          pltpu.SemaphoreType.DMA,
          pltpu.SemaphoreType.DMA,
          pltpu.SemaphoreType.DMA,
      ],
  )(_sc2_body)
  return sc1, sc2



def _pre_body(x_ref, wl_ref, wh_ref, wm_ref, ol_ref, oh_ref, om_ref):
  xb = x_ref[...]
  ol_ref[...] = jnp.dot(xb, wl_ref[...], preferred_element_type=jnp.float32)
  oh_ref[...] = jnp.dot(xb, wh_ref[...], preferred_element_type=jnp.float32)
  om_ref[...] = jnp.dot(xb, wm_ref[...], preferred_element_type=jnp.float32)


def _mix(low, high, mlp, al, ah, am, av_ref):
  sl = jnp.sum(low * al, axis=1, keepdims=True)
  sh = jnp.sum(high * ah, axis=1, keepdims=True)
  sm = jnp.sum(mlp * am, axis=1, keepdims=True)
  g0 = jax.nn.sigmoid(sl)
  g1 = jax.nn.sigmoid(sh)
  g2 = jax.nn.sigmoid(sm)
  t = [(g0 * av_ref[0, j] + g1 * av_ref[1, j] + g2 * av_ref[2, j]) / 3.0
       for j in range(3)]
  m = jnp.maximum(jnp.maximum(t[0], t[1]), t[2])
  e = [jnp.exp(tj - m) for tj in t]
  s = e[0] + e[1] + e[2]
  return 3.0 * ((e[0] / s) * low + (e[1] / s) * high + (e[2] / s) * mlp)


def _deg_inv(degp_ref):
  deg = degp_ref[0, :, 0:1] + degp_ref[1, :, 0:1]
  return 1.0 / jnp.clip(deg, 1.0, None)


def _mid_body(xwh_ref, xwm_ref, lowp_ref, highp_ref, degp_ref,
              al_ref, ah_ref, am_ref, att_ref, lng_ref, lnb_ref,
              wlh2_ref, wm2_ref, hlh_ref, hm_ref):
  dinv = _deg_inv(degp_ref)
  low = jax.nn.relu(dinv * (lowp_ref[0] + lowp_ref[1]))
  xwh = xwh_ref[...]
  high = jax.nn.relu(xwh - dinv * (highp_ref[0] + highp_ref[1]))
  mlp = jax.nn.relu(xwm_ref[...])
  h = _mix(low, high, mlp, al_ref[...], ah_ref[...], am_ref[...], att_ref)
  mean = jnp.mean(h, axis=1, keepdims=True)
  cent = h - mean
  var = jnp.mean(cent * cent, axis=1, keepdims=True)
  h = cent / jnp.sqrt(var + 1e-9) * lng_ref[...] + lnb_ref[...]
  h = jax.nn.relu(h)
  hlh_ref[...] = jnp.dot(h, wlh2_ref[...], preferred_element_type=jnp.float32)
  hm_ref[...] = jnp.dot(h, wm2_ref[...], preferred_element_type=jnp.float32)


def _post_body(hlh_ref, hm_ref, p2_ref, degp_ref,
               al_ref, ah_ref, am_ref, att_ref, out_ref):
  dinv = _deg_inv(degp_ref)
  s2 = p2_ref[0] + p2_ref[1]
  low = jax.nn.relu(dinv * s2[:, 0:64])
  high = jax.nn.relu(hlh_ref[:, 64:128] - dinv * s2[:, 64:128])
  mlp = jax.nn.relu(hm_ref[...])
  out_ref[...] = _mix(low, high, mlp, al_ref[...], ah_ref[...], am_ref[...],
                      att_ref)


def _row_spec(d):
  return pl.BlockSpec((RB, d), lambda i: (i, 0))


def _full_spec(shape):
  return pl.BlockSpec(shape, lambda i: tuple(0 for _ in shape))


def _part_spec(d):
  return pl.BlockSpec((NC, RB, d), lambda i: (0, i, 0))


_deg_spec = pl.BlockSpec((NC, RB, D1), lambda i: (0, i, 0))


_smem_spec = pl.BlockSpec(memory_space=pltpu.SMEM)

_grid = (N // RB,)

_pre_call = pl.pallas_call(
    _pre_body,
    grid=_grid,
    in_specs=[_row_spec(128), _full_spec((128, 128)), _full_spec((128, 128)),
              _full_spec((128, 128))],
    out_specs=[_row_spec(128), _row_spec(128), _row_spec(128)],
    out_shape=[jax.ShapeDtypeStruct((N, 128), jnp.float32)] * 3,
)

_mid_call = pl.pallas_call(
    _mid_body,
    grid=_grid,
    in_specs=[
        _row_spec(128), _row_spec(128),
        _part_spec(D1), _part_spec(D1), _deg_spec,
        _full_spec((1, 128)), _full_spec((1, 128)), _full_spec((1, 128)),
        _smem_spec,
        _full_spec((1, 128)), _full_spec((1, 128)),
        _full_spec((128, 128)), _full_spec((128, 64)),
    ],
    out_specs=[_row_spec(128), _row_spec(64)],
    out_shape=[jax.ShapeDtypeStruct((N, 128), jnp.float32),
               jax.ShapeDtypeStruct((N, 64), jnp.float32)],
)

_post_call = pl.pallas_call(
    _post_body,
    grid=_grid,
    in_specs=[
        _row_spec(128), _row_spec(64),
        _part_spec(D1), _deg_spec,
        _full_spec((1, 64)), _full_spec((1, 64)), _full_spec((1, 64)),
        _smem_spec,
    ],
    out_specs=_row_spec(64),
    out_shape=jax.ShapeDtypeStruct((N, 64), jnp.float32),
)


@jax.jit
def kernel(x, edge_index, W_low1, W_high1, W_mlp1, a_low1, a_high1, a_mlp1,
           att1, ln_g, ln_b, W_low2, W_high2, W_mlp2, a_low2, a_high2,
           a_mlp2, att2):
  row = edge_index[0]
  col = edge_index[1]

  sc1, sc2 = _sc_kernels()
  z128 = jnp.zeros((CH, D1), jnp.float32)
  ones128 = jnp.ones((CH, D1), jnp.float32)
  xwl, xwh, xwm = _pre_call(x, W_low1, W_high1, W_mlp1)
  lowp, highp, degp = sc1(xwl, xwh, row, col, z128, ones128)

  wlh2 = jnp.concatenate([W_low2, W_high2], axis=1)
  hlh, hm = _mid_call(
      xwh, xwm, lowp, highp, degp,
      a_low1.reshape(1, 128), a_high1.reshape(1, 128), a_mlp1.reshape(1, 128),
      att1, ln_g.reshape(1, 128), ln_b.reshape(1, 128), wlh2, W_mlp2)

  (p2,) = sc2(hlh, row, col, z128)
  out = _post_call(
      hlh, hm, p2, degp,
      a_low2.reshape(1, 64), a_high2.reshape(1, 64), a_mlp2.reshape(1, 64),
      att2)
  return out

# --- scband reference (transcript-rebuilt; emitter-appended) ---
"""Pipeline reference for scband-acmgcn-62723702391574 (READ-ONLY COPY).

The authoritative reference and input builder live on the scoring server;
editing this copy changes nothing except your own understanding.
"""

import jax, jax.numpy as jnp
import numpy as np

N = 10000
E = 320000
IN_DIM = 128
HID = 128
OUT_DIM = 64


def _glorot(key, shape):
    fan_in, fan_out = shape[0], shape[1]
    lim = jnp.sqrt(6.0 / (fan_in + fan_out))
    return jax.random.uniform(key, shape, jnp.float32, -lim, lim)


def setup_inputs(seed: int = 0):
    key = jax.random.key(seed)
    ks = jax.random.split(key, 24)
    inp = {}
    inp["x"] = jax.random.normal(ks[0], (N, IN_DIM), dtype=jnp.float32)
    inp["edge_index"] = jax.random.randint(ks[1], (2, E), 0, N, dtype=jnp.int32)
    # layer 1 params (in_dim -> hidden)
    inp["W_low1"] = _glorot(ks[2], (IN_DIM, HID))
    inp["W_high1"] = _glorot(ks[3], (IN_DIM, HID))
    inp["W_mlp1"] = _glorot(ks[4], (IN_DIM, HID))
    inp["a_low1"] = _glorot(ks[5], (HID, 1))
    inp["a_high1"] = _glorot(ks[6], (HID, 1))
    inp["a_mlp1"] = _glorot(ks[7], (HID, 1))
    inp["att1"] = _glorot(ks[8], (3, 3))
    # inter-layer LayerNorm params
    inp["ln_g"] = jnp.ones((HID,), jnp.float32)
    inp["ln_b"] = jnp.zeros((HID,), jnp.float32)
    # layer 2 params (hidden -> out)
    inp["W_low2"] = _glorot(ks[9], (HID, OUT_DIM))
    inp["W_high2"] = _glorot(ks[10], (HID, OUT_DIM))
    inp["W_mlp2"] = _glorot(ks[11], (HID, OUT_DIM))
    inp["a_low2"] = _glorot(ks[12], (OUT_DIM, 1))
    inp["a_high2"] = _glorot(ks[13], (OUT_DIM, 1))
    inp["a_mlp2"] = _glorot(ks[14], (OUT_DIM, 1))
    inp["att2"] = _glorot(ks[15], (3, 3))
    return inp


def _prop_rw(h, row, col, deg_inv):
    # adj_low @ h where adj_low = D^{-1} A (random-walk normalization)
    msg = jnp.take(h, col, axis=0)
    agg = jax.ops.segment_sum(msg, row, num_segments=N)
    return agg * deg_inv[:, None]


def _acm_conv(x, Wl, Wh, Wm, al, ah, am, Av, row, col, deg_inv):
    # low-pass channel: relu(adj_low @ (x W_low))
    low = jax.nn.relu(_prop_rw(x @ Wl, row, col, deg_inv))
    # high-pass channel: relu((I - adj_low) @ (x W_high))
    hh = x @ Wh
    high = jax.nn.relu(hh - _prop_rw(hh, row, col, deg_inv))
    # identity / mlp channel
    mlp = jax.nn.relu(x @ Wm)
    # adaptive channel mixing attention (T = 3)
    scores = jnp.concatenate([low @ al, high @ ah, mlp @ am], axis=1)
    att = jax.nn.softmax((jax.nn.sigmoid(scores) @ Av) / 3.0, axis=1)
    return 3.0 * (att[:, 0:1] * low + att[:, 1:2] * high + att[:, 2:3] * mlp)


def _layer_norm(x, g, b, eps=1e-9):
    m = jnp.mean(x, axis=-1, keepdims=True)
    v = jnp.var(x, axis=-1, keepdims=True)
    return (x - m) / jnp.sqrt(v + eps) * g + b


def reference(x, edge_index, W_low1, W_high1, W_mlp1, a_low1, a_high1, a_mlp1, att1, ln_g, ln_b, W_low2, W_high2, W_mlp2, a_low2, a_high2, a_mlp2, att2):
    row = edge_index[0]
    col = edge_index[1]
    deg = jax.ops.segment_sum(jnp.ones((E,), jnp.float32), row, num_segments=N)
    deg_inv = 1.0 / jnp.clip(deg, 1.0)
    h = _acm_conv(x, W_low1, W_high1, W_mlp1, a_low1, a_high1, a_mlp1, att1, row, col, deg_inv)
    h = _layer_norm(h, ln_g, ln_b)
    h = jax.nn.relu(h)
    out = _acm_conv(h, W_low2, W_high2, W_mlp2, a_low2, a_high2, a_mlp2, att2, row, col, deg_inv)
    return out

if __name__ == "__main__":
    import jax
    _d = setup_inputs()
    print(jax.jit(kernel)(*tuple(_d.values())))

</pallas_src>

<mosaic_0001>
#map = affine_map<(d0, d1) -> (0, 0)>
#map1 = affine_map<(d0, d1) -> (0)>
#map2 = affine_map<(d0, d1) -> (0, 0, 0)>
module attributes {stable_mosaic.version = 14 : i64} {
  func.func @_sc2_body(%arg0: i32, %arg1: i32, %arg2: memref<10000x128xf32, #tpu.memory_space<hbm>>, %arg3: memref<320000xi32, #tpu.memory_space<hbm>>, %arg4: memref<320000xi32, #tpu.memory_space<hbm>>, %arg5: memref<80x128xf32, #tpu.memory_space<hbm>>, %arg6: memref<2x10240x128xf32, #tpu.memory_space<hbm>>, %arg7: memref<80xi32, #tpu.memory_space<vmem>>, %arg8: memref<80xi32, #tpu.memory_space<vmem>>, %arg9: memref<80x128xf32, #tpu.memory_space<vmem>>, %arg10: memref<80xi32, #tpu.memory_space<vmem>>, %arg11: memref<80xi32, #tpu.memory_space<vmem>>, %arg12: memref<80x128xf32, #tpu.memory_space<vmem>>, %arg13: memref<80xi32, #tpu.memory_space<vmem>>, %arg14: memref<80xi32, #tpu.memory_space<vmem>>, %arg15: memref<80x128xf32, #tpu.memory_space<vmem>>, %arg16: memref<10240x128xf32, #tpu.memory_space<vmem_shared>>, %arg17: memref<!tpu.dma_semaphore, #tpu.memory_space<semaphore_mem>>, %arg18: memref<!tpu.dma_semaphore, #tpu.memory_space<semaphore_mem>>, %arg19: memref<!tpu.dma_semaphore, #tpu.memory_space<semaphore_mem>>, %arg20: memref<!tpu.dma_semaphore, #tpu.memory_space<semaphore_mem>>, %arg21: memref<!tpu.dma_semaphore, #tpu.memory_space<semaphore_mem>>, %arg22: memref<!tpu.dma_semaphore, #tpu.memory_space<semaphore_mem>>) attributes {dimension_semantics = [#tpu.dimension_semantics<core_parallel>, #tpu.dimension_semantics<subcore_parallel>], iteration_bounds = array<i64: 2, 16>, scalar_prefetch = 0 : i64, scratch_operands = 16 : i64, tpu.core_type = #tpu.core_type<sc_vector_subcore>, window_params = [{transform_indices = #map}, {transform_indices = #map1}, {transform_indices = #map1}, {transform_indices = #map}, {transform_indices = #map2}]} {
    %mul3A = arith.constant 2 : i32
    %mul3A_0 = arith.muli %arg1, %mul3A : i32
    %add3A = arith.addi %mul3A_0, %arg0 : i32
    "tpu.region"() ({
      %run_scoped3A = tpu.sem_alloc : memref<!tpu.dma_semaphore, #tpu.memory_space<semaphore_mem>>
      tpu.enqueue_dma source(%arg5 : memref<80x128xf32, #tpu.memory_space<hbm>>) target(%arg9 : memref<80x128xf32, #tpu.memory_space<vmem>>) target_semaphore(%run_scoped3A : memref<!tpu.dma_semaphore, #tpu.memory_space<semaphore_mem>>)
      tpu.wait_dma2 semaphore(%run_scoped3A : memref<!tpu.dma_semaphore, #tpu.memory_space<semaphore_mem>>) src(%arg5 : memref<80x128xf32, #tpu.memory_space<hbm>>) dst(%arg9 : memref<80x128xf32, #tpu.memory_space<vmem>>)
      tpu.yield
    }) : () -> ()
    %mul3A_1 = arith.constant 640 : i32
    %mul3A_2 = arith.muli %arg1, %mul3A_1 : i32
    %add3A_3 = arith.constant 0 : i32
    %add3A_4 = arith.addi %mul3A_2, %add3A_3 : i32
    %dma_start3A = arith.constant 0 : i32
    %dma_start3A_5 = tpu.memref_slice %arg16[%add3A_4, %dma_start3A] : memref<10240x128xf32, #tpu.memory_space<vmem_shared>> -> memref<80x128xf32, #tpu.memory_space<vmem_shared>>
    %dma_start3A_6 = arith.constant 0 : i32
    %dma_start3A_7 = tpu.memref_slice %arg16[%add3A_4, %dma_start3A_6] : memref<10240x128xf32, #tpu.memory_space<vmem_shared>> -> memref<80x128xf32, #tpu.memory_space<vmem_shared>>
    tpu.enqueue_dma source(%arg9 : memref<80x128xf32, #tpu.memory_space<vmem>>) target(%dma_start3A_7 : memref<80x128xf32, #tpu.memory_space<vmem_shared>>) target_semaphore(%arg17 : memref<!tpu.dma_semaphore, #tpu.memory_space<semaphore_mem>>)
    %mul3A_8 = arith.constant 640 : i32
    %mul3A_9 = arith.muli %arg1, %mul3A_8 : i32
    %add3A_10 = arith.constant 80 : i32
    %add3A_11 = arith.addi %mul3A_9, %add3A_10 : i32
    %dma_start3A_12 = arith.constant 0 : i32
    %dma_start3A_13 = tpu.memref_slice %arg16[%add3A_11, %dma_start3A_12] : memref<10240x128xf32, #tpu.memory_space<vmem_shared>> -> memref<80x128xf32, #tpu.memory_space<vmem_shared>>
    %dma_start3A_14 = arith.constant 0 : i32
    %dma_start3A_15 = tpu.memref_slice %arg16[%add3A_11, %dma_start3A_14] : memref<10240x128xf32, #tpu.memory_space<vmem_shared>> -> memref<80x128xf32, #tpu.memory_space<vmem_shared>>
    tpu.enqueue_dma source(%arg9 : memref<80x128xf32, #tpu.memory_space<vmem>>) target(%dma_start3A_15 : memref<80x128xf32, #tpu.memory_space<vmem_shared>>) target_semaphore(%arg17 : memref<!tpu.dma_semaphore, #tpu.memory_space<semaphore_mem>>)
    %mul3A_16 = arith.constant 640 : i32
    %mul3A_17 = arith.muli %arg1, %mul3A_16 : i32
    %add3A_18 = arith.constant 160 : i32
    %add3A_19 = arith.addi %mul3A_17, %add3A_18 : i32
    %dma_start3A_20 = arith.constant 0 : i32
    %dma_start3A_21 = tpu.memref_slice %arg16[%add3A_19, %dma_start3A_20] : memref<10240x128xf32, #tpu.memory_space<vmem_shared>> -> memref<80x128xf32, #tpu.memory_space<vmem_shared>>
    %dma_start3A_22 = arith.constant 0 : i32
    %dma_start3A_23 = tpu.memref_slice %arg16[%add3A_19, %dma_start3A_22] : memref<10240x128xf32, #tpu.memory_space<vmem_shared>> -> memref<80x128xf32, #tpu.memory_space<vmem_shared>>
    tpu.enqueue_dma source(%arg9 : memref<80x128xf32, #tpu.memory_space<vmem>>) target(%dma_start3A_23 : memref<80x128xf32, #tpu.memory_space<vmem_shared>>) target_semaphore(%arg17 : memref<!tpu.dma_semaphore, #tpu.memory_space<semaphore_mem>>)
    %mul3A_24 = arith.constant 640 : i32
    %mul3A_25 = arith.muli %arg1, %mul3A_24 : i32
    %add3A_26 = arith.constant 240 : i32
    %add3A_27 = arith.addi %mul3A_25, %add3A_26 : i32
    %dma_start3A_28 = arith.constant 0 : i32
    %dma_start3A_29 = tpu.memref_slice %arg16[%add3A_27, %dma_start3A_28] : memref<10240x128xf32, #tpu.memory_space<vmem_shared>> -> memref<80x128xf32, #tpu.memory_space<vmem_shared>>
    %dma_start3A_30 = arith.constant 0 : i32
    %dma_start3A_31 = tpu.memref_slice %arg16[%add3A_27, %dma_start3A_30] : memref<10240x128xf32, #tpu.memory_space<vmem_shared>> -> memref<80x128xf32, #tpu.memory_space<vmem_shared>>
    tpu.enqueue_dma source(%arg9 : memref<80x128xf32, #tpu.memory_space<vmem>>) target(%dma_start3A_31 : memref<80x128xf32, #tpu.memory_space<vmem_shared>>) target_semaphore(%arg17 : memref<!tpu.dma_semaphore, #tpu.memory_space<semaphore_mem>>)
    %mul3A_32 = arith.constant 640 : i32
    %mul3A_33 = arith.muli %arg1, %mul3A_32 : i32
    %add3A_34 = arith.constant 320 : i32
    %add3A_35 = arith.addi %mul3A_33, %add3A_34 : i32
    %dma_start3A_36 = arith.constant 0 : i32
    %dma_start3A_37 = tpu.memref_slice %arg16[%add3A_35, %dma_start3A_36] : memref<10240x128xf32, #tpu.memory_space<vmem_shared>> -> memref<80x128xf32, #tpu.memory_space<vmem_shared>>
    %dma_start3A_38 = arith.constant 0 : i32
    %dma_start3A_39 = tpu.memref_slice %arg16[%add3A_35, %dma_start3A_38] : memref<10240x128xf32, #tpu.memory_space<vmem_shared>> -> memref<80x128xf32, #tpu.memory_space<vmem_shared>>
    tpu.enqueue_dma source(%arg9 : memref<80x128xf32, #tpu.memory_space<vmem>>) target(%dma_start3A_39 : memref<80x128xf32, #tpu.memory_space<vmem_shared>>) target_semaphore(%arg17 : memref<!tpu.dma_semaphore, #tpu.memory_space<semaphore_mem>>)
    %mul3A_40 = arith.constant 640 : i32
    %mul3A_41 = arith.muli %arg1, %mul3A_40 : i32
    %add3A_42 = arith.constant 400 : i32
    %add3A_43 = arith.addi %mul3A_41, %add3A_42 : i32
    %dma_start3A_44 = arith.constant 0 : i32
    %dma_start3A_45 = tpu.memref_slice %arg16[%add3A_43, %dma_start3A_44] : memref<10240x128xf32, #tpu.memory_space<vmem_shared>> -> memref<80x128xf32, #tpu.memory_space<vmem_shared>>
    %dma_start3A_46 = arith.constant 0 : i32
    %dma_start3A_47 = tpu.memref_slice %arg16[%add3A_43, %dma_start3A_46] : memref<10240x128xf32, #tpu.memory_space<vmem_shared>> -> memref<80x128xf32, #tpu.memory_space<vmem_shared>>
    tpu.enqueue_dma source(%arg9 : memref<80x128xf32, #tpu.memory_space<vmem>>) target(%dma_start3A_47 : memref<80x128xf32, #tpu.memory_space<vmem_shared>>) target_semaphore(%arg17 : memref<!tpu.dma_semaphore, #tpu.memory_space<semaphore_mem>>)
    %mul3A_48 = arith.constant 640 : i32
    %mul3A_49 = arith.muli %arg1, %mul3A_48 : i32
    %add3A_50 = arith.constant 480 : i32
    %add3A_51 = arith.addi %mul3A_49, %add3A_50 : i32
    %dma_start3A_52 = arith.constant 0 : i32
    %dma_start3A_53 = tpu.memref_slice %arg16[%add3A_51, %dma_start3A_52] : memref<10240x128xf32, #tpu.memory_space<vmem_shared>> -> memref<80x128xf32, #tpu.memory_space<vmem_shared>>
    %dma_start3A_54 = arith.constant 0 : i32
    %dma_start3A_55 = tpu.memref_slice %arg16[%add3A_51, %dma_start3A_54] : memref<10240x128xf32, #tpu.memory_space<vmem_shared>> -> memref<80x128xf32, #tpu.memory_space<vmem_shared>>
    tpu.enqueue_dma source(%arg9 : memref<80x128xf32, #tpu.memory_space<vmem>>) target(%dma_start3A_55 : memref<80x128xf32, #tpu.memory_space<vmem_shared>>) target_semaphore(%arg17 : memref<!tpu.dma_semaphore, #tpu.memory_space<semaphore_mem>>)
    %mul3A_56 = arith.constant 640 : i32
    %mul3A_57 = arith.muli %arg1, %mul3A_56 : i32
    %add3A_58 = arith.constant 560 : i32
    %add3A_59 = arith.addi %mul3A_57, %add3A_58 : i32
    %dma_start3A_60 = arith.constant 0 : i32
    %dma_start3A_61 = tpu.memref_slice %arg16[%add3A_59, %dma_start3A_60] : memref<10240x128xf32, #tpu.memory_space<vmem_shared>> -> memref<80x128xf32, #tpu.memory_space<vmem_shared>>
    %dma_start3A_62 = arith.constant 0 : i32
    %dma_start3A_63 = tpu.memref_slice %arg16[%add3A_59, %dma_start3A_62] : memref<10240x128xf32, #tpu.memory_space<vmem_shared>> -> memref<80x128xf32, #tpu.memory_space<vmem_shared>>
    tpu.enqueue_dma source(%arg9 : memref<80x128xf32, #tpu.memory_space<vmem>>) target(%dma_start3A_63 : memref<80x128xf32, #tpu.memory_space<vmem_shared>>) target_semaphore(%arg17 : memref<!tpu.dma_semaphore, #tpu.memory_space<semaphore_mem>>)
    %dma_wait3A = arith.constant 0 : i32
    %dma_wait3A_64 = tpu.memref_slice %arg16[%add3A_4, %dma_wait3A] : memref<10240x128xf32, #tpu.memory_space<vmem_shared>> -> memref<80x128xf32, #tpu.memory_space<vmem_shared>>
    %dma_wait3A_65 = arith.constant 0 : i32
    %dma_wait3A_66 = tpu.memref_slice %arg16[%add3A_4, %dma_wait3A_65] : memref<10240x128xf32, #tpu.memory_space<vmem_shared>> -> memref<80x128xf32, #tpu.memory_space<vmem_shared>>
    tpu.wait_dma2 semaphore(%arg17 : memref<!tpu.dma_semaphore, #tpu.memory_space<semaphore_mem>>) src(%arg9 : memref<80x128xf32, #tpu.memory_space<vmem>>) dst(%dma_wait3A_66 : memref<80x128xf32, #tpu.memory_space<vmem_shared>>)
    %dma_wait3A_67 = arith.constant 0 : i32
    %dma_wait3A_68 = tpu.memref_slice %arg16[%add3A_11, %dma_wait3A_67] : memref<10240x128xf32, #tpu.memory_space<vmem_shared>> -> memref<80x128xf32, #tpu.memory_space<vmem_shared>>
    %dma_wait3A_69 = arith.constant 0 : i32
    %dma_wait3A_70 = tpu.memref_slice %arg16[%add3A_11, %dma_wait3A_69] : memref<10240x128xf32, #tpu.memory_space<vmem_shared>> -> memref<80x128xf32, #tpu.memory_space<vmem_shared>>
    tpu.wait_dma2 semaphore(%arg17 : memref<!tpu.dma_semaphore, #tpu.memory_space<semaphore_mem>>) src(%arg9 : memref<80x128xf32, #tpu.memory_space<vmem>>) dst(%dma_wait3A_70 : memref<80x128xf32, #tpu.memory_space<vmem_shared>>)
    %dma_wait3A_71 = arith.constant 0 : i32
    %dma_wait3A_72 = tpu.memref_slice %arg16[%add3A_19, %dma_wait3A_71] : memref<10240x128xf32, #tpu.memory_space<vmem_shared>> -> memref<80x128xf32, #tpu.memory_space<vmem_shared>>
    %dma_wait3A_73 = arith.constant 0 : i32
    %dma_wait3A_74 = tpu.memref_slice %arg16[%add3A_19, %dma_wait3A_73] : memref<10240x128xf32, #tpu.memory_space<vmem_shared>> -> memref<80x128xf32, #tpu.memory_space<vmem_shared>>
    tpu.wait_dma2 semaphore(%arg17 : memref<!tpu.dma_semaphore, #tpu.memory_space<semaphore_mem>>) src(%arg9 : memref<80x128xf32, #tpu.memory_space<vmem>>) dst(%dma_wait3A_74 : memref<80x128xf32, #tpu.memory_space<vmem_shared>>)
    %dma_wait3A_75 = arith.constant 0 : i32
    %dma_wait3A_76 = tpu.memref_slice %arg16[%add3A_27, %dma_wait3A_75] : memref<10240x128xf32, #tpu.memory_space<vmem_shared>> -> memref<80x128xf32, #tpu.memory_space<vmem_shared>>
    %dma_wait3A_77 = arith.constant 0 : i32
    %dma_wait3A_78 = tpu.memref_slice %arg16[%add3A_27, %dma_wait3A_77] : memref<10240x128xf32, #tpu.memory_space<vmem_shared>> -> memref<80x128xf32, #tpu.memory_space<vmem_shared>>
    tpu.wait_dma2 semaphore(%arg17 : memref<!tpu.dma_semaphore, #tpu.memory_space<semaphore_mem>>) src(%arg9 : memref<80x128xf32, #tpu.memory_space<vmem>>) dst(%dma_wait3A_78 : memref<80x128xf32, #tpu.memory_space<vmem_shared>>)
    %dma_wait3A_79 = arith.constant 0 : i32
    %dma_wait3A_80 = tpu.memref_slice %arg16[%add3A_35, %dma_wait3A_79] : memref<10240x128xf32, #tpu.memory_space<vmem_shared>> -> memref<80x128xf32, #tpu.memory_space<vmem_shared>>
    %dma_wait3A_81 = arith.constant 0 : i32
    %dma_wait3A_82 = tpu.memref_slice %arg16[%add3A_35, %dma_wait3A_81] : memref<10240x128xf32, #tpu.memory_space<vmem_shared>> -> memref<80x128xf32, #tpu.memory_space<vmem_shared>>
    tpu.wait_dma2 semaphore(%arg17 : memref<!tpu.dma_semaphore, #tpu.memory_space<semaphore_mem>>) src(%arg9 : memref<80x128xf32, #tpu.memory_space<vmem>>) dst(%dma_wait3A_82 : memref<80x128xf32, #tpu.memory_space<vmem_shared>>)
    %dma_wait3A_83 = arith.constant 0 : i32
    %dma_wait3A_84 = tpu.memref_slice %arg16[%add3A_43, %dma_wait3A_83] : memref<10240x128xf32, #tpu.memory_space<vmem_shared>> -> memref<80x128xf32, #tpu.memory_space<vmem_shared>>
    %dma_wait3A_85 = arith.constant 0 : i32
    %dma_wait3A_86 = tpu.memref_slice %arg16[%add3A_43, %dma_wait3A_85] : memref<10240x128xf32, #tpu.memory_space<vmem_shared>> -> memref<80x128xf32, #tpu.memory_space<vmem_shared>>
    tpu.wait_dma2 semaphore(%arg17 : memref<!tpu.dma_semaphore, #tpu.memory_space<semaphore_mem>>) src(%arg9 : memref<80x128xf32, #tpu.memory_space<vmem>>) dst(%dma_wait3A_86 : memref<80x128xf32, #tpu.memory_space<vmem_shared>>)
    %dma_wait3A_87 = arith.constant 0 : i32
    %dma_wait3A_88 = tpu.memref_slice %arg16[%add3A_51, %dma_wait3A_87] : memref<10240x128xf32, #tpu.memory_space<vmem_shared>> -> memref<80x128xf32, #tpu.memory_space<vmem_shared>>
    %dma_wait3A_89 = arith.constant 0 : i32
    %dma_wait3A_90 = tpu.memref_slice %arg16[%add3A_51, %dma_wait3A_89] : memref<10240x128xf32, #tpu.memory_space<vmem_shared>> -> memref<80x128xf32, #tpu.memory_space<vmem_shared>>
    tpu.wait_dma2 semaphore(%arg17 : memref<!tpu.dma_semaphore, #tpu.memory_space<semaphore_mem>>) src(%arg9 : memref<80x128xf32, #tpu.memory_space<vmem>>) dst(%dma_wait3A_90 : memref<80x128xf32, #tpu.memory_space<vmem_shared>>)
    %dma_wait3A_91 = arith.constant 0 : i32
    %dma_wait3A_92 = tpu.memref_slice %arg16[%add3A_59, %dma_wait3A_91] : memref<10240x128xf32, #tpu.memory_space<vmem_shared>> -> memref<80x128xf32, #tpu.memory_space<vmem_shared>>
    %dma_wait3A_93 = arith.constant 0 : i32
    %dma_wait3A_94 = tpu.memref_slice %arg16[%add3A_59, %dma_wait3A_93] : memref<10240x128xf32, #tpu.memory_space<vmem_shared>> -> memref<80x128xf32, #tpu.memory_space<vmem_shared>>
    tpu.wait_dma2 semaphore(%arg17 : memref<!tpu.dma_semaphore, #tpu.memory_space<semaphore_mem>>) src(%arg9 : memref<80x128xf32, #tpu.memory_space<vmem>>) dst(%dma_wait3A_94 : memref<80x128xf32, #tpu.memory_space<vmem_shared>>)
    %barrier3A = arith.constant 0 : index
    tpu.barrier barrier_id(%barrier3A)
    %mul3A_95 = arith.constant 10000 : i32
    %mul3A_96 = arith.muli %add3A, %mul3A_95 : i32
    %add3A_97 = arith.constant 0 : i32
    %add3A_98 = arith.addi %mul3A_96, %add3A_97 : i32
    %dma_start3A_99 = tpu.memref_slice %arg3[%add3A_98] : memref<320000xi32, #tpu.memory_space<hbm>> -> memref<80xi32, #tpu.memory_space<hbm>>
    %dma_start3A_100 = tpu.memref_slice %arg3[%add3A_98] : memref<320000xi32, #tpu.memory_space<hbm>> -> memref<80xi32, #tpu.memory_space<hbm>>
    tpu.enqueue_dma source(%dma_start3A_100 : memref<80xi32, #tpu.memory_space<hbm>>) target(%arg8 : memref<80xi32, #tpu.memory_space<vmem>>) target_semaphore(%arg20 : memref<!tpu.dma_semaphore, #tpu.memory_space<semaphore_mem>>)
    %dma_start3A_101 = tpu.memref_slice %arg4[%add3A_98] : memref<320000xi32, #tpu.memory_space<hbm>> -> memref<80xi32, #tpu.memory_space<hbm>>
    %dma_start3A_102 = tpu.memref_slice %arg4[%add3A_98] : memref<320000xi32, #tpu.memory_space<hbm>> -> memref<80xi32, #tpu.memory_space<hbm>>
    tpu.enqueue_dma source(%dma_start3A_102 : memref<80xi32, #tpu.memory_space<hbm>>) target(%arg7 : memref<80xi32, #tpu.memory_space<vmem>>) target_semaphore(%arg20 : memref<!tpu.dma_semaphore, #tpu.memory_space<semaphore_mem>>)
    %mul3A_103 = arith.constant 10000 : i32
    %mul3A_104 = arith.muli %add3A, %mul3A_103 : i32
    %add3A_105 = arith.constant 80 : i32
    %add3A_106 = arith.addi %mul3A_104, %add3A_105 : i32
    %dma_start3A_107 = tpu.memref_slice %arg3[%add3A_106] : memref<320000xi32, #tpu.memory_space<hbm>> -> memref<80xi32, #tpu.memory_space<hbm>>
    %dma_start3A_108 = tpu.memref_slice %arg3[%add3A_106] : memref<320000xi32, #tpu.memory_space<hbm>> -> memref<80xi32, #tpu.memory_space<hbm>>
    tpu.enqueue_dma source(%dma_start3A_108 : memref<80xi32, #tpu.memory_space<hbm>>) target(%arg11 : memref<80xi32, #tpu.memory_space<vmem>>) target_semaphore(%arg21 : memref<!tpu.dma_semaphore, #tpu.memory_space<semaphore_mem>>)
    %dma_start3A_109 = tpu.memref_slice %arg4[%add3A_106] : memref<320000xi32, #tpu.memory_space<hbm>> -> memref<80xi32, #tpu.memory_space<hbm>>
    %dma_start3A_110 = tpu.memref_slice %arg4[%add3A_106] : memref<320000xi32, #tpu.memory_space<hbm>> -> memref<80xi32, #tpu.memory_space<hbm>>
    tpu.enqueue_dma source(%dma_start3A_110 : memref<80xi32, #tpu.memory_space<hbm>>) target(%arg10 : memref<80xi32, #tpu.memory_space<vmem>>) target_semaphore(%arg21 : memref<!tpu.dma_semaphore, #tpu.memory_space<semaphore_mem>>)
    %mul3A_111 = arith.constant 10000 : i32
    %mul3A_112 = arith.muli %add3A, %mul3A_111 : i32
    %add3A_113 = arith.constant 160 : i32
    %add3A_114 = arith.addi %mul3A_112, %add3A_113 : i32
    %dma_start3A_115 = tpu.memref_slice %arg3[%add3A_114] : memref<320000xi32, #tpu.memory_space<hbm>> -> memref<80xi32, #tpu.memory_space<hbm>>
    %dma_start3A_116 = tpu.memref_slice %arg3[%add3A_114] : memref<320000xi32, #tpu.memory_space<hbm>> -> memref<80xi32, #tpu.memory_space<hbm>>
    tpu.enqueue_dma source(%dma_start3A_116 : memref<80xi32, #tpu.memory_space<hbm>>) target(%arg14 : memref<80xi32, #tpu.memory_space<vmem>>) target_semaphore(%arg22 : memref<!tpu.dma_semaphore, #tpu.memory_space<semaphore_mem>>)
    %dma_start3A_117 = tpu.memref_slice %arg4[%add3A_114] : memref<320000xi32, #tpu.memory_space<hbm>> -> memref<80xi32, #tpu.memory_space<hbm>>
    %dma_start3A_118 = tpu.memref_slice %arg4[%add3A_114] : memref<320000xi32, #tpu.memory_space<hbm>> -> memref<80xi32, #tpu.memory_space<hbm>>
    tpu.enqueue_dma source(%dma_start3A_118 : memref<80xi32, #tpu.memory_space<hbm>>) target(%arg13 : memref<80xi32, #tpu.memory_space<vmem>>) target_semaphore(%arg22 : memref<!tpu.dma_semaphore, #tpu.memory_space<semaphore_mem>>)
    %dma_wait3A_119 = tpu.memref_slice %arg3[%add3A_98] : memref<320000xi32, #tpu.memory_space<hbm>> -> memref<80xi32, #tpu.memory_space<hbm>>
    %dma_wait3A_120 = tpu.memref_slice %arg3[%add3A_98] : memref<320000xi32, #tpu.memory_space<hbm>> -> memref<80xi32, #tpu.memory_space<hbm>>
    tpu.wait_dma2 semaphore(%arg20 : memref<!tpu.dma_semaphore, #tpu.memory_space<semaphore_mem>>) src(%dma_wait3A_120 : memref<80xi32, #tpu.memory_space<hbm>>) dst(%arg8 : memref<80xi32, #tpu.memory_space<vmem>>)
    %dma_wait3A_121 = tpu.memref_slice %arg4[%add3A_98] : memref<320000xi32, #tpu.memory_space<hbm>> -> memref<80xi32, #tpu.memory_space<hbm>>
    %dma_wait3A_122 = tpu.memref_slice %arg4[%add3A_98] : memref<320000xi32, #tpu.memory_space<hbm>> -> memref<80xi32, #tpu.memory_space<hbm>>
    tpu.wait_dma2 semaphore(%arg20 : memref<!tpu.dma_semaphore, #tpu.memory_space<semaphore_mem>>) src(%dma_wait3A_122 : memref<80xi32, #tpu.memory_space<hbm>>) dst(%arg7 : memref<80xi32, #tpu.memory_space<vmem>>)
    %dma_start3A_123 = arith.constant 0 : i32
    %dma_start3A_124 = arith.constant 0 : i32
    %dma_start3A_125 = tpu.memref_slice %arg2[%dma_start3A_123, %dma_start3A_124] : memref<10000x128xf32, #tpu.memory_space<hbm>> -> memref<10000x128xf32, #tpu.memory_space<hbm>>
    tpu.enqueue_indirect_dma source(%dma_start3A_125 : memref<10000x128xf32, #tpu.memory_space<hbm>>) target(%arg9 : memref<80x128xf32, #tpu.memory_space<vmem>>) offsets(%arg7 : memref<80xi32, #tpu.memory_space<vmem>>) semaphore(%arg17 : memref<!tpu.dma_semaphore, #tpu.memory_space<semaphore_mem>>)
    %dma_wait3A_126 = tpu.memref_slice %arg3[%add3A_106] : memref<320000xi32, #tpu.memory_space<hbm>> -> memref<80xi32, #tpu.memory_space<hbm>>
    %dma_wait3A_127 = tpu.memref_slice %arg3[%add3A_106] : memref<320000xi32, #tpu.memory_space<hbm>> -> memref<80xi32, #tpu.memory_space<hbm>>
    tpu.wait_dma2 semaphore(%arg21 : memref<!tpu.dma_semaphore, #tpu.memory_space<semaphore_mem>>) src(%dma_wait3A_127 : memref<80xi32, #tpu.memory_space<hbm>>) dst(%arg11 : memref<80xi32, #tpu.memory_space<vmem>>)
    %dma_wait3A_128 = tpu.memref_slice %arg4[%add3A_106] : memref<320000xi32, #tpu.memory_space<hbm>> -> memref<80xi32, #tpu.memory_space<hbm>>
    %dma_wait3A_129 = tpu.memref_slice %arg4[%add3A_106] : memref<320000xi32, #tpu.memory_space<hbm>> -> memref<80xi32, #tpu.memory_space<hbm>>
    tpu.wait_dma2 semaphore(%arg21 : memref<!tpu.dma_semaphore, #tpu.memory_space<semaphore_mem>>) src(%dma_wait3A_129 : memref<80xi32, #tpu.memory_space<hbm>>) dst(%arg10 : memref<80xi32, #tpu.memory_space<vmem>>)
    %dma_start3A_130 = arith.constant 0 : i32
    %dma_start3A_131 = arith.constant 0 : i32
    %dma_start3A_132 = tpu.memref_slice %arg2[%dma_start3A_130, %dma_start3A_131] : memref<10000x128xf32, #tpu.memory_space<hbm>> -> memref<10000x128xf32, #tpu.memory_space<hbm>>
    tpu.enqueue_indirect_dma source(%dma_start3A_132 : memref<10000x128xf32, #tpu.memory_space<hbm>>) target(%arg12 : memref<80x128xf32, #tpu.memory_space<vmem>>) offsets(%arg10 : memref<80xi32, #tpu.memory_space<vmem>>) semaphore(%arg18 : memref<!tpu.dma_semaphore, #tpu.memory_space<semaphore_mem>>)
    %scan3A = arith.constant 0 : i32
    %scan3A_133 = arith.constant 0 : i32
    %scan3A_134 = arith.constant 40 : i32
    %scan3A_135 = arith.addi %scan3A_133, %scan3A_134 : i32
    %scan3A_136 = arith.constant 1 : i32
    scf.for %scan3A_319 = %scan3A_133 to %scan3A_135 step %scan3A_136  : i32 {
      %mul3A_320 = arith.constant 3 : i32
      %mul3A_321 = arith.muli %mul3A_320, %scan3A_319 : i32
      %dma_wait3A_322 = arith.constant 0 : i32
      %dma_wait3A_323 = arith.constant 0 : i32
      %dma_wait3A_324 = tpu.memref_slice %arg2[%dma_wait3A_322, %dma_wait3A_323] : memref<10000x128xf32, #tpu.memory_space<hbm>> -> memref<10000x128xf32, #tpu.memory_space<hbm>>
      tpu.wait_indirect_dma semaphore(%arg17 : memref<!tpu.dma_semaphore, #tpu.memory_space<semaphore_mem>>) src(%dma_wait3A_324 : memref<10000x128xf32, #tpu.memory_space<hbm>>) dst(%arg9 : memref<80x128xf32, #tpu.memory_space<vmem>>)
      "tpu.region"() ({
        %run_scoped3A = tpu.sem_alloc : memref<!tpu.dma_semaphore, #tpu.memory_space<semaphore_mem>>
        %dma_start3A_385 = arith.constant 0 : i32
        %dma_start3A_386 = arith.constant 0 : i32
        %dma_start3A_387 = tpu.memref_slice %arg16[%dma_start3A_385, %dma_start3A_386] : memref<10240x128xf32, #tpu.memory_space<vmem_shared>> -> memref<10240x128xf32, #tpu.memory_space<vmem_shared>>
        tpu.enqueue_indirect_dma source(%arg9 : memref<80x128xf32, #tpu.memory_space<vmem>>) target(%dma_start3A_387 : memref<10240x128xf32, #tpu.memory_space<vmem_shared>>) offsets(%arg8 : memref<80xi32, #tpu.memory_space<vmem>>) semaphore(%run_scoped3A : memref<!tpu.dma_semaphore, #tpu.memory_space<semaphore_mem>>) {add = true}
        %dma_wait3A_388 = arith.constant 0 : i32
        %dma_wait3A_389 = arith.constant 0 : i32
        %dma_wait3A_390 = tpu.memref_slice %arg16[%dma_wait3A_388, %dma_wait3A_389] : memref<10240x128xf32, #tpu.memory_space<vmem_shared>> -> memref<10240x128xf32, #tpu.memory_space<vmem_shared>>
        tpu.wait_indirect_dma semaphore(%run_scoped3A : memref<!tpu.dma_semaphore, #tpu.memory_space<semaphore_mem>>) src(%arg9 : memref<80x128xf32, #tpu.memory_space<vmem>>) dst(%dma_wait3A_390 : memref<10240x128xf32, #tpu.memory_space<vmem_shared>>)
        tpu.yield
      }) : () -> ()
      %add3A_325 = arith.constant 3 : i32
      %add3A_326 = arith.addi %mul3A_321, %add3A_325 : i32
      %mul3A_327 = arith.constant 10000 : i32
      %mul3A_328 = arith.muli %add3A, %mul3A_327 : i32
      %mul3A_329 = arith.constant 80 : i32
      %mul3A_330 = arith.muli %add3A_326, %mul3A_329 : i32
      %add3A_331 = arith.addi %mul3A_328, %mul3A_330 : i32
      %dma_start3A_332 = tpu.memref_slice %arg3[%add3A_331] : memref<320000xi32, #tpu.memory_space<hbm>> -> memref<80xi32, #tpu.memory_space<hbm>>
      %dma_start3A_333 = tpu.memref_slice %arg3[%add3A_331] : memref<320000xi32, #tpu.memory_space<hbm>> -> memref<80xi32, #tpu.memory_space<hbm>>
      tpu.enqueue_dma source(%dma_start3A_333 : memref<80xi32, #tpu.memory_space<hbm>>) target(%arg8 : memref<80xi32, #tpu.memory_space<vmem>>) target_semaphore(%arg20 : memref<!tpu.dma_semaphore, #tpu.memory_space<semaphore_mem>>)
      %dma_start3A_334 = tpu.memref_slice %arg4[%add3A_331] : memref<320000xi32, #tpu.memory_space<hbm>> -> memref<80xi32, #tpu.memory_space<hbm>>
      %dma_start3A_335 = tpu.memref_slice %arg4[%add3A_331] : memref<320000xi32, #tpu.memory_space<hbm>> -> memref<80xi32, #tpu.memory_space<hbm>>
      tpu.enqueue_dma source(%dma_start3A_335 : memref<80xi32, #tpu.memory_space<hbm>>) target(%arg7 : memref<80xi32, #tpu.memory_space<vmem>>) target_semaphore(%arg20 : memref<!tpu.dma_semaphore, #tpu.memory_space<semaphore_mem>>)
      %dma_wait3A_336 = tpu.memref_slice %arg3[%add3A_114] : memref<320000xi32, #tpu.memory_space<hbm>> -> memref<80xi32, #tpu.memory_space<hbm>>
      %dma_wait3A_337 = tpu.memref_slice %arg3[%add3A_114] : memref<320000xi32, #tpu.memory_space<hbm>> -> memref<80xi32, #tpu.memory_space<hbm>>
      tpu.wait_dma2 semaphore(%arg22 : memref<!tpu.dma_semaphore, #tpu.memory_space<semaphore_mem>>) src(%dma_wait3A_337 : memref<80xi32, #tpu.memory_space<hbm>>) dst(%arg14 : memref<80xi32, #tpu.memory_space<vmem>>)
      %dma_wait3A_338 = tpu.memref_slice %arg4[%add3A_114] : memref<320000xi32, #tpu.memory_space<hbm>> -> memref<80xi32, #tpu.memory_space<hbm>>
      %dma_wait3A_339 = tpu.memref_slice %arg4[%add3A_114] : memref<320000xi32, #tpu.memory_space<hbm>> -> memref<80xi32, #tpu.memory_space<hbm>>
      tpu.wait_dma2 semaphore(%arg22 : memref<!tpu.dma_semaphore, #tpu.memory_space<semaphore_mem>>) src(%dma_wait3A_339 : memref<80xi32, #tpu.memory_space<hbm>>) dst(%arg13 : memref<80xi32, #tpu.memory_space<vmem>>)
      %dma_start3A_340 = arith.constant 0 : i32
      %dma_start3A_341 = arith.constant 0 : i32
      %dma_start3A_342 = tpu.memref_slice %arg2[%dma_start3A_340, %dma_start3A_341] : memref<10000x128xf32, #tpu.memory_space<hbm>> -> memref<10000x128xf32, #tpu.memory_space<hbm>>
      tpu.enqueue_indirect_dma source(%dma_start3A_342 : memref<10000x128xf32, #tpu.memory_space<hbm>>) target(%arg15 : memref<80x128xf32, #tpu.memory_space<vmem>>) offsets(%arg13 : memref<80xi32, #tpu.memory_space<vmem>>) semaphore(%arg19 : memref<!tpu.dma_semaphore, #tpu.memory_space<semaphore_mem>>)
      %dma_wait3A_343 = arith.constant 0 : i32
      %dma_wait3A_344 = arith.constant 0 : i32
      %dma_wait3A_345 = tpu.memref_slice %arg2[%dma_wait3A_343, %dma_wait3A_344] : memref<10000x128xf32, #tpu.memory_space<hbm>> -> memref<10000x128xf32, #tpu.memory_space<hbm>>
      tpu.wait_indirect_dma semaphore(%arg18 : memref<!tpu.dma_semaphore, #tpu.memory_space<semaphore_mem>>) src(%dma_wait3A_345 : memref<10000x128xf32, #tpu.memory_space<hbm>>) dst(%arg12 : memref<80x128xf32, #tpu.memory_space<vmem>>)
      "tpu.region"() ({
        %run_scoped3A = tpu.sem_alloc : memref<!tpu.dma_semaphore, #tpu.memory_space<semaphore_mem>>
        %dma_start3A_385 = arith.constant 0 : i32
        %dma_start3A_386 = arith.constant 0 : i32
        %dma_start3A_387 = tpu.memref_slice %arg16[%dma_start3A_385, %dma_start3A_386] : memref<10240x128xf32, #tpu.memory_space<vmem_shared>> -> memref<10240x128xf32, #tpu.memory_space<vmem_shared>>
        tpu.enqueue_indirect_dma source(%arg12 : memref<80x128xf32, #tpu.memory_space<vmem>>) target(%dma_start3A_387 : memref<10240x128xf32, #tpu.memory_space<vmem_shared>>) offsets(%arg11 : memref<80xi32, #tpu.memory_space<vmem>>) semaphore(%run_scoped3A : memref<!tpu.dma_semaphore, #tpu.memory_space<semaphore_mem>>) {add = true}
        %dma_wait3A_388 = arith.constant 0 : i32
        %dma_wait3A_389 = arith.constant 0 : i32
        %dma_wait3A_390 = tpu.memref_slice %arg16[%dma_wait3A_388, %dma_wait3A_389] : memref<10240x128xf32, #tpu.memory_space<vmem_shared>> -> memref<10240x128xf32, #tpu.memory_space<vmem_shared>>
        tpu.wait_indirect_dma semaphore(%run_scoped3A : memref<!tpu.dma_semaphore, #tpu.memory_space<semaphore_mem>>) src(%arg12 : memref<80x128xf32, #tpu.memory_space<vmem>>) dst(%dma_wait3A_390 : memref<10240x128xf32, #tpu.memory_space<vmem_shared>>)
        tpu.yield
      }) : () -> ()
      %add3A_346 = arith.constant 4 : i32
      %add3A_347 = arith.addi %mul3A_321, %add3A_346 : i32
      %mul3A_348 = arith.constant 10000 : i32
      %mul3A_349 = arith.muli %add3A, %mul3A_348 : i32
      %mul3A_350 = arith.constant 80 : i32
      %mul3A_351 = arith.muli %add3A_347, %mul3A_350 : i32
      %add3A_352 = arith.addi %mul3A_349, %mul3A_351 : i32
      %dma_start3A_353 = tpu.memref_slice %arg3[%add3A_352] : memref<320000xi32, #tpu.memory_space<hbm>> -> memref<80xi32, #tpu.memory_space<hbm>>
      %dma_start3A_354 = tpu.memref_slice %arg3[%add3A_352] : memref<320000xi32, #tpu.memory_space<hbm>> -> memref<80xi32, #tpu.memory_space<hbm>>
      tpu.enqueue_dma source(%dma_start3A_354 : memref<80xi32, #tpu.memory_space<hbm>>) target(%arg11 : memref<80xi32, #tpu.memory_space<vmem>>) target_semaphore(%arg21 : memref<!tpu.dma_semaphore, #tpu.memory_space<semaphore_mem>>)
      %dma_start3A_355 = tpu.memref_slice %arg4[%add3A_352] : memref<320000xi32, #tpu.memory_space<hbm>> -> memref<80xi32, #tpu.memory_space<hbm>>
      %dma_start3A_356 = tpu.memref_slice %arg4[%add3A_352] : memref<320000xi32, #tpu.memory_space<hbm>> -> memref<80xi32, #tpu.memory_space<hbm>>
      tpu.enqueue_dma source(%dma_start3A_356 : memref<80xi32, #tpu.memory_space<hbm>>) target(%arg10 : memref<80xi32, #tpu.memory_space<vmem>>) target_semaphore(%arg21 : memref<!tpu.dma_semaphore, #tpu.memory_space<semaphore_mem>>)
      %dma_wait3A_357 = tpu.memref_slice %arg3[%add3A_98] : memref<320000xi32, #tpu.memory_space<hbm>> -> memref<80xi32, #tpu.memory_space<hbm>>
      %dma_wait3A_358 = tpu.memref_slice %arg3[%add3A_98] : memref<320000xi32, #tpu.memory_space<hbm>> -> memref<80xi32, #tpu.memory_space<hbm>>
      tpu.wait_dma2 semaphore(%arg20 : memref<!tpu.dma_semaphore, #tpu.memory_space<semaphore_mem>>) src(%dma_wait3A_358 : memref<80xi32, #tpu.memory_space<hbm>>) dst(%arg8 : memref<80xi32, #tpu.memory_space<vmem>>)
      %dma_wait3A_359 = tpu.memref_slice %arg4[%add3A_98] : memref<320000xi32, #tpu.memory_space<hbm>> -> memref<80xi32, #tpu.memory_space<hbm>>
      %dma_wait3A_360 = tpu.memref_slice %arg4[%add3A_98] : memref<320000xi32, #tpu.memory_space<hbm>> -> memref<80xi32, #tpu.memory_space<hbm>>
      tpu.wait_dma2 semaphore(%arg20 : memref<!tpu.dma_semaphore, #tpu.memory_space<semaphore_mem>>) src(%dma_wait3A_360 : memref<80xi32, #tpu.memory_space<hbm>>) dst(%arg7 : memref<80xi32, #tpu.memory_space<vmem>>)
      %dma_start3A_361 = arith.constant 0 : i32
      %dma_start3A_362 = arith.constant 0 : i32
      %dma_start3A_363 = tpu.memref_slice %arg2[%dma_start3A_361, %dma_start3A_362] : memref<10000x128xf32, #tpu.memory_space<hbm>> -> memref<10000x128xf32, #tpu.memory_space<hbm>>
      tpu.enqueue_indirect_dma source(%dma_start3A_363 : memref<10000x128xf32, #tpu.memory_space<hbm>>) target(%arg9 : memref<80x128xf32, #tpu.memory_space<vmem>>) offsets(%arg7 : memref<80xi32, #tpu.memory_space<vmem>>) semaphore(%arg17 : memref<!tpu.dma_semaphore, #tpu.memory_space<semaphore_mem>>)
      %dma_wait3A_364 = arith.constant 0 : i32
      %dma_wait3A_365 = arith.constant 0 : i32
      %dma_wait3A_366 = tpu.memref_slice %arg2[%dma_wait3A_364, %dma_wait3A_365] : memref<10000x128xf32, #tpu.memory_space<hbm>> -> memref<10000x128xf32, #tpu.memory_space<hbm>>
      tpu.wait_indirect_dma semaphore(%arg19 : memref<!tpu.dma_semaphore, #tpu.memory_space<semaphore_mem>>) src(%dma_wait3A_366 : memref<10000x128xf32, #tpu.memory_space<hbm>>) dst(%arg15 : memref<80x128xf32, #tpu.memory_space<vmem>>)
      "tpu.region"() ({
        %run_scoped3A = tpu.sem_alloc : memref<!tpu.dma_semaphore, #tpu.memory_space<semaphore_mem>>
        %dma_start3A_385 = arith.constant 0 : i32
        %dma_start3A_386 = arith.constant 0 : i32
        %dma_start3A_387 = tpu.memref_slice %arg16[%dma_start3A_385, %dma_start3A_386] : memref<10240x128xf32, #tpu.memory_space<vmem_shared>> -> memref<10240x128xf32, #tpu.memory_space<vmem_shared>>
        tpu.enqueue_indirect_dma source(%arg15 : memref<80x128xf32, #tpu.memory_space<vmem>>) target(%dma_start3A_387 : memref<10240x128xf32, #tpu.memory_space<vmem_shared>>) offsets(%arg14 : memref<80xi32, #tpu.memory_space<vmem>>) semaphore(%run_scoped3A : memref<!tpu.dma_semaphore, #tpu.memory_space<semaphore_mem>>) {add = true}
        %dma_wait3A_388 = arith.constant 0 : i32
        %dma_wait3A_389 = arith.constant 0 : i32
        %dma_wait3A_390 = tpu.memref_slice %arg16[%dma_wait3A_388, %dma_wait3A_389] : memref<10240x128xf32, #tpu.memory_space<vmem_shared>> -> memref<10240x128xf32, #tpu.memory_space<vmem_shared>>
        tpu.wait_indirect_dma semaphore(%run_scoped3A : memref<!tpu.dma_semaphore, #tpu.memory_space<semaphore_mem>>) src(%arg15 : memref<80x128xf32, #tpu.memory_space<vmem>>) dst(%dma_wait3A_390 : memref<10240x128xf32, #tpu.memory_space<vmem_shared>>)
        tpu.yield
      }) : () -> ()
      %add3A_367 = arith.constant 5 : i32
      %add3A_368 = arith.addi %mul3A_321, %add3A_367 : i32
      %mul3A_369 = arith.constant 10000 : i32
      %mul3A_370 = arith.muli %add3A, %mul3A_369 : i32
      %mul3A_371 = arith.constant 80 : i32
      %mul3A_372 = arith.muli %add3A_368, %mul3A_371 : i32
      %add3A_373 = arith.addi %mul3A_370, %mul3A_372 : i32
      %dma_start3A_374 = tpu.memref_slice %arg3[%add3A_373] : memref<320000xi32, #tpu.memory_space<hbm>> -> memref<80xi32, #tpu.memory_space<hbm>>
      %dma_start3A_375 = tpu.memref_slice %arg3[%add3A_373] : memref<320000xi32, #tpu.memory_space<hbm>> -> memref<80xi32, #tpu.memory_space<hbm>>
      tpu.enqueue_dma source(%dma_start3A_375 : memref<80xi32, #tpu.memory_space<hbm>>) target(%arg14 : memref<80xi32, #tpu.memory_space<vmem>>) target_semaphore(%arg22 : memref<!tpu.dma_semaphore, #tpu.memory_space<semaphore_mem>>)
      %dma_start3A_376 = tpu.memref_slice %arg4[%add3A_373] : memref<320000xi32, #tpu.memory_space<hbm>> -> memref<80xi32, #tpu.memory_space<hbm>>
      %dma_start3A_377 = tpu.memref_slice %arg4[%add3A_373] : memref<320000xi32, #tpu.memory_space<hbm>> -> memref<80xi32, #tpu.memory_space<hbm>>
      tpu.enqueue_dma source(%dma_start3A_377 : memref<80xi32, #tpu.memory_space<hbm>>) target(%arg13 : memref<80xi32, #tpu.memory_space<vmem>>) target_semaphore(%arg22 : memref<!tpu.dma_semaphore, #tpu.memory_space<semaphore_mem>>)
      %dma_wait3A_378 = tpu.memref_slice %arg3[%add3A_106] : memref<320000xi32, #tpu.memory_space<hbm>> -> memref<80xi32, #tpu.memory_space<hbm>>
      %dma_wait3A_379 = tpu.memref_slice %arg3[%add3A_106] : memref<320000xi32, #tpu.memory_space<hbm>> -> memref<80xi32, #tpu.memory_space<hbm>>
      tpu.wait_dma2 semaphore(%arg21 : memref<!tpu.dma_semaphore, #tpu.memory_space<semaphore_mem>>) src(%dma_wait3A_379 : memref<80xi32, #tpu.memory_space<hbm>>) dst(%arg11 : memref<80xi32, #tpu.memory_space<vmem>>)
      %dma_wait3A_380 = tpu.memref_slice %arg4[%add3A_106] : memref<320000xi32, #tpu.memory_space<hbm>> -> memref<80xi32, #tpu.memory_space<hbm>>
      %dma_wait3A_381 = tpu.memref_slice %arg4[%add3A_106] : memref<320000xi32, #tpu.memory_space<hbm>> -> memref<80xi32, #tpu.memory_space<hbm>>
      tpu.wait_dma2 semaphore(%arg21 : memref<!tpu.dma_semaphore, #tpu.memory_space<semaphore_mem>>) src(%dma_wait3A_381 : memref<80xi32, #tpu.memory_space<hbm>>) dst(%arg10 : memref<80xi32, #tpu.memory_space<vmem>>)
      %dma_start3A_382 = arith.constant 0 : i32
      %dma_start3A_383 = arith.constant 0 : i32
      %dma_start3A_384 = tpu.memref_slice %arg2[%dma_start3A_382, %dma_start3A_383] : memref<10000x128xf32, #tpu.memory_space<hbm>> -> memref<10000x128xf32, #tpu.memory_space<hbm>>
      tpu.enqueue_indirect_dma source(%dma_start3A_384 : memref<10000x128xf32, #tpu.memory_space<hbm>>) target(%arg12 : memref<80x128xf32, #tpu.memory_space<vmem>>) offsets(%arg10 : memref<80xi32, #tpu.memory_space<vmem>>) semaphore(%arg18 : memref<!tpu.dma_semaphore, #tpu.memory_space<semaphore_mem>>)
    }
    %scan3A_137 = arith.constant 40 : i32
    %dma_wait3A_138 = arith.constant 0 : i32
    %dma_wait3A_139 = arith.constant 0 : i32
    %dma_wait3A_140 = tpu.memref_slice %arg2[%dma_wait3A_138, %dma_wait3A_139] : memref<10000x128xf32, #tpu.memory_space<hbm>> -> memref<10000x128xf32, #tpu.memory_space<hbm>>
    tpu.wait_indirect_dma semaphore(%arg17 : memref<!tpu.dma_semaphore, #tpu.memory_space<semaphore_mem>>) src(%dma_wait3A_140 : memref<10000x128xf32, #tpu.memory_space<hbm>>) dst(%arg9 : memref<80x128xf32, #tpu.memory_space<vmem>>)
    "tpu.region"() ({
      %run_scoped3A = tpu.sem_alloc : memref<!tpu.dma_semaphore, #tpu.memory_space<semaphore_mem>>
      %dma_start3A_319 = arith.constant 0 : i32
      %dma_start3A_320 = arith.constant 0 : i32
      %dma_start3A_321 = tpu.memref_slice %arg16[%dma_start3A_319, %dma_start3A_320] : memref<10240x128xf32, #tpu.memory_space<vmem_shared>> -> memref<10240x128xf32, #tpu.memory_space<vmem_shared>>
      tpu.enqueue_indirect_dma source(%arg9 : memref<80x128xf32, #tpu.memory_space<vmem>>) target(%dma_start3A_321 : memref<10240x128xf32, #tpu.memory_space<vmem_shared>>) offsets(%arg8 : memref<80xi32, #tpu.memory_space<vmem>>) semaphore(%run_scoped3A : memref<!tpu.dma_semaphore, #tpu.memory_space<semaphore_mem>>) {add = true}
      %dma_wait3A_322 = arith.constant 0 : i32
      %dma_wait3A_323 = arith.constant 0 : i32
      %dma_wait3A_324 = tpu.memref_slice %arg16[%dma_wait3A_322, %dma_wait3A_323] : memref<10240x128xf32, #tpu.memory_space<vmem_shared>> -> memref<10240x128xf32, #tpu.memory_space<vmem_shared>>
      tpu.wait_indirect_dma semaphore(%run_scoped3A : memref<!tpu.dma_semaphore, #tpu.memory_space<semaphore_mem>>) src(%arg9 : memref<80x128xf32, #tpu.memory_space<vmem>>) dst(%dma_wait3A_324 : memref<10240x128xf32, #tpu.memory_space<vmem_shared>>)
      tpu.yield
    }) : () -> ()
    %mul3A_141 = arith.constant 10000 : i32
    %mul3A_142 = arith.muli %add3A, %mul3A_141 : i32
    %add3A_143 = arith.constant 9840 : i32
    %add3A_144 = arith.addi %mul3A_142, %add3A_143 : i32
    %dma_start3A_145 = tpu.memref_slice %arg3[%add3A_144] : memref<320000xi32, #tpu.memory_space<hbm>> -> memref<80xi32, #tpu.memory_space<hbm>>
    %dma_start3A_146 = tpu.memref_slice %arg3[%add3A_144] : memref<320000xi32, #tpu.memory_space<hbm>> -> memref<80xi32, #tpu.memory_space<hbm>>
    tpu.enqueue_dma source(%dma_start3A_146 : memref<80xi32, #tpu.memory_space<hbm>>) target(%arg8 : memref<80xi32, #tpu.memory_space<vmem>>) target_semaphore(%arg20 : memref<!tpu.dma_semaphore, #tpu.memory_space<semaphore_mem>>)
    %dma_start3A_147 = tpu.memref_slice %arg4[%add3A_144] : memref<320000xi32, #tpu.memory_space<hbm>> -> memref<80xi32, #tpu.memory_space<hbm>>
    %dma_start3A_148 = tpu.memref_slice %arg4[%add3A_144] : memref<320000xi32, #tpu.memory_space<hbm>> -> memref<80xi32, #tpu.memory_space<hbm>>
    tpu.enqueue_dma source(%dma_start3A_148 : memref<80xi32, #tpu.memory_space<hbm>>) target(%arg7 : memref<80xi32, #tpu.memory_space<vmem>>) target_semaphore(%arg20 : memref<!tpu.dma_semaphore, #tpu.memory_space<semaphore_mem>>)
    %dma_wait3A_149 = tpu.memref_slice %arg3[%add3A_114] : memref<320000xi32, #tpu.memory_space<hbm>> -> memref<80xi32, #tpu.memory_space<hbm>>
    %dma_wait3A_150 = tpu.memref_slice %arg3[%add3A_114] : memref<320000xi32, #tpu.memory_space<hbm>> -> memref<80xi32, #tpu.memory_space<hbm>>
    tpu.wait_dma2 semaphore(%arg22 : memref<!tpu.dma_semaphore, #tpu.memory_space<semaphore_mem>>) src(%dma_wait3A_150 : memref<80xi32, #tpu.memory_space<hbm>>) dst(%arg14 : memref<80xi32, #tpu.memory_space<vmem>>)
    %dma_wait3A_151 = tpu.memref_slice %arg4[%add3A_114] : memref<320000xi32, #tpu.memory_space<hbm>> -> memref<80xi32, #tpu.memory_space<hbm>>
    %dma_wait3A_152 = tpu.memref_slice %arg4[%add3A_114] : memref<320000xi32, #tpu.memory_space<hbm>> -> memref<80xi32, #tpu.memory_space<hbm>>
    tpu.wait_dma2 semaphore(%arg22 : memref<!tpu.dma_semaphore, #tpu.memory_space<semaphore_mem>>) src(%dma_wait3A_152 : memref<80xi32, #tpu.memory_space<hbm>>) dst(%arg13 : memref<80xi32, #tpu.memory_space<vmem>>)
    %dma_start3A_153 = arith.constant 0 : i32
    %dma_start3A_154 = arith.constant 0 : i32
    %dma_start3A_155 = tpu.memref_slice %arg2[%dma_start3A_153, %dma_start3A_154] : memref<10000x128xf32, #tpu.memory_space<hbm>> -> memref<10000x128xf32, #tpu.memory_space<hbm>>
    tpu.enqueue_indirect_dma source(%dma_start3A_155 : memref<10000x128xf32, #tpu.memory_space<hbm>>) target(%arg15 : memref<80x128xf32, #tpu.memory_space<vmem>>) offsets(%arg13 : memref<80xi32, #tpu.memory_space<vmem>>) semaphore(%arg19 : memref<!tpu.dma_semaphore, #tpu.memory_space<semaphore_mem>>)
    %dma_wait3A_156 = arith.constant 0 : i32
    %dma_wait3A_157 = arith.constant 0 : i32
    %dma_wait3A_158 = tpu.memref_slice %arg2[%dma_wait3A_156, %dma_wait3A_157] : memref<10000x128xf32, #tpu.memory_space<hbm>> -> memref<10000x128xf32, #tpu.memory_space<hbm>>
    tpu.wait_indirect_dma semaphore(%arg18 : memref<!tpu.dma_semaphore, #tpu.memory_space<semaphore_mem>>) src(%dma_wait3A_158 : memref<10000x128xf32, #tpu.memory_space<hbm>>) dst(%arg12 : memref<80x128xf32, #tpu.memory_space<vmem>>)
    "tpu.region"() ({
      %run_scoped3A = tpu.sem_alloc : memref<!tpu.dma_semaphore, #tpu.memory_space<semaphore_mem>>
      %dma_start3A_319 = arith.constant 0 : i32
      %dma_start3A_320 = arith.constant 0 : i32
      %dma_start3A_321 = tpu.memref_slice %arg16[%dma_start3A_319, %dma_start3A_320] : memref<10240x128xf32, #tpu.memory_space<vmem_shared>> -> memref<10240x128xf32, #tpu.memory_space<vmem_shared>>
      tpu.enqueue_indirect_dma source(%arg12 : memref<80x128xf32, #tpu.memory_space<vmem>>) target(%dma_start3A_321 : memref<10240x128xf32, #tpu.memory_space<vmem_shared>>) offsets(%arg11 : memref<80xi32, #tpu.memory_space<vmem>>) semaphore(%run_scoped3A : memref<!tpu.dma_semaphore, #tpu.memory_space<semaphore_mem>>) {add = true}
      %dma_wait3A_322 = arith.constant 0 : i32
      %dma_wait3A_323 = arith.constant 0 : i32
      %dma_wait3A_324 = tpu.memref_slice %arg16[%dma_wait3A_322, %dma_wait3A_323] : memref<10240x128xf32, #tpu.memory_space<vmem_shared>> -> memref<10240x128xf32, #tpu.memory_space<vmem_shared>>
      tpu.wait_indirect_dma semaphore(%run_scoped3A : memref<!tpu.dma_semaphore, #tpu.memory_space<semaphore_mem>>) src(%arg12 : memref<80x128xf32, #tpu.memory_space<vmem>>) dst(%dma_wait3A_324 : memref<10240x128xf32, #tpu.memory_space<vmem_shared>>)
      tpu.yield
    }) : () -> ()
    %mul3A_159 = arith.constant 10000 : i32
    %mul3A_160 = arith.muli %add3A, %mul3A_159 : i32
    %add3A_161 = arith.constant 9920 : i32
    %add3A_162 = arith.addi %mul3A_160, %add3A_161 : i32
    %dma_start3A_163 = tpu.memref_slice %arg3[%add3A_162] : memref<320000xi32, #tpu.memory_space<hbm>> -> memref<80xi32, #tpu.memory_space<hbm>>
    %dma_start3A_164 = tpu.memref_slice %arg3[%add3A_162] : memref<320000xi32, #tpu.memory_space<hbm>> -> memref<80xi32, #tpu.memory_space<hbm>>
    tpu.enqueue_dma source(%dma_start3A_164 : memref<80xi32, #tpu.memory_space<hbm>>) target(%arg11 : memref<80xi32, #tpu.memory_space<vmem>>) target_semaphore(%arg21 : memref<!tpu.dma_semaphore, #tpu.memory_space<semaphore_mem>>)
    %dma_start3A_165 = tpu.memref_slice %arg4[%add3A_162] : memref<320000xi32, #tpu.memory_space<hbm>> -> memref<80xi32, #tpu.memory_space<hbm>>
    %dma_start3A_166 = tpu.memref_slice %arg4[%add3A_162] : memref<320000xi32, #tpu.memory_space<hbm>> -> memref<80xi32, #tpu.memory_space<hbm>>
    tpu.enqueue_dma source(%dma_start3A_166 : memref<80xi32, #tpu.memory_space<hbm>>) target(%arg10 : memref<80xi32, #tpu.memory_space<vmem>>) target_semaphore(%arg21 : memref<!tpu.dma_semaphore, #tpu.memory_space<semaphore_mem>>)
    %dma_wait3A_167 = tpu.memref_slice %arg3[%add3A_144] : memref<320000xi32, #tpu.memory_space<hbm>> -> memref<80xi32, #tpu.memory_space<hbm>>
    %dma_wait3A_168 = tpu.memref_slice %arg3[%add3A_144] : memref<320000xi32, #tpu.memory_space<hbm>> -> memref<80xi32, #tpu.memory_space<hbm>>
    tpu.wait_dma2 semaphore(%arg20 : memref<!tpu.dma_semaphore, #tpu.memory_space<semaphore_mem>>) src(%dma_wait3A_168 : memref<80xi32, #tpu.memory_space<hbm>>) dst(%arg8 : memref<80xi32, #tpu.memory_space<vmem>>)
    %dma_wait3A_169 = tpu.memref_slice %arg4[%add3A_144] : memref<320000xi32, #tpu.memory_space<hbm>> -> memref<80xi32, #tpu.memory_space<hbm>>
    %dma_wait3A_170 = tpu.memref_slice %arg4[%add3A_144] : memref<320000xi32, #tpu.memory_space<hbm>> -> memref<80xi32, #tpu.memory_space<hbm>>
    tpu.wait_dma2 semaphore(%arg20 : memref<!tpu.dma_semaphore, #tpu.memory_space<semaphore_mem>>) src(%dma_wait3A_170 : memref<80xi32, #tpu.memory_space<hbm>>) dst(%arg7 : memref<80xi32, #tpu.memory_space<vmem>>)
    %dma_start3A_171 = arith.constant 0 : i32
    %dma_start3A_172 = arith.constant 0 : i32
    %dma_start3A_173 = tpu.memref_slice %arg2[%dma_start3A_171, %dma_start3A_172] : memref<10000x128xf32, #tpu.memory_space<hbm>> -> memref<10000x128xf32, #tpu.memory_space<hbm>>
    tpu.enqueue_indirect_dma source(%dma_start3A_173 : memref<10000x128xf32, #tpu.memory_space<hbm>>) target(%arg9 : memref<80x128xf32, #tpu.memory_space<vmem>>) offsets(%arg7 : memref<80xi32, #tpu.memory_space<vmem>>) semaphore(%arg17 : memref<!tpu.dma_semaphore, #tpu.memory_space<semaphore_mem>>)
    %dma_wait3A_174 = arith.constant 0 : i32
    %dma_wait3A_175 = arith.constant 0 : i32
    %dma_wait3A_176 = tpu.memref_slice %arg2[%dma_wait3A_174, %dma_wait3A_175] : memref<10000x128xf32, #tpu.memory_space<hbm>> -> memref<10000x128xf32, #tpu.memory_space<hbm>>
    tpu.wait_indirect_dma semaphore(%arg19 : memref<!tpu.dma_semaphore, #tpu.memory_space<semaphore_mem>>) src(%dma_wait3A_176 : memref<10000x128xf32, #tpu.memory_space<hbm>>) dst(%arg15 : memref<80x128xf32, #tpu.memory_space<vmem>>)
    "tpu.region"() ({
      %run_scoped3A = tpu.sem_alloc : memref<!tpu.dma_semaphore, #tpu.memory_space<semaphore_mem>>
      %dma_start3A_319 = arith.constant 0 : i32
      %dma_start3A_320 = arith.constant 0 : i32
      %dma_start3A_321 = tpu.memref_slice %arg16[%dma_start3A_319, %dma_start3A_320] : memref<10240x128xf32, #tpu.memory_space<vmem_shared>> -> memref<10240x128xf32, #tpu.memory_space<vmem_shared>>
      tpu.enqueue_indirect_dma source(%arg15 : memref<80x128xf32, #tpu.memory_space<vmem>>) target(%dma_start3A_321 : memref<10240x128xf32, #tpu.memory_space<vmem_shared>>) offsets(%arg14 : memref<80xi32, #tpu.memory_space<vmem>>) semaphore(%run_scoped3A : memref<!tpu.dma_semaphore, #tpu.memory_space<semaphore_mem>>) {add = true}
      %dma_wait3A_322 = arith.constant 0 : i32
      %dma_wait3A_323 = arith.constant 0 : i32
      %dma_wait3A_324 = tpu.memref_slice %arg16[%dma_wait3A_322, %dma_wait3A_323] : memref<10240x128xf32, #tpu.memory_space<vmem_shared>> -> memref<10240x128xf32, #tpu.memory_space<vmem_shared>>
      tpu.wait_indirect_dma semaphore(%run_scoped3A : memref<!tpu.dma_semaphore, #tpu.memory_space<semaphore_mem>>) src(%arg15 : memref<80x128xf32, #tpu.memory_space<vmem>>) dst(%dma_wait3A_324 : memref<10240x128xf32, #tpu.memory_space<vmem_shared>>)
      tpu.yield
    }) : () -> ()
    %dma_wait3A_177 = tpu.memref_slice %arg3[%add3A_162] : memref<320000xi32, #tpu.memory_space<hbm>> -> memref<80xi32, #tpu.memory_space<hbm>>
    %dma_wait3A_178 = tpu.memref_slice %arg3[%add3A_162] : memref<320000xi32, #tpu.memory_space<hbm>> -> memref<80xi32, #tpu.memory_space<hbm>>
    tpu.wait_dma2 semaphore(%arg21 : memref<!tpu.dma_semaphore, #tpu.memory_space<semaphore_mem>>) src(%dma_wait3A_178 : memref<80xi32, #tpu.memory_space<hbm>>) dst(%arg11 : memref<80xi32, #tpu.memory_space<vmem>>)
    %dma_wait3A_179 = tpu.memref_slice %arg4[%add3A_162] : memref<320000xi32, #tpu.memory_space<hbm>> -> memref<80xi32, #tpu.memory_space<hbm>>
    %dma_wait3A_180 = tpu.memref_slice %arg4[%add3A_162] : memref<320000xi32, #tpu.memory_space<hbm>> -> memref<80xi32, #tpu.memory_space<hbm>>
    tpu.wait_dma2 semaphore(%arg21 : memref<!tpu.dma_semaphore, #tpu.memory_space<semaphore_mem>>) src(%dma_wait3A_180 : memref<80xi32, #tpu.memory_space<hbm>>) dst(%arg10 : memref<80xi32, #tpu.memory_space<vmem>>)
    %dma_start3A_181 = arith.constant 0 : i32
    %dma_start3A_182 = arith.constant 0 : i32
    %dma_start3A_183 = tpu.memref_slice %arg2[%dma_start3A_181, %dma_start3A_182] : memref<10000x128xf32, #tpu.memory_space<hbm>> -> memref<10000x128xf32, #tpu.memory_space<hbm>>
    tpu.enqueue_indirect_dma source(%dma_start3A_183 : memref<10000x128xf32, #tpu.memory_space<hbm>>) target(%arg12 : memref<80x128xf32, #tpu.memory_space<vmem>>) offsets(%arg10 : memref<80xi32, #tpu.memory_space<vmem>>) semaphore(%arg18 : memref<!tpu.dma_semaphore, #tpu.memory_space<semaphore_mem>>)
    %dma_wait3A_184 = arith.constant 0 : i32
    %dma_wait3A_185 = arith.constant 0 : i32
    %dma_wait3A_186 = tpu.memref_slice %arg2[%dma_wait3A_184, %dma_wait3A_185] : memref<10000x128xf32, #tpu.memory_space<hbm>> -> memref<10000x128xf32, #tpu.memory_space<hbm>>
    tpu.wait_indirect_dma semaphore(%arg17 : memref<!tpu.dma_semaphore, #tpu.memory_space<semaphore_mem>>) src(%dma_wait3A_186 : memref<10000x128xf32, #tpu.memory_space<hbm>>) dst(%arg9 : memref<80x128xf32, #tpu.memory_space<vmem>>)
    "tpu.region"() ({
      %run_scoped3A = tpu.sem_alloc : memref<!tpu.dma_semaphore, #tpu.memory_space<semaphore_mem>>
      %dma_start3A_319 = arith.constant 0 : i32
      %dma_start3A_320 = arith.constant 0 : i32
      %dma_start3A_321 = tpu.memref_slice %arg16[%dma_start3A_319, %dma_start3A_320] : memref<10240x128xf32, #tpu.memory_space<vmem_shared>> -> memref<10240x128xf32, #tpu.memory_space<vmem_shared>>
      tpu.enqueue_indirect_dma source(%arg9 : memref<80x128xf32, #tpu.memory_space<vmem>>) target(%dma_start3A_321 : memref<10240x128xf32, #tpu.memory_space<vmem_shared>>) offsets(%arg8 : memref<80xi32, #tpu.memory_space<vmem>>) semaphore(%run_scoped3A : memref<!tpu.dma_semaphore, #tpu.memory_space<semaphore_mem>>) {add = true}
      %dma_wait3A_322 = arith.constant 0 : i32
      %dma_wait3A_323 = arith.constant 0 : i32
      %dma_wait3A_324 = tpu.memref_slice %arg16[%dma_wait3A_322, %dma_wait3A_323] : memref<10240x128xf32, #tpu.memory_space<vmem_shared>> -> memref<10240x128xf32, #tpu.memory_space<vmem_shared>>
      tpu.wait_indirect_dma semaphore(%run_scoped3A : memref<!tpu.dma_semaphore, #tpu.memory_space<semaphore_mem>>) src(%arg9 : memref<80x128xf32, #tpu.memory_space<vmem>>) dst(%dma_wait3A_324 : memref<10240x128xf32, #tpu.memory_space<vmem_shared>>)
      tpu.yield
    }) : () -> ()
    %dma_wait3A_187 = arith.constant 0 : i32
    %dma_wait3A_188 = arith.constant 0 : i32
    %dma_wait3A_189 = tpu.memref_slice %arg2[%dma_wait3A_187, %dma_wait3A_188] : memref<10000x128xf32, #tpu.memory_space<hbm>> -> memref<10000x128xf32, #tpu.memory_space<hbm>>
    tpu.wait_indirect_dma semaphore(%arg18 : memref<!tpu.dma_semaphore, #tpu.memory_space<semaphore_mem>>) src(%dma_wait3A_189 : memref<10000x128xf32, #tpu.memory_space<hbm>>) dst(%arg12 : memref<80x128xf32, #tpu.memory_space<vmem>>)
    "tpu.region"() ({
      %run_scoped3A = tpu.sem_alloc : memref<!tpu.dma_semaphore, #tpu.memory_space<semaphore_mem>>
      %dma_start3A_319 = arith.constant 0 : i32
      %dma_start3A_320 = arith.constant 0 : i32
      %dma_start3A_321 = tpu.memref_slice %arg16[%dma_start3A_319, %dma_start3A_320] : memref<10240x128xf32, #tpu.memory_space<vmem_shared>> -> memref<10240x128xf32, #tpu.memory_space<vmem_shared>>
      tpu.enqueue_indirect_dma source(%arg12 : memref<80x128xf32, #tpu.memory_space<vmem>>) target(%dma_start3A_321 : memref<10240x128xf32, #tpu.memory_space<vmem_shared>>) offsets(%arg11 : memref<80xi32, #tpu.memory_space<vmem>>) semaphore(%run_scoped3A : memref<!tpu.dma_semaphore, #tpu.memory_space<semaphore_mem>>) {add = true}
      %dma_wait3A_322 = arith.constant 0 : i32
      %dma_wait3A_323 = arith.constant 0 : i32
      %dma_wait3A_324 = tpu.memref_slice %arg16[%dma_wait3A_322, %dma_wait3A_323] : memref<10240x128xf32, #tpu.memory_space<vmem_shared>> -> memref<10240x128xf32, #tpu.memory_space<vmem_shared>>
      tpu.wait_indirect_dma semaphore(%run_scoped3A : memref<!tpu.dma_semaphore, #tpu.memory_space<semaphore_mem>>) src(%arg12 : memref<80x128xf32, #tpu.memory_space<vmem>>) dst(%dma_wait3A_324 : memref<10240x128xf32, #tpu.memory_space<vmem_shared>>)
      tpu.yield
    }) : () -> ()
    %barrier3A_190 = arith.constant 0 : index
    tpu.barrier barrier_id(%barrier3A_190)
    %mul3A_191 = arith.constant 640 : i32
    %mul3A_192 = arith.muli %arg1, %mul3A_191 : i32
    %add3A_193 = arith.constant 0 : i32
    %add3A_194 = arith.addi %mul3A_192, %add3A_193 : i32
    "tpu.region"() ({
      %run_scoped3A = tpu.sem_alloc : memref<!tpu.dma_semaphore, #tpu.memory_space<semaphore_mem>>
      %dma_start3A_319 = arith.constant 0 : i32
      %dma_start3A_320 = tpu.memref_slice %arg16[%add3A_194, %dma_start3A_319] : memref<10240x128xf32, #tpu.memory_space<vmem_shared>> -> memref<80x128xf32, #tpu.memory_space<vmem_shared>>
      %dma_start3A_321 = arith.constant 0 : i32
      %dma_start3A_322 = tpu.memref_slice %arg16[%add3A_194, %dma_start3A_321] : memref<10240x128xf32, #tpu.memory_space<vmem_shared>> -> memref<80x128xf32, #tpu.memory_space<vmem_shared>>
      tpu.enqueue_dma source(%dma_start3A_322 : memref<80x128xf32, #tpu.memory_space<vmem_shared>>) target(%arg12 : memref<80x128xf32, #tpu.memory_space<vmem>>) target_semaphore(%run_scoped3A : memref<!tpu.dma_semaphore, #tpu.memory_space<semaphore_mem>>)
      %dma_wait3A_323 = arith.constant 0 : i32
      %dma_wait3A_324 = tpu.memref_slice %arg16[%add3A_194, %dma_wait3A_323] : memref<10240x128xf32, #tpu.memory_space<vmem_shared>> -> memref<80x128xf32, #tpu.memory_space<vmem_shared>>
      %dma_wait3A_325 = arith.constant 0 : i32
      %dma_wait3A_326 = tpu.memref_slice %arg16[%add3A_194, %dma_wait3A_325] : memref<10240x128xf32, #tpu.memory_space<vmem_shared>> -> memref<80x128xf32, #tpu.memory_space<vmem_shared>>
      tpu.wait_dma2 semaphore(%run_scoped3A : memref<!tpu.dma_semaphore, #tpu.memory_space<semaphore_mem>>) src(%dma_wait3A_326 : memref<80x128xf32, #tpu.memory_space<vmem_shared>>) dst(%arg12 : memref<80x128xf32, #tpu.memory_space<vmem>>)
      tpu.yield
    }) : () -> ()
    %dma_start3A_195 = arith.constant 0 : i32
    %dma_start3A_196 = tpu.memref_slice %arg6[%arg0, %add3A_194, %dma_start3A_195] : memref<2x10240x128xf32, #tpu.memory_space<hbm>> -> memref<1x80x128xf32, #tpu.memory_space<hbm>>
    %dma_start3A_197 = tpu.memref_squeeze %dma_start3A_196 : memref<1x80x128xf32, #tpu.memory_space<hbm>> -> memref<80x128xf32, #tpu.memory_space<hbm>>
    %dma_start3A_198 = arith.constant 0 : i32
    %dma_start3A_199 = tpu.memref_slice %arg6[%arg0, %add3A_194, %dma_start3A_198] : memref<2x10240x128xf32, #tpu.memory_space<hbm>> -> memref<1x80x128xf32, #tpu.memory_space<hbm>>
    %dma_start3A_200 = tpu.memref_squeeze %dma_start3A_199 : memref<1x80x128xf32, #tpu.memory_space<hbm>> -> memref<80x128xf32, #tpu.memory_space<hbm>>
    tpu.enqueue_dma source(%arg12 : memref<80x128xf32, #tpu.memory_space<vmem>>) target(%dma_start3A_200 : memref<80x128xf32, #tpu.memory_space<hbm>>) target_semaphore(%arg17 : memref<!tpu.dma_semaphore, #tpu.memory_space<semaphore_mem>>)
    %mul3A_201 = arith.constant 640 : i32
    %mul3A_202 = arith.muli %arg1, %mul3A_201 : i32
    %add3A_203 = arith.constant 80 : i32
    %add3A_204 = arith.addi %mul3A_202, %add3A_203 : i32
    "tpu.region"() ({
      %run_scoped3A = tpu.sem_alloc : memref<!tpu.dma_semaphore, #tpu.memory_space<semaphore_mem>>
      %dma_start3A_319 = arith.constant 0 : i32
      %dma_start3A_320 = tpu.memref_slice %arg16[%add3A_204, %dma_start3A_319] : memref<10240x128xf32, #tpu.memory_space<vmem_shared>> -> memref<80x128xf32, #tpu.memory_space<vmem_shared>>
      %dma_start3A_321 = arith.constant 0 : i32
      %dma_start3A_322 = tpu.memref_slice %arg16[%add3A_204, %dma_start3A_321] : memref<10240x128xf32, #tpu.memory_space<vmem_shared>> -> memref<80x128xf32, #tpu.memory_space<vmem_shared>>
      tpu.enqueue_dma source(%dma_start3A_322 : memref<80x128xf32, #tpu.memory_space<vmem_shared>>) target(%arg15 : memref<80x128xf32, #tpu.memory_space<vmem>>) target_semaphore(%run_scoped3A : memref<!tpu.dma_semaphore, #tpu.memory_space<semaphore_mem>>)
      %dma_wait3A_323 = arith.constant 0 : i32
      %dma_wait3A_324 = tpu.memref_slice %arg16[%add3A_204, %dma_wait3A_323] : memref<10240x128xf32, #tpu.memory_space<vmem_shared>> -> memref<80x128xf32, #tpu.memory_space<vmem_shared>>
      %dma_wait3A_325 = arith.constant 0 : i32
      %dma_wait3A_326 = tpu.memref_slice %arg16[%add3A_204, %dma_wait3A_325] : memref<10240x128xf32, #tpu.memory_space<vmem_shared>> -> memref<80x128xf32, #tpu.memory_space<vmem_shared>>
      tpu.wait_dma2 semaphore(%run_scoped3A : memref<!tpu.dma_semaphore, #tpu.memory_space<semaphore_mem>>) src(%dma_wait3A_326 : memref<80x128xf32, #tpu.memory_space<vmem_shared>>) dst(%arg15 : memref<80x128xf32, #tpu.memory_space<vmem>>)
      tpu.yield
    }) : () -> ()
    %dma_start3A_205 = arith.constant 0 : i32
    %dma_start3A_206 = tpu.memref_slice %arg6[%arg0, %add3A_204, %dma_start3A_205] : memref<2x10240x128xf32, #tpu.memory_space<hbm>> -> memref<1x80x128xf32, #tpu.memory_space<hbm>>
    %dma_start3A_207 = tpu.memref_squeeze %dma_start3A_206 : memref<1x80x128xf32, #tpu.memory_space<hbm>> -> memref<80x128xf32, #tpu.memory_space<hbm>>
    %dma_start3A_208 = arith.constant 0 : i32
    %dma_start3A_209 = tpu.memref_slice %arg6[%arg0, %add3A_204, %dma_start3A_208] : memref<2x10240x128xf32, #tpu.memory_space<hbm>> -> memref<1x80x128xf32, #tpu.memory_space<hbm>>
    %dma_start3A_210 = tpu.memref_squeeze %dma_start3A_209 : memref<1x80x128xf32, #tpu.memory_space<hbm>> -> memref<80x128xf32, #tpu.memory_space<hbm>>
    tpu.enqueue_dma source(%arg15 : memref<80x128xf32, #tpu.memory_space<vmem>>) target(%dma_start3A_210 : memref<80x128xf32, #tpu.memory_space<hbm>>) target_semaphore(%arg17 : memref<!tpu.dma_semaphore, #tpu.memory_space<semaphore_mem>>)
    %dma_wait3A_211 = arith.constant 0 : i32
    %dma_wait3A_212 = tpu.memref_slice %arg6[%arg0, %add3A_194, %dma_wait3A_211] : memref<2x10240x128xf32, #tpu.memory_space<hbm>> -> memref<1x80x128xf32, #tpu.memory_space<hbm>>
    %dma_wait3A_213 = tpu.memref_squeeze %dma_wait3A_212 : memref<1x80x128xf32, #tpu.memory_space<hbm>> -> memref<80x128xf32, #tpu.memory_space<hbm>>
    %dma_wait3A_214 = arith.constant 0 : i32
    %dma_wait3A_215 = tpu.memref_slice %arg6[%arg0, %add3A_194, %dma_wait3A_214] : memref<2x10240x128xf32, #tpu.memory_space<hbm>> -> memref<1x80x128xf32, #tpu.memory_space<hbm>>
    %dma_wait3A_216 = tpu.memref_squeeze %dma_wait3A_215 : memref<1x80x128xf32, #tpu.memory_space<hbm>> -> memref<80x128xf32, #tpu.memory_space<hbm>>
    tpu.wait_dma2 semaphore(%arg17 : memref<!tpu.dma_semaphore, #tpu.memory_space<semaphore_mem>>) src(%arg12 : memref<80x128xf32, #tpu.memory_space<vmem>>) dst(%dma_wait3A_216 : memref<80x128xf32, #tpu.memory_space<hbm>>)
    %mul3A_217 = arith.constant 640 : i32
    %mul3A_218 = arith.muli %arg1, %mul3A_217 : i32
    %add3A_219 = arith.constant 160 : i32
    %add3A_220 = arith.addi %mul3A_218, %add3A_219 : i32
    "tpu.region"() ({
      %run_scoped3A = tpu.sem_alloc : memref<!tpu.dma_semaphore, #tpu.memory_space<semaphore_mem>>
      %dma_start3A_319 = arith.constant 0 : i32
      %dma_start3A_320 = tpu.memref_slice %arg16[%add3A_220, %dma_start3A_319] : memref<10240x128xf32, #tpu.memory_space<vmem_shared>> -> memref<80x128xf32, #tpu.memory_space<vmem_shared>>
      %dma_start3A_321 = arith.constant 0 : i32
      %dma_start3A_322 = tpu.memref_slice %arg16[%add3A_220, %dma_start3A_321] : memref<10240x128xf32, #tpu.memory_space<vmem_shared>> -> memref<80x128xf32, #tpu.memory_space<vmem_shared>>
      tpu.enqueue_dma source(%dma_start3A_322 : memref<80x128xf32, #tpu.memory_space<vmem_shared>>) target(%arg12 : memref<80x128xf32, #tpu.memory_space<vmem>>) target_semaphore(%run_scoped3A : memref<!tpu.dma_semaphore, #tpu.memory_space<semaphore_mem>>)
      %dma_wait3A_323 = arith.constant 0 : i32
      %dma_wait3A_324 = tpu.memref_slice %arg16[%add3A_220, %dma_wait3A_323] : memref<10240x128xf32, #tpu.memory_space<vmem_shared>> -> memref<80x128xf32, #tpu.memory_space<vmem_shared>>
      %dma_wait3A_325 = arith.constant 0 : i32
      %dma_wait3A_326 = tpu.memref_slice %arg16[%add3A_220, %dma_wait3A_325] : memref<10240x128xf32, #tpu.memory_space<vmem_shared>> -> memref<80x128xf32, #tpu.memory_space<vmem_shared>>
      tpu.wait_dma2 semaphore(%run_scoped3A : memref<!tpu.dma_semaphore, #tpu.memory_space<semaphore_mem>>) src(%dma_wait3A_326 : memref<80x128xf32, #tpu.memory_space<vmem_shared>>) dst(%arg12 : memref<80x128xf32, #tpu.memory_space<vmem>>)
      tpu.yield
    }) : () -> ()
    %dma_start3A_221 = arith.constant 0 : i32
    %dma_start3A_222 = tpu.memref_slice %arg6[%arg0, %add3A_220, %dma_start3A_221] : memref<2x10240x128xf32, #tpu.memory_space<hbm>> -> memref<1x80x128xf32, #tpu.memory_space<hbm>>
    %dma_start3A_223 = tpu.memref_squeeze %dma_start3A_222 : memref<1x80x128xf32, #tpu.memory_space<hbm>> -> memref<80x128xf32, #tpu.memory_space<hbm>>
    %dma_start3A_224 = arith.constant 0 : i32
    %dma_start3A_225 = tpu.memref_slice %arg6[%arg0, %add3A_220, %dma_start3A_224] : memref<2x10240x128xf32, #tpu.memory_space<hbm>> -> memref<1x80x128xf32, #tpu.memory_space<hbm>>
    %dma_start3A_226 = tpu.memref_squeeze %dma_start3A_225 : memref<1x80x128xf32, #tpu.memory_space<hbm>> -> memref<80x128xf32, #tpu.memory_space<hbm>>
    tpu.enqueue_dma source(%arg12 : memref<80x128xf32, #tpu.memory_space<vmem>>) target(%dma_start3A_226 : memref<80x128xf32, #tpu.memory_space<hbm>>) target_semaphore(%arg17 : memref<!tpu.dma_semaphore, #tpu.memory_space<semaphore_mem>>)
    %dma_wait3A_227 = arith.constant 0 : i32
    %dma_wait3A_228 = tpu.memref_slice %arg6[%arg0, %add3A_204, %dma_wait3A_227] : memref<2x10240x128xf32, #tpu.memory_space<hbm>> -> memref<1x80x128xf32, #tpu.memory_space<hbm>>
    %dma_wait3A_229 = tpu.memref_squeeze %dma_wait3A_228 : memref<1x80x128xf32, #tpu.memory_space<hbm>> -> memref<80x128xf32, #tpu.memory_space<hbm>>
    %dma_wait3A_230 = arith.constant 0 : i32
    %dma_wait3A_231 = tpu.memref_slice %arg6[%arg0, %add3A_204, %dma_wait3A_230] : memref<2x10240x128xf32, #tpu.memory_space<hbm>> -> memref<1x80x128xf32, #tpu.memory_space<hbm>>
    %dma_wait3A_232 = tpu.memref_squeeze %dma_wait3A_231 : memref<1x80x128xf32, #tpu.memory_space<hbm>> -> memref<80x128xf32, #tpu.memory_space<hbm>>
    tpu.wait_dma2 semaphore(%arg17 : memref<!tpu.dma_semaphore, #tpu.memory_space<semaphore_mem>>) src(%arg15 : memref<80x128xf32, #tpu.memory_space<vmem>>) dst(%dma_wait3A_232 : memref<80x128xf32, #tpu.memory_space<hbm>>)
    %mul3A_233 = arith.constant 640 : i32
    %mul3A_234 = arith.muli %arg1, %mul3A_233 : i32
    %add3A_235 = arith.constant 240 : i32
    %add3A_236 = arith.addi %mul3A_234, %add3A_235 : i32
    "tpu.region"() ({
      %run_scoped3A = tpu.sem_alloc : memref<!tpu.dma_semaphore, #tpu.memory_space<semaphore_mem>>
      %dma_start3A_319 = arith.constant 0 : i32
      %dma_start3A_320 = tpu.memref_slice %arg16[%add3A_236, %dma_start3A_319] : memref<10240x128xf32, #tpu.memory_space<vmem_shared>> -> memref<80x128xf32, #tpu.memory_space<vmem_shared>>
      %dma_start3A_321 = arith.constant 0 : i32
      %dma_start3A_322 = tpu.memref_slice %arg16[%add3A_236, %dma_start3A_321] : memref<10240x128xf32, #tpu.memory_space<vmem_shared>> -> memref<80x128xf32, #tpu.memory_space<vmem_shared>>
      tpu.enqueue_dma source(%dma_start3A_322 : memref<80x128xf32, #tpu.memory_space<vmem_shared>>) target(%arg15 : memref<80x128xf32, #tpu.memory_space<vmem>>) target_semaphore(%run_scoped3A : memref<!tpu.dma_semaphore, #tpu.memory_space<semaphore_mem>>)
      %dma_wait3A_323 = arith.constant 0 : i32
      %dma_wait3A_324 = tpu.memref_slice %arg16[%add3A_236, %dma_wait3A_323] : memref<10240x128xf32, #tpu.memory_space<vmem_shared>> -> memref<80x128xf32, #tpu.memory_space<vmem_shared>>
      %dma_wait3A_325 = arith.constant 0 : i32
      %dma_wait3A_326 = tpu.memref_slice %arg16[%add3A_236, %dma_wait3A_325] : memref<10240x128xf32, #tpu.memory_space<vmem_shared>> -> memref<80x128xf32, #tpu.memory_space<vmem_shared>>
      tpu.wait_dma2 semaphore(%run_scoped3A : memref<!tpu.dma_semaphore, #tpu.memory_space<semaphore_mem>>) src(%dma_wait3A_326 : memref<80x128xf32, #tpu.memory_space<vmem_shared>>) dst(%arg15 : memref<80x128xf32, #tpu.memory_space<vmem>>)
      tpu.yield
    }) : () -> ()
    %dma_start3A_237 = arith.constant 0 : i32
    %dma_start3A_238 = tpu.memref_slice %arg6[%arg0, %add3A_236, %dma_start3A_237] : memref<2x10240x128xf32, #tpu.memory_space<hbm>> -> memref<1x80x128xf32, #tpu.memory_space<hbm>>
    %dma_start3A_239 = tpu.memref_squeeze %dma_start3A_238 : memref<1x80x128xf32, #tpu.memory_space<hbm>> -> memref<80x128xf32, #tpu.memory_space<hbm>>
    %dma_start3A_240 = arith.constant 0 : i32
    %dma_start3A_241 = tpu.memref_slice %arg6[%arg0, %add3A_236, %dma_start3A_240] : memref<2x10240x128xf32, #tpu.memory_space<hbm>> -> memref<1x80x128xf32, #tpu.memory_space<hbm>>
    %dma_start3A_242 = tpu.memref_squeeze %dma_start3A_241 : memref<1x80x128xf32, #tpu.memory_space<hbm>> -> memref<80x128xf32, #tpu.memory_space<hbm>>
    tpu.enqueue_dma source(%arg15 : memref<80x128xf32, #tpu.memory_space<vmem>>) target(%dma_start3A_242 : memref<80x128xf32, #tpu.memory_space<hbm>>) target_semaphore(%arg17 : memref<!tpu.dma_semaphore, #tpu.memory_space<semaphore_mem>>)
    %dma_wait3A_243 = arith.constant 0 : i32
    %dma_wait3A_244 = tpu.memref_slice %arg6[%arg0, %add3A_220, %dma_wait3A_243] : memref<2x10240x128xf32, #tpu.memory_space<hbm>> -> memref<1x80x128xf32, #tpu.memory_space<hbm>>
    %dma_wait3A_245 = tpu.memref_squeeze %dma_wait3A_244 : memref<1x80x128xf32, #tpu.memory_space<hbm>> -> memref<80x128xf32, #tpu.memory_space<hbm>>
    %dma_wait3A_246 = arith.constant 0 : i32
    %dma_wait3A_247 = tpu.memref_slice %arg6[%arg0, %add3A_220, %dma_wait3A_246] : memref<2x10240x128xf32, #tpu.memory_space<hbm>> -> memref<1x80x128xf32, #tpu.memory_space<hbm>>
    %dma_wait3A_248 = tpu.memref_squeeze %dma_wait3A_247 : memref<1x80x128xf32, #tpu.memory_space<hbm>> -> memref<80x128xf32, #tpu.memory_space<hbm>>
    tpu.wait_dma2 semaphore(%arg17 : memref<!tpu.dma_semaphore, #tpu.memory_space<semaphore_mem>>) src(%arg12 : memref<80x128xf32, #tpu.memory_space<vmem>>) dst(%dma_wait3A_248 : memref<80x128xf32, #tpu.memory_space<hbm>>)
    %mul3A_249 = arith.constant 640 : i32
    %mul3A_250 = arith.muli %arg1, %mul3A_249 : i32
    %add3A_251 = arith.constant 320 : i32
    %add3A_252 = arith.addi %mul3A_250, %add3A_251 : i32
    "tpu.region"() ({
      %run_scoped3A = tpu.sem_alloc : memref<!tpu.dma_semaphore, #tpu.memory_space<semaphore_mem>>
      %dma_start3A_319 = arith.constant 0 : i32
      %dma_start3A_320 = tpu.memref_slice %arg16[%add3A_252, %dma_start3A_319] : memref<10240x128xf32, #tpu.memory_space<vmem_shared>> -> memref<80x128xf32, #tpu.memory_space<vmem_shared>>
      %dma_start3A_321 = arith.constant 0 : i32
      %dma_start3A_322 = tpu.memref_slice %arg16[%add3A_252, %dma_start3A_321] : memref<10240x128xf32, #tpu.memory_space<vmem_shared>> -> memref<80x128xf32, #tpu.memory_space<vmem_shared>>
      tpu.enqueue_dma source(%dma_start3A_322 : memref<80x128xf32, #tpu.memory_space<vmem_shared>>) target(%arg12 : memref<80x128xf32, #tpu.memory_space<vmem>>) target_semaphore(%run_scoped3A : memref<!tpu.dma_semaphore, #tpu.memory_space<semaphore_mem>>)
      %dma_wait3A_323 = arith.constant 0 : i32
      %dma_wait3A_324 = tpu.memref_slice %arg16[%add3A_252, %dma_wait3A_323] : memref<10240x128xf32, #tpu.memory_space<vmem_shared>> -> memref<80x128xf32, #tpu.memory_space<vmem_shared>>
      %dma_wait3A_325 = arith.constant 0 : i32
      %dma_wait3A_326 = tpu.memref_slice %arg16[%add3A_252, %dma_wait3A_325] : memref<10240x128xf32, #tpu.memory_space<vmem_shared>> -> memref<80x128xf32, #tpu.memory_space<vmem_shared>>
      tpu.wait_dma2 semaphore(%run_scoped3A : memref<!tpu.dma_semaphore, #tpu.memory_space<semaphore_mem>>) src(%dma_wait3A_326 : memref<80x128xf32, #tpu.memory_space<vmem_shared>>) dst(%arg12 : memref<80x128xf32, #tpu.memory_space<vmem>>)
      tpu.yield
    }) : () -> ()
    %dma_start3A_253 = arith.constant 0 : i32
    %dma_start3A_254 = tpu.memref_slice %arg6[%arg0, %add3A_252, %dma_start3A_253] : memref<2x10240x128xf32, #tpu.memory_space<hbm>> -> memref<1x80x128xf32, #tpu.memory_space<hbm>>
    %dma_start3A_255 = tpu.memref_squeeze %dma_start3A_254 : memref<1x80x128xf32, #tpu.memory_space<hbm>> -> memref<80x128xf32, #tpu.memory_space<hbm>>
    %dma_start3A_256 = arith.constant 0 : i32
    %dma_start3A_257 = tpu.memref_slice %arg6[%arg0, %add3A_252, %dma_start3A_256] : memref<2x10240x128xf32, #tpu.memory_space<hbm>> -> memref<1x80x128xf32, #tpu.memory_space<hbm>>
    %dma_start3A_258 = tpu.memref_squeeze %dma_start3A_257 : memref<1x80x128xf32, #tpu.memory_space<hbm>> -> memref<80x128xf32, #tpu.memory_space<hbm>>
    tpu.enqueue_dma source(%arg12 : memref<80x128xf32, #tpu.memory_space<vmem>>) target(%dma_start3A_258 : memref<80x128xf32, #tpu.memory_space<hbm>>) target_semaphore(%arg17 : memref<!tpu.dma_semaphore, #tpu.memory_space<semaphore_mem>>)
    %dma_wait3A_259 = arith.constant 0 : i32
    %dma_wait3A_260 = tpu.memref_slice %arg6[%arg0, %add3A_236, %dma_wait3A_259] : memref<2x10240x128xf32, #tpu.memory_space<hbm>> -> memref<1x80x128xf32, #tpu.memory_space<hbm>>
    %dma_wait3A_261 = tpu.memref_squeeze %dma_wait3A_260 : memref<1x80x128xf32, #tpu.memory_space<hbm>> -> memref<80x128xf32, #tpu.memory_space<hbm>>
    %dma_wait3A_262 = arith.constant 0 : i32
    %dma_wait3A_263 = tpu.memref_slice %arg6[%arg0, %add3A_236, %dma_wait3A_262] : memref<2x10240x128xf32, #tpu.memory_space<hbm>> -> memref<1x80x128xf32, #tpu.memory_space<hbm>>
    %dma_wait3A_264 = tpu.memref_squeeze %dma_wait3A_263 : memref<1x80x128xf32, #tpu.memory_space<hbm>> -> memref<80x128xf32, #tpu.memory_space<hbm>>
    tpu.wait_dma2 semaphore(%arg17 : memref<!tpu.dma_semaphore, #tpu.memory_space<semaphore_mem>>) src(%arg15 : memref<80x128xf32, #tpu.memory_space<vmem>>) dst(%dma_wait3A_264 : memref<80x128xf32, #tpu.memory_space<hbm>>)
    %mul3A_265 = arith.constant 640 : i32
    %mul3A_266 = arith.muli %arg1, %mul3A_265 : i32
    %add3A_267 = arith.constant 400 : i32
    %add3A_268 = arith.addi %mul3A_266, %add3A_267 : i32
    "tpu.region"() ({
      %run_scoped3A = tpu.sem_alloc : memref<!tpu.dma_semaphore, #tpu.memory_space<semaphore_mem>>
      %dma_start3A_319 = arith.constant 0 : i32
      %dma_start3A_320 = tpu.memref_slice %arg16[%add3A_268, %dma_start3A_319] : memref<10240x128xf32, #tpu.memory_space<vmem_shared>> -> memref<80x128xf32, #tpu.memory_space<vmem_shared>>
      %dma_start3A_321 = arith.constant 0 : i32
      %dma_start3A_322 = tpu.memref_slice %arg16[%add3A_268, %dma_start3A_321] : memref<10240x128xf32, #tpu.memory_space<vmem_shared>> -> memref<80x128xf32, #tpu.memory_space<vmem_shared>>
      tpu.enqueue_dma source(%dma_start3A_322 : memref<80x128xf32, #tpu.memory_space<vmem_shared>>) target(%arg15 : memref<80x128xf32, #tpu.memory_space<vmem>>) target_semaphore(%run_scoped3A : memref<!tpu.dma_semaphore, #tpu.memory_space<semaphore_mem>>)
      %dma_wait3A_323 = arith.constant 0 : i32
      %dma_wait3A_324 = tpu.memref_slice %arg16[%add3A_268, %dma_wait3A_323] : memref<10240x128xf32, #tpu.memory_space<vmem_shared>> -> memref<80x128xf32, #tpu.memory_space<vmem_shared>>
      %dma_wait3A_325 = arith.constant 0 : i32
      %dma_wait3A_326 = tpu.memref_slice %arg16[%add3A_268, %dma_wait3A_325] : memref<10240x128xf32, #tpu.memory_space<vmem_shared>> -> memref<80x128xf32, #tpu.memory_space<vmem_shared>>
      tpu.wait_dma2 semaphore(%run_scoped3A : memref<!tpu.dma_semaphore, #tpu.memory_space<semaphore_mem>>) src(%dma_wait3A_326 : memref<80x128xf32, #tpu.memory_space<vmem_shared>>) dst(%arg15 : memref<80x128xf32, #tpu.memory_space<vmem>>)
      tpu.yield
    }) : () -> ()
    %dma_start3A_269 = arith.constant 0 : i32
    %dma_start3A_270 = tpu.memref_slice %arg6[%arg0, %add3A_268, %dma_start3A_269] : memref<2x10240x128xf32, #tpu.memory_space<hbm>> -> memref<1x80x128xf32, #tpu.memory_space<hbm>>
    %dma_start3A_271 = tpu.memref_squeeze %dma_start3A_270 : memref<1x80x128xf32, #tpu.memory_space<hbm>> -> memref<80x128xf32, #tpu.memory_space<hbm>>
    %dma_start3A_272 = arith.constant 0 : i32
    %dma_start3A_273 = tpu.memref_slice %arg6[%arg0, %add3A_268, %dma_start3A_272] : memref<2x10240x128xf32, #tpu.memory_space<hbm>> -> memref<1x80x128xf32, #tpu.memory_space<hbm>>
    %dma_start3A_274 = tpu.memref_squeeze %dma_start3A_273 : memref<1x80x128xf32, #tpu.memory_space<hbm>> -> memref<80x128xf32, #tpu.memory_space<hbm>>
    tpu.enqueue_dma source(%arg15 : memref<80x128xf32, #tpu.memory_space<vmem>>) target(%dma_start3A_274 : memref<80x128xf32, #tpu.memory_space<hbm>>) target_semaphore(%arg17 : memref<!tpu.dma_semaphore, #tpu.memory_space<semaphore_mem>>)
    %dma_wait3A_275 = arith.constant 0 : i32
    %dma_wait3A_276 = tpu.memref_slice %arg6[%arg0, %add3A_252, %dma_wait3A_275] : memref<2x10240x128xf32, #tpu.memory_space<hbm>> -> memref<1x80x128xf32, #tpu.memory_space<hbm>>
    %dma_wait3A_277 = tpu.memref_squeeze %dma_wait3A_276 : memref<1x80x128xf32, #tpu.memory_space<hbm>> -> memref<80x128xf32, #tpu.memory_space<hbm>>
    %dma_wait3A_278 = arith.constant 0 : i32
    %dma_wait3A_279 = tpu.memref_slice %arg6[%arg0, %add3A_252, %dma_wait3A_278] : memref<2x10240x128xf32, #tpu.memory_space<hbm>> -> memref<1x80x128xf32, #tpu.memory_space<hbm>>
    %dma_wait3A_280 = tpu.memref_squeeze %dma_wait3A_279 : memref<1x80x128xf32, #tpu.memory_space<hbm>> -> memref<80x128xf32, #tpu.memory_space<hbm>>
    tpu.wait_dma2 semaphore(%arg17 : memref<!tpu.dma_semaphore, #tpu.memory_space<semaphore_mem>>) src(%arg12 : memref<80x128xf32, #tpu.memory_space<vmem>>) dst(%dma_wait3A_280 : memref<80x128xf32, #tpu.memory_space<hbm>>)
    %mul3A_281 = arith.constant 640 : i32
    %mul3A_282 = arith.muli %arg1, %mul3A_281 : i32
    %add3A_283 = arith.constant 480 : i32
    %add3A_284 = arith.addi %mul3A_282, %add3A_283 : i32
    "tpu.region"() ({
      %run_scoped3A = tpu.sem_alloc : memref<!tpu.dma_semaphore, #tpu.memory_space<semaphore_mem>>
      %dma_start3A_319 = arith.constant 0 : i32
      %dma_start3A_320 = tpu.memref_slice %arg16[%add3A_284, %dma_start3A_319] : memref<10240x128xf32, #tpu.memory_space<vmem_shared>> -> memref<80x128xf32, #tpu.memory_space<vmem_shared>>
      %dma_start3A_321 = arith.constant 0 : i32
      %dma_start3A_322 = tpu.memref_slice %arg16[%add3A_284, %dma_start3A_321] : memref<10240x128xf32, #tpu.memory_space<vmem_shared>> -> memref<80x128xf32, #tpu.memory_space<vmem_shared>>
      tpu.enqueue_dma source(%dma_start3A_322 : memref<80x128xf32, #tpu.memory_space<vmem_shared>>) target(%arg12 : memref<80x128xf32, #tpu.memory_space<vmem>>) target_semaphore(%run_scoped3A : memref<!tpu.dma_semaphore, #tpu.memory_space<semaphore_mem>>)
      %dma_wait3A_323 = arith.constant 0 : i32
      %dma_wait3A_324 = tpu.memref_slice %arg16[%add3A_284, %dma_wait3A_323] : memref<10240x128xf32, #tpu.memory_space<vmem_shared>> -> memref<80x128xf32, #tpu.memory_space<vmem_shared>>
      %dma_wait3A_325 = arith.constant 0 : i32
      %dma_wait3A_326 = tpu.memref_slice %arg16[%add3A_284, %dma_wait3A_325] : memref<10240x128xf32, #tpu.memory_space<vmem_shared>> -> memref<80x128xf32, #tpu.memory_space<vmem_shared>>
      tpu.wait_dma2 semaphore(%run_scoped3A : memref<!tpu.dma_semaphore, #tpu.memory_space<semaphore_mem>>) src(%dma_wait3A_326 : memref<80x128xf32, #tpu.memory_space<vmem_shared>>) dst(%arg12 : memref<80x128xf32, #tpu.memory_space<vmem>>)
      tpu.yield
    }) : () -> ()
    %dma_start3A_285 = arith.constant 0 : i32
    %dma_start3A_286 = tpu.memref_slice %arg6[%arg0, %add3A_284, %dma_start3A_285] : memref<2x10240x128xf32, #tpu.memory_space<hbm>> -> memref<1x80x128xf32, #tpu.memory_space<hbm>>
    %dma_start3A_287 = tpu.memref_squeeze %dma_start3A_286 : memref<1x80x128xf32, #tpu.memory_space<hbm>> -> memref<80x128xf32, #tpu.memory_space<hbm>>
    %dma_start3A_288 = arith.constant 0 : i32
    %dma_start3A_289 = tpu.memref_slice %arg6[%arg0, %add3A_284, %dma_start3A_288] : memref<2x10240x128xf32, #tpu.memory_space<hbm>> -> memref<1x80x128xf32, #tpu.memory_space<hbm>>
    %dma_start3A_290 = tpu.memref_squeeze %dma_start3A_289 : memref<1x80x128xf32, #tpu.memory_space<hbm>> -> memref<80x128xf32, #tpu.memory_space<hbm>>
    tpu.enqueue_dma source(%arg12 : memref<80x128xf32, #tpu.memory_space<vmem>>) target(%dma_start3A_290 : memref<80x128xf32, #tpu.memory_space<hbm>>) target_semaphore(%arg17 : memref<!tpu.dma_semaphore, #tpu.memory_space<semaphore_mem>>)
    %dma_wait3A_291 = arith.constant 0 : i32
    %dma_wait3A_292 = tpu.memref_slice %arg6[%arg0, %add3A_268, %dma_wait3A_291] : memref<2x10240x128xf32, #tpu.memory_space<hbm>> -> memref<1x80x128xf32, #tpu.memory_space<hbm>>
    %dma_wait3A_293 = tpu.memref_squeeze %dma_wait3A_292 : memref<1x80x128xf32, #tpu.memory_space<hbm>> -> memref<80x128xf32, #tpu.memory_space<hbm>>
    %dma_wait3A_294 = arith.constant 0 : i32
    %dma_wait3A_295 = tpu.memref_slice %arg6[%arg0, %add3A_268, %dma_wait3A_294] : memref<2x10240x128xf32, #tpu.memory_space<hbm>> -> memref<1x80x128xf32, #tpu.memory_space<hbm>>
    %dma_wait3A_296 = tpu.memref_squeeze %dma_wait3A_295 : memref<1x80x128xf32, #tpu.memory_space<hbm>> -> memref<80x128xf32, #tpu.memory_space<hbm>>
    tpu.wait_dma2 semaphore(%arg17 : memref<!tpu.dma_semaphore, #tpu.memory_space<semaphore_mem>>) src(%arg15 : memref<80x128xf32, #tpu.memory_space<vmem>>) dst(%dma_wait3A_296 : memref<80x128xf32, #tpu.memory_space<hbm>>)
    %mul3A_297 = arith.constant 640 : i32
    %mul3A_298 = arith.muli %arg1, %mul3A_297 : i32
    %add3A_299 = arith.constant 560 : i32
    %add3A_300 = arith.addi %mul3A_298, %add3A_299 : i32
    "tpu.region"() ({
      %run_scoped3A = tpu.sem_alloc : memref<!tpu.dma_semaphore, #tpu.memory_space<semaphore_mem>>
      %dma_start3A_319 = arith.constant 0 : i32
      %dma_start3A_320 = tpu.memref_slice %arg16[%add3A_300, %dma_start3A_319] : memref<10240x128xf32, #tpu.memory_space<vmem_shared>> -> memref<80x128xf32, #tpu.memory_space<vmem_shared>>
      %dma_start3A_321 = arith.constant 0 : i32
      %dma_start3A_322 = tpu.memref_slice %arg16[%add3A_300, %dma_start3A_321] : memref<10240x128xf32, #tpu.memory_space<vmem_shared>> -> memref<80x128xf32, #tpu.memory_space<vmem_shared>>
      tpu.enqueue_dma source(%dma_start3A_322 : memref<80x128xf32, #tpu.memory_space<vmem_shared>>) target(%arg15 : memref<80x128xf32, #tpu.memory_space<vmem>>) target_semaphore(%run_scoped3A : memref<!tpu.dma_semaphore, #tpu.memory_space<semaphore_mem>>)
      %dma_wait3A_323 = arith.constant 0 : i32
      %dma_wait3A_324 = tpu.memref_slice %arg16[%add3A_300, %dma_wait3A_323] : memref<10240x128xf32, #tpu.memory_space<vmem_shared>> -> memref<80x128xf32, #tpu.memory_space<vmem_shared>>
      %dma_wait3A_325 = arith.constant 0 : i32
      %dma_wait3A_326 = tpu.memref_slice %arg16[%add3A_300, %dma_wait3A_325] : memref<10240x128xf32, #tpu.memory_space<vmem_shared>> -> memref<80x128xf32, #tpu.memory_space<vmem_shared>>
      tpu.wait_dma2 semaphore(%run_scoped3A : memref<!tpu.dma_semaphore, #tpu.memory_space<semaphore_mem>>) src(%dma_wait3A_326 : memref<80x128xf32, #tpu.memory_space<vmem_shared>>) dst(%arg15 : memref<80x128xf32, #tpu.memory_space<vmem>>)
      tpu.yield
    }) : () -> ()
    %dma_start3A_301 = arith.constant 0 : i32
    %dma_start3A_302 = tpu.memref_slice %arg6[%arg0, %add3A_300, %dma_start3A_301] : memref<2x10240x128xf32, #tpu.memory_space<hbm>> -> memref<1x80x128xf32, #tpu.memory_space<hbm>>
    %dma_start3A_303 = tpu.memref_squeeze %dma_start3A_302 : memref<1x80x128xf32, #tpu.memory_space<hbm>> -> memref<80x128xf32, #tpu.memory_space<hbm>>
    %dma_start3A_304 = arith.constant 0 : i32
    %dma_start3A_305 = tpu.memref_slice %arg6[%arg0, %add3A_300, %dma_start3A_304] : memref<2x10240x128xf32, #tpu.memory_space<hbm>> -> memref<1x80x128xf32, #tpu.memory_space<hbm>>
    %dma_start3A_306 = tpu.memref_squeeze %dma_start3A_305 : memref<1x80x128xf32, #tpu.memory_space<hbm>> -> memref<80x128xf32, #tpu.memory_space<hbm>>
    tpu.enqueue_dma source(%arg15 : memref<80x128xf32, #tpu.memory_space<vmem>>) target(%dma_start3A_306 : memref<80x128xf32, #tpu.memory_space<hbm>>) target_semaphore(%arg17 : memref<!tpu.dma_semaphore, #tpu.memory_space<semaphore_mem>>)
    %dma_wait3A_307 = arith.constant 0 : i32
    %dma_wait3A_308 = tpu.memref_slice %arg6[%arg0, %add3A_284, %dma_wait3A_307] : memref<2x10240x128xf32, #tpu.memory_space<hbm>> -> memref<1x80x128xf32, #tpu.memory_space<hbm>>
    %dma_wait3A_309 = tpu.memref_squeeze %dma_wait3A_308 : memref<1x80x128xf32, #tpu.memory_space<hbm>> -> memref<80x128xf32, #tpu.memory_space<hbm>>
    %dma_wait3A_310 = arith.constant 0 : i32
    %dma_wait3A_311 = tpu.memref_slice %arg6[%arg0, %add3A_284, %dma_wait3A_310] : memref<2x10240x128xf32, #tpu.memory_space<hbm>> -> memref<1x80x128xf32, #tpu.memory_space<hbm>>
    %dma_wait3A_312 = tpu.memref_squeeze %dma_wait3A_311 : memref<1x80x128xf32, #tpu.memory_space<hbm>> -> memref<80x128xf32, #tpu.memory_space<hbm>>
    tpu.wait_dma2 semaphore(%arg17 : memref<!tpu.dma_semaphore, #tpu.memory_space<semaphore_mem>>) src(%arg12 : memref<80x128xf32, #tpu.memory_space<vmem>>) dst(%dma_wait3A_312 : memref<80x128xf32, #tpu.memory_space<hbm>>)
    %dma_wait3A_313 = arith.constant 0 : i32
    %dma_wait3A_314 = tpu.memref_slice %arg6[%arg0, %add3A_300, %dma_wait3A_313] : memref<2x10240x128xf32, #tpu.memory_space<hbm>> -> memref<1x80x128xf32, #tpu.memory_space<hbm>>
    %dma_wait3A_315 = tpu.memref_squeeze %dma_wait3A_314 : memref<1x80x128xf32, #tpu.memory_space<hbm>> -> memref<80x128xf32, #tpu.memory_space<hbm>>
    %dma_wait3A_316 = arith.constant 0 : i32
    %dma_wait3A_317 = tpu.memref_slice %arg6[%arg0, %add3A_300, %dma_wait3A_316] : memref<2x10240x128xf32, #tpu.memory_space<hbm>> -> memref<1x80x128xf32, #tpu.memory_space<hbm>>
    %dma_wait3A_318 = tpu.memref_squeeze %dma_wait3A_317 : memref<1x80x128xf32, #tpu.memory_space<hbm>> -> memref<80x128xf32, #tpu.memory_space<hbm>>
    tpu.wait_dma2 semaphore(%arg17 : memref<!tpu.dma_semaphore, #tpu.memory_space<semaphore_mem>>) src(%arg15 : memref<80x128xf32, #tpu.memory_space<vmem>>) dst(%dma_wait3A_318 : memref<80x128xf32, #tpu.memory_space<hbm>>)
    return
  }
}

#map = affine_map<(d0, d1) -> (0, 0)>
#map1 = affine_map<(d0, d1) -> (0)>
#map2 = affine_map<(d0, d1) -> (0, 0, 0)>
module attributes {stable_mosaic.version = 14 : i64} {
  func.func @_sc1_body(%arg0: i32, %arg1: i32, %arg2: memref<10000x128xf32, #tpu.memory_space<hbm>>, %arg3: memref<10000x128xf32, #tpu.memory_space<hbm>>, %arg4: memref<320000xi32, #tpu.memory_space<hbm>>, %arg5: memref<320000xi32, #tpu.memory_space<hbm>>, %arg6: memref<80x128xf32, #tpu.memory_space<hbm>>, %arg7: memref<80x128xf32, #tpu.memory_space<hbm>>, %arg8: memref<2x10240x128xf32, #tpu.memory_space<hbm>>, %arg9: memref<2x10240x128xf32, #tpu.memory_space<hbm>>, %arg10: memref<2x10240x128xf32, #tpu.memory_space<hbm>>, %arg11: memref<80xi32, #tpu.memory_space<vmem>>, %arg12: memref<80xi32, #tpu.memory_space<vmem>>, %arg13: memref<80x128xf32, #tpu.memory_space<vmem>>, %arg14: memref<80xi32, #tpu.memory_space<vmem>>, %arg15: memref<80xi32, #tpu.memory_space<vmem>>, %arg16: memref<80x128xf32, #tpu.memory_space<vmem>>, %arg17: memref<80xi32, #tpu.memory_space<vmem>>, %arg18: memref<80xi32, #tpu.memory_space<vmem>>, %arg19: memref<80x128xf32, #tpu.memory_space<vmem>>, %arg20: memref<10240x128xf32, #tpu.memory_space<vmem_shared>>, %arg21: memref<!tpu.dma_semaphore, #tpu.memory_space<semaphore_mem>>, %arg22: memref<!tpu.dma_semaphore, #tpu.memory_space<semaphore_mem>>, %arg23: memref<!tpu.dma_semaphore, #tpu.memory_space<semaphore_mem>>, %arg24: memref<!tpu.dma_semaphore, #tpu.memory_space<semaphore_mem>>, %arg25: memref<!tpu.dma_semaphore, #tpu.memory_space<semaphore_mem>>, %arg26: memref<!tpu.dma_semaphore, #tpu.memory_space<semaphore_mem>>) attributes {dimension_semantics = [#tpu.dimension_semantics<core_parallel>, #tpu.dimension_semantics<subcore_parallel>], iteration_bounds = array<i64: 2, 16>, scalar_prefetch = 0 : i64, scratch_operands = 16 : i64, tpu.core_type = #tpu.core_type<sc_vector_subcore>, window_params = [{transform_indices = #map}, {transform_indices = #map}, {transform_indices = #map1}, {transform_indices = #map1}, {transform_indices = #map}, {transform_indices = #map}, {transform_indices = #map2}, {transform_indices = #map2}, {transform_indices = #map2}]} {
    %mul3A = arith.constant 2 : i32
    %mul3A_0 = arith.muli %arg1, %mul3A : i32
    %add3A = arith.addi %mul3A_0, %arg0 : i32
    "tpu.region"() ({
      %run_scoped3A = tpu.sem_alloc : memref<!tpu.dma_semaphore, #tpu.memory_space<semaphore_mem>>
      tpu.enqueue_dma source(%arg6 : memref<80x128xf32, #tpu.memory_space<hbm>>) target(%arg13 : memref<80x128xf32, #tpu.memory_space<vmem>>) target_semaphore(%run_scoped3A : memref<!tpu.dma_semaphore, #tpu.memory_space<semaphore_mem>>)
      tpu.wait_dma2 semaphore(%run_scoped3A : memref<!tpu.dma_semaphore, #tpu.memory_space<semaphore_mem>>) src(%arg6 : memref<80x128xf32, #tpu.memory_space<hbm>>) dst(%arg13 : memref<80x128xf32, #tpu.memory_space<vmem>>)
      tpu.yield
    }) : () -> ()
    %mul3A_1 = arith.constant 640 : i32
    %mul3A_2 = arith.muli %arg1, %mul3A_1 : i32
    %add3A_3 = arith.constant 0 : i32
    %add3A_4 = arith.addi %mul3A_2, %add3A_3 : i32
    %dma_start3A = arith.constant 0 : i32
    %dma_start3A_5 = tpu.memref_slice %arg20[%add3A_4, %dma_start3A] : memref<10240x128xf32, #tpu.memory_space<vmem_shared>> -> memref<80x128xf32, #tpu.memory_space<vmem_shared>>
    %dma_start3A_6 = arith.constant 0 : i32
    %dma_start3A_7 = tpu.memref_slice %arg20[%add3A_4, %dma_start3A_6] : memref<10240x128xf32, #tpu.memory_space<vmem_shared>> -> memref<80x128xf32, #tpu.memory_space<vmem_shared>>
    tpu.enqueue_dma source(%arg13 : memref<80x128xf32, #tpu.memory_space<vmem>>) target(%dma_start3A_7 : memref<80x128xf32, #tpu.memory_space<vmem_shared>>) target_semaphore(%arg21 : memref<!tpu.dma_semaphore, #tpu.memory_space<semaphore_mem>>)
    %mul3A_8 = arith.constant 640 : i32
    %mul3A_9 = arith.muli %arg1, %mul3A_8 : i32
    %add3A_10 = arith.constant 80 : i32
    %add3A_11 = arith.addi %mul3A_9, %add3A_10 : i32
    %dma_start3A_12 = arith.constant 0 : i32
    %dma_start3A_13 = tpu.memref_slice %arg20[%add3A_11, %dma_start3A_12] : memref<10240x128xf32, #tpu.memory_space<vmem_shared>> -> memref<80x128xf32, #tpu.memory_space<vmem_shared>>
    %dma_start3A_14 = arith.constant 0 : i32
    %dma_start3A_15 = tpu.memref_slice %arg20[%add3A_11, %dma_start3A_14] : memref<10240x128xf32, #tpu.memory_space<vmem_shared>> -> memref<80x128xf32, #tpu.memory_space<vmem_shared>>
    tpu.enqueue_dma source(%arg13 : memref<80x128xf32, #tpu.memory_space<vmem>>) target(%dma_start3A_15 : memref<80x128xf32, #tpu.memory_space<vmem_shared>>) target_semaphore(%arg21 : memref<!tpu.dma_semaphore, #tpu.memory_space<semaphore_mem>>)
    %mul3A_16 = arith.constant 640 : i32
    %mul3A_17 = arith.muli %arg1, %mul3A_16 : i32
    %add3A_18 = arith.constant 160 : i32
    %add3A_19 = arith.addi %mul3A_17, %add3A_18 : i32
    %dma_start3A_20 = arith.constant 0 : i32
    %dma_start3A_21 = tpu.memref_slice %arg20[%add3A_19, %dma_start3A_20] : memref<10240x128xf32, #tpu.memory_space<vmem_shared>> -> memref<80x128xf32, #tpu.memory_space<vmem_shared>>
    %dma_start3A_22 = arith.constant 0 : i32
    %dma_start3A_23 = tpu.memref_slice %arg20[%add3A_19, %dma_start3A_22] : memref<10240x128xf32, #tpu.memory_space<vmem_shared>> -> memref<80x128xf32, #tpu.memory_space<vmem_shared>>
    tpu.enqueue_dma source(%arg13 : memref<80x128xf32, #tpu.memory_space<vmem>>) target(%dma_start3A_23 : memref<80x128xf32, #tpu.memory_space<vmem_shared>>) target_semaphore(%arg21 : memref<!tpu.dma_semaphore, #tpu.memory_space<semaphore_mem>>)
    %mul3A_24 = arith.constant 640 : i32
    %mul3A_25 = arith.muli %arg1, %mul3A_24 : i32
    %add3A_26 = arith.constant 240 : i32
    %add3A_27 = arith.addi %mul3A_25, %add3A_26 : i32
    %dma_start3A_28 = arith.constant 0 : i32
    %dma_start3A_29 = tpu.memref_slice %arg20[%add3A_27, %dma_start3A_28] : memref<10240x128xf32, #tpu.memory_space<vmem_shared>> -> memref<80x128xf32, #tpu.memory_space<vmem_shared>>
    %dma_start3A_30 = arith.constant 0 : i32
    %dma_start3A_31 = tpu.memref_slice %arg20[%add3A_27, %dma_start3A_30] : memref<10240x128xf32, #tpu.memory_space<vmem_shared>> -> memref<80x128xf32, #tpu.memory_space<vmem_shared>>
    tpu.enqueue_dma source(%arg13 : memref<80x128xf32, #tpu.memory_space<vmem>>) target(%dma_start3A_31 : memref<80x128xf32, #tpu.memory_space<vmem_shared>>) target_semaphore(%arg21 : memref<!tpu.dma_semaphore, #tpu.memory_space<semaphore_mem>>)
    %mul3A_32 = arith.constant 640 : i32
    %mul3A_33 = arith.muli %arg1, %mul3A_32 : i32
    %add3A_34 = arith.constant 320 : i32
    %add3A_35 = arith.addi %mul3A_33, %add3A_34 : i32
    %dma_start3A_36 = arith.constant 0 : i32
    %dma_start3A_37 = tpu.memref_slice %arg20[%add3A_35, %dma_start3A_36] : memref<10240x128xf32, #tpu.memory_space<vmem_shared>> -> memref<80x128xf32, #tpu.memory_space<vmem_shared>>
    %dma_start3A_38 = arith.constant 0 : i32
    %dma_start3A_39 = tpu.memref_slice %arg20[%add3A_35, %dma_start3A_38] : memref<10240x128xf32, #tpu.memory_space<vmem_shared>> -> memref<80x128xf32, #tpu.memory_space<vmem_shared>>
    tpu.enqueue_dma source(%arg13 : memref<80x128xf32, #tpu.memory_space<vmem>>) target(%dma_start3A_39 : memref<80x128xf32, #tpu.memory_space<vmem_shared>>) target_semaphore(%arg21 : memref<!tpu.dma_semaphore, #tpu.memory_space<semaphore_mem>>)
    %mul3A_40 = arith.constant 640 : i32
    %mul3A_41 = arith.muli %arg1, %mul3A_40 : i32
    %add3A_42 = arith.constant 400 : i32
    %add3A_43 = arith.addi %mul3A_41, %add3A_42 : i32
    %dma_start3A_44 = arith.constant 0 : i32
    %dma_start3A_45 = tpu.memref_slice %arg20[%add3A_43, %dma_start3A_44] : memref<10240x128xf32, #tpu.memory_space<vmem_shared>> -> memref<80x128xf32, #tpu.memory_space<vmem_shared>>
    %dma_start3A_46 = arith.constant 0 : i32
    %dma_start3A_47 = tpu.memref_slice %arg20[%add3A_43, %dma_start3A_46] : memref<10240x128xf32, #tpu.memory_space<vmem_shared>> -> memref<80x128xf32, #tpu.memory_space<vmem_shared>>
    tpu.enqueue_dma source(%arg13 : memref<80x128xf32, #tpu.memory_space<vmem>>) target(%dma_start3A_47 : memref<80x128xf32, #tpu.memory_space<vmem_shared>>) target_semaphore(%arg21 : memref<!tpu.dma_semaphore, #tpu.memory_space<semaphore_mem>>)
    %mul3A_48 = arith.constant 640 : i32
    %mul3A_49 = arith.muli %arg1, %mul3A_48 : i32
    %add3A_50 = arith.constant 480 : i32
    %add3A_51 = arith.addi %mul3A_49, %add3A_50 : i32
    %dma_start3A_52 = arith.constant 0 : i32
    %dma_start3A_53 = tpu.memref_slice %arg20[%add3A_51, %dma_start3A_52] : memref<10240x128xf32, #tpu.memory_space<vmem_shared>> -> memref<80x128xf32, #tpu.memory_space<vmem_shared>>
    %dma_start3A_54 = arith.constant 0 : i32
    %dma_start3A_55 = tpu.memref_slice %arg20[%add3A_51, %dma_start3A_54] : memref<10240x128xf32, #tpu.memory_space<vmem_shared>> -> memref<80x128xf32, #tpu.memory_space<vmem_shared>>
    tpu.enqueue_dma source(%arg13 : memref<80x128xf32, #tpu.memory_space<vmem>>) target(%dma_start3A_55 : memref<80x128xf32, #tpu.memory_space<vmem_shared>>) target_semaphore(%arg21 : memref<!tpu.dma_semaphore, #tpu.memory_space<semaphore_mem>>)
    %mul3A_56 = arith.constant 640 : i32
    %mul3A_57 = arith.muli %arg1, %mul3A_56 : i32
    %add3A_58 = arith.constant 560 : i32
    %add3A_59 = arith.addi %mul3A_57, %add3A_58 : i32
    %dma_start3A_60 = arith.constant 0 : i32
    %dma_start3A_61 = tpu.memref_slice %arg20[%add3A_59, %dma_start3A_60] : memref<10240x128xf32, #tpu.memory_space<vmem_shared>> -> memref<80x128xf32, #tpu.memory_space<vmem_shared>>
    %dma_start3A_62 = arith.constant 0 : i32
    %dma_start3A_63 = tpu.memref_slice %arg20[%add3A_59, %dma_start3A_62] : memref<10240x128xf32, #tpu.memory_space<vmem_shared>> -> memref<80x128xf32, #tpu.memory_space<vmem_shared>>
    tpu.enqueue_dma source(%arg13 : memref<80x128xf32, #tpu.memory_space<vmem>>) target(%dma_start3A_63 : memref<80x128xf32, #tpu.memory_space<vmem_shared>>) target_semaphore(%arg21 : memref<!tpu.dma_semaphore, #tpu.memory_space<semaphore_mem>>)
    %dma_wait3A = arith.constant 0 : i32
    %dma_wait3A_64 = tpu.memref_slice %arg20[%add3A_4, %dma_wait3A] : memref<10240x128xf32, #tpu.memory_space<vmem_shared>> -> memref<80x128xf32, #tpu.memory_space<vmem_shared>>
    %dma_wait3A_65 = arith.constant 0 : i32
    %dma_wait3A_66 = tpu.memref_slice %arg20[%add3A_4, %dma_wait3A_65] : memref<10240x128xf32, #tpu.memory_space<vmem_shared>> -> memref<80x128xf32, #tpu.memory_space<vmem_shared>>
    tpu.wait_dma2 semaphore(%arg21 : memref<!tpu.dma_semaphore, #tpu.memory_space<semaphore_mem>>) src(%arg13 : memref<80x128xf32, #tpu.memory_space<vmem>>) dst(%dma_wait3A_66 : memref<80x128xf32, #tpu.memory_space<vmem_shared>>)
    %dma_wait3A_67 = arith.constant 0 : i32
    %dma_wait3A_68 = tpu.memref_slice %arg20[%add3A_11, %dma_wait3A_67] : memref<10240x128xf32, #tpu.memory_space<vmem_shared>> -> memref<80x128xf32, #tpu.memory_space<vmem_shared>>
    %dma_wait3A_69 = arith.constant 0 : i32
    %dma_wait3A_70 = tpu.memref_slice %arg20[%add3A_11, %dma_wait3A_69] : memref<10240x128xf32, #tpu.memory_space<vmem_shared>> -> memref<80x128xf32, #tpu.memory_space<vmem_shared>>
    tpu.wait_dma2 semaphore(%arg21 : memref<!tpu.dma_semaphore, #tpu.memory_space<semaphore_mem>>) src(%arg13 : memref<80x128xf32, #tpu.memory_space<vmem>>) dst(%dma_wait3A_70 : memref<80x128xf32, #tpu.memory_space<vmem_shared>>)
    %dma_wait3A_71 = arith.constant 0 : i32
    %dma_wait3A_72 = tpu.memref_slice %arg20[%add3A_19, %dma_wait3A_71] : memref<10240x128xf32, #tpu.memory_space<vmem_shared>> -> memref<80x128xf32, #tpu.memory_space<vmem_shared>>
    %dma_wait3A_73 = arith.constant 0 : i32
    %dma_wait3A_74 = tpu.memref_slice %arg20[%add3A_19, %dma_wait3A_73] : memref<10240x128xf32, #tpu.memory_space<vmem_shared>> -> memref<80x128xf32, #tpu.memory_space<vmem_shared>>
    tpu.wait_dma2 semaphore(%arg21 : memref<!tpu.dma_semaphore, #tpu.memory_space<semaphore_mem>>) src(%arg13 : memref<80x128xf32, #tpu.memory_space<vmem>>) dst(%dma_wait3A_74 : memref<80x128xf32, #tpu.memory_space<vmem_shared>>)
    %dma_wait3A_75 = arith.constant 0 : i32
    %dma_wait3A_76 = tpu.memref_slice %arg20[%add3A_27, %dma_wait3A_75] : memref<10240x128xf32, #tpu.memory_space<vmem_shared>> -> memref<80x128xf32, #tpu.memory_space<vmem_shared>>
    %dma_wait3A_77 = arith.constant 0 : i32
    %dma_wait3A_78 = tpu.memref_slice %arg20[%add3A_27, %dma_wait3A_77] : memref<10240x128xf32, #tpu.memory_space<vmem_shared>> -> memref<80x128xf32, #tpu.memory_space<vmem_shared>>
    tpu.wait_dma2 semaphore(%arg21 : memref<!tpu.dma_semaphore, #tpu.memory_space<semaphore_mem>>) src(%arg13 : memref<80x128xf32, #tpu.memory_space<vmem>>) dst(%dma_wait3A_78 : memref<80x128xf32, #tpu.memory_space<vmem_shared>>)
    %dma_wait3A_79 = arith.constant 0 : i32
    %dma_wait3A_80 = tpu.memref_slice %arg20[%add3A_35, %dma_wait3A_79] : memref<10240x128xf32, #tpu.memory_space<vmem_shared>> -> memref<80x128xf32, #tpu.memory_space<vmem_shared>>
    %dma_wait3A_81 = arith.constant 0 : i32
    %dma_wait3A_82 = tpu.memref_slice %arg20[%add3A_35, %dma_wait3A_81] : memref<10240x128xf32, #tpu.memory_space<vmem_shared>> -> memref<80x128xf32, #tpu.memory_space<vmem_shared>>
    tpu.wait_dma2 semaphore(%arg21 : memref<!tpu.dma_semaphore, #tpu.memory_space<semaphore_mem>>) src(%arg13 : memref<80x128xf32, #tpu.memory_space<vmem>>) dst(%dma_wait3A_82 : memref<80x128xf32, #tpu.memory_space<vmem_shared>>)
    %dma_wait3A_83 = arith.constant 0 : i32
    %dma_wait3A_84 = tpu.memref_slice %arg20[%add3A_43, %dma_wait3A_83] : memref<10240x128xf32, #tpu.memory_space<vmem_shared>> -> memref<80x128xf32, #tpu.memory_space<vmem_shared>>
    %dma_wait3A_85 = arith.constant 0 : i32
    %dma_wait3A_86 = tpu.memref_slice %arg20[%add3A_43, %dma_wait3A_85] : memref<10240x128xf32, #tpu.memory_space<vmem_shared>> -> memref<80x128xf32, #tpu.memory_space<vmem_shared>>
    tpu.wait_dma2 semaphore(%arg21 : memref<!tpu.dma_semaphore, #tpu.memory_space<semaphore_mem>>) src(%arg13 : memref<80x128xf32, #tpu.memory_space<vmem>>) dst(%dma_wait3A_86 : memref<80x128xf32, #tpu.memory_space<vmem_shared>>)
    %dma_wait3A_87 = arith.constant 0 : i32
    %dma_wait3A_88 = tpu.memref_slice %arg20[%add3A_51, %dma_wait3A_87] : memref<10240x128xf32, #tpu.memory_space<vmem_shared>> -> memref<80x128xf32, #tpu.memory_space<vmem_shared>>
    %dma_wait3A_89 = arith.constant 0 : i32
    %dma_wait3A_90 = tpu.memref_slice %arg20[%add3A_51, %dma_wait3A_89] : memref<10240x128xf32, #tpu.memory_space<vmem_shared>> -> memref<80x128xf32, #tpu.memory_space<vmem_shared>>
    tpu.wait_dma2 semaphore(%arg21 : memref<!tpu.dma_semaphore, #tpu.memory_space<semaphore_mem>>) src(%arg13 : memref<80x128xf32, #tpu.memory_space<vmem>>) dst(%dma_wait3A_90 : memref<80x128xf32, #tpu.memory_space<vmem_shared>>)
    %dma_wait3A_91 = arith.constant 0 : i32
    %dma_wait3A_92 = tpu.memref_slice %arg20[%add3A_59, %dma_wait3A_91] : memref<10240x128xf32, #tpu.memory_space<vmem_shared>> -> memref<80x128xf32, #tpu.memory_space<vmem_shared>>
    %dma_wait3A_93 = arith.constant 0 : i32
    %dma_wait3A_94 = tpu.memref_slice %arg20[%add3A_59, %dma_wait3A_93] : memref<10240x128xf32, #tpu.memory_space<vmem_shared>> -> memref<80x128xf32, #tpu.memory_space<vmem_shared>>
    tpu.wait_dma2 semaphore(%arg21 : memref<!tpu.dma_semaphore, #tpu.memory_space<semaphore_mem>>) src(%arg13 : memref<80x128xf32, #tpu.memory_space<vmem>>) dst(%dma_wait3A_94 : memref<80x128xf32, #tpu.memory_space<vmem_shared>>)
    "tpu.region"() ({
      %run_scoped3A = tpu.sem_alloc : memref<!tpu.dma_semaphore, #tpu.memory_space<semaphore_mem>>
      tpu.enqueue_dma source(%arg7 : memref<80x128xf32, #tpu.memory_space<hbm>>) target(%arg13 : memref<80x128xf32, #tpu.memory_space<vmem>>) target_semaphore(%run_scoped3A : memref<!tpu.dma_semaphore, #tpu.memory_space<semaphore_mem>>)
      tpu.wait_dma2 semaphore(%run_scoped3A : memref<!tpu.dma_semaphore, #tpu.memory_space<semaphore_mem>>) src(%arg7 : memref<80x128xf32, #tpu.memory_space<hbm>>) dst(%arg13 : memref<80x128xf32, #tpu.memory_space<vmem>>)
      tpu.yield
    }) : () -> ()
    %barrier3A = arith.constant 0 : index
    tpu.barrier barrier_id(%barrier3A)
    %mul3A_95 = arith.constant 10000 : i32
    %mul3A_96 = arith.muli %add3A, %mul3A_95 : i32
    "tpu.region"() ({
      %run_scoped3A = tpu.sem_alloc : memref<!tpu.dma_semaphore, #tpu.memory_space<semaphore_mem>>
      %dma_start3A_875 = tpu.memref_slice %arg4[%mul3A_96] : memref<320000xi32, #tpu.memory_space<hbm>> -> memref<80xi32, #tpu.memory_space<hbm>>
      %dma_start3A_876 = tpu.memref_slice %arg4[%mul3A_96] : memref<320000xi32, #tpu.memory_space<hbm>> -> memref<80xi32, #tpu.memory_space<hbm>>
      tpu.enqueue_dma source(%dma_start3A_876 : memref<80xi32, #tpu.memory_space<hbm>>) target(%arg12 : memref<80xi32, #tpu.memory_space<vmem>>) target_semaphore(%run_scoped3A : memref<!tpu.dma_semaphore, #tpu.memory_space<semaphore_mem>>)
      %dma_wait3A_877 = tpu.memref_slice %arg4[%mul3A_96] : memref<320000xi32, #tpu.memory_space<hbm>> -> memref<80xi32, #tpu.memory_space<hbm>>
      %dma_wait3A_878 = tpu.memref_slice %arg4[%mul3A_96] : memref<320000xi32, #tpu.memory_space<hbm>> -> memref<80xi32, #tpu.memory_space<hbm>>
      tpu.wait_dma2 semaphore(%run_scoped3A : memref<!tpu.dma_semaphore, #tpu.memory_space<semaphore_mem>>) src(%dma_wait3A_878 : memref<80xi32, #tpu.memory_space<hbm>>) dst(%arg12 : memref<80xi32, #tpu.memory_space<vmem>>)
      tpu.yield
    }) : () -> ()
    %scan3A = arith.constant 0 : i32
    %scan3A_97 = arith.constant 0 : i32
    %scan3A_98 = arith.constant 62 : i32
    %scan3A_99 = arith.addi %scan3A_97, %scan3A_98 : i32
    %scan3A_100 = arith.constant 1 : i32
    scf.for %scan3A_875 = %scan3A_97 to %scan3A_99 step %scan3A_100  : i32 {
      %mul3A_876 = arith.constant 2 : i32
      %mul3A_877 = arith.muli %mul3A_876, %scan3A_875 : i32
      %add3A_878 = arith.constant 1 : i32
      %add3A_879 = arith.addi %mul3A_877, %add3A_878 : i32
      %mul3A_880 = arith.constant 10000 : i32
      %mul3A_881 = arith.muli %add3A, %mul3A_880 : i32
      %mul3A_882 = arith.constant 80 : i32
      %mul3A_883 = arith.muli %add3A_879, %mul3A_882 : i32
      %add3A_884 = arith.addi %mul3A_881, %mul3A_883 : i32
      %dma_start3A_885 = tpu.memref_slice %arg4[%add3A_884] : memref<320000xi32, #tpu.memory_space<hbm>> -> memref<80xi32, #tpu.memory_space<hbm>>
      %dma_start3A_886 = tpu.memref_slice %arg4[%add3A_884] : memref<320000xi32, #tpu.memory_space<hbm>> -> memref<80xi32, #tpu.memory_space<hbm>>
      tpu.enqueue_dma source(%dma_start3A_886 : memref<80xi32, #tpu.memory_space<hbm>>) target(%arg15 : memref<80xi32, #tpu.memory_space<vmem>>) target_semaphore(%arg25 : memref<!tpu.dma_semaphore, #tpu.memory_space<semaphore_mem>>)
      "tpu.region"() ({
        %run_scoped3A = tpu.sem_alloc : memref<!tpu.dma_semaphore, #tpu.memory_space<semaphore_mem>>
        %dma_start3A_900 = arith.constant 0 : i32
        %dma_start3A_901 = arith.constant 0 : i32
        %dma_start3A_902 = tpu.memref_slice %arg20[%dma_start3A_900, %dma_start3A_901] : memref<10240x128xf32, #tpu.memory_space<vmem_shared>> -> memref<10240x128xf32, #tpu.memory_space<vmem_shared>>
        tpu.enqueue_indirect_dma source(%arg13 : memref<80x128xf32, #tpu.memory_space<vmem>>) target(%dma_start3A_902 : memref<10240x128xf32, #tpu.memory_space<vmem_shared>>) offsets(%arg12 : memref<80xi32, #tpu.memory_space<vmem>>) semaphore(%run_scoped3A : memref<!tpu.dma_semaphore, #tpu.memory_space<semaphore_mem>>) {add = true}
        %dma_wait3A_903 = arith.constant 0 : i32
        %dma_wait3A_904 = arith.constant 0 : i32
        %dma_wait3A_905 = tpu.memref_slice %arg20[%dma_wait3A_903, %dma_wait3A_904] : memref<10240x128xf32, #tpu.memory_space<vmem_shared>> -> memref<10240x128xf32, #tpu.memory_space<vmem_shared>>
        tpu.wait_indirect_dma semaphore(%run_scoped3A : memref<!tpu.dma_semaphore, #tpu.memory_space<semaphore_mem>>) src(%arg13 : memref<80x128xf32, #tpu.memory_space<vmem>>) dst(%dma_wait3A_905 : memref<10240x128xf32, #tpu.memory_space<vmem_shared>>)
        tpu.yield
      }) : () -> ()
      %dma_wait3A_887 = tpu.memref_slice %arg4[%add3A_884] : memref<320000xi32, #tpu.memory_space<hbm>> -> memref<80xi32, #tpu.memory_space<hbm>>
      %dma_wait3A_888 = tpu.memref_slice %arg4[%add3A_884] : memref<320000xi32, #tpu.memory_space<hbm>> -> memref<80xi32, #tpu.memory_space<hbm>>
      tpu.wait_dma2 semaphore(%arg25 : memref<!tpu.dma_semaphore, #tpu.memory_space<semaphore_mem>>) src(%dma_wait3A_888 : memref<80xi32, #tpu.memory_space<hbm>>) dst(%arg15 : memref<80xi32, #tpu.memory_space<vmem>>)
      %add3A_889 = arith.constant 2 : i32
      %add3A_890 = arith.addi %mul3A_877, %add3A_889 : i32
      %mul3A_891 = arith.constant 10000 : i32
      %mul3A_892 = arith.muli %add3A, %mul3A_891 : i32
      %mul3A_893 = arith.constant 80 : i32
      %mul3A_894 = arith.muli %add3A_890, %mul3A_893 : i32
      %add3A_895 = arith.addi %mul3A_892, %mul3A_894 : i32
      %dma_start3A_896 = tpu.memref_slice %arg4[%add3A_895] : memref<320000xi32, #tpu.memory_space<hbm>> -> memref<80xi32, #tpu.memory_space<hbm>>
      %dma_start3A_897 = tpu.memref_slice %arg4[%add3A_895] : memref<320000xi32, #tpu.memory_space<hbm>> -> memref<80xi32, #tpu.memory_space<hbm>>
      tpu.enqueue_dma source(%dma_start3A_897 : memref<80xi32, #tpu.memory_space<hbm>>) target(%arg12 : memref<80xi32, #tpu.memory_space<vmem>>) target_semaphore(%arg24 : memref<!tpu.dma_semaphore, #tpu.memory_space<semaphore_mem>>)
      "tpu.region"() ({
        %run_scoped3A = tpu.sem_alloc : memref<!tpu.dma_semaphore, #tpu.memory_space<semaphore_mem>>
        %dma_start3A_900 = arith.constant 0 : i32
        %dma_start3A_901 = arith.constant 0 : i32
        %dma_start3A_902 = tpu.memref_slice %arg20[%dma_start3A_900, %dma_start3A_901] : memref<10240x128xf32, #tpu.memory_space<vmem_shared>> -> memref<10240x128xf32, #tpu.memory_space<vmem_shared>>
        tpu.enqueue_indirect_dma source(%arg13 : memref<80x128xf32, #tpu.memory_space<vmem>>) target(%dma_start3A_902 : memref<10240x128xf32, #tpu.memory_space<vmem_shared>>) offsets(%arg15 : memref<80xi32, #tpu.memory_space<vmem>>) semaphore(%run_scoped3A : memref<!tpu.dma_semaphore, #tpu.memory_space<semaphore_mem>>) {add = true}
        %dma_wait3A_903 = arith.constant 0 : i32
        %dma_wait3A_904 = arith.constant 0 : i32
        %dma_wait3A_905 = tpu.memref_slice %arg20[%dma_wait3A_903, %dma_wait3A_904] : memref<10240x128xf32, #tpu.memory_space<vmem_shared>> -> memref<10240x128xf32, #tpu.memory_space<vmem_shared>>
        tpu.wait_indirect_dma semaphore(%run_scoped3A : memref<!tpu.dma_semaphore, #tpu.memory_space<semaphore_mem>>) src(%arg13 : memref<80x128xf32, #tpu.memory_space<vmem>>) dst(%dma_wait3A_905 : memref<10240x128xf32, #tpu.memory_space<vmem_shared>>)
        tpu.yield
      }) : () -> ()
      %dma_wait3A_898 = tpu.memref_slice %arg4[%add3A_895] : memref<320000xi32, #tpu.memory_space<hbm>> -> memref<80xi32, #tpu.memory_space<hbm>>
      %dma_wait3A_899 = tpu.memref_slice %arg4[%add3A_895] : memref<320000xi32, #tpu.memory_space<hbm>> -> memref<80xi32, #tpu.memory_space<hbm>>
      tpu.wait_dma2 semaphore(%arg24 : memref<!tpu.dma_semaphore, #tpu.memory_space<semaphore_mem>>) src(%dma_wait3A_899 : memref<80xi32, #tpu.memory_space<hbm>>) dst(%arg12 : memref<80xi32, #tpu.memory_space<vmem>>)
    }
    %scan3A_101 = arith.constant 62 : i32
    "tpu.region"() ({
      %run_scoped3A = tpu.sem_alloc : memref<!tpu.dma_semaphore, #tpu.memory_space<semaphore_mem>>
      %dma_start3A_875 = arith.constant 0 : i32
      %dma_start3A_876 = arith.constant 0 : i32
      %dma_start3A_877 = tpu.memref_slice %arg20[%dma_start3A_875, %dma_start3A_876] : memref<10240x128xf32, #tpu.memory_space<vmem_shared>> -> memref<10240x128xf32, #tpu.memory_space<vmem_shared>>
      tpu.enqueue_indirect_dma source(%arg13 : memref<80x128xf32, #tpu.memory_space<vmem>>) target(%dma_start3A_877 : memref<10240x128xf32, #tpu.memory_space<vmem_shared>>) offsets(%arg12 : memref<80xi32, #tpu.memory_space<vmem>>) semaphore(%run_scoped3A : memref<!tpu.dma_semaphore, #tpu.memory_space<semaphore_mem>>) {add = true}
      %dma_wait3A_878 = arith.constant 0 : i32
      %dma_wait3A_879 = arith.constant 0 : i32
      %dma_wait3A_880 = tpu.memref_slice %arg20[%dma_wait3A_878, %dma_wait3A_879] : memref<10240x128xf32, #tpu.memory_space<vmem_shared>> -> memref<10240x128xf32, #tpu.memory_space<vmem_shared>>
      tpu.wait_indirect_dma semaphore(%run_scoped3A : memref<!tpu.dma_semaphore, #tpu.memory_space<semaphore_mem>>) src(%arg13 : memref<80x128xf32, #tpu.memory_space<vmem>>) dst(%dma_wait3A_880 : memref<10240x128xf32, #tpu.memory_space<vmem_shared>>)
      tpu.yield
    }) : () -> ()
    %barrier3A_102 = arith.constant 0 : index
    tpu.barrier barrier_id(%barrier3A_102)
    %mul3A_103 = arith.constant 640 : i32
    %mul3A_104 = arith.muli %arg1, %mul3A_103 : i32
    %add3A_105 = arith.constant 0 : i32
    %add3A_106 = arith.addi %mul3A_104, %add3A_105 : i32
    "tpu.region"() ({
      %run_scoped3A = tpu.sem_alloc : memref<!tpu.dma_semaphore, #tpu.memory_space<semaphore_mem>>
      %dma_start3A_875 = arith.constant 0 : i32
      %dma_start3A_876 = tpu.memref_slice %arg20[%add3A_106, %dma_start3A_875] : memref<10240x128xf32, #tpu.memory_space<vmem_shared>> -> memref<80x128xf32, #tpu.memory_space<vmem_shared>>
      %dma_start3A_877 = arith.constant 0 : i32
      %dma_start3A_878 = tpu.memref_slice %arg20[%add3A_106, %dma_start3A_877] : memref<10240x128xf32, #tpu.memory_space<vmem_shared>> -> memref<80x128xf32, #tpu.memory_space<vmem_shared>>
      tpu.enqueue_dma source(%dma_start3A_878 : memref<80x128xf32, #tpu.memory_space<vmem_shared>>) target(%arg16 : memref<80x128xf32, #tpu.memory_space<vmem>>) target_semaphore(%run_scoped3A : memref<!tpu.dma_semaphore, #tpu.memory_space<semaphore_mem>>)
      %dma_wait3A_879 = arith.constant 0 : i32
      %dma_wait3A_880 = tpu.memref_slice %arg20[%add3A_106, %dma_wait3A_879] : memref<10240x128xf32, #tpu.memory_space<vmem_shared>> -> memref<80x128xf32, #tpu.memory_space<vmem_shared>>
      %dma_wait3A_881 = arith.constant 0 : i32
      %dma_wait3A_882 = tpu.memref_slice %arg20[%add3A_106, %dma_wait3A_881] : memref<10240x128xf32, #tpu.memory_space<vmem_shared>> -> memref<80x128xf32, #tpu.memory_space<vmem_shared>>
      tpu.wait_dma2 semaphore(%run_scoped3A : memref<!tpu.dma_semaphore, #tpu.memory_space<semaphore_mem>>) src(%dma_wait3A_882 : memref<80x128xf32, #tpu.memory_space<vmem_shared>>) dst(%arg16 : memref<80x128xf32, #tpu.memory_space<vmem>>)
      tpu.yield
    }) : () -> ()
    %dma_start3A_107 = arith.constant 0 : i32
    %dma_start3A_108 = tpu.memref_slice %arg10[%arg0, %add3A_106, %dma_start3A_107] : memref<2x10240x128xf32, #tpu.memory_space<hbm>> -> memref<1x80x128xf32, #tpu.memory_space<hbm>>
    %dma_start3A_109 = tpu.memref_squeeze %dma_start3A_108 : memref<1x80x128xf32, #tpu.memory_space<hbm>> -> memref<80x128xf32, #tpu.memory_space<hbm>>
    %dma_start3A_110 = arith.constant 0 : i32
    %dma_start3A_111 = tpu.memref_slice %arg10[%arg0, %add3A_106, %dma_start3A_110] : memref<2x10240x128xf32, #tpu.memory_space<hbm>> -> memref<1x80x128xf32, #tpu.memory_space<hbm>>
    %dma_start3A_112 = tpu.memref_squeeze %dma_start3A_111 : memref<1x80x128xf32, #tpu.memory_space<hbm>> -> memref<80x128xf32, #tpu.memory_space<hbm>>
    tpu.enqueue_dma source(%arg16 : memref<80x128xf32, #tpu.memory_space<vmem>>) target(%dma_start3A_112 : memref<80x128xf32, #tpu.memory_space<hbm>>) target_semaphore(%arg21 : memref<!tpu.dma_semaphore, #tpu.memory_space<semaphore_mem>>)
    %mul3A_113 = arith.constant 640 : i32
    %mul3A_114 = arith.muli %arg1, %mul3A_113 : i32
    %add3A_115 = arith.constant 80 : i32
    %add3A_116 = arith.addi %mul3A_114, %add3A_115 : i32
    "tpu.region"() ({
      %run_scoped3A = tpu.sem_alloc : memref<!tpu.dma_semaphore, #tpu.memory_space<semaphore_mem>>
      %dma_start3A_875 = arith.constant 0 : i32
      %dma_start3A_876 = tpu.memref_slice %arg20[%add3A_116, %dma_start3A_875] : memref<10240x128xf32, #tpu.memory_space<vmem_shared>> -> memref<80x128xf32, #tpu.memory_space<vmem_shared>>
      %dma_start3A_877 = arith.constant 0 : i32
      %dma_start3A_878 = tpu.memref_slice %arg20[%add3A_116, %dma_start3A_877] : memref<10240x128xf32, #tpu.memory_space<vmem_shared>> -> memref<80x128xf32, #tpu.memory_space<vmem_shared>>
      tpu.enqueue_dma source(%dma_start3A_878 : memref<80x128xf32, #tpu.memory_space<vmem_shared>>) target(%arg19 : memref<80x128xf32, #tpu.memory_space<vmem>>) target_semaphore(%run_scoped3A : memref<!tpu.dma_semaphore, #tpu.memory_space<semaphore_mem>>)
      %dma_wait3A_879 = arith.constant 0 : i32
      %dma_wait3A_880 = tpu.memref_slice %arg20[%add3A_116, %dma_wait3A_879] : memref<10240x128xf32, #tpu.memory_space<vmem_shared>> -> memref<80x128xf32, #tpu.memory_space<vmem_shared>>
      %dma_wait3A_881 = arith.constant 0 : i32
      %dma_wait3A_882 = tpu.memref_slice %arg20[%add3A_116, %dma_wait3A_881] : memref<10240x128xf32, #tpu.memory_space<vmem_shared>> -> memref<80x128xf32, #tpu.memory_space<vmem_shared>>
      tpu.wait_dma2 semaphore(%run_scoped3A : memref<!tpu.dma_semaphore, #tpu.memory_space<semaphore_mem>>) src(%dma_wait3A_882 : memref<80x128xf32, #tpu.memory_space<vmem_shared>>) dst(%arg19 : memref<80x128xf32, #tpu.memory_space<vmem>>)
      tpu.yield
    }) : () -> ()
    %dma_start3A_117 = arith.constant 0 : i32
    %dma_start3A_118 = tpu.memref_slice %arg10[%arg0, %add3A_116, %dma_start3A_117] : memref<2x10240x128xf32, #tpu.memory_space<hbm>> -> memref<1x80x128xf32, #tpu.memory_space<hbm>>
    %dma_start3A_119 = tpu.memref_squeeze %dma_start3A_118 : memref<1x80x128xf32, #tpu.memory_space<hbm>> -> memref<80x128xf32, #tpu.memory_space<hbm>>
    %dma_start3A_120 = arith.constant 0 : i32
    %dma_start3A_121 = tpu.memref_slice %arg10[%arg0, %add3A_116, %dma_start3A_120] : memref<2x10240x128xf32, #tpu.memory_space<hbm>> -> memref<1x80x128xf32, #tpu.memory_space<hbm>>
    %dma_start3A_122 = tpu.memref_squeeze %dma_start3A_121 : memref<1x80x128xf32, #tpu.memory_space<hbm>> -> memref<80x128xf32, #tpu.memory_space<hbm>>
    tpu.enqueue_dma source(%arg19 : memref<80x128xf32, #tpu.memory_space<vmem>>) target(%dma_start3A_122 : memref<80x128xf32, #tpu.memory_space<hbm>>) target_semaphore(%arg21 : memref<!tpu.dma_semaphore, #tpu.memory_space<semaphore_mem>>)
    %dma_wait3A_123 = arith.constant 0 : i32
    %dma_wait3A_124 = tpu.memref_slice %arg10[%arg0, %add3A_106, %dma_wait3A_123] : memref<2x10240x128xf32, #tpu.memory_space<hbm>> -> memref<1x80x128xf32, #tpu.memory_space<hbm>>
    %dma_wait3A_125 = tpu.memref_squeeze %dma_wait3A_124 : memref<1x80x128xf32, #tpu.memory_space<hbm>> -> memref<80x128xf32, #tpu.memory_space<hbm>>
    %dma_wait3A_126 = arith.constant 0 : i32
    %dma_wait3A_127 = tpu.memref_slice %arg10[%arg0, %add3A_106, %dma_wait3A_126] : memref<2x10240x128xf32, #tpu.memory_space<hbm>> -> memref<1x80x128xf32, #tpu.memory_space<hbm>>
    %dma_wait3A_128 = tpu.memref_squeeze %dma_wait3A_127 : memref<1x80x128xf32, #tpu.memory_space<hbm>> -> memref<80x128xf32, #tpu.memory_space<hbm>>
    tpu.wait_dma2 semaphore(%arg21 : memref<!tpu.dma_semaphore, #tpu.memory_space<semaphore_mem>>) src(%arg16 : memref<80x128xf32, #tpu.memory_space<vmem>>) dst(%dma_wait3A_128 : memref<80x128xf32, #tpu.memory_space<hbm>>)
    %mul3A_129 = arith.constant 640 : i32
    %mul3A_130 = arith.muli %arg1, %mul3A_129 : i32
    %add3A_131 = arith.constant 160 : i32
    %add3A_132 = arith.addi %mul3A_130, %add3A_131 : i32
    "tpu.region"() ({
      %run_scoped3A = tpu.sem_alloc : memref<!tpu.dma_semaphore, #tpu.memory_space<semaphore_mem>>
      %dma_start3A_875 = arith.constant 0 : i32
      %dma_start3A_876 = tpu.memref_slice %arg20[%add3A_132, %dma_start3A_875] : memref<10240x128xf32, #tpu.memory_space<vmem_shared>> -> memref<80x128xf32, #tpu.memory_space<vmem_shared>>
      %dma_start3A_877 = arith.constant 0 : i32
      %dma_start3A_878 = tpu.memref_slice %arg20[%add3A_132, %dma_start3A_877] : memref<10240x128xf32, #tpu.memory_space<vmem_shared>> -> memref<80x128xf32, #tpu.memory_space<vmem_shared>>
      tpu.enqueue_dma source(%dma_start3A_878 : memref<80x128xf32, #tpu.memory_space<vmem_shared>>) target(%arg16 : memref<80x128xf32, #tpu.memory_space<vmem>>) target_semaphore(%run_scoped3A : memref<!tpu.dma_semaphore, #tpu.memory_space<semaphore_mem>>)
      %dma_wait3A_879 = arith.constant 0 : i32
      %dma_wait3A_880 = tpu.memref_slice %arg20[%add3A_132, %dma_wait3A_879] : memref<10240x128xf32, #tpu.memory_space<vmem_shared>> -> memref<80x128xf32, #tpu.memory_space<vmem_shared>>
      %dma_wait3A_881 = arith.constant 0 : i32
      %dma_wait3A_882 = tpu.memref_slice %arg20[%add3A_132, %dma_wait3A_881] : memref<10240x128xf32, #tpu.memory_space<vmem_shared>> -> memref<80x128xf32, #tpu.memory_space<vmem_shared>>
      tpu.wait_dma2 semaphore(%run_scoped3A : memref<!tpu.dma_semaphore, #tpu.memory_space<semaphore_mem>>) src(%dma_wait3A_882 : memref<80x128xf32, #tpu.memory_space<vmem_shared>>) dst(%arg16 : memref<80x128xf32, #tpu.memory_space<vmem>>)
      tpu.yield
    }) : () -> ()
    %dma_start3A_133 = arith.constant 0 : i32
    %dma_start3A_134 = tpu.memref_slice %arg10[%arg0, %add3A_132, %dma_start3A_133] : memref<2x10240x128xf32, #tpu.memory_space<hbm>> -> memref<1x80x128xf32, #tpu.memory_space<hbm>>
    %dma_start3A_135 = tpu.memref_squeeze %dma_start3A_134 : memref<1x80x128xf32, #tpu.memory_space<hbm>> -> memref<80x128xf32, #tpu.memory_space<hbm>>
    %dma_start3A_136 = arith.constant 0 : i32
    %dma_start3A_137 = tpu.memref_slice %arg10[%arg0, %add3A_132, %dma_start3A_136] : memref<2x10240x128xf32, #tpu.memory_space<hbm>> -> memref<1x80x128xf32, #tpu.memory_space<hbm>>
    %dma_start3A_138 = tpu.memref_squeeze %dma_start3A_137 : memref<1x80x128xf32, #tpu.memory_space<hbm>> -> memref<80x128xf32, #tpu.memory_space<hbm>>
    tpu.enqueue_dma source(%arg16 : memref<80x128xf32, #tpu.memory_space<vmem>>) target(%dma_start3A_138 : memref<80x128xf32, #tpu.memory_space<hbm>>) target_semaphore(%arg21 : memref<!tpu.dma_semaphore, #tpu.memory_space<semaphore_mem>>)
    %dma_wait3A_139 = arith.constant 0 : i32
    %dma_wait3A_140 = tpu.memref_slice %arg10[%arg0, %add3A_116, %dma_wait3A_139] : memref<2x10240x128xf32, #tpu.memory_space<hbm>> -> memref<1x80x128xf32, #tpu.memory_space<hbm>>
    %dma_wait3A_141 = tpu.memref_squeeze %dma_wait3A_140 : memref<1x80x128xf32, #tpu.memory_space<hbm>> -> memref<80x128xf32, #tpu.memory_space<hbm>>
    %dma_wait3A_142 = arith.constant 0 : i32
    %dma_wait3A_143 = tpu.memref_slice %arg10[%arg0, %add3A_116, %dma_wait3A_142] : memref<2x10240x128xf32, #tpu.memory_space<hbm>> -> memref<1x80x128xf32, #tpu.memory_space<hbm>>
    %dma_wait3A_144 = tpu.memref_squeeze %dma_wait3A_143 : memref<1x80x128xf32, #tpu.memory_space<hbm>> -> memref<80x128xf32, #tpu.memory_space<hbm>>
    tpu.wait_dma2 semaphore(%arg21 : memref<!tpu.dma_semaphore, #tpu.memory_space<semaphore_mem>>) src(%arg19 : memref<80x128xf32, #tpu.memory_space<vmem>>) dst(%dma_wait3A_144 : memref<80x128xf32, #tpu.memory_space<hbm>>)
    %mul3A_145 = arith.constant 640 : i32
    %mul3A_146 = arith.muli %arg1, %mul3A_145 : i32
    %add3A_147 = arith.constant 240 : i32
    %add3A_148 = arith.addi %mul3A_146, %add3A_147 : i32
    "tpu.region"() ({
      %run_scoped3A = tpu.sem_alloc : memref<!tpu.dma_semaphore, #tpu.memory_space<semaphore_mem>>
      %dma_start3A_875 = arith.constant 0 : i32
      %dma_start3A_876 = tpu.memref_slice %arg20[%add3A_148, %dma_start3A_875] : memref<10240x128xf32, #tpu.memory_space<vmem_shared>> -> memref<80x128xf32, #tpu.memory_space<vmem_shared>>
      %dma_start3A_877 = arith.constant 0 : i32
      %dma_start3A_878 = tpu.memref_slice %arg20[%add3A_148, %dma_start3A_877] : memref<10240x128xf32, #tpu.memory_space<vmem_shared>> -> memref<80x128xf32, #tpu.memory_space<vmem_shared>>
      tpu.enqueue_dma source(%dma_start3A_878 : memref<80x128xf32, #tpu.memory_space<vmem_shared>>) target(%arg19 : memref<80x128xf32, #tpu.memory_space<vmem>>) target_semaphore(%run_scoped3A : memref<!tpu.dma_semaphore, #tpu.memory_space<semaphore_mem>>)
      %dma_wait3A_879 = arith.constant 0 : i32
      %dma_wait3A_880 = tpu.memref_slice %arg20[%add3A_148, %dma_wait3A_879] : memref<10240x128xf32, #tpu.memory_space<vmem_shared>> -> memref<80x128xf32, #tpu.memory_space<vmem_shared>>
      %dma_wait3A_881 = arith.constant 0 : i32
      %dma_wait3A_882 = tpu.memref_slice %arg20[%add3A_148, %dma_wait3A_881] : memref<10240x128xf32, #tpu.memory_space<vmem_shared>> -> memref<80x128xf32, #tpu.memory_space<vmem_shared>>
      tpu.wait_dma2 semaphore(%run_scoped3A : memref<!tpu.dma_semaphore, #tpu.memory_space<semaphore_mem>>) src(%dma_wait3A_882 : memref<80x128xf32, #tpu.memory_space<vmem_shared>>) dst(%arg19 : memref<80x128xf32, #tpu.memory_space<vmem>>)
      tpu.yield
    }) : () -> ()
    %dma_start3A_149 = arith.constant 0 : i32
    %dma_start3A_150 = tpu.memref_slice %arg10[%arg0, %add3A_148, %dma_start3A_149] : memref<2x10240x128xf32, #tpu.memory_space<hbm>> -> memref<1x80x128xf32, #tpu.memory_space<hbm>>
    %dma_start3A_151 = tpu.memref_squeeze %dma_start3A_150 : memref<1x80x128xf32, #tpu.memory_space<hbm>> -> memref<80x128xf32, #tpu.memory_space<hbm>>
    %dma_start3A_152 = arith.constant 0 : i32
    %dma_start3A_153 = tpu.memref_slice %arg10[%arg0, %add3A_148, %dma_start3A_152] : memref<2x10240x128xf32, #tpu.memory_space<hbm>> -> memref<1x80x128xf32, #tpu.memory_space<hbm>>
    %dma_start3A_154 = tpu.memref_squeeze %dma_start3A_153 : memref<1x80x128xf32, #tpu.memory_space<hbm>> -> memref<80x128xf32, #tpu.memory_space<hbm>>
    tpu.enqueue_dma source(%arg19 : memref<80x128xf32, #tpu.memory_space<vmem>>) target(%dma_start3A_154 : memref<80x128xf32, #tpu.memory_space<hbm>>) target_semaphore(%arg21 : memref<!tpu.dma_semaphore, #tpu.memory_space<semaphore_mem>>)
    %dma_wait3A_155 = arith.constant 0 : i32
    %dma_wait3A_156 = tpu.memref_slice %arg10[%arg0, %add3A_132, %dma_wait3A_155] : memref<2x10240x128xf32, #tpu.memory_space<hbm>> -> memref<1x80x128xf32, #tpu.memory_space<hbm>>
    %dma_wait3A_157 = tpu.memref_squeeze %dma_wait3A_156 : memref<1x80x128xf32, #tpu.memory_space<hbm>> -> memref<80x128xf32, #tpu.memory_space<hbm>>
    %dma_wait3A_158 = arith.constant 0 : i32
    %dma_wait3A_159 = tpu.memref_slice %arg10[%arg0, %add3A_132, %dma_wait3A_158] : memref<2x10240x128xf32, #tpu.memory_space<hbm>> -> memref<1x80x128xf32, #tpu.memory_space<hbm>>
    %dma_wait3A_160 = tpu.memref_squeeze %dma_wait3A_159 : memref<1x80x128xf32, #tpu.memory_space<hbm>> -> memref<80x128xf32, #tpu.memory_space<hbm>>
    tpu.wait_dma2 semaphore(%arg21 : memref<!tpu.dma_semaphore, #tpu.memory_space<semaphore_mem>>) src(%arg16 : memref<80x128xf32, #tpu.memory_space<vmem>>) dst(%dma_wait3A_160 : memref<80x128xf32, #tpu.memory_space<hbm>>)
    %mul3A_161 = arith.constant 640 : i32
    %mul3A_162 = arith.muli %arg1, %mul3A_161 : i32
    %add3A_163 = arith.constant 320 : i32
    %add3A_164 = arith.addi %mul3A_162, %add3A_163 : i32
    "tpu.region"() ({
      %run_scoped3A = tpu.sem_alloc : memref<!tpu.dma_semaphore, #tpu.memory_space<semaphore_mem>>
      %dma_start3A_875 = arith.constant 0 : i32
      %dma_start3A_876 = tpu.memref_slice %arg20[%add3A_164, %dma_start3A_875] : memref<10240x128xf32, #tpu.memory_space<vmem_shared>> -> memref<80x128xf32, #tpu.memory_space<vmem_shared>>
      %dma_start3A_877 = arith.constant 0 : i32
      %dma_start3A_878 = tpu.memref_slice %arg20[%add3A_164, %dma_start3A_877] : memref<10240x128xf32, #tpu.memory_space<vmem_shared>> -> memref<80x128xf32, #tpu.memory_space<vmem_shared>>
      tpu.enqueue_dma source(%dma_start3A_878 : memref<80x128xf32, #tpu.memory_space<vmem_shared>>) target(%arg16 : memref<80x128xf32, #tpu.memory_space<vmem>>) target_semaphore(%run_scoped3A : memref<!tpu.dma_semaphore, #tpu.memory_space<semaphore_mem>>)
      %dma_wait3A_879 = arith.constant 0 : i32
      %dma_wait3A_880 = tpu.memref_slice %arg20[%add3A_164, %dma_wait3A_879] : memref<10240x128xf32, #tpu.memory_space<vmem_shared>> -> memref<80x128xf32, #tpu.memory_space<vmem_shared>>
      %dma_wait3A_881 = arith.constant 0 : i32
      %dma_wait3A_882 = tpu.memref_slice %arg20[%add3A_164, %dma_wait3A_881] : memref<10240x128xf32, #tpu.memory_space<vmem_shared>> -> memref<80x128xf32, #tpu.memory_space<vmem_shared>>
      tpu.wait_dma2 semaphore(%run_scoped3A : memref<!tpu.dma_semaphore, #tpu.memory_space<semaphore_mem>>) src(%dma_wait3A_882 : memref<80x128xf32, #tpu.memory_space<vmem_shared>>) dst(%arg16 : memref<80x128xf32, #tpu.memory_space<vmem>>)
      tpu.yield
    }) : () -> ()
    %dma_start3A_165 = arith.constant 0 : i32
    %dma_start3A_166 = tpu.memref_slice %arg10[%arg0, %add3A_164, %dma_start3A_165] : memref<2x10240x128xf32, #tpu.memory_space<hbm>> -> memref<1x80x128xf32, #tpu.memory_space<hbm>>
    %dma_start3A_167 = tpu.memref_squeeze %dma_start3A_166 : memref<1x80x128xf32, #tpu.memory_space<hbm>> -> memref<80x128xf32, #tpu.memory_space<hbm>>
    %dma_start3A_168 = arith.constant 0 : i32
    %dma_start3A_169 = tpu.memref_slice %arg10[%arg0, %add3A_164, %dma_start3A_168] : memref<2x10240x128xf32, #tpu.memory_space<hbm>> -> memref<1x80x128xf32, #tpu.memory_space<hbm>>
    %dma_start3A_170 = tpu.memref_squeeze %dma_start3A_169 : memref<1x80x128xf32, #tpu.memory_space<hbm>> -> memref<80x128xf32, #tpu.memory_space<hbm>>
    tpu.enqueue_dma source(%arg16 : memref<80x128xf32, #tpu.memory_space<vmem>>) target(%dma_start3A_170 : memref<80x128xf32, #tpu.memory_space<hbm>>) target_semaphore(%arg21 : memref<!tpu.dma_semaphore, #tpu.memory_space<semaphore_mem>>)
    %dma_wait3A_171 = arith.constant 0 : i32
    %dma_wait3A_172 = tpu.memref_slice %arg10[%arg0, %add3A_148, %dma_wait3A_171] : memref<2x10240x128xf32, #tpu.memory_space<hbm>> -> memref<1x80x128xf32, #tpu.memory_space<hbm>>
    %dma_wait3A_173 = tpu.memref_squeeze %dma_wait3A_172 : memref<1x80x128xf32, #tpu.memory_space<hbm>> -> memref<80x128xf32, #tpu.memory_space<hbm>>
    %dma_wait3A_174 = arith.constant 0 : i32
    %dma_wait3A_175 = tpu.memref_slice %arg10[%arg0, %add3A_148, %dma_wait3A_174] : memref<2x10240x128xf32, #tpu.memory_space<hbm>> -> memref<1x80x128xf32, #tpu.memory_space<hbm>>
    %dma_wait3A_176 = tpu.memref_squeeze %dma_wait3A_175 : memref<1x80x128xf32, #tpu.memory_space<hbm>> -> memref<80x128xf32, #tpu.memory_space<hbm>>
    tpu.wait_dma2 semaphore(%arg21 : memref<!tpu.dma_semaphore, #tpu.memory_space<semaphore_mem>>) src(%arg19 : memref<80x128xf32, #tpu.memory_space<vmem>>) dst(%dma_wait3A_176 : memref<80x128xf32, #tpu.memory_space<hbm>>)
    %mul3A_177 = arith.constant 640 : i32
    %mul3A_178 = arith.muli %arg1, %mul3A_177 : i32
    %add3A_179 = arith.constant 400 : i32
    %add3A_180 = arith.addi %mul3A_178, %add3A_179 : i32
    "tpu.region"() ({
      %run_scoped3A = tpu.sem_alloc : memref<!tpu.dma_semaphore, #tpu.memory_space<semaphore_mem>>
      %dma_start3A_875 = arith.constant 0 : i32
      %dma_start3A_876 = tpu.memref_slice %arg20[%add3A_180, %dma_start3A_875] : memref<10240x128xf32, #tpu.memory_space<vmem_shared>> -> memref<80x128xf32, #tpu.memory_space<vmem_shared>>
      %dma_start3A_877 = arith.constant 0 : i32
      %dma_start3A_878 = tpu.memref_slice %arg20[%add3A_180, %dma_start3A_877] : memref<10240x128xf32, #tpu.memory_space<vmem_shared>> -> memref<80x128xf32, #tpu.memory_space<vmem_shared>>
      tpu.enqueue_dma source(%dma_start3A_878 : memref<80x128xf32, #tpu.memory_space<vmem_shared>>) target(%arg19 : memref<80x128xf32, #tpu.memory_space<vmem>>) target_semaphore(%run_scoped3A : memref<!tpu.dma_semaphore, #tpu.memory_space<semaphore_mem>>)
      %dma_wait3A_879 = arith.constant 0 : i32
      %dma_wait3A_880 = tpu.memref_slice %arg20[%add3A_180, %dma_wait3A_879] : memref<10240x128xf32, #tpu.memory_space<vmem_shared>> -> memref<80x128xf32, #tpu.memory_space<vmem_shared>>
      %dma_wait3A_881 = arith.constant 0 : i32
      %dma_wait3A_882 = tpu.memref_slice %arg20[%add3A_180, %dma_wait3A_881] : memref<10240x128xf32, #tpu.memory_space<vmem_shared>> -> memref<80x128xf32, #tpu.memory_space<vmem_shared>>
      tpu.wait_dma2 semaphore(%run_scoped3A : memref<!tpu.dma_semaphore, #tpu.memory_space<semaphore_mem>>) src(%dma_wait3A_882 : memref<80x128xf32, #tpu.memory_space<vmem_shared>>) dst(%arg19 : memref<80x128xf32, #tpu.memory_space<vmem>>)
      tpu.yield
    }) : () -> ()
    %dma_start3A_181 = arith.constant 0 : i32
    %dma_start3A_182 = tpu.memref_slice %arg10[%arg0, %add3A_180, %dma_start3A_181] : memref<2x10240x128xf32, #tpu.memory_space<hbm>> -> memref<1x80x128xf32, #tpu.memory_space<hbm>>
    %dma_start3A_183 = tpu.memref_squeeze %dma_start3A_182 : memref<1x80x128xf32, #tpu.memory_space<hbm>> -> memref<80x128xf32, #tpu.memory_space<hbm>>
    %dma_start3A_184 = arith.constant 0 : i32
    %dma_start3A_185 = tpu.memref_slice %arg10[%arg0, %add3A_180, %dma_start3A_184] : memref<2x10240x128xf32, #tpu.memory_space<hbm>> -> memref<1x80x128xf32, #tpu.memory_space<hbm>>
    %dma_start3A_186 = tpu.memref_squeeze %dma_start3A_185 : memref<1x80x128xf32, #tpu.memory_space<hbm>> -> memref<80x128xf32, #tpu.memory_space<hbm>>
    tpu.enqueue_dma source(%arg19 : memref<80x128xf32, #tpu.memory_space<vmem>>) target(%dma_start3A_186 : memref<80x128xf32, #tpu.memory_space<hbm>>) target_semaphore(%arg21 : memref<!tpu.dma_semaphore, #tpu.memory_space<semaphore_mem>>)
    %dma_wait3A_187 = arith.constant 0 : i32
    %dma_wait3A_188 = tpu.memref_slice %arg10[%arg0, %add3A_164, %dma_wait3A_187] : memref<2x10240x128xf32, #tpu.memory_space<hbm>> -> memref<1x80x128xf32, #tpu.memory_space<hbm>>
    %dma_wait3A_189 = tpu.memref_squeeze %dma_wait3A_188 : memref<1x80x128xf32, #tpu.memory_space<hbm>> -> memref<80x128xf32, #tpu.memory_space<hbm>>
    %dma_wait3A_190 = arith.constant 0 : i32
    %dma_wait3A_191 = tpu.memref_slice %arg10[%arg0, %add3A_164, %dma_wait3A_190] : memref<2x10240x128xf32, #tpu.memory_space<hbm>> -> memref<1x80x128xf32, #tpu.memory_space<hbm>>
    %dma_wait3A_192 = tpu.memref_squeeze %dma_wait3A_191 : memref<1x80x128xf32, #tpu.memory_space<hbm>> -> memref<80x128xf32, #tpu.memory_space<hbm>>
    tpu.wait_dma2 semaphore(%arg21 : memref<!tpu.dma_semaphore, #tpu.memory_space<semaphore_mem>>) src(%arg16 : memref<80x128xf32, #tpu.memory_space<vmem>>) dst(%dma_wait3A_192 : memref<80x128xf32, #tpu.memory_space<hbm>>)
    %mul3A_193 = arith.constant 640 : i32
    %mul3A_194 = arith.muli %arg1, %mul3A_193 : i32
    %add3A_195 = arith.constant 480 : i32
    %add3A_196 = arith.addi %mul3A_194, %add3A_195 : i32
    "tpu.region"() ({
      %run_scoped3A = tpu.sem_alloc : memref<!tpu.dma_semaphore, #tpu.memory_space<semaphore_mem>>
      %dma_start3A_875 = arith.constant 0 : i32
      %dma_start3A_876 = tpu.memref_slice %arg20[%add3A_196, %dma_start3A_875] : memref<10240x128xf32, #tpu.memory_space<vmem_shared>> -> memref<80x128xf32, #tpu.memory_space<vmem_shared>>
      %dma_start3A_877 = arith.constant 0 : i32
      %dma_start3A_878 = tpu.memref_slice %arg20[%add3A_196, %dma_start3A_877] : memref<10240x128xf32, #tpu.memory_space<vmem_shared>> -> memref<80x128xf32, #tpu.memory_space<vmem_shared>>
      tpu.enqueue_dma source(%dma_start3A_878 : memref<80x128xf32, #tpu.memory_space<vmem_shared>>) target(%arg16 : memref<80x128xf32, #tpu.memory_space<vmem>>) target_semaphore(%run_scoped3A : memref<!tpu.dma_semaphore, #tpu.memory_space<semaphore_mem>>)
      %dma_wait3A_879 = arith.constant 0 : i32
      %dma_wait3A_880 = tpu.memref_slice %arg20[%add3A_196, %dma_wait3A_879] : memref<10240x128xf32, #tpu.memory_space<vmem_shared>> -> memref<80x128xf32, #tpu.memory_space<vmem_shared>>
      %dma_wait3A_881 = arith.constant 0 : i32
      %dma_wait3A_882 = tpu.memref_slice %arg20[%add3A_196, %dma_wait3A_881] : memref<10240x128xf32, #tpu.memory_space<vmem_shared>> -> memref<80x128xf32, #tpu.memory_space<vmem_shared>>
      tpu.wait_dma2 semaphore(%run_scoped3A : memref<!tpu.dma_semaphore, #tpu.memory_space<semaphore_mem>>) src(%dma_wait3A_882 : memref<80x128xf32, #tpu.memory_space<vmem_shared>>) dst(%arg16 : memref<80x128xf32, #tpu.memory_space<vmem>>)
      tpu.yield
    }) : () -> ()
    %dma_start3A_197 = arith.constant 0 : i32
    %dma_start3A_198 = tpu.memref_slice %arg10[%arg0, %add3A_196, %dma_start3A_197] : memref<2x10240x128xf32, #tpu.memory_space<hbm>> -> memref<1x80x128xf32, #tpu.memory_space<hbm>>
    %dma_start3A_199 = tpu.memref_squeeze %dma_start3A_198 : memref<1x80x128xf32, #tpu.memory_space<hbm>> -> memref<80x128xf32, #tpu.memory_space<hbm>>
    %dma_start3A_200 = arith.constant 0 : i32
    %dma_start3A_201 = tpu.memref_slice %arg10[%arg0, %add3A_196, %dma_start3A_200] : memref<2x10240x128xf32, #tpu.memory_space<hbm>> -> memref<1x80x128xf32, #tpu.memory_space<hbm>>
    %dma_start3A_202 = tpu.memref_squeeze %dma_start3A_201 : memref<1x80x128xf32, #tpu.memory_space<hbm>> -> memref<80x128xf32, #tpu.memory_space<hbm>>
    tpu.enqueue_dma source(%arg16 : memref<80x128xf32, #tpu.memory_space<vmem>>) target(%dma_start3A_202 : memref<80x128xf32, #tpu.memory_space<hbm>>) target_semaphore(%arg21 : memref<!tpu.dma_semaphore, #tpu.memory_space<semaphore_mem>>)
    %dma_wait3A_203 = arith.constant 0 : i32
    %dma_wait3A_204 = tpu.memref_slice %arg10[%arg0, %add3A_180, %dma_wait3A_203] : memref<2x10240x128xf32, #tpu.memory_space<hbm>> -> memref<1x80x128xf32, #tpu.memory_space<hbm>>
    %dma_wait3A_205 = tpu.memref_squeeze %dma_wait3A_204 : memref<1x80x128xf32, #tpu.memory_space<hbm>> -> memref<80x128xf32, #tpu.memory_space<hbm>>
    %dma_wait3A_206 = arith.constant 0 : i32
    %dma_wait3A_207 = tpu.memref_slice %arg10[%arg0, %add3A_180, %dma_wait3A_206] : memref<2x10240x128xf32, #tpu.memory_space<hbm>> -> memref<1x80x128xf32, #tpu.memory_space<hbm>>
    %dma_wait3A_208 = tpu.memref_squeeze %dma_wait3A_207 : memref<1x80x128xf32, #tpu.memory_space<hbm>> -> memref<80x128xf32, #tpu.memory_space<hbm>>
    tpu.wait_dma2 semaphore(%arg21 : memref<!tpu.dma_semaphore, #tpu.memory_space<semaphore_mem>>) src(%arg19 : memref<80x128xf32, #tpu.memory_space<vmem>>) dst(%dma_wait3A_208 : memref<80x128xf32, #tpu.memory_space<hbm>>)
    %mul3A_209 = arith.constant 640 : i32
    %mul3A_210 = arith.muli %arg1, %mul3A_209 : i32
    %add3A_211 = arith.constant 560 : i32
    %add3A_212 = arith.addi %mul3A_210, %add3A_211 : i32
    "tpu.region"() ({
      %run_scoped3A = tpu.sem_alloc : memref<!tpu.dma_semaphore, #tpu.memory_space<semaphore_mem>>
      %dma_start3A_875 = arith.constant 0 : i32
      %dma_start3A_876 = tpu.memref_slice %arg20[%add3A_212, %dma_start3A_875] : memref<10240x128xf32, #tpu.memory_space<vmem_shared>> -> memref<80x128xf32, #tpu.memory_space<vmem_shared>>
      %dma_start3A_877 = arith.constant 0 : i32
      %dma_start3A_878 = tpu.memref_slice %arg20[%add3A_212, %dma_start3A_877] : memref<10240x128xf32, #tpu.memory_space<vmem_shared>> -> memref<80x128xf32, #tpu.memory_space<vmem_shared>>
      tpu.enqueue_dma source(%dma_start3A_878 : memref<80x128xf32, #tpu.memory_space<vmem_shared>>) target(%arg19 : memref<80x128xf32, #tpu.memory_space<vmem>>) target_semaphore(%run_scoped3A : memref<!tpu.dma_semaphore, #tpu.memory_space<semaphore_mem>>)
      %dma_wait3A_879 = arith.constant 0 : i32
      %dma_wait3A_880 = tpu.memref_slice %arg20[%add3A_212, %dma_wait3A_879] : memref<10240x128xf32, #tpu.memory_space<vmem_shared>> -> memref<80x128xf32, #tpu.memory_space<vmem_shared>>
      %dma_wait3A_881 = arith.constant 0 : i32
      %dma_wait3A_882 = tpu.memref_slice %arg20[%add3A_212, %dma_wait3A_881] : memref<10240x128xf32, #tpu.memory_space<vmem_shared>> -> memref<80x128xf32, #tpu.memory_space<vmem_shared>>
      tpu.wait_dma2 semaphore(%run_scoped3A : memref<!tpu.dma_semaphore, #tpu.memory_space<semaphore_mem>>) src(%dma_wait3A_882 : memref<80x128xf32, #tpu.memory_space<vmem_shared>>) dst(%arg19 : memref<80x128xf32, #tpu.memory_space<vmem>>)
      tpu.yield
    }) : () -> ()
    %dma_start3A_213 = arith.constant 0 : i32
    %dma_start3A_214 = tpu.memref_slice %arg10[%arg0, %add3A_212, %dma_start3A_213] : memref<2x10240x128xf32, #tpu.memory_space<hbm>> -> memref<1x80x128xf32, #tpu.memory_space<hbm>>
    %dma_start3A_215 = tpu.memref_squeeze %dma_start3A_214 : memref<1x80x128xf32, #tpu.memory_space<hbm>> -> memref<80x128xf32, #tpu.memory_space<hbm>>
    %dma_start3A_216 = arith.constant 0 : i32
    %dma_start3A_217 = tpu.memref_slice %arg10[%arg0, %add3A_212, %dma_start3A_216] : memref<2x10240x128xf32, #tpu.memory_space<hbm>> -> memref<1x80x128xf32, #tpu.memory_space<hbm>>
    %dma_start3A_218 = tpu.memref_squeeze %dma_start3A_217 : memref<1x80x128xf32, #tpu.memory_space<hbm>> -> memref<80x128xf32, #tpu.memory_space<hbm>>
    tpu.enqueue_dma source(%arg19 : memref<80x128xf32, #tpu.memory_space<vmem>>) target(%dma_start3A_218 : memref<80x128xf32, #tpu.memory_space<hbm>>) target_semaphore(%arg21 : memref<!tpu.dma_semaphore, #tpu.memory_space<semaphore_mem>>)
    %dma_wait3A_219 = arith.constant 0 : i32
    %dma_wait3A_220 = tpu.memref_slice %arg10[%arg0, %add3A_196, %dma_wait3A_219] : memref<2x10240x128xf32, #tpu.memory_space<hbm>> -> memref<1x80x128xf32, #tpu.memory_space<hbm>>
    %dma_wait3A_221 = tpu.memref_squeeze %dma_wait3A_220 : memref<1x80x128xf32, #tpu.memory_space<hbm>> -> memref<80x128xf32, #tpu.memory_space<hbm>>
    %dma_wait3A_222 = arith.constant 0 : i32
    %dma_wait3A_223 = tpu.memref_slice %arg10[%arg0, %add3A_196, %dma_wait3A_222] : memref<2x10240x128xf32, #tpu.memory_space<hbm>> -> memref<1x80x128xf32, #tpu.memory_space<hbm>>
    %dma_wait3A_224 = tpu.memref_squeeze %dma_wait3A_223 : memref<1x80x128xf32, #tpu.memory_space<hbm>> -> memref<80x128xf32, #tpu.memory_space<hbm>>
    tpu.wait_dma2 semaphore(%arg21 : memref<!tpu.dma_semaphore, #tpu.memory_space<semaphore_mem>>) src(%arg16 : memref<80x128xf32, #tpu.memory_space<vmem>>) dst(%dma_wait3A_224 : memref<80x128xf32, #tpu.memory_space<hbm>>)
    %dma_wait3A_225 = arith.constant 0 : i32
    %dma_wait3A_226 = tpu.memref_slice %arg10[%arg0, %add3A_212, %dma_wait3A_225] : memref<2x10240x128xf32, #tpu.memory_space<hbm>> -> memref<1x80x128xf32, #tpu.memory_space<hbm>>
    %dma_wait3A_227 = tpu.memref_squeeze %dma_wait3A_226 : memref<1x80x128xf32, #tpu.memory_space<hbm>> -> memref<80x128xf32, #tpu.memory_space<hbm>>
    %dma_wait3A_228 = arith.constant 0 : i32
    %dma_wait3A_229 = tpu.memref_slice %arg10[%arg0, %add3A_212, %dma_wait3A_228] : memref<2x10240x128xf32, #tpu.memory_space<hbm>> -> memref<1x80x128xf32, #tpu.memory_space<hbm>>
    %dma_wait3A_230 = tpu.memref_squeeze %dma_wait3A_229 : memref<1x80x128xf32, #tpu.memory_space<hbm>> -> memref<80x128xf32, #tpu.memory_space<hbm>>
    tpu.wait_dma2 semaphore(%arg21 : memref<!tpu.dma_semaphore, #tpu.memory_space<semaphore_mem>>) src(%arg19 : memref<80x128xf32, #tpu.memory_space<vmem>>) dst(%dma_wait3A_230 : memref<80x128xf32, #tpu.memory_space<hbm>>)
    "tpu.region"() ({
      %run_scoped3A = tpu.sem_alloc : memref<!tpu.dma_semaphore, #tpu.memory_space<semaphore_mem>>
      tpu.enqueue_dma source(%arg6 : memref<80x128xf32, #tpu.memory_space<hbm>>) target(%arg13 : memref<80x128xf32, #tpu.memory_space<vmem>>) target_semaphore(%run_scoped3A : memref<!tpu.dma_semaphore, #tpu.memory_space<semaphore_mem>>)
      tpu.wait_dma2 semaphore(%run_scoped3A : memref<!tpu.dma_semaphore, #tpu.memory_space<semaphore_mem>>) src(%arg6 : memref<80x128xf32, #tpu.memory_space<hbm>>) dst(%arg13 : memref<80x128xf32, #tpu.memory_space<vmem>>)
      tpu.yield
    }) : () -> ()
    %mul3A_231 = arith.constant 640 : i32
    %mul3A_232 = arith.muli %arg1, %mul3A_231 : i32
    %add3A_233 = arith.constant 0 : i32
    %add3A_234 = arith.addi %mul3A_232, %add3A_233 : i32
    %dma_start3A_235 = arith.constant 0 : i32
    %dma_start3A_236 = tpu.memref_slice %arg20[%add3A_234, %dma_start3A_235] : memref<10240x128xf32, #tpu.memory_space<vmem_shared>> -> memref<80x128xf32, #tpu.memory_space<vmem_shared>>
    %dma_start3A_237 = arith.constant 0 : i32
    %dma_start3A_238 = tpu.memref_slice %arg20[%add3A_234, %dma_start3A_237] : memref<10240x128xf32, #tpu.memory_space<vmem_shared>> -> memref<80x128xf32, #tpu.memory_space<vmem_shared>>
    tpu.enqueue_dma source(%arg13 : memref<80x128xf32, #tpu.memory_space<vmem>>) target(%dma_start3A_238 : memref<80x128xf32, #tpu.memory_space<vmem_shared>>) target_semaphore(%arg22 : memref<!tpu.dma_semaphore, #tpu.memory_space<semaphore_mem>>)
    %mul3A_239 = arith.constant 640 : i32
    %mul3A_240 = arith.muli %arg1, %mul3A_239 : i32
    %add3A_241 = arith.constant 80 : i32
    %add3A_242 = arith.addi %mul3A_240, %add3A_241 : i32
    %dma_start3A_243 = arith.constant 0 : i32
    %dma_start3A_244 = tpu.memref_slice %arg20[%add3A_242, %dma_start3A_243] : memref<10240x128xf32, #tpu.memory_space<vmem_shared>> -> memref<80x128xf32, #tpu.memory_space<vmem_shared>>
    %dma_start3A_245 = arith.constant 0 : i32
    %dma_start3A_246 = tpu.memref_slice %arg20[%add3A_242, %dma_start3A_245] : memref<10240x128xf32, #tpu.memory_space<vmem_shared>> -> memref<80x128xf32, #tpu.memory_space<vmem_shared>>
    tpu.enqueue_dma source(%arg13 : memref<80x128xf32, #tpu.memory_space<vmem>>) target(%dma_start3A_246 : memref<80x128xf32, #tpu.memory_space<vmem_shared>>) target_semaphore(%arg22 : memref<!tpu.dma_semaphore, #tpu.memory_space<semaphore_mem>>)
    %mul3A_247 = arith.constant 640 : i32
    %mul3A_248 = arith.muli %arg1, %mul3A_247 : i32
    %add3A_249 = arith.constant 160 : i32
    %add3A_250 = arith.addi %mul3A_248, %add3A_249 : i32
    %dma_start3A_251 = arith.constant 0 : i32
    %dma_start3A_252 = tpu.memref_slice %arg20[%add3A_250, %dma_start3A_251] : memref<10240x128xf32, #tpu.memory_space<vmem_shared>> -> memref<80x128xf32, #tpu.memory_space<vmem_shared>>
    %dma_start3A_253 = arith.constant 0 : i32
    %dma_start3A_254 = tpu.memref_slice %arg20[%add3A_250, %dma_start3A_253] : memref<10240x128xf32, #tpu.memory_space<vmem_shared>> -> memref<80x128xf32, #tpu.memory_space<vmem_shared>>
    tpu.enqueue_dma source(%arg13 : memref<80x128xf32, #tpu.memory_space<vmem>>) target(%dma_start3A_254 : memref<80x128xf32, #tpu.memory_space<vmem_shared>>) target_semaphore(%arg22 : memref<!tpu.dma_semaphore, #tpu.memory_space<semaphore_mem>>)
    %mul3A_255 = arith.constant 640 : i32
    %mul3A_256 = arith.muli %arg1, %mul3A_255 : i32
    %add3A_257 = arith.constant 240 : i32
    %add3A_258 = arith.addi %mul3A_256, %add3A_257 : i32
    %dma_start3A_259 = arith.constant 0 : i32
    %dma_start3A_260 = tpu.memref_slice %arg20[%add3A_258, %dma_start3A_259] : memref<10240x128xf32, #tpu.memory_space<vmem_shared>> -> memref<80x128xf32, #tpu.memory_space<vmem_shared>>
    %dma_start3A_261 = arith.constant 0 : i32
    %dma_start3A_262 = tpu.memref_slice %arg20[%add3A_258, %dma_start3A_261] : memref<10240x128xf32, #tpu.memory_space<vmem_shared>> -> memref<80x128xf32, #tpu.memory_space<vmem_shared>>
    tpu.enqueue_dma source(%arg13 : memref<80x128xf32, #tpu.memory_space<vmem>>) target(%dma_start3A_262 : memref<80x128xf32, #tpu.memory_space<vmem_shared>>) target_semaphore(%arg22 : memref<!tpu.dma_semaphore, #tpu.memory_space<semaphore_mem>>)
    %mul3A_263 = arith.constant 640 : i32
    %mul3A_264 = arith.muli %arg1, %mul3A_263 : i32
    %add3A_265 = arith.constant 320 : i32
    %add3A_266 = arith.addi %mul3A_264, %add3A_265 : i32
    %dma_start3A_267 = arith.constant 0 : i32
    %dma_start3A_268 = tpu.memref_slice %arg20[%add3A_266, %dma_start3A_267] : memref<10240x128xf32, #tpu.memory_space<vmem_shared>> -> memref<80x128xf32, #tpu.memory_space<vmem_shared>>
    %dma_start3A_269 = arith.constant 0 : i32
    %dma_start3A_270 = tpu.memref_slice %arg20[%add3A_266, %dma_start3A_269] : memref<10240x128xf32, #tpu.memory_space<vmem_shared>> -> memref<80x128xf32, #tpu.memory_space<vmem_shared>>
    tpu.enqueue_dma source(%arg13 : memref<80x128xf32, #tpu.memory_space<vmem>>) target(%dma_start3A_270 : memref<80x128xf32, #tpu.memory_space<vmem_shared>>) target_semaphore(%arg22 : memref<!tpu.dma_semaphore, #tpu.memory_space<semaphore_mem>>)
    %mul3A_271 = arith.constant 640 : i32
    %mul3A_272 = arith.muli %arg1, %mul3A_271 : i32
    %add3A_273 = arith.constant 400 : i32
    %add3A_274 = arith.addi %mul3A_272, %add3A_273 : i32
    %dma_start3A_275 = arith.constant 0 : i32
    %dma_start3A_276 = tpu.memref_slice %arg20[%add3A_274, %dma_start3A_275] : memref<10240x128xf32, #tpu.memory_space<vmem_shared>> -> memref<80x128xf32, #tpu.memory_space<vmem_shared>>
    %dma_start3A_277 = arith.constant 0 : i32
    %dma_start3A_278 = tpu.memref_slice %arg20[%add3A_274, %dma_start3A_277] : memref<10240x128xf32, #tpu.memory_space<vmem_shared>> -> memref<80x128xf32, #tpu.memory_space<vmem_shared>>
    tpu.enqueue_dma source(%arg13 : memref<80x128xf32, #tpu.memory_space<vmem>>) target(%dma_start3A_278 : memref<80x128xf32, #tpu.memory_space<vmem_shared>>) target_semaphore(%arg22 : memref<!tpu.dma_semaphore, #tpu.memory_space<semaphore_mem>>)
    %mul3A_279 = arith.constant 640 : i32
    %mul3A_280 = arith.muli %arg1, %mul3A_279 : i32
    %add3A_281 = arith.constant 480 : i32
    %add3A_282 = arith.addi %mul3A_280, %add3A_281 : i32
    %dma_start3A_283 = arith.constant 0 : i32
    %dma_start3A_284 = tpu.memref_slice %arg20[%add3A_282, %dma_start3A_283] : memref<10240x128xf32, #tpu.memory_space<vmem_shared>> -> memref<80x128xf32, #tpu.memory_space<vmem_shared>>
    %dma_start3A_285 = arith.constant 0 : i32
    %dma_start3A_286 = tpu.memref_slice %arg20[%add3A_282, %dma_start3A_285] : memref<10240x128xf32, #tpu.memory_space<vmem_shared>> -> memref<80x128xf32, #tpu.memory_space<vmem_shared>>
    tpu.enqueue_dma source(%arg13 : memref<80x128xf32, #tpu.memory_space<vmem>>) target(%dma_start3A_286 : memref<80x128xf32, #tpu.memory_space<vmem_shared>>) target_semaphore(%arg22 : memref<!tpu.dma_semaphore, #tpu.memory_space<semaphore_mem>>)
    %mul3A_287 = arith.constant 640 : i32
    %mul3A_288 = arith.muli %arg1, %mul3A_287 : i32
    %add3A_289 = arith.constant 560 : i32
    %add3A_290 = arith.addi %mul3A_288, %add3A_289 : i32
    %dma_start3A_291 = arith.constant 0 : i32
    %dma_start3A_292 = tpu.memref_slice %arg20[%add3A_290, %dma_start3A_291] : memref<10240x128xf32, #tpu.memory_space<vmem_shared>> -> memref<80x128xf32, #tpu.memory_space<vmem_shared>>
    %dma_start3A_293 = arith.constant 0 : i32
    %dma_start3A_294 = tpu.memref_slice %arg20[%add3A_290, %dma_start3A_293] : memref<10240x128xf32, #tpu.memory_space<vmem_shared>> -> memref<80x128xf32, #tpu.memory_space<vmem_shared>>
    tpu.enqueue_dma source(%arg13 : memref<80x128xf32, #tpu.memory_space<vmem>>) target(%dma_start3A_294 : memref<80x128xf32, #tpu.memory_space<vmem_shared>>) target_semaphore(%arg22 : memref<!tpu.dma_semaphore, #tpu.memory_space<semaphore_mem>>)
    %dma_wait3A_295 = arith.constant 0 : i32
    %dma_wait3A_296 = tpu.memref_slice %arg20[%add3A_234, %dma_wait3A_295] : memref<10240x128xf32, #tpu.memory_space<vmem_shared>> -> memref<80x128xf32, #tpu.memory_space<vmem_shared>>
    %dma_wait3A_297 = arith.constant 0 : i32
    %dma_wait3A_298 = tpu.memref_slice %arg20[%add3A_234, %dma_wait3A_297] : memref<10240x128xf32, #tpu.memory_space<vmem_shared>> -> memref<80x128xf32, #tpu.memory_space<vmem_shared>>
    tpu.wait_dma2 semaphore(%arg22 : memref<!tpu.dma_semaphore, #tpu.memory_space<semaphore_mem>>) src(%arg13 : memref<80x128xf32, #tpu.memory_space<vmem>>) dst(%dma_wait3A_298 : memref<80x128xf32, #tpu.memory_space<vmem_shared>>)
    %dma_wait3A_299 = arith.constant 0 : i32
    %dma_wait3A_300 = tpu.memref_slice %arg20[%add3A_242, %dma_wait3A_299] : memref<10240x128xf32, #tpu.memory_space<vmem_shared>> -> memref<80x128xf32, #tpu.memory_space<vmem_shared>>
    %dma_wait3A_301 = arith.constant 0 : i32
    %dma_wait3A_302 = tpu.memref_slice %arg20[%add3A_242, %dma_wait3A_301] : memref<10240x128xf32, #tpu.memory_space<vmem_shared>> -> memref<80x128xf32, #tpu.memory_space<vmem_shared>>
    tpu.wait_dma2 semaphore(%arg22 : memref<!tpu.dma_semaphore, #tpu.memory_space<semaphore_mem>>) src(%arg13 : memref<80x128xf32, #tpu.memory_space<vmem>>) dst(%dma_wait3A_302 : memref<80x128xf32, #tpu.memory_space<vmem_shared>>)
    %dma_wait3A_303 = arith.constant 0 : i32
    %dma_wait3A_304 = tpu.memref_slice %arg20[%add3A_250, %dma_wait3A_303] : memref<10240x128xf32, #tpu.memory_space<vmem_shared>> -> memref<80x128xf32, #tpu.memory_space<vmem_shared>>
    %dma_wait3A_305 = arith.constant 0 : i32
    %dma_wait3A_306 = tpu.memref_slice %arg20[%add3A_250, %dma_wait3A_305] : memref<10240x128xf32, #tpu.memory_space<vmem_shared>> -> memref<80x128xf32, #tpu.memory_space<vmem_shared>>
    tpu.wait_dma2 semaphore(%arg22 : memref<!tpu.dma_semaphore, #tpu.memory_space<semaphore_mem>>) src(%arg13 : memref<80x128xf32, #tpu.memory_space<vmem>>) dst(%dma_wait3A_306 : memref<80x128xf32, #tpu.memory_space<vmem_shared>>)
    %dma_wait3A_307 = arith.constant 0 : i32
    %dma_wait3A_308 = tpu.memref_slice %arg20[%add3A_258, %dma_wait3A_307] : memref<10240x128xf32, #tpu.memory_space<vmem_shared>> -> memref<80x128xf32, #tpu.memory_space<vmem_shared>>
    %dma_wait3A_309 = arith.constant 0 : i32
    %dma_wait3A_310 = tpu.memref_slice %arg20[%add3A_258, %dma_wait3A_309] : memref<10240x128xf32, #tpu.memory_space<vmem_shared>> -> memref<80x128xf32, #tpu.memory_space<vmem_shared>>
    tpu.wait_dma2 semaphore(%arg22 : memref<!tpu.dma_semaphore, #tpu.memory_space<semaphore_mem>>) src(%arg13 : memref<80x128xf32, #tpu.memory_space<vmem>>) dst(%dma_wait3A_310 : memref<80x128xf32, #tpu.memory_space<vmem_shared>>)
    %dma_wait3A_311 = arith.constant 0 : i32
    %dma_wait3A_312 = tpu.memref_slice %arg20[%add3A_266, %dma_wait3A_311] : memref<10240x128xf32, #tpu.memory_space<vmem_shared>> -> memref<80x128xf32, #tpu.memory_space<vmem_shared>>
    %dma_wait3A_313 = arith.constant 0 : i32
    %dma_wait3A_314 = tpu.memref_slice %arg20[%add3A_266, %dma_wait3A_313] : memref<10240x128xf32, #tpu.memory_space<vmem_shared>> -> memref<80x128xf32, #tpu.memory_space<vmem_shared>>
    tpu.wait_dma2 semaphore(%arg22 : memref<!tpu.dma_semaphore, #tpu.memory_space<semaphore_mem>>) src(%arg13 : memref<80x128xf32, #tpu.memory_space<vmem>>) dst(%dma_wait3A_314 : memref<80x128xf32, #tpu.memory_space<vmem_shared>>)
    %dma_wait3A_315 = arith.constant 0 : i32
    %dma_wait3A_316 = tpu.memref_slice %arg20[%add3A_274, %dma_wait3A_315] : memref<10240x128xf32, #tpu.memory_space<vmem_shared>> -> memref<80x128xf32, #tpu.memory_space<vmem_shared>>
    %dma_wait3A_317 = arith.constant 0 : i32
    %dma_wait3A_318 = tpu.memref_slice %arg20[%add3A_274, %dma_wait3A_317] : memref<10240x128xf32, #tpu.memory_space<vmem_shared>> -> memref<80x128xf32, #tpu.memory_space<vmem_shared>>
    tpu.wait_dma2 semaphore(%arg22 : memref<!tpu.dma_semaphore, #tpu.memory_space<semaphore_mem>>) src(%arg13 : memref<80x128xf32, #tpu.memory_space<vmem>>) dst(%dma_wait3A_318 : memref<80x128xf32, #tpu.memory_space<vmem_shared>>)
    %dma_wait3A_319 = arith.constant 0 : i32
    %dma_wait3A_320 = tpu.memref_slice %arg20[%add3A_282, %dma_wait3A_319] : memref<10240x128xf32, #tpu.memory_space<vmem_shared>> -> memref<80x128xf32, #tpu.memory_space<vmem_shared>>
    %dma_wait3A_321 = arith.constant 0 : i32
    %dma_wait3A_322 = tpu.memref_slice %arg20[%add3A_282, %dma_wait3A_321] : memref<10240x128xf32, #tpu.memory_space<vmem_shared>> -> memref<80x128xf32, #tpu.memory_space<vmem_shared>>
    tpu.wait_dma2 semaphore(%arg22 : memref<!tpu.dma_semaphore, #tpu.memory_space<semaphore_mem>>) src(%arg13 : memref<80x128xf32, #tpu.memory_space<vmem>>) dst(%dma_wait3A_322 : memref<80x128xf32, #tpu.memory_space<vmem_shared>>)
    %dma_wait3A_323 = arith.constant 0 : i32
    %dma_wait3A_324 = tpu.memref_slice %arg20[%add3A_290, %dma_wait3A_323] : memref<10240x128xf32, #tpu.memory_space<vmem_shared>> -> memref<80x128xf32, #tpu.memory_space<vmem_shared>>
    %dma_wait3A_325 = arith.constant 0 : i32
    %dma_wait3A_326 = tpu.memref_slice %arg20[%add3A_290, %dma_wait3A_325] : memref<10240x128xf32, #tpu.memory_space<vmem_shared>> -> memref<80x128xf32, #tpu.memory_space<vmem_shared>>
    tpu.wait_dma2 semaphore(%arg22 : memref<!tpu.dma_semaphore, #tpu.memory_space<semaphore_mem>>) src(%arg13 : memref<80x128xf32, #tpu.memory_space<vmem>>) dst(%dma_wait3A_326 : memref<80x128xf32, #tpu.memory_space<vmem_shared>>)
    %barrier3A_327 = arith.constant 0 : index
    tpu.barrier barrier_id(%barrier3A_327)
    %mul3A_328 = arith.constant 10000 : i32
    %mul3A_329 = arith.muli %add3A, %mul3A_328 : i32
    %add3A_330 = arith.constant 0 : i32
    %add3A_331 = arith.addi %mul3A_329, %add3A_330 : i32
    %dma_start3A_332 = tpu.memref_slice %arg4[%add3A_331] : memref<320000xi32, #tpu.memory_space<hbm>> -> memref<80xi32, #tpu.memory_space<hbm>>
    %dma_start3A_333 = tpu.memref_slice %arg4[%add3A_331] : memref<320000xi32, #tpu.memory_space<hbm>> -> memref<80xi32, #tpu.memory_space<hbm>>
    tpu.enqueue_dma source(%dma_start3A_333 : memref<80xi32, #tpu.memory_space<hbm>>) target(%arg12 : memref<80xi32, #tpu.memory_space<vmem>>) target_semaphore(%arg24 : memref<!tpu.dma_semaphore, #tpu.memory_space<semaphore_mem>>)
    %dma_start3A_334 = tpu.memref_slice %arg5[%add3A_331] : memref<320000xi32, #tpu.memory_space<hbm>> -> memref<80xi32, #tpu.memory_space<hbm>>
    %dma_start3A_335 = tpu.memref_slice %arg5[%add3A_331] : memref<320000xi32, #tpu.memory_space<hbm>> -> memref<80xi32, #tpu.memory_space<hbm>>
    tpu.enqueue_dma source(%dma_start3A_335 : memref<80xi32, #tpu.memory_space<hbm>>) target(%arg11 : memref<80xi32, #tpu.memory_space<vmem>>) target_semaphore(%arg24 : memref<!tpu.dma_semaphore, #tpu.memory_space<semaphore_mem>>)
    %mul3A_336 = arith.constant 10000 : i32
    %mul3A_337 = arith.muli %add3A, %mul3A_336 : i32
    %add3A_338 = arith.constant 80 : i32
    %add3A_339 = arith.addi %mul3A_337, %add3A_338 : i32
    %dma_start3A_340 = tpu.memref_slice %arg4[%add3A_339] : memref<320000xi32, #tpu.memory_space<hbm>> -> memref<80xi32, #tpu.memory_space<hbm>>
    %dma_start3A_341 = tpu.memref_slice %arg4[%add3A_339] : memref<320000xi32, #tpu.memory_space<hbm>> -> memref<80xi32, #tpu.memory_space<hbm>>
    tpu.enqueue_dma source(%dma_start3A_341 : memref<80xi32, #tpu.memory_space<hbm>>) target(%arg15 : memref<80xi32, #tpu.memory_space<vmem>>) target_semaphore(%arg25 : memref<!tpu.dma_semaphore, #tpu.memory_space<semaphore_mem>>)
    %dma_start3A_342 = tpu.memref_slice %arg5[%add3A_339] : memref<320000xi32, #tpu.memory_space<hbm>> -> memref<80xi32, #tpu.memory_space<hbm>>
    %dma_start3A_343 = tpu.memref_slice %arg5[%add3A_339] : memref<320000xi32, #tpu.memory_space<hbm>> -> memref<80xi32, #tpu.memory_space<hbm>>
    tpu.enqueue_dma source(%dma_start3A_343 : memref<80xi32, #tpu.memory_space<hbm>>) target(%arg14 : memref<80xi32, #tpu.memory_space<vmem>>) target_semaphore(%arg25 : memref<!tpu.dma_semaphore, #tpu.memory_space<semaphore_mem>>)
    %mul3A_344 = arith.constant 10000 : i32
    %mul3A_345 = arith.muli %add3A, %mul3A_344 : i32
    %add3A_346 = arith.constant 160 : i32
    %add3A_347 = arith.addi %mul3A_345, %add3A_346 : i32
    %dma_start3A_348 = tpu.memref_slice %arg4[%add3A_347] : memref<320000xi32, #tpu.memory_space<hbm>> -> memref<80xi32, #tpu.memory_space<hbm>>
    %dma_start3A_349 = tpu.memref_slice %arg4[%add3A_347] : memref<320000xi32, #tpu.memory_space<hbm>> -> memref<80xi32, #tpu.memory_space<hbm>>
    tpu.enqueue_dma source(%dma_start3A_349 : memref<80xi32, #tpu.memory_space<hbm>>) target(%arg18 : memref<80xi32, #tpu.memory_space<vmem>>) target_semaphore(%arg26 : memref<!tpu.dma_semaphore, #tpu.memory_space<semaphore_mem>>)
    %dma_start3A_350 = tpu.memref_slice %arg5[%add3A_347] : memref<320000xi32, #tpu.memory_space<hbm>> -> memref<80xi32, #tpu.memory_space<hbm>>
    %dma_start3A_351 = tpu.memref_slice %arg5[%add3A_347] : memref<320000xi32, #tpu.memory_space<hbm>> -> memref<80xi32, #tpu.memory_space<hbm>>
    tpu.enqueue_dma source(%dma_start3A_351 : memref<80xi32, #tpu.memory_space<hbm>>) target(%arg17 : memref<80xi32, #tpu.memory_space<vmem>>) target_semaphore(%arg26 : memref<!tpu.dma_semaphore, #tpu.memory_space<semaphore_mem>>)
    %dma_wait3A_352 = tpu.memref_slice %arg4[%add3A_331] : memref<320000xi32, #tpu.memory_space<hbm>> -> memref<80xi32, #tpu.memory_space<hbm>>
    %dma_wait3A_353 = tpu.memref_slice %arg4[%add3A_331] : memref<320000xi32, #tpu.memory_space<hbm>> -> memref<80xi32, #tpu.memory_space<hbm>>
    tpu.wait_dma2 semaphore(%arg24 : memref<!tpu.dma_semaphore, #tpu.memory_space<semaphore_mem>>) src(%dma_wait3A_353 : memref<80xi32, #tpu.memory_space<hbm>>) dst(%arg12 : memref<80xi32, #tpu.memory_space<vmem>>)
    %dma_wait3A_354 = tpu.memref_slice %arg5[%add3A_331] : memref<320000xi32, #tpu.memory_space<hbm>> -> memref<80xi32, #tpu.memory_space<hbm>>
    %dma_wait3A_355 = tpu.memref_slice %arg5[%add3A_331] : memref<320000xi32, #tpu.memory_space<hbm>> -> memref<80xi32, #tpu.memory_space<hbm>>
    tpu.wait_dma2 semaphore(%arg24 : memref<!tpu.dma_semaphore, #tpu.memory_space<semaphore_mem>>) src(%dma_wait3A_355 : memref<80xi32, #tpu.memory_space<hbm>>) dst(%arg11 : memref<80xi32, #tpu.memory_space<vmem>>)
    %dma_start3A_356 = arith.constant 0 : i32
    %dma_start3A_357 = arith.constant 0 : i32
    %dma_start3A_358 = tpu.memref_slice %arg2[%dma_start3A_356, %dma_start3A_357] : memref<10000x128xf32, #tpu.memory_space<hbm>> -> memref<10000x128xf32, #tpu.memory_space<hbm>>
    tpu.enqueue_indirect_dma source(%dma_start3A_358 : memref<10000x128xf32, #tpu.memory_space<hbm>>) target(%arg13 : memref<80x128xf32, #tpu.memory_space<vmem>>) offsets(%arg11 : memref<80xi32, #tpu.memory_space<vmem>>) semaphore(%arg21 : memref<!tpu.dma_semaphore, #tpu.memory_space<semaphore_mem>>)
    %dma_wait3A_359 = tpu.memref_slice %arg4[%add3A_339] : memref<320000xi32, #tpu.memory_space<hbm>> -> memref<80xi32, #tpu.memory_space<hbm>>
    %dma_wait3A_360 = tpu.memref_slice %arg4[%add3A_339] : memref<320000xi32, #tpu.memory_space<hbm>> -> memref<80xi32, #tpu.memory_space<hbm>>
    tpu.wait_dma2 semaphore(%arg25 : memref<!tpu.dma_semaphore, #tpu.memory_space<semaphore_mem>>) src(%dma_wait3A_360 : memref<80xi32, #tpu.memory_space<hbm>>) dst(%arg15 : memref<80xi32, #tpu.memory_space<vmem>>)
    %dma_wait3A_361 = tpu.memref_slice %arg5[%add3A_339] : memref<320000xi32, #tpu.memory_space<hbm>> -> memref<80xi32, #tpu.memory_space<hbm>>
    %dma_wait3A_362 = tpu.memref_slice %arg5[%add3A_339] : memref<320000xi32, #tpu.memory_space<hbm>> -> memref<80xi32, #tpu.memory_space<hbm>>
    tpu.wait_dma2 semaphore(%arg25 : memref<!tpu.dma_semaphore, #tpu.memory_space<semaphore_mem>>) src(%dma_wait3A_362 : memref<80xi32, #tpu.memory_space<hbm>>) dst(%arg14 : memref<80xi32, #tpu.memory_space<vmem>>)
    %dma_start3A_363 = arith.constant 0 : i32
    %dma_start3A_364 = arith.constant 0 : i32
    %dma_start3A_365 = tpu.memref_slice %arg2[%dma_start3A_363, %dma_start3A_364] : memref<10000x128xf32, #tpu.memory_space<hbm>> -> memref<10000x128xf32, #tpu.memory_space<hbm>>
    tpu.enqueue_indirect_dma source(%dma_start3A_365 : memref<10000x128xf32, #tpu.memory_space<hbm>>) target(%arg16 : memref<80x128xf32, #tpu.memory_space<vmem>>) offsets(%arg14 : memref<80xi32, #tpu.memory_space<vmem>>) semaphore(%arg22 : memref<!tpu.dma_semaphore, #tpu.memory_space<semaphore_mem>>)
    %scan3A_366 = arith.constant 0 : i32
    %scan3A_367 = arith.constant 0 : i32
    %scan3A_368 = arith.constant 40 : i32
    %scan3A_369 = arith.addi %scan3A_367, %scan3A_368 : i32
    %scan3A_370 = arith.constant 1 : i32
    scf.for %scan3A_875 = %scan3A_367 to %scan3A_369 step %scan3A_370  : i32 {
      %mul3A_876 = arith.constant 3 : i32
      %mul3A_877 = arith.muli %mul3A_876, %scan3A_875 : i32
      %dma_wait3A_878 = arith.constant 0 : i32
      %dma_wait3A_879 = arith.constant 0 : i32
      %dma_wait3A_880 = tpu.memref_slice %arg2[%dma_wait3A_878, %dma_wait3A_879] : memref<10000x128xf32, #tpu.memory_space<hbm>> -> memref<10000x128xf32, #tpu.memory_space<hbm>>
      tpu.wait_indirect_dma semaphore(%arg21 : memref<!tpu.dma_semaphore, #tpu.memory_space<semaphore_mem>>) src(%dma_wait3A_880 : memref<10000x128xf32, #tpu.memory_space<hbm>>) dst(%arg13 : memref<80x128xf32, #tpu.memory_space<vmem>>)
      "tpu.region"() ({
        %run_scoped3A = tpu.sem_alloc : memref<!tpu.dma_semaphore, #tpu.memory_space<semaphore_mem>>
        %dma_start3A_941 = arith.constant 0 : i32
        %dma_start3A_942 = arith.constant 0 : i32
        %dma_start3A_943 = tpu.memref_slice %arg20[%dma_start3A_941, %dma_start3A_942] : memref<10240x128xf32, #tpu.memory_space<vmem_shared>> -> memref<10240x128xf32, #tpu.memory_space<vmem_shared>>
        tpu.enqueue_indirect_dma source(%arg13 : memref<80x128xf32, #tpu.memory_space<vmem>>) target(%dma_start3A_943 : memref<10240x128xf32, #tpu.memory_space<vmem_shared>>) offsets(%arg12 : memref<80xi32, #tpu.memory_space<vmem>>) semaphore(%run_scoped3A : memref<!tpu.dma_semaphore, #tpu.memory_space<semaphore_mem>>) {add = true}
        %dma_wait3A_944 = arith.constant 0 : i32
        %dma_wait3A_945 = arith.constant 0 : i32
        %dma_wait3A_946 = tpu.memref_slice %arg20[%dma_wait3A_944, %dma_wait3A_945] : memref<10240x128xf32, #tpu.memory_space<vmem_shared>> -> memref<10240x128xf32, #tpu.memory_space<vmem_shared>>
        tpu.wait_indirect_dma semaphore(%run_scoped3A : memref<!tpu.dma_semaphore, #tpu.memory_space<semaphore_mem>>) src(%arg13 : memref<80x128xf32, #tpu.memory_space<vmem>>) dst(%dma_wait3A_946 : memref<10240x128xf32, #tpu.memory_space<vmem_shared>>)
        tpu.yield
      }) : () -> ()
      %add3A_881 = arith.constant 3 : i32
      %add3A_882 = arith.addi %mul3A_877, %add3A_881 : i32
      %mul3A_883 = arith.constant 10000 : i32
      %mul3A_884 = arith.muli %add3A, %mul3A_883 : i32
      %mul3A_885 = arith.constant 80 : i32
      %mul3A_886 = arith.muli %add3A_882, %mul3A_885 : i32
      %add3A_887 = arith.addi %mul3A_884, %mul3A_886 : i32
      %dma_start3A_888 = tpu.memref_slice %arg4[%add3A_887] : memref<320000xi32, #tpu.memory_space<hbm>> -> memref<80xi32, #tpu.memory_space<hbm>>
      %dma_start3A_889 = tpu.memref_slice %arg4[%add3A_887] : memref<320000xi32, #tpu.memory_space<hbm>> -> memref<80xi32, #tpu.memory_space<hbm>>
      tpu.enqueue_dma source(%dma_start3A_889 : memref<80xi32, #tpu.memory_space<hbm>>) target(%arg12 : memref<80xi32, #tpu.memory_space<vmem>>) target_semaphore(%arg24 : memref<!tpu.dma_semaphore, #tpu.memory_space<semaphore_mem>>)
      %dma_start3A_890 = tpu.memref_slice %arg5[%add3A_887] : memref<320000xi32, #tpu.memory_space<hbm>> -> memref<80xi32, #tpu.memory_space<hbm>>
      %dma_start3A_891 = tpu.memref_slice %arg5[%add3A_887] : memref<320000xi32, #tpu.memory_space<hbm>> -> memref<80xi32, #tpu.memory_space<hbm>>
      tpu.enqueue_dma source(%dma_start3A_891 : memref<80xi32, #tpu.memory_space<hbm>>) target(%arg11 : memref<80xi32, #tpu.memory_space<vmem>>) target_semaphore(%arg24 : memref<!tpu.dma_semaphore, #tpu.memory_space<semaphore_mem>>)
      %dma_wait3A_892 = tpu.memref_slice %arg4[%add3A_347] : memref<320000xi32, #tpu.memory_space<hbm>> -> memref<80xi32, #tpu.memory_space<hbm>>
      %dma_wait3A_893 = tpu.memref_slice %arg4[%add3A_347] : memref<320000xi32, #tpu.memory_space<hbm>> -> memref<80xi32, #tpu.memory_space<hbm>>
      tpu.wait_dma2 semaphore(%arg26 : memref<!tpu.dma_semaphore, #tpu.memory_space<semaphore_mem>>) src(%dma_wait3A_893 : memref<80xi32, #tpu.memory_space<hbm>>) dst(%arg18 : memref<80xi32, #tpu.memory_space<vmem>>)
      %dma_wait3A_894 = tpu.memref_slice %arg5[%add3A_347] : memref<320000xi32, #tpu.memory_space<hbm>> -> memref<80xi32, #tpu.memory_space<hbm>>
      %dma_wait3A_895 = tpu.memref_slice %arg5[%add3A_347] : memref<320000xi32, #tpu.memory_space<hbm>> -> memref<80xi32, #tpu.memory_space<hbm>>
      tpu.wait_dma2 semaphore(%arg26 : memref<!tpu.dma_semaphore, #tpu.memory_space<semaphore_mem>>) src(%dma_wait3A_895 : memref<80xi32, #tpu.memory_space<hbm>>) dst(%arg17 : memref<80xi32, #tpu.memory_space<vmem>>)
      %dma_start3A_896 = arith.constant 0 : i32
      %dma_start3A_897 = arith.constant 0 : i32
      %dma_start3A_898 = tpu.memref_slice %arg2[%dma_start3A_896, %dma_start3A_897] : memref<10000x128xf32, #tpu.memory_space<hbm>> -> memref<10000x128xf32, #tpu.memory_space<hbm>>
      tpu.enqueue_indirect_dma source(%dma_start3A_898 : memref<10000x128xf32, #tpu.memory_space<hbm>>) target(%arg19 : memref<80x128xf32, #tpu.memory_space<vmem>>) offsets(%arg17 : memref<80xi32, #tpu.memory_space<vmem>>) semaphore(%arg23 : memref<!tpu.dma_semaphore, #tpu.memory_space<semaphore_mem>>)
      %dma_wait3A_899 = arith.constant 0 : i32
      %dma_wait3A_900 = arith.constant 0 : i32
      %dma_wait3A_901 = tpu.memref_slice %arg2[%dma_wait3A_899, %dma_wait3A_900] : memref<10000x128xf32, #tpu.memory_space<hbm>> -> memref<10000x128xf32, #tpu.memory_space<hbm>>
      tpu.wait_indirect_dma semaphore(%arg22 : memref<!tpu.dma_semaphore, #tpu.memory_space<semaphore_mem>>) src(%dma_wait3A_901 : memref<10000x128xf32, #tpu.memory_space<hbm>>) dst(%arg16 : memref<80x128xf32, #tpu.memory_space<vmem>>)
      "tpu.region"() ({
        %run_scoped3A = tpu.sem_alloc : memref<!tpu.dma_semaphore, #tpu.memory_space<semaphore_mem>>
        %dma_start3A_941 = arith.constant 0 : i32
        %dma_start3A_942 = arith.constant 0 : i32
        %dma_start3A_943 = tpu.memref_slice %arg20[%dma_start3A_941, %dma_start3A_942] : memref<10240x128xf32, #tpu.memory_space<vmem_shared>> -> memref<10240x128xf32, #tpu.memory_space<vmem_shared>>
        tpu.enqueue_indirect_dma source(%arg16 : memref<80x128xf32, #tpu.memory_space<vmem>>) target(%dma_start3A_943 : memref<10240x128xf32, #tpu.memory_space<vmem_shared>>) offsets(%arg15 : memref<80xi32, #tpu.memory_space<vmem>>) semaphore(%run_scoped3A : memref<!tpu.dma_semaphore, #tpu.memory_space<semaphore_mem>>) {add = true}
        %dma_wait3A_944 = arith.constant 0 : i32
        %dma_wait3A_945 = arith.constant 0 : i32
        %dma_wait3A_946 = tpu.memref_slice %arg20[%dma_wait3A_944, %dma_wait3A_945] : memref<10240x128xf32, #tpu.memory_space<vmem_shared>> -> memref<10240x128xf32, #tpu.memory_space<vmem_shared>>
        tpu.wait_indirect_dma semaphore(%run_scoped3A : memref<!tpu.dma_semaphore, #tpu.memory_space<semaphore_mem>>) src(%arg16 : memref<80x128xf32, #tpu.memory_space<vmem>>) dst(%dma_wait3A_946 : memref<10240x128xf32, #tpu.memory_space<vmem_shared>>)
        tpu.yield
      }) : () -> ()
      %add3A_902 = arith.constant 4 : i32
      %add3A_903 = arith.addi %mul3A_877, %add3A_902 : i32
      %mul3A_904 = arith.constant 10000 : i32
      %mul3A_905 = arith.muli %add3A, %mul3A_904 : i32
      %mul3A_906 = arith.constant 80 : i32
      %mul3A_907 = arith.muli %add3A_903, %mul3A_906 : i32
      %add3A_908 = arith.addi %mul3A_905, %mul3A_907 : i32
      %dma_start3A_909 = tpu.memref_slice %arg4[%add3A_908] : memref<320000xi32, #tpu.memory_space<hbm>> -> memref<80xi32, #tpu.memory_space<hbm>>
      %dma_start3A_910 = tpu.memref_slice %arg4[%add3A_908] : memref<320000xi32, #tpu.memory_space<hbm>> -> memref<80xi32, #tpu.memory_space<hbm>>
      tpu.enqueue_dma source(%dma_start3A_910 : memref<80xi32, #tpu.memory_space<hbm>>) target(%arg15 : memref<80xi32, #tpu.memory_space<vmem>>) target_semaphore(%arg25 : memref<!tpu.dma_semaphore, #tpu.memory_space<semaphore_mem>>)
      %dma_start3A_911 = tpu.memref_slice %arg5[%add3A_908] : memref<320000xi32, #tpu.memory_space<hbm>> -> memref<80xi32, #tpu.memory_space<hbm>>
      %dma_start3A_912 = tpu.memref_slice %arg5[%add3A_908] : memref<320000xi32, #tpu.memory_space<hbm>> -> memref<80xi32, #tpu.memory_space<hbm>>
      tpu.enqueue_dma source(%dma_start3A_912 : memref<80xi32, #tpu.memory_space<hbm>>) target(%arg14 : memref<80xi32, #tpu.memory_space<vmem>>) target_semaphore(%arg25 : memref<!tpu.dma_semaphore, #tpu.memory_space<semaphore_mem>>)
      %dma_wait3A_913 = tpu.memref_slice %arg4[%add3A_331] : memref<320000xi32, #tpu.memory_space<hbm>> -> memref<80xi32, #tpu.memory_space<hbm>>
      %dma_wait3A_914 = tpu.memref_slice %arg4[%add3A_331] : memref<320000xi32, #tpu.memory_space<hbm>> -> memref<80xi32, #tpu.memory_space<hbm>>
      tpu.wait_dma2 semaphore(%arg24 : memref<!tpu.dma_semaphore, #tpu.memory_space<semaphore_mem>>) src(%dma_wait3A_914 : memref<80xi32, #tpu.memory_space<hbm>>) dst(%arg12 : memref<80xi32, #tpu.memory_space<vmem>>)
      %dma_wait3A_915 = tpu.memref_slice %arg5[%add3A_331] : memref<320000xi32, #tpu.memory_space<hbm>> -> memref<80xi32, #tpu.memory_space<hbm>>
      %dma_wait3A_916 = tpu.memref_slice %arg5[%add3A_331] : memref<320000xi32, #tpu.memory_space<hbm>> -> memref<80xi32, #tpu.memory_space<hbm>>
      tpu.wait_dma2 semaphore(%arg24 : memref<!tpu.dma_semaphore, #tpu.memory_space<semaphore_mem>>) src(%dma_wait3A_916 : memref<80xi32, #tpu.memory_space<hbm>>) dst(%arg11 : memref<80xi32, #tpu.memory_space<vmem>>)
      %dma_start3A_917 = arith.constant 0 : i32
      %dma_start3A_918 = arith.constant 0 : i32
      %dma_start3A_919 = tpu.memref_slice %arg2[%dma_start3A_917, %dma_start3A_918] : memref<10000x128xf32, #tpu.memory_space<hbm>> -> memref<10000x128xf32, #tpu.memory_space<hbm>>
      tpu.enqueue_indirect_dma source(%dma_start3A_919 : memref<10000x128xf32, #tpu.memory_space<hbm>>) target(%arg13 : memref<80x128xf32, #tpu.memory_space<vmem>>) offsets(%arg11 : memref<80xi32, #tpu.memory_space<vmem>>) semaphore(%arg21 : memref<!tpu.dma_semaphore, #tpu.memory_space<semaphore_mem>>)
      %dma_wait3A_920 = arith.constant 0 : i32
      %dma_wait3A_921 = arith.constant 0 : i32
      %dma_wait3A_922 = tpu.memref_slice %arg2[%dma_wait3A_920, %dma_wait3A_921] : memref<10000x128xf32, #tpu.memory_space<hbm>> -> memref<10000x128xf32, #tpu.memory_space<hbm>>
      tpu.wait_indirect_dma semaphore(%arg23 : memref<!tpu.dma_semaphore, #tpu.memory_space<semaphore_mem>>) src(%dma_wait3A_922 : memref<10000x128xf32, #tpu.memory_space<hbm>>) dst(%arg19 : memref<80x128xf32, #tpu.memory_space<vmem>>)
      "tpu.region"() ({
        %run_scoped3A = tpu.sem_alloc : memref<!tpu.dma_semaphore, #tpu.memory_space<semaphore_mem>>
        %dma_start3A_941 = arith.constant 0 : i32
        %dma_start3A_942 = arith.constant 0 : i32
        %dma_start3A_943 = tpu.memref_slice %arg20[%dma_start3A_941, %dma_start3A_942] : memref<10240x128xf32, #tpu.memory_space<vmem_shared>> -> memref<10240x128xf32, #tpu.memory_space<vmem_shared>>
        tpu.enqueue_indirect_dma source(%arg19 : memref<80x128xf32, #tpu.memory_space<vmem>>) target(%dma_start3A_943 : memref<10240x128xf32, #tpu.memory_space<vmem_shared>>) offsets(%arg18 : memref<80xi32, #tpu.memory_space<vmem>>) semaphore(%run_scoped3A : memref<!tpu.dma_semaphore, #tpu.memory_space<semaphore_mem>>) {add = true}
        %dma_wait3A_944 = arith.constant 0 : i32
        %dma_wait3A_945 = arith.constant 0 : i32
        %dma_wait3A_946 = tpu.memref_slice %arg20[%dma_wait3A_944, %dma_wait3A_945] : memref<10240x128xf32, #tpu.memory_space<vmem_shared>> -> memref<10240x128xf32, #tpu.memory_space<vmem_shared>>
        tpu.wait_indirect_dma semaphore(%run_scoped3A : memref<!tpu.dma_semaphore, #tpu.memory_space<semaphore_mem>>) src(%arg19 : memref<80x128xf32, #tpu.memory_space<vmem>>) dst(%dma_wait3A_946 : memref<10240x128xf32, #tpu.memory_space<vmem_shared>>)
        tpu.yield
      }) : () -> ()
      %add3A_923 = arith.constant 5 : i32
      %add3A_924 = arith.addi %mul3A_877, %add3A_923 : i32
      %mul3A_925 = arith.constant 10000 : i32
      %mul3A_926 = arith.muli %add3A, %mul3A_925 : i32
      %mul3A_927 = arith.constant 80 : i32
      %mul3A_928 = arith.muli %add3A_924, %mul3A_927 : i32
      %add3A_929 = arith.addi %mul3A_926, %mul3A_928 : i32
      %dma_start3A_930 = tpu.memref_slice %arg4[%add3A_929] : memref<320000xi32, #tpu.memory_space<hbm>> -> memref<80xi32, #tpu.memory_space<hbm>>
      %dma_start3A_931 = tpu.memref_slice %arg4[%add3A_929] : memref<320000xi32, #tpu.memory_space<hbm>> -> memref<80xi32, #tpu.memory_space<hbm>>
      tpu.enqueue_dma source(%dma_start3A_931 : memref<80xi32, #tpu.memory_space<hbm>>) target(%arg18 : memref<80xi32, #tpu.memory_space<vmem>>) target_semaphore(%arg26 : memref<!tpu.dma_semaphore, #tpu.memory_space<semaphore_mem>>)
      %dma_start3A_932 = tpu.memref_slice %arg5[%add3A_929] : memref<320000xi32, #tpu.memory_space<hbm>> -> memref<80xi32, #tpu.memory_space<hbm>>
      %dma_start3A_933 = tpu.memref_slice %arg5[%add3A_929] : memref<320000xi32, #tpu.memory_space<hbm>> -> memref<80xi32, #tpu.memory_space<hbm>>
      tpu.enqueue_dma source(%dma_start3A_933 : memref<80xi32, #tpu.memory_space<hbm>>) target(%arg17 : memref<80xi32, #tpu.memory_space<vmem>>) target_semaphore(%arg26 : memref<!tpu.dma_semaphore, #tpu.memory_space<semaphore_mem>>)
      %dma_wait3A_934 = tpu.memref_slice %arg4[%add3A_339] : memref<320000xi32, #tpu.memory_space<hbm>> -> memref<80xi32, #tpu.memory_space<hbm>>
      %dma_wait3A_935 = tpu.memref_slice %arg4[%add3A_339] : memref<320000xi32, #tpu.memory_space<hbm>> -> memref<80xi32, #tpu.memory_space<hbm>>
      tpu.wait_dma2 semaphore(%arg25 : memref<!tpu.dma_semaphore, #tpu.memory_space<semaphore_mem>>) src(%dma_wait3A_935 : memref<80xi32, #tpu.memory_space<hbm>>) dst(%arg15 : memref<80xi32, #tpu.memory_space<vmem>>)
      %dma_wait3A_936 = tpu.memref_slice %arg5[%add3A_339] : memref<320000xi32, #tpu.memory_space<hbm>> -> memref<80xi32, #tpu.memory_space<hbm>>
      %dma_wait3A_937 = tpu.memref_slice %arg5[%add3A_339] : memref<320000xi32, #tpu.memory_space<hbm>> -> memref<80xi32, #tpu.memory_space<hbm>>
      tpu.wait_dma2 semaphore(%arg25 : memref<!tpu.dma_semaphore, #tpu.memory_space<semaphore_mem>>) src(%dma_wait3A_937 : memref<80xi32, #tpu.memory_space<hbm>>) dst(%arg14 : memref<80xi32, #tpu.memory_space<vmem>>)
      %dma_start3A_938 = arith.constant 0 : i32
      %dma_start3A_939 = arith.constant 0 : i32
      %dma_start3A_940 = tpu.memref_slice %arg2[%dma_start3A_938, %dma_start3A_939] : memref<10000x128xf32, #tpu.memory_space<hbm>> -> memref<10000x128xf32, #tpu.memory_space<hbm>>
      tpu.enqueue_indirect_dma source(%dma_start3A_940 : memref<10000x128xf32, #tpu.memory_space<hbm>>) target(%arg16 : memref<80x128xf32, #tpu.memory_space<vmem>>) offsets(%arg14 : memref<80xi32, #tpu.memory_space<vmem>>) semaphore(%arg22 : memref<!tpu.dma_semaphore, #tpu.memory_space<semaphore_mem>>)
    }
    %scan3A_371 = arith.constant 40 : i32
    %dma_wait3A_372 = arith.constant 0 : i32
    %dma_wait3A_373 = arith.constant 0 : i32
    %dma_wait3A_374 = tpu.memref_slice %arg2[%dma_wait3A_372, %dma_wait3A_373] : memref<10000x128xf32, #tpu.memory_space<hbm>> -> memref<10000x128xf32, #tpu.memory_space<hbm>>
    tpu.wait_indirect_dma semaphore(%arg21 : memref<!tpu.dma_semaphore, #tpu.memory_space<semaphore_mem>>) src(%dma_wait3A_374 : memref<10000x128xf32, #tpu.memory_space<hbm>>) dst(%arg13 : memref<80x128xf32, #tpu.memory_space<vmem>>)
    "tpu.region"() ({
      %run_scoped3A = tpu.sem_alloc : memref<!tpu.dma_semaphore, #tpu.memory_space<semaphore_mem>>
      %dma_start3A_875 = arith.constant 0 : i32
      %dma_start3A_876 = arith.constant 0 : i32
      %dma_start3A_877 = tpu.memref_slice %arg20[%dma_start3A_875, %dma_start3A_876] : memref<10240x128xf32, #tpu.memory_space<vmem_shared>> -> memref<10240x128xf32, #tpu.memory_space<vmem_shared>>
      tpu.enqueue_indirect_dma source(%arg13 : memref<80x128xf32, #tpu.memory_space<vmem>>) target(%dma_start3A_877 : memref<10240x128xf32, #tpu.memory_space<vmem_shared>>) offsets(%arg12 : memref<80xi32, #tpu.memory_space<vmem>>) semaphore(%run_scoped3A : memref<!tpu.dma_semaphore, #tpu.memory_space<semaphore_mem>>) {add = true}
      %dma_wait3A_878 = arith.constant 0 : i32
      %dma_wait3A_879 = arith.constant 0 : i32
      %dma_wait3A_880 = tpu.memref_slice %arg20[%dma_wait3A_878, %dma_wait3A_879] : memref<10240x128xf32, #tpu.memory_space<vmem_shared>> -> memref<10240x128xf32, #tpu.memory_space<vmem_shared>>
      tpu.wait_indirect_dma semaphore(%run_scoped3A : memref<!tpu.dma_semaphore, #tpu.memory_space<semaphore_mem>>) src(%arg13 : memref<80x128xf32, #tpu.memory_space<vmem>>) dst(%dma_wait3A_880 : memref<10240x128xf32, #tpu.memory_space<vmem_shared>>)
      tpu.yield
    }) : () -> ()
    %mul3A_375 = arith.constant 10000 : i32
    %mul3A_376 = arith.muli %add3A, %mul3A_375 : i32
    %add3A_377 = arith.constant 9840 : i32
    %add3A_378 = arith.addi %mul3A_376, %add3A_377 : i32
    %dma_start3A_379 = tpu.memref_slice %arg4[%add3A_378] : memref<320000xi32, #tpu.memory_space<hbm>> -> memref<80xi32, #tpu.memory_space<hbm>>
    %dma_start3A_380 = tpu.memref_slice %arg4[%add3A_378] : memref<320000xi32, #tpu.memory_space<hbm>> -> memref<80xi32, #tpu.memory_space<hbm>>
    tpu.enqueue_dma source(%dma_start3A_380 : memref<80xi32, #tpu.memory_space<hbm>>) target(%arg12 : memref<80xi32, #tpu.memory_space<vmem>>) target_semaphore(%arg24 : memref<!tpu.dma_semaphore, #tpu.memory_space<semaphore_mem>>)
    %dma_start3A_381 = tpu.memref_slice %arg5[%add3A_378] : memref<320000xi32, #tpu.memory_space<hbm>> -> memref<80xi32, #tpu.memory_space<hbm>>
    %dma_start3A_382 = tpu.memref_slice %arg5[%add3A_378] : memref<320000xi32, #tpu.memory_space<hbm>> -> memref<80xi32, #tpu.memory_space<hbm>>
    tpu.enqueue_dma source(%dma_start3A_382 : memref<80xi32, #tpu.memory_space<hbm>>) target(%arg11 : memref<80xi32, #tpu.memory_space<vmem>>) target_semaphore(%arg24 : memref<!tpu.dma_semaphore, #tpu.memory_space<semaphore_mem>>)
    %dma_wait3A_383 = tpu.memref_slice %arg4[%add3A_347] : memref<320000xi32, #tpu.memory_space<hbm>> -> memref<80xi32, #tpu.memory_space<hbm>>
    %dma_wait3A_384 = tpu.memref_slice %arg4[%add3A_347] : memref<320000xi32, #tpu.memory_space<hbm>> -> memref<80xi32, #tpu.memory_space<hbm>>
    tpu.wait_dma2 semaphore(%arg26 : memref<!tpu.dma_semaphore, #tpu.memory_space<semaphore_mem>>) src(%dma_wait3A_384 : memref<80xi32, #tpu.memory_space<hbm>>) dst(%arg18 : memref<80xi32, #tpu.memory_space<vmem>>)
    %dma_wait3A_385 = tpu.memref_slice %arg5[%add3A_347] : memref<320000xi32, #tpu.memory_space<hbm>> -> memref<80xi32, #tpu.memory_space<hbm>>
    %dma_wait3A_386 = tpu.memref_slice %arg5[%add3A_347] : memref<320000xi32, #tpu.memory_space<hbm>> -> memref<80xi32, #tpu.memory_space<hbm>>
    tpu.wait_dma2 semaphore(%arg26 : memref<!tpu.dma_semaphore, #tpu.memory_space<semaphore_mem>>) src(%dma_wait3A_386 : memref<80xi32, #tpu.memory_space<hbm>>) dst(%arg17 : memref<80xi32, #tpu.memory_space<vmem>>)
    %dma_start3A_387 = arith.constant 0 : i32
    %dma_start3A_388 = arith.constant 0 : i32
    %dma_start3A_389 = tpu.memref_slice %arg2[%dma_start3A_387, %dma_start3A_388] : memref<10000x128xf32, #tpu.memory_space<hbm>> -> memref<10000x128xf32, #tpu.memory_space<hbm>>
    tpu.enqueue_indirect_dma source(%dma_start3A_389 : memref<10000x128xf32, #tpu.memory_space<hbm>>) target(%arg19 : memref<80x128xf32, #tpu.memory_space<vmem>>) offsets(%arg17 : memref<80xi32, #tpu.memory_space<vmem>>) semaphore(%arg23 : memref<!tpu.dma_semaphore, #tpu.memory_space<semaphore_mem>>)
    %dma_wait3A_390 = arith.constant 0 : i32
    %dma_wait3A_391 = arith.constant 0 : i32
    %dma_wait3A_392 = tpu.memref_slice %arg2[%dma_wait3A_390, %dma_wait3A_391] : memref<10000x128xf32, #tpu.memory_space<hbm>> -> memref<10000x128xf32, #tpu.memory_space<hbm>>
    tpu.wait_indirect_dma semaphore(%arg22 : memref<!tpu.dma_semaphore, #tpu.memory_space<semaphore_mem>>) src(%dma_wait3A_392 : memref<10000x128xf32, #tpu.memory_space<hbm>>) dst(%arg16 : memref<80x128xf32, #tpu.memory_space<vmem>>)
    "tpu.region"() ({
      %run_scoped3A = tpu.sem_alloc : memref<!tpu.dma_semaphore, #tpu.memory_space<semaphore_mem>>
      %dma_start3A_875 = arith.constant 0 : i32
      %dma_start3A_876 = arith.constant 0 : i32
      %dma_start3A_877 = tpu.memref_slice %arg20[%dma_start3A_875, %dma_start3A_876] : memref<10240x128xf32, #tpu.memory_space<vmem_shared>> -> memref<10240x128xf32, #tpu.memory_space<vmem_shared>>
      tpu.enqueue_indirect_dma source(%arg16 : memref<80x128xf32, #tpu.memory_space<vmem>>) target(%dma_start3A_877 : memref<10240x128xf32, #tpu.memory_space<vmem_shared>>) offsets(%arg15 : memref<80xi32, #tpu.memory_space<vmem>>) semaphore(%run_scoped3A : memref<!tpu.dma_semaphore, #tpu.memory_space<semaphore_mem>>) {add = true}
      %dma_wait3A_878 = arith.constant 0 : i32
      %dma_wait3A_879 = arith.constant 0 : i32
      %dma_wait3A_880 = tpu.memref_slice %arg20[%dma_wait3A_878, %dma_wait3A_879] : memref<10240x128xf32, #tpu.memory_space<vmem_shared>> -> memref<10240x128xf32, #tpu.memory_space<vmem_shared>>
      tpu.wait_indirect_dma semaphore(%run_scoped3A : memref<!tpu.dma_semaphore, #tpu.memory_space<semaphore_mem>>) src(%arg16 : memref<80x128xf32, #tpu.memory_space<vmem>>) dst(%dma_wait3A_880 : memref<10240x128xf32, #tpu.memory_space<vmem_shared>>)
      tpu.yield
    }) : () -> ()
    %mul3A_393 = arith.constant 10000 : i32
    %mul3A_394 = arith.muli %add3A, %mul3A_393 : i32
    %add3A_395 = arith.constant 9920 : i32
    %add3A_396 = arith.addi %mul3A_394, %add3A_395 : i32
    %dma_start3A_397 = tpu.memref_slice %arg4[%add3A_396] : memref<320000xi32, #tpu.memory_space<hbm>> -> memref<80xi32, #tpu.memory_space<hbm>>
    %dma_start3A_398 = tpu.memref_slice %arg4[%add3A_396] : memref<320000xi32, #tpu.memory_space<hbm>> -> memref<80xi32, #tpu.memory_space<hbm>>
    tpu.enqueue_dma source(%dma_start3A_398 : memref<80xi32, #tpu.memory_space<hbm>>) target(%arg15 : memref<80xi32, #tpu.memory_space<vmem>>) target_semaphore(%arg25 : memref<!tpu.dma_semaphore, #tpu.memory_space<semaphore_mem>>)
    %dma_start3A_399 = tpu.memref_slice %arg5[%add3A_396] : memref<320000xi32, #tpu.memory_space<hbm>> -> memref<80xi32, #tpu.memory_space<hbm>>
    %dma_start3A_400 = tpu.memref_slice %arg5[%add3A_396] : memref<320000xi32, #tpu.memory_space<hbm>> -> memref<80xi32, #tpu.memory_space<hbm>>
    tpu.enqueue_dma source(%dma_start3A_400 : memref<80xi32, #tpu.memory_space<hbm>>) target(%arg14 : memref<80xi32, #tpu.memory_space<vmem>>) target_semaphore(%arg25 : memref<!tpu.dma_semaphore, #tpu.memory_space<semaphore_mem>>)
    %dma_wait3A_401 = tpu.memref_slice %arg4[%add3A_378] : memref<320000xi32, #tpu.memory_space<hbm>> -> memref<80xi32, #tpu.memory_space<hbm>>
    %dma_wait3A_402 = tpu.memref_slice %arg4[%add3A_378] : memref<320000xi32, #tpu.memory_space<hbm>> -> memref<80xi32, #tpu.memory_space<hbm>>
    tpu.wait_dma2 semaphore(%arg24 : memref<!tpu.dma_semaphore, #tpu.memory_space<semaphore_mem>>) src(%dma_wait3A_402 : memref<80xi32, #tpu.memory_space<hbm>>) dst(%arg12 : memref<80xi32, #tpu.memory_space<vmem>>)
    %dma_wait3A_403 = tpu.memref_slice %arg5[%add3A_378] : memref<320000xi32, #tpu.memory_space<hbm>> -> memref<80xi32, #tpu.memory_space<hbm>>
    %dma_wait3A_404 = tpu.memref_slice %arg5[%add3A_378] : memref<320000xi32, #tpu.memory_space<hbm>> -> memref<80xi32, #tpu.memory_space<hbm>>
    tpu.wait_dma2 semaphore(%arg24 : memref<!tpu.dma_semaphore, #tpu.memory_space<semaphore_mem>>) src(%dma_wait3A_404 : memref<80xi32, #tpu.memory_space<hbm>>) dst(%arg11 : memref<80xi32, #tpu.memory_space<vmem>>)
    %dma_start3A_405 = arith.constant 0 : i32
    %dma_start3A_406 = arith.constant 0 : i32
    %dma_start3A_407 = tpu.memref_slice %arg2[%dma_start3A_405, %dma_start3A_406] : memref<10000x128xf32, #tpu.memory_space<hbm>> -> memref<10000x128xf32, #tpu.memory_space<hbm>>
    tpu.enqueue_indirect_dma source(%dma_start3A_407 : memref<10000x128xf32, #tpu.memory_space<hbm>>) target(%arg13 : memref<80x128xf32, #tpu.memory_space<vmem>>) offsets(%arg11 : memref<80xi32, #tpu.memory_space<vmem>>) semaphore(%arg21 : memref<!tpu.dma_semaphore, #tpu.memory_space<semaphore_mem>>)
    %dma_wait3A_408 = arith.constant 0 : i32
    %dma_wait3A_409 = arith.constant 0 : i32
    %dma_wait3A_410 = tpu.memref_slice %arg2[%dma_wait3A_408, %dma_wait3A_409] : memref<10000x128xf32, #tpu.memory_space<hbm>> -> memref<10000x128xf32, #tpu.memory_space<hbm>>
    tpu.wait_indirect_dma semaphore(%arg23 : memref<!tpu.dma_semaphore, #tpu.memory_space<semaphore_mem>>) src(%dma_wait3A_410 : memref<10000x128xf32, #tpu.memory_space<hbm>>) dst(%arg19 : memref<80x128xf32, #tpu.memory_space<vmem>>)
    "tpu.region"() ({
      %run_scoped3A = tpu.sem_alloc : memref<!tpu.dma_semaphore, #tpu.memory_space<semaphore_mem>>
      %dma_start3A_875 = arith.constant 0 : i32
      %dma_start3A_876 = arith.constant 0 : i32
      %dma_start3A_877 = tpu.memref_slice %arg20[%dma_start3A_875, %dma_start3A_876] : memref<10240x128xf32, #tpu.memory_space<vmem_shared>> -> memref<10240x128xf32, #tpu.memory_space<vmem_shared>>
      tpu.enqueue_indirect_dma source(%arg19 : memref<80x128xf32, #tpu.memory_space<vmem>>) target(%dma_start3A_877 : memref<10240x128xf32, #tpu.memory_space<vmem_shared>>) offsets(%arg18 : memref<80xi32, #tpu.memory_space<vmem>>) semaphore(%run_scoped3A : memref<!tpu.dma_semaphore, #tpu.memory_space<semaphore_mem>>) {add = true}
      %dma_wait3A_878 = arith.constant 0 : i32
      %dma_wait3A_879 = arith.constant 0 : i32
      %dma_wait3A_880 = tpu.memref_slice %arg20[%dma_wait3A_878, %dma_wait3A_879] : memref<10240x128xf32, #tpu.memory_space<vmem_shared>> -> memref<10240x128xf32, #tpu.memory_space<vmem_shared>>
      tpu.wait_indirect_dma semaphore(%run_scoped3A : memref<!tpu.dma_semaphore, #tpu.memory_space<semaphore_mem>>) src(%arg19 : memref<80x128xf32, #tpu.memory_space<vmem>>) dst(%dma_wait3A_880 : memref<10240x128xf32, #tpu.memory_space<vmem_shared>>)
      tpu.yield
    }) : () -> ()
    %dma_wait3A_411 = tpu.memref_slice %arg4[%add3A_396] : memref<320000xi32, #tpu.memory_space<hbm>> -> memref<80xi32, #tpu.memory_space<hbm>>
    %dma_wait3A_412 = tpu.memref_slice %arg4[%add3A_396] : memref<320000xi32, #tpu.memory_space<hbm>> -> memref<80xi32, #tpu.memory_space<hbm>>
    tpu.wait_dma2 semaphore(%arg25 : memref<!tpu.dma_semaphore, #tpu.memory_space<semaphore_mem>>) src(%dma_wait3A_412 : memref<80xi32, #tpu.memory_space<hbm>>) dst(%arg15 : memref<80xi32, #tpu.memory_space<vmem>>)
    %dma_wait3A_413 = tpu.memref_slice %arg5[%add3A_396] : memref<320000xi32, #tpu.memory_space<hbm>> -> memref<80xi32, #tpu.memory_space<hbm>>
    %dma_wait3A_414 = tpu.memref_slice %arg5[%add3A_396] : memref<320000xi32, #tpu.memory_space<hbm>> -> memref<80xi32, #tpu.memory_space<hbm>>
    tpu.wait_dma2 semaphore(%arg25 : memref<!tpu.dma_semaphore, #tpu.memory_space<semaphore_mem>>) src(%dma_wait3A_414 : memref<80xi32, #tpu.memory_space<hbm>>) dst(%arg14 : memref<80xi32, #tpu.memory_space<vmem>>)
    %dma_start3A_415 = arith.constant 0 : i32
    %dma_start3A_416 = arith.constant 0 : i32
    %dma_start3A_417 = tpu.memref_slice %arg2[%dma_start3A_415, %dma_start3A_416] : memref<10000x128xf32, #tpu.memory_space<hbm>> -> memref<10000x128xf32, #tpu.memory_space<hbm>>
    tpu.enqueue_indirect_dma source(%dma_start3A_417 : memref<10000x128xf32, #tpu.memory_space<hbm>>) target(%arg16 : memref<80x128xf32, #tpu.memory_space<vmem>>) offsets(%arg14 : memref<80xi32, #tpu.memory_space<vmem>>) semaphore(%arg22 : memref<!tpu.dma_semaphore, #tpu.memory_space<semaphore_mem>>)
    %dma_wait3A_418 = arith.constant 0 : i32
    %dma_wait3A_419 = arith.constant 0 : i32
    %dma_wait3A_420 = tpu.memref_slice %arg2[%dma_wait3A_418, %dma_wait3A_419] : memref<10000x128xf32, #tpu.memory_space<hbm>> -> memref<10000x128xf32, #tpu.memory_space<hbm>>
    tpu.wait_indirect_dma semaphore(%arg21 : memref<!tpu.dma_semaphore, #tpu.memory_space<semaphore_mem>>) src(%dma_wait3A_420 : memref<10000x128xf32, #tpu.memory_space<hbm>>) dst(%arg13 : memref<80x128xf32, #tpu.memory_space<vmem>>)
    "tpu.region"() ({
      %run_scoped3A = tpu.sem_alloc : memref<!tpu.dma_semaphore, #tpu.memory_space<semaphore_mem>>
      %dma_start3A_875 = arith.constant 0 : i32
      %dma_start3A_876 = arith.constant 0 : i32
      %dma_start3A_877 = tpu.memref_slice %arg20[%dma_start3A_875, %dma_start3A_876] : memref<10240x128xf32, #tpu.memory_space<vmem_shared>> -> memref<10240x128xf32, #tpu.memory_space<vmem_shared>>
      tpu.enqueue_indirect_dma source(%arg13 : memref<80x128xf32, #tpu.memory_space<vmem>>) target(%dma_start3A_877 : memref<10240x128xf32, #tpu.memory_space<vmem_shared>>) offsets(%arg12 : memref<80xi32, #tpu.memory_space<vmem>>) semaphore(%run_scoped3A : memref<!tpu.dma_semaphore, #tpu.memory_space<semaphore_mem>>) {add = true}
      %dma_wait3A_878 = arith.constant 0 : i32
      %dma_wait3A_879 = arith.constant 0 : i32
      %dma_wait3A_880 = tpu.memref_slice %arg20[%dma_wait3A_878, %dma_wait3A_879] : memref<10240x128xf32, #tpu.memory_space<vmem_shared>> -> memref<10240x128xf32, #tpu.memory_space<vmem_shared>>
      tpu.wait_indirect_dma semaphore(%run_scoped3A : memref<!tpu.dma_semaphore, #tpu.memory_space<semaphore_mem>>) src(%arg13 : memref<80x128xf32, #tpu.memory_space<vmem>>) dst(%dma_wait3A_880 : memref<10240x128xf32, #tpu.memory_space<vmem_shared>>)
      tpu.yield
    }) : () -> ()
    %dma_wait3A_421 = arith.constant 0 : i32
    %dma_wait3A_422 = arith.constant 0 : i32
    %dma_wait3A_423 = tpu.memref_slice %arg2[%dma_wait3A_421, %dma_wait3A_422] : memref<10000x128xf32, #tpu.memory_space<hbm>> -> memref<10000x128xf32, #tpu.memory_space<hbm>>
    tpu.wait_indirect_dma semaphore(%arg22 : memref<!tpu.dma_semaphore, #tpu.memory_space<semaphore_mem>>) src(%dma_wait3A_423 : memref<10000x128xf32, #tpu.memory_space<hbm>>) dst(%arg16 : memref<80x128xf32, #tpu.memory_space<vmem>>)
    "tpu.region"() ({
      %run_scoped3A = tpu.sem_alloc : memref<!tpu.dma_semaphore, #tpu.memory_space<semaphore_mem>>
      %dma_start3A_875 = arith.constant 0 : i32
      %dma_start3A_876 = arith.constant 0 : i32
      %dma_start3A_877 = tpu.memref_slice %arg20[%dma_start3A_875, %dma_start3A_876] : memref<10240x128xf32, #tpu.memory_space<vmem_shared>> -> memref<10240x128xf32, #tpu.memory_space<vmem_shared>>
      tpu.enqueue_indirect_dma source(%arg16 : memref<80x128xf32, #tpu.memory_space<vmem>>) target(%dma_start3A_877 : memref<10240x128xf32, #tpu.memory_space<vmem_shared>>) offsets(%arg15 : memref<80xi32, #tpu.memory_space<vmem>>) semaphore(%run_scoped3A : memref<!tpu.dma_semaphore, #tpu.memory_space<semaphore_mem>>) {add = true}
      %dma_wait3A_878 = arith.constant 0 : i32
      %dma_wait3A_879 = arith.constant 0 : i32
      %dma_wait3A_880 = tpu.memref_slice %arg20[%dma_wait3A_878, %dma_wait3A_879] : memref<10240x128xf32, #tpu.memory_space<vmem_shared>> -> memref<10240x128xf32, #tpu.memory_space<vmem_shared>>
      tpu.wait_indirect_dma semaphore(%run_scoped3A : memref<!tpu.dma_semaphore, #tpu.memory_space<semaphore_mem>>) src(%arg16 : memref<80x128xf32, #tpu.memory_space<vmem>>) dst(%dma_wait3A_880 : memref<10240x128xf32, #tpu.memory_space<vmem_shared>>)
      tpu.yield
    }) : () -> ()
    %barrier3A_424 = arith.constant 0 : index
    tpu.barrier barrier_id(%barrier3A_424)
    %mul3A_425 = arith.constant 640 : i32
    %mul3A_426 = arith.muli %arg1, %mul3A_425 : i32
    %add3A_427 = arith.constant 0 : i32
    %add3A_428 = arith.addi %mul3A_426, %add3A_427 : i32
    "tpu.region"() ({
      %run_scoped3A = tpu.sem_alloc : memref<!tpu.dma_semaphore, #tpu.memory_space<semaphore_mem>>
      %dma_start3A_875 = arith.constant 0 : i32
      %dma_start3A_876 = tpu.memref_slice %arg20[%add3A_428, %dma_start3A_875] : memref<10240x128xf32, #tpu.memory_space<vmem_shared>> -> memref<80x128xf32, #tpu.memory_space<vmem_shared>>
      %dma_start3A_877 = arith.constant 0 : i32
      %dma_start3A_878 = tpu.memref_slice %arg20[%add3A_428, %dma_start3A_877] : memref<10240x128xf32, #tpu.memory_space<vmem_shared>> -> memref<80x128xf32, #tpu.memory_space<vmem_shared>>
      tpu.enqueue_dma source(%dma_start3A_878 : memref<80x128xf32, #tpu.memory_space<vmem_shared>>) target(%arg16 : memref<80x128xf32, #tpu.memory_space<vmem>>) target_semaphore(%run_scoped3A : memref<!tpu.dma_semaphore, #tpu.memory_space<semaphore_mem>>)
      %dma_wait3A_879 = arith.constant 0 : i32
      %dma_wait3A_880 = tpu.memref_slice %arg20[%add3A_428, %dma_wait3A_879] : memref<10240x128xf32, #tpu.memory_space<vmem_shared>> -> memref<80x128xf32, #tpu.memory_space<vmem_shared>>
      %dma_wait3A_881 = arith.constant 0 : i32
      %dma_wait3A_882 = tpu.memref_slice %arg20[%add3A_428, %dma_wait3A_881] : memref<10240x128xf32, #tpu.memory_space<vmem_shared>> -> memref<80x128xf32, #tpu.memory_space<vmem_shared>>
      tpu.wait_dma2 semaphore(%run_scoped3A : memref<!tpu.dma_semaphore, #tpu.memory_space<semaphore_mem>>) src(%dma_wait3A_882 : memref<80x128xf32, #tpu.memory_space<vmem_shared>>) dst(%arg16 : memref<80x128xf32, #tpu.memory_space<vmem>>)
      tpu.yield
    }) : () -> ()
    %dma_start3A_429 = arith.constant 0 : i32
    %dma_start3A_430 = tpu.memref_slice %arg8[%arg0, %add3A_428, %dma_start3A_429] : memref<2x10240x128xf32, #tpu.memory_space<hbm>> -> memref<1x80x128xf32, #tpu.memory_space<hbm>>
    %dma_start3A_431 = tpu.memref_squeeze %dma_start3A_430 : memref<1x80x128xf32, #tpu.memory_space<hbm>> -> memref<80x128xf32, #tpu.memory_space<hbm>>
    %dma_start3A_432 = arith.constant 0 : i32
    %dma_start3A_433 = tpu.memref_slice %arg8[%arg0, %add3A_428, %dma_start3A_432] : memref<2x10240x128xf32, #tpu.memory_space<hbm>> -> memref<1x80x128xf32, #tpu.memory_space<hbm>>
    %dma_start3A_434 = tpu.memref_squeeze %dma_start3A_433 : memref<1x80x128xf32, #tpu.memory_space<hbm>> -> memref<80x128xf32, #tpu.memory_space<hbm>>
    tpu.enqueue_dma source(%arg16 : memref<80x128xf32, #tpu.memory_space<vmem>>) target(%dma_start3A_434 : memref<80x128xf32, #tpu.memory_space<hbm>>) target_semaphore(%arg21 : memref<!tpu.dma_semaphore, #tpu.memory_space<semaphore_mem>>)
    %mul3A_435 = arith.constant 640 : i32
    %mul3A_436 = arith.muli %arg1, %mul3A_435 : i32
    %add3A_437 = arith.constant 80 : i32
    %add3A_438 = arith.addi %mul3A_436, %add3A_437 : i32
    "tpu.region"() ({
      %run_scoped3A = tpu.sem_alloc : memref<!tpu.dma_semaphore, #tpu.memory_space<semaphore_mem>>
      %dma_start3A_875 = arith.constant 0 : i32
      %dma_start3A_876 = tpu.memref_slice %arg20[%add3A_438, %dma_start3A_875] : memref<10240x128xf32, #tpu.memory_space<vmem_shared>> -> memref<80x128xf32, #tpu.memory_space<vmem_shared>>
      %dma_start3A_877 = arith.constant 0 : i32
      %dma_start3A_878 = tpu.memref_slice %arg20[%add3A_438, %dma_start3A_877] : memref<10240x128xf32, #tpu.memory_space<vmem_shared>> -> memref<80x128xf32, #tpu.memory_space<vmem_shared>>
      tpu.enqueue_dma source(%dma_start3A_878 : memref<80x128xf32, #tpu.memory_space<vmem_shared>>) target(%arg19 : memref<80x128xf32, #tpu.memory_space<vmem>>) target_semaphore(%run_scoped3A : memref<!tpu.dma_semaphore, #tpu.memory_space<semaphore_mem>>)
      %dma_wait3A_879 = arith.constant 0 : i32
      %dma_wait3A_880 = tpu.memref_slice %arg20[%add3A_438, %dma_wait3A_879] : memref<10240x128xf32, #tpu.memory_space<vmem_shared>> -> memref<80x128xf32, #tpu.memory_space<vmem_shared>>
      %dma_wait3A_881 = arith.constant 0 : i32
      %dma_wait3A_882 = tpu.memref_slice %arg20[%add3A_438, %dma_wait3A_881] : memref<10240x128xf32, #tpu.memory_space<vmem_shared>> -> memref<80x128xf32, #tpu.memory_space<vmem_shared>>
      tpu.wait_dma2 semaphore(%run_scoped3A : memref<!tpu.dma_semaphore, #tpu.memory_space<semaphore_mem>>) src(%dma_wait3A_882 : memref<80x128xf32, #tpu.memory_space<vmem_shared>>) dst(%arg19 : memref<80x128xf32, #tpu.memory_space<vmem>>)
      tpu.yield
    }) : () -> ()
    %dma_start3A_439 = arith.constant 0 : i32
    %dma_start3A_440 = tpu.memref_slice %arg8[%arg0, %add3A_438, %dma_start3A_439] : memref<2x10240x128xf32, #tpu.memory_space<hbm>> -> memref<1x80x128xf32, #tpu.memory_space<hbm>>
    %dma_start3A_441 = tpu.memref_squeeze %dma_start3A_440 : memref<1x80x128xf32, #tpu.memory_space<hbm>> -> memref<80x128xf32, #tpu.memory_space<hbm>>
    %dma_start3A_442 = arith.constant 0 : i32
    %dma_start3A_443 = tpu.memref_slice %arg8[%arg0, %add3A_438, %dma_start3A_442] : memref<2x10240x128xf32, #tpu.memory_space<hbm>> -> memref<1x80x128xf32, #tpu.memory_space<hbm>>
    %dma_start3A_444 = tpu.memref_squeeze %dma_start3A_443 : memref<1x80x128xf32, #tpu.memory_space<hbm>> -> memref<80x128xf32, #tpu.memory_space<hbm>>
    tpu.enqueue_dma source(%arg19 : memref<80x128xf32, #tpu.memory_space<vmem>>) target(%dma_start3A_444 : memref<80x128xf32, #tpu.memory_space<hbm>>) target_semaphore(%arg21 : memref<!tpu.dma_semaphore, #tpu.memory_space<semaphore_mem>>)
    %dma_wait3A_445 = arith.constant 0 : i32
    %dma_wait3A_446 = tpu.memref_slice %arg8[%arg0, %add3A_428, %dma_wait3A_445] : memref<2x10240x128xf32, #tpu.memory_space<hbm>> -> memref<1x80x128xf32, #tpu.memory_space<hbm>>
    %dma_wait3A_447 = tpu.memref_squeeze %dma_wait3A_446 : memref<1x80x128xf32, #tpu.memory_space<hbm>> -> memref<80x128xf32, #tpu.memory_space<hbm>>
    %dma_wait3A_448 = arith.constant 0 : i32
    %dma_wait3A_449 = tpu.memref_slice %arg8[%arg0, %add3A_428, %dma_wait3A_448] : memref<2x10240x128xf32, #tpu.memory_space<hbm>> -> memref<1x80x128xf32, #tpu.memory_space<hbm>>
    %dma_wait3A_450 = tpu.memref_squeeze %dma_wait3A_449 : memref<1x80x128xf32, #tpu.memory_space<hbm>> -> memref<80x128xf32, #tpu.memory_space<hbm>>
    tpu.wait_dma2 semaphore(%arg21 : memref<!tpu.dma_semaphore, #tpu.memory_space<semaphore_mem>>) src(%arg16 : memref<80x128xf32, #tpu.memory_space<vmem>>) dst(%dma_wait3A_450 : memref<80x128xf32, #tpu.memory_space<hbm>>)
    %mul3A_451 = arith.constant 640 : i32
    %mul3A_452 = arith.muli %arg1, %mul3A_451 : i32
    %add3A_453 = arith.constant 160 : i32
    %add3A_454 = arith.addi %mul3A_452, %add3A_453 : i32
    "tpu.region"() ({
      %run_scoped3A = tpu.sem_alloc : memref<!tpu.dma_semaphore, #tpu.memory_space<semaphore_mem>>
      %dma_start3A_875 = arith.constant 0 : i32
      %dma_start3A_876 = tpu.memref_slice %arg20[%add3A_454, %dma_start3A_875] : memref<10240x128xf32, #tpu.memory_space<vmem_shared>> -> memref<80x128xf32, #tpu.memory_space<vmem_shared>>
      %dma_start3A_877 = arith.constant 0 : i32
      %dma_start3A_878 = tpu.memref_slice %arg20[%add3A_454, %dma_start3A_877] : memref<10240x128xf32, #tpu.memory_space<vmem_shared>> -> memref<80x128xf32, #tpu.memory_space<vmem_shared>>
      tpu.enqueue_dma source(%dma_start3A_878 : memref<80x128xf32, #tpu.memory_space<vmem_shared>>) target(%arg16 : memref<80x128xf32, #tpu.memory_space<vmem>>) target_semaphore(%run_scoped3A : memref<!tpu.dma_semaphore, #tpu.memory_space<semaphore_mem>>)
      %dma_wait3A_879 = arith.constant 0 : i32
      %dma_wait3A_880 = tpu.memref_slice %arg20[%add3A_454, %dma_wait3A_879] : memref<10240x128xf32, #tpu.memory_space<vmem_shared>> -> memref<80x128xf32, #tpu.memory_space<vmem_shared>>
      %dma_wait3A_881 = arith.constant 0 : i32
      %dma_wait3A_882 = tpu.memref_slice %arg20[%add3A_454, %dma_wait3A_881] : memref<10240x128xf32, #tpu.memory_space<vmem_shared>> -> memref<80x128xf32, #tpu.memory_space<vmem_shared>>
      tpu.wait_dma2 semaphore(%run_scoped3A : memref<!tpu.dma_semaphore, #tpu.memory_space<semaphore_mem>>) src(%dma_wait3A_882 : memref<80x128xf32, #tpu.memory_space<vmem_shared>>) dst(%arg16 : memref<80x128xf32, #tpu.memory_space<vmem>>)
      tpu.yield
    }) : () -> ()
    %dma_start3A_455 = arith.constant 0 : i32
    %dma_start3A_456 = tpu.memref_slice %arg8[%arg0, %add3A_454, %dma_start3A_455] : memref<2x10240x128xf32, #tpu.memory_space<hbm>> -> memref<1x80x128xf32, #tpu.memory_space<hbm>>
    %dma_start3A_457 = tpu.memref_squeeze %dma_start3A_456 : memref<1x80x128xf32, #tpu.memory_space<hbm>> -> memref<80x128xf32, #tpu.memory_space<hbm>>
    %dma_start3A_458 = arith.constant 0 : i32
    %dma_start3A_459 = tpu.memref_slice %arg8[%arg0, %add3A_454, %dma_start3A_458] : memref<2x10240x128xf32, #tpu.memory_space<hbm>> -> memref<1x80x128xf32, #tpu.memory_space<hbm>>
    %dma_start3A_460 = tpu.memref_squeeze %dma_start3A_459 : memref<1x80x128xf32, #tpu.memory_space<hbm>> -> memref<80x128xf32, #tpu.memory_space<hbm>>
    tpu.enqueue_dma source(%arg16 : memref<80x128xf32, #tpu.memory_space<vmem>>) target(%dma_start3A_460 : memref<80x128xf32, #tpu.memory_space<hbm>>) target_semaphore(%arg21 : memref<!tpu.dma_semaphore, #tpu.memory_space<semaphore_mem>>)
    %dma_wait3A_461 = arith.constant 0 : i32
    %dma_wait3A_462 = tpu.memref_slice %arg8[%arg0, %add3A_438, %dma_wait3A_461] : memref<2x10240x128xf32, #tpu.memory_space<hbm>> -> memref<1x80x128xf32, #tpu.memory_space<hbm>>
    %dma_wait3A_463 = tpu.memref_squeeze %dma_wait3A_462 : memref<1x80x128xf32, #tpu.memory_space<hbm>> -> memref<80x128xf32, #tpu.memory_space<hbm>>
    %dma_wait3A_464 = arith.constant 0 : i32
    %dma_wait3A_465 = tpu.memref_slice %arg8[%arg0, %add3A_438, %dma_wait3A_464] : memref<2x10240x128xf32, #tpu.memory_space<hbm>> -> memref<1x80x128xf32, #tpu.memory_space<hbm>>
    %dma_wait3A_466 = tpu.memref_squeeze %dma_wait3A_465 : memref<1x80x128xf32, #tpu.memory_space<hbm>> -> memref<80x128xf32, #tpu.memory_space<hbm>>
    tpu.wait_dma2 semaphore(%arg21 : memref<!tpu.dma_semaphore, #tpu.memory_space<semaphore_mem>>) src(%arg19 : memref<80x128xf32, #tpu.memory_space<vmem>>) dst(%dma_wait3A_466 : memref<80x128xf32, #tpu.memory_space<hbm>>)
    %mul3A_467 = arith.constant 640 : i32
    %mul3A_468 = arith.muli %arg1, %mul3A_467 : i32
    %add3A_469 = arith.constant 240 : i32
    %add3A_470 = arith.addi %mul3A_468, %add3A_469 : i32
    "tpu.region"() ({
      %run_scoped3A = tpu.sem_alloc : memref<!tpu.dma_semaphore, #tpu.memory_space<semaphore_mem>>
      %dma_start3A_875 = arith.constant 0 : i32
      %dma_start3A_876 = tpu.memref_slice %arg20[%add3A_470, %dma_start3A_875] : memref<10240x128xf32, #tpu.memory_space<vmem_shared>> -> memref<80x128xf32, #tpu.memory_space<vmem_shared>>
      %dma_start3A_877 = arith.constant 0 : i32
      %dma_start3A_878 = tpu.memref_slice %arg20[%add3A_470, %dma_start3A_877] : memref<10240x128xf32, #tpu.memory_space<vmem_shared>> -> memref<80x128xf32, #tpu.memory_space<vmem_shared>>
      tpu.enqueue_dma source(%dma_start3A_878 : memref<80x128xf32, #tpu.memory_space<vmem_shared>>) target(%arg19 : memref<80x128xf32, #tpu.memory_space<vmem>>) target_semaphore(%run_scoped3A : memref<!tpu.dma_semaphore, #tpu.memory_space<semaphore_mem>>)
      %dma_wait3A_879 = arith.constant 0 : i32
      %dma_wait3A_880 = tpu.memref_slice %arg20[%add3A_470, %dma_wait3A_879] : memref<10240x128xf32, #tpu.memory_space<vmem_shared>> -> memref<80x128xf32, #tpu.memory_space<vmem_shared>>
      %dma_wait3A_881 = arith.constant 0 : i32
      %dma_wait3A_882 = tpu.memref_slice %arg20[%add3A_470, %dma_wait3A_881] : memref<10240x128xf32, #tpu.memory_space<vmem_shared>> -> memref<80x128xf32, #tpu.memory_space<vmem_shared>>
      tpu.wait_dma2 semaphore(%run_scoped3A : memref<!tpu.dma_semaphore, #tpu.memory_space<semaphore_mem>>) src(%dma_wait3A_882 : memref<80x128xf32, #tpu.memory_space<vmem_shared>>) dst(%arg19 : memref<80x128xf32, #tpu.memory_space<vmem>>)
      tpu.yield
    }) : () -> ()
    %dma_start3A_471 = arith.constant 0 : i32
    %dma_start3A_472 = tpu.memref_slice %arg8[%arg0, %add3A_470, %dma_start3A_471] : memref<2x10240x128xf32, #tpu.memory_space<hbm>> -> memref<1x80x128xf32, #tpu.memory_space<hbm>>
    %dma_start3A_473 = tpu.memref_squeeze %dma_start3A_472 : memref<1x80x128xf32, #tpu.memory_space<hbm>> -> memref<80x128xf32, #tpu.memory_space<hbm>>
    %dma_start3A_474 = arith.constant 0 : i32
    %dma_start3A_475 = tpu.memref_slice %arg8[%arg0, %add3A_470, %dma_start3A_474] : memref<2x10240x128xf32, #tpu.memory_space<hbm>> -> memref<1x80x128xf32, #tpu.memory_space<hbm>>
    %dma_start3A_476 = tpu.memref_squeeze %dma_start3A_475 : memref<1x80x128xf32, #tpu.memory_space<hbm>> -> memref<80x128xf32, #tpu.memory_space<hbm>>
    tpu.enqueue_dma source(%arg19 : memref<80x128xf32, #tpu.memory_space<vmem>>) target(%dma_start3A_476 : memref<80x128xf32, #tpu.memory_space<hbm>>) target_semaphore(%arg21 : memref<!tpu.dma_semaphore, #tpu.memory_space<semaphore_mem>>)
    %dma_wait3A_477 = arith.constant 0 : i32
    %dma_wait3A_478 = tpu.memref_slice %arg8[%arg0, %add3A_454, %dma_wait3A_477] : memref<2x10240x128xf32, #tpu.memory_space<hbm>> -> memref<1x80x128xf32, #tpu.memory_space<hbm>>
    %dma_wait3A_479 = tpu.memref_squeeze %dma_wait3A_478 : memref<1x80x128xf32, #tpu.memory_space<hbm>> -> memref<80x128xf32, #tpu.memory_space<hbm>>
    %dma_wait3A_480 = arith.constant 0 : i32
    %dma_wait3A_481 = tpu.memref_slice %arg8[%arg0, %add3A_454, %dma_wait3A_480] : memref<2x10240x128xf32, #tpu.memory_space<hbm>> -> memref<1x80x128xf32, #tpu.memory_space<hbm>>
    %dma_wait3A_482 = tpu.memref_squeeze %dma_wait3A_481 : memref<1x80x128xf32, #tpu.memory_space<hbm>> -> memref<80x128xf32, #tpu.memory_space<hbm>>
    tpu.wait_dma2 semaphore(%arg21 : memref<!tpu.dma_semaphore, #tpu.memory_space<semaphore_mem>>) src(%arg16 : memref<80x128xf32, #tpu.memory_space<vmem>>) dst(%dma_wait3A_482 : memref<80x128xf32, #tpu.memory_space<hbm>>)
    %mul3A_483 = arith.constant 640 : i32
    %mul3A_484 = arith.muli %arg1, %mul3A_483 : i32
    %add3A_485 = arith.constant 320 : i32
    %add3A_486 = arith.addi %mul3A_484, %add3A_485 : i32
    "tpu.region"() ({
      %run_scoped3A = tpu.sem_alloc : memref<!tpu.dma_semaphore, #tpu.memory_space<semaphore_mem>>
      %dma_start3A_875 = arith.constant 0 : i32
      %dma_start3A_876 = tpu.memref_slice %arg20[%add3A_486, %dma_start3A_875] : memref<10240x128xf32, #tpu.memory_space<vmem_shared>> -> memref<80x128xf32, #tpu.memory_space<vmem_shared>>
      %dma_start3A_877 = arith.constant 0 : i32
      %dma_start3A_878 = tpu.memref_slice %arg20[%add3A_486, %dma_start3A_877] : memref<10240x128xf32, #tpu.memory_space<vmem_shared>> -> memref<80x128xf32, #tpu.memory_space<vmem_shared>>
      tpu.enqueue_dma source(%dma_start3A_878 : memref<80x128xf32, #tpu.memory_space<vmem_shared>>) target(%arg16 : memref<80x128xf32, #tpu.memory_space<vmem>>) target_semaphore(%run_scoped3A : memref<!tpu.dma_semaphore, #tpu.memory_space<semaphore_mem>>)
      %dma_wait3A_879 = arith.constant 0 : i32
      %dma_wait3A_880 = tpu.memref_slice %arg20[%add3A_486, %dma_wait3A_879] : memref<10240x128xf32, #tpu.memory_space<vmem_shared>> -> memref<80x128xf32, #tpu.memory_space<vmem_shared>>
      %dma_wait3A_881 = arith.constant 0 : i32
      %dma_wait3A_882 = tpu.memref_slice %arg20[%add3A_486, %dma_wait3A_881] : memref<10240x128xf32, #tpu.memory_space<vmem_shared>> -> memref<80x128xf32, #tpu.memory_space<vmem_shared>>
      tpu.wait_dma2 semaphore(%run_scoped3A : memref<!tpu.dma_semaphore, #tpu.memory_space<semaphore_mem>>) src(%dma_wait3A_882 : memref<80x128xf32, #tpu.memory_space<vmem_shared>>) dst(%arg16 : memref<80x128xf32, #tpu.memory_space<vmem>>)
      tpu.yield
    }) : () -> ()
    %dma_start3A_487 = arith.constant 0 : i32
    %dma_start3A_488 = tpu.memref_slice %arg8[%arg0, %add3A_486, %dma_start3A_487] : memref<2x10240x128xf32, #tpu.memory_space<hbm>> -> memref<1x80x128xf32, #tpu.memory_space<hbm>>
    %dma_start3A_489 = tpu.memref_squeeze %dma_start3A_488 : memref<1x80x128xf32, #tpu.memory_space<hbm>> -> memref<80x128xf32, #tpu.memory_space<hbm>>
    %dma_start3A_490 = arith.constant 0 : i32
    %dma_start3A_491 = tpu.memref_slice %arg8[%arg0, %add3A_486, %dma_start3A_490] : memref<2x10240x128xf32, #tpu.memory_space<hbm>> -> memref<1x80x128xf32, #tpu.memory_space<hbm>>
    %dma_start3A_492 = tpu.memref_squeeze %dma_start3A_491 : memref<1x80x128xf32, #tpu.memory_space<hbm>> -> memref<80x128xf32, #tpu.memory_space<hbm>>
    tpu.enqueue_dma source(%arg16 : memref<80x128xf32, #tpu.memory_space<vmem>>) target(%dma_start3A_492 : memref<80x128xf32, #tpu.memory_space<hbm>>) target_semaphore(%arg21 : memref<!tpu.dma_semaphore, #tpu.memory_space<semaphore_mem>>)
    %dma_wait3A_493 = arith.constant 0 : i32
    %dma_wait3A_494 = tpu.memref_slice %arg8[%arg0, %add3A_470, %dma_wait3A_493] : memref<2x10240x128xf32, #tpu.memory_space<hbm>> -> memref<1x80x128xf32, #tpu.memory_space<hbm>>
    %dma_wait3A_495 = tpu.memref_squeeze %dma_wait3A_494 : memref<1x80x128xf32, #tpu.memory_space<hbm>> -> memref<80x128xf32, #tpu.memory_space<hbm>>
    %dma_wait3A_496 = arith.constant 0 : i32
    %dma_wait3A_497 = tpu.memref_slice %arg8[%arg0, %add3A_470, %dma_wait3A_496] : memref<2x10240x128xf32, #tpu.memory_space<hbm>> -> memref<1x80x128xf32, #tpu.memory_space<hbm>>
    %dma_wait3A_498 = tpu.memref_squeeze %dma_wait3A_497 : memref<1x80x128xf32, #tpu.memory_space<hbm>> -> memref<80x128xf32, #tpu.memory_space<hbm>>
    tpu.wait_dma2 semaphore(%arg21 : memref<!tpu.dma_semaphore, #tpu.memory_space<semaphore_mem>>) src(%arg19 : memref<80x128xf32, #tpu.memory_space<vmem>>) dst(%dma_wait3A_498 : memref<80x128xf32, #tpu.memory_space<hbm>>)
    %mul3A_499 = arith.constant 640 : i32
    %mul3A_500 = arith.muli %arg1, %mul3A_499 : i32
    %add3A_501 = arith.constant 400 : i32
    %add3A_502 = arith.addi %mul3A_500, %add3A_501 : i32
    "tpu.region"() ({
      %run_scoped3A = tpu.sem_alloc : memref<!tpu.dma_semaphore, #tpu.memory_space<semaphore_mem>>
      %dma_start3A_875 = arith.constant 0 : i32
      %dma_start3A_876 = tpu.memref_slice %arg20[%add3A_502, %dma_start3A_875] : memref<10240x128xf32, #tpu.memory_space<vmem_shared>> -> memref<80x128xf32, #tpu.memory_space<vmem_shared>>
      %dma_start3A_877 = arith.constant 0 : i32
      %dma_start3A_878 = tpu.memref_slice %arg20[%add3A_502, %dma_start3A_877] : memref<10240x128xf32, #tpu.memory_space<vmem_shared>> -> memref<80x128xf32, #tpu.memory_space<vmem_shared>>
      tpu.enqueue_dma source(%dma_start3A_878 : memref<80x128xf32, #tpu.memory_space<vmem_shared>>) target(%arg19 : memref<80x128xf32, #tpu.memory_space<vmem>>) target_semaphore(%run_scoped3A : memref<!tpu.dma_semaphore, #tpu.memory_space<semaphore_mem>>)
      %dma_wait3A_879 = arith.constant 0 : i32
      %dma_wait3A_880 = tpu.memref_slice %arg20[%add3A_502, %dma_wait3A_879] : memref<10240x128xf32, #tpu.memory_space<vmem_shared>> -> memref<80x128xf32, #tpu.memory_space<vmem_shared>>
      %dma_wait3A_881 = arith.constant 0 : i32
      %dma_wait3A_882 = tpu.memref_slice %arg20[%add3A_502, %dma_wait3A_881] : memref<10240x128xf32, #tpu.memory_space<vmem_shared>> -> memref<80x128xf32, #tpu.memory_space<vmem_shared>>
      tpu.wait_dma2 semaphore(%run_scoped3A : memref<!tpu.dma_semaphore, #tpu.memory_space<semaphore_mem>>) src(%dma_wait3A_882 : memref<80x128xf32, #tpu.memory_space<vmem_shared>>) dst(%arg19 : memref<80x128xf32, #tpu.memory_space<vmem>>)
      tpu.yield
    }) : () -> ()
    %dma_start3A_503 = arith.constant 0 : i32
    %dma_start3A_504 = tpu.memref_slice %arg8[%arg0, %add3A_502, %dma_start3A_503] : memref<2x10240x128xf32, #tpu.memory_space<hbm>> -> memref<1x80x128xf32, #tpu.memory_space<hbm>>
    %dma_start3A_505 = tpu.memref_squeeze %dma_start3A_504 : memref<1x80x128xf32, #tpu.memory_space<hbm>> -> memref<80x128xf32, #tpu.memory_space<hbm>>
    %dma_start3A_506 = arith.constant 0 : i32
    %dma_start3A_507 = tpu.memref_slice %arg8[%arg0, %add3A_502, %dma_start3A_506] : memref<2x10240x128xf32, #tpu.memory_space<hbm>> -> memref<1x80x128xf32, #tpu.memory_space<hbm>>
    %dma_start3A_508 = tpu.memref_squeeze %dma_start3A_507 : memref<1x80x128xf32, #tpu.memory_space<hbm>> -> memref<80x128xf32, #tpu.memory_space<hbm>>
    tpu.enqueue_dma source(%arg19 : memref<80x128xf32, #tpu.memory_space<vmem>>) target(%dma_start3A_508 : memref<80x128xf32, #tpu.memory_space<hbm>>) target_semaphore(%arg21 : memref<!tpu.dma_semaphore, #tpu.memory_space<semaphore_mem>>)
    %dma_wait3A_509 = arith.constant 0 : i32
    %dma_wait3A_510 = tpu.memref_slice %arg8[%arg0, %add3A_486, %dma_wait3A_509] : memref<2x10240x128xf32, #tpu.memory_space<hbm>> -> memref<1x80x128xf32, #tpu.memory_space<hbm>>
    %dma_wait3A_511 = tpu.memref_squeeze %dma_wait3A_510 : memref<1x80x128xf32, #tpu.memory_space<hbm>> -> memref<80x128xf32, #tpu.memory_space<hbm>>
    %dma_wait3A_512 = arith.constant 0 : i32
    %dma_wait3A_513 = tpu.memref_slice %arg8[%arg0, %add3A_486, %dma_wait3A_512] : memref<2x10240x128xf32, #tpu.memory_space<hbm>> -> memref<1x80x128xf32, #tpu.memory_space<hbm>>
    %dma_wait3A_514 = tpu.memref_squeeze %dma_wait3A_513 : memref<1x80x128xf32, #tpu.memory_space<hbm>> -> memref<80x128xf32, #tpu.memory_space<hbm>>
    tpu.wait_dma2 semaphore(%arg21 : memref<!tpu.dma_semaphore, #tpu.memory_space<semaphore_mem>>) src(%arg16 : memref<80x128xf32, #tpu.memory_space<vmem>>) dst(%dma_wait3A_514 : memref<80x128xf32, #tpu.memory_space<hbm>>)
    %mul3A_515 = arith.constant 640 : i32
    %mul3A_516 = arith.muli %arg1, %mul3A_515 : i32
    %add3A_517 = arith.constant 480 : i32
    %add3A_518 = arith.addi %mul3A_516, %add3A_517 : i32
    "tpu.region"() ({
      %run_scoped3A = tpu.sem_alloc : memref<!tpu.dma_semaphore, #tpu.memory_space<semaphore_mem>>
      %dma_start3A_875 = arith.constant 0 : i32
      %dma_start3A_876 = tpu.memref_slice %arg20[%add3A_518, %dma_start3A_875] : memref<10240x128xf32, #tpu.memory_space<vmem_shared>> -> memref<80x128xf32, #tpu.memory_space<vmem_shared>>
      %dma_start3A_877 = arith.constant 0 : i32
      %dma_start3A_878 = tpu.memref_slice %arg20[%add3A_518, %dma_start3A_877] : memref<10240x128xf32, #tpu.memory_space<vmem_shared>> -> memref<80x128xf32, #tpu.memory_space<vmem_shared>>
      tpu.enqueue_dma source(%dma_start3A_878 : memref<80x128xf32, #tpu.memory_space<vmem_shared>>) target(%arg16 : memref<80x128xf32, #tpu.memory_space<vmem>>) target_semaphore(%run_scoped3A : memref<!tpu.dma_semaphore, #tpu.memory_space<semaphore_mem>>)
      %dma_wait3A_879 = arith.constant 0 : i32
      %dma_wait3A_880 = tpu.memref_slice %arg20[%add3A_518, %dma_wait3A_879] : memref<10240x128xf32, #tpu.memory_space<vmem_shared>> -> memref<80x128xf32, #tpu.memory_space<vmem_shared>>
      %dma_wait3A_881 = arith.constant 0 : i32
      %dma_wait3A_882 = tpu.memref_slice %arg20[%add3A_518, %dma_wait3A_881] : memref<10240x128xf32, #tpu.memory_space<vmem_shared>> -> memref<80x128xf32, #tpu.memory_space<vmem_shared>>
      tpu.wait_dma2 semaphore(%run_scoped3A : memref<!tpu.dma_semaphore, #tpu.memory_space<semaphore_mem>>) src(%dma_wait3A_882 : memref<80x128xf32, #tpu.memory_space<vmem_shared>>) dst(%arg16 : memref<80x128xf32, #tpu.memory_space<vmem>>)
      tpu.yield
    }) : () -> ()
    %dma_start3A_519 = arith.constant 0 : i32
    %dma_start3A_520 = tpu.memref_slice %arg8[%arg0, %add3A_518, %dma_start3A_519] : memref<2x10240x128xf32, #tpu.memory_space<hbm>> -> memref<1x80x128xf32, #tpu.memory_space<hbm>>
    %dma_start3A_521 = tpu.memref_squeeze %dma_start3A_520 : memref<1x80x128xf32, #tpu.memory_space<hbm>> -> memref<80x128xf32, #tpu.memory_space<hbm>>
    %dma_start3A_522 = arith.constant 0 : i32
    %dma_start3A_523 = tpu.memref_slice %arg8[%arg0, %add3A_518, %dma_start3A_522] : memref<2x10240x128xf32, #tpu.memory_space<hbm>> -> memref<1x80x128xf32, #tpu.memory_space<hbm>>
    %dma_start3A_524 = tpu.memref_squeeze %dma_start3A_523 : memref<1x80x128xf32, #tpu.memory_space<hbm>> -> memref<80x128xf32, #tpu.memory_space<hbm>>
    tpu.enqueue_dma source(%arg16 : memref<80x128xf32, #tpu.memory_space<vmem>>) target(%dma_start3A_524 : memref<80x128xf32, #tpu.memory_space<hbm>>) target_semaphore(%arg21 : memref<!tpu.dma_semaphore, #tpu.memory_space<semaphore_mem>>)
    %dma_wait3A_525 = arith.constant 0 : i32
    %dma_wait3A_526 = tpu.memref_slice %arg8[%arg0, %add3A_502, %dma_wait3A_525] : memref<2x10240x128xf32, #tpu.memory_space<hbm>> -> memref<1x80x128xf32, #tpu.memory_space<hbm>>
    %dma_wait3A_527 = tpu.memref_squeeze %dma_wait3A_526 : memref<1x80x128xf32, #tpu.memory_space<hbm>> -> memref<80x128xf32, #tpu.memory_space<hbm>>
    %dma_wait3A_528 = arith.constant 0 : i32
    %dma_wait3A_529 = tpu.memref_slice %arg8[%arg0, %add3A_502, %dma_wait3A_528] : memref<2x10240x128xf32, #tpu.memory_space<hbm>> -> memref<1x80x128xf32, #tpu.memory_space<hbm>>
    %dma_wait3A_530 = tpu.memref_squeeze %dma_wait3A_529 : memref<1x80x128xf32, #tpu.memory_space<hbm>> -> memref<80x128xf32, #tpu.memory_space<hbm>>
    tpu.wait_dma2 semaphore(%arg21 : memref<!tpu.dma_semaphore, #tpu.memory_space<semaphore_mem>>) src(%arg19 : memref<80x128xf32, #tpu.memory_space<vmem>>) dst(%dma_wait3A_530 : memref<80x128xf32, #tpu.memory_space<hbm>>)
    %mul3A_531 = arith.constant 640 : i32
    %mul3A_532 = arith.muli %arg1, %mul3A_531 : i32
    %add3A_533 = arith.constant 560 : i32
    %add3A_534 = arith.addi %mul3A_532, %add3A_533 : i32
    "tpu.region"() ({
      %run_scoped3A = tpu.sem_alloc : memref<!tpu.dma_semaphore, #tpu.memory_space<semaphore_mem>>
      %dma_start3A_875 = arith.constant 0 : i32
      %dma_start3A_876 = tpu.memref_slice %arg20[%add3A_534, %dma_start3A_875] : memref<10240x128xf32, #tpu.memory_space<vmem_shared>> -> memref<80x128xf32, #tpu.memory_space<vmem_shared>>
      %dma_start3A_877 = arith.constant 0 : i32
      %dma_start3A_878 = tpu.memref_slice %arg20[%add3A_534, %dma_start3A_877] : memref<10240x128xf32, #tpu.memory_space<vmem_shared>> -> memref<80x128xf32, #tpu.memory_space<vmem_shared>>
      tpu.enqueue_dma source(%dma_start3A_878 : memref<80x128xf32, #tpu.memory_space<vmem_shared>>) target(%arg19 : memref<80x128xf32, #tpu.memory_space<vmem>>) target_semaphore(%run_scoped3A : memref<!tpu.dma_semaphore, #tpu.memory_space<semaphore_mem>>)
      %dma_wait3A_879 = arith.constant 0 : i32
      %dma_wait3A_880 = tpu.memref_slice %arg20[%add3A_534, %dma_wait3A_879] : memref<10240x128xf32, #tpu.memory_space<vmem_shared>> -> memref<80x128xf32, #tpu.memory_space<vmem_shared>>
      %dma_wait3A_881 = arith.constant 0 : i32
      %dma_wait3A_882 = tpu.memref_slice %arg20[%add3A_534, %dma_wait3A_881] : memref<10240x128xf32, #tpu.memory_space<vmem_shared>> -> memref<80x128xf32, #tpu.memory_space<vmem_shared>>
      tpu.wait_dma2 semaphore(%run_scoped3A : memref<!tpu.dma_semaphore, #tpu.memory_space<semaphore_mem>>) src(%dma_wait3A_882 : memref<80x128xf32, #tpu.memory_space<vmem_shared>>) dst(%arg19 : memref<80x128xf32, #tpu.memory_space<vmem>>)
      tpu.yield
    }) : () -> ()
    %dma_start3A_535 = arith.constant 0 : i32
    %dma_start3A_536 = tpu.memref_slice %arg8[%arg0, %add3A_534, %dma_start3A_535] : memref<2x10240x128xf32, #tpu.memory_space<hbm>> -> memref<1x80x128xf32, #tpu.memory_space<hbm>>
    %dma_start3A_537 = tpu.memref_squeeze %dma_start3A_536 : memref<1x80x128xf32, #tpu.memory_space<hbm>> -> memref<80x128xf32, #tpu.memory_space<hbm>>
    %dma_start3A_538 = arith.constant 0 : i32
    %dma_start3A_539 = tpu.memref_slice %arg8[%arg0, %add3A_534, %dma_start3A_538] : memref<2x10240x128xf32, #tpu.memory_space<hbm>> -> memref<1x80x128xf32, #tpu.memory_space<hbm>>
    %dma_start3A_540 = tpu.memref_squeeze %dma_start3A_539 : memref<1x80x128xf32, #tpu.memory_space<hbm>> -> memref<80x128xf32, #tpu.memory_space<hbm>>
    tpu.enqueue_dma source(%arg19 : memref<80x128xf32, #tpu.memory_space<vmem>>) target(%dma_start3A_540 : memref<80x128xf32, #tpu.memory_space<hbm>>) target_semaphore(%arg21 : memref<!tpu.dma_semaphore, #tpu.memory_space<semaphore_mem>>)
    %dma_wait3A_541 = arith.constant 0 : i32
    %dma_wait3A_542 = tpu.memref_slice %arg8[%arg0, %add3A_518, %dma_wait3A_541] : memref<2x10240x128xf32, #tpu.memory_space<hbm>> -> memref<1x80x128xf32, #tpu.memory_space<hbm>>
    %dma_wait3A_543 = tpu.memref_squeeze %dma_wait3A_542 : memref<1x80x128xf32, #tpu.memory_space<hbm>> -> memref<80x128xf32, #tpu.memory_space<hbm>>
    %dma_wait3A_544 = arith.constant 0 : i32
    %dma_wait3A_545 = tpu.memref_slice %arg8[%arg0, %add3A_518, %dma_wait3A_544] : memref<2x10240x128xf32, #tpu.memory_space<hbm>> -> memref<1x80x128xf32, #tpu.memory_space<hbm>>
    %dma_wait3A_546 = tpu.memref_squeeze %dma_wait3A_545 : memref<1x80x128xf32, #tpu.memory_space<hbm>> -> memref<80x128xf32, #tpu.memory_space<hbm>>
    tpu.wait_dma2 semaphore(%arg21 : memref<!tpu.dma_semaphore, #tpu.memory_space<semaphore_mem>>) src(%arg16 : memref<80x128xf32, #tpu.memory_space<vmem>>) dst(%dma_wait3A_546 : memref<80x128xf32, #tpu.memory_space<hbm>>)
    %dma_wait3A_547 = arith.constant 0 : i32
    %dma_wait3A_548 = tpu.memref_slice %arg8[%arg0, %add3A_534, %dma_wait3A_547] : memref<2x10240x128xf32, #tpu.memory_space<hbm>> -> memref<1x80x128xf32, #tpu.memory_space<hbm>>
    %dma_wait3A_549 = tpu.memref_squeeze %dma_wait3A_548 : memref<1x80x128xf32, #tpu.memory_space<hbm>> -> memref<80x128xf32, #tpu.memory_space<hbm>>
    %dma_wait3A_550 = arith.constant 0 : i32
    %dma_wait3A_551 = tpu.memref_slice %arg8[%arg0, %add3A_534, %dma_wait3A_550] : memref<2x10240x128xf32, #tpu.memory_space<hbm>> -> memref<1x80x128xf32, #tpu.memory_space<hbm>>
    %dma_wait3A_552 = tpu.memref_squeeze %dma_wait3A_551 : memref<1x80x128xf32, #tpu.memory_space<hbm>> -> memref<80x128xf32, #tpu.memory_space<hbm>>
    tpu.wait_dma2 semaphore(%arg21 : memref<!tpu.dma_semaphore, #tpu.memory_space<semaphore_mem>>) src(%arg19 : memref<80x128xf32, #tpu.memory_space<vmem>>) dst(%dma_wait3A_552 : memref<80x128xf32, #tpu.memory_space<hbm>>)
    "tpu.region"() ({
      %run_scoped3A = tpu.sem_alloc : memref<!tpu.dma_semaphore, #tpu.memory_space<semaphore_mem>>
      tpu.enqueue_dma source(%arg6 : memref<80x128xf32, #tpu.memory_space<hbm>>) target(%arg13 : memref<80x128xf32, #tpu.memory_space<vmem>>) target_semaphore(%run_scoped3A : memref<!tpu.dma_semaphore, #tpu.memory_space<semaphore_mem>>)
      tpu.wait_dma2 semaphore(%run_scoped3A : memref<!tpu.dma_semaphore, #tpu.memory_space<semaphore_mem>>) src(%arg6 : memref<80x128xf32, #tpu.memory_space<hbm>>) dst(%arg13 : memref<80x128xf32, #tpu.memory_space<vmem>>)
      tpu.yield
    }) : () -> ()
    %mul3A_553 = arith.constant 640 : i32
    %mul3A_554 = arith.muli %arg1, %mul3A_553 : i32
    %add3A_555 = arith.constant 0 : i32
    %add3A_556 = arith.addi %mul3A_554, %add3A_555 : i32
    %dma_start3A_557 = arith.constant 0 : i32
    %dma_start3A_558 = tpu.memref_slice %arg20[%add3A_556, %dma_start3A_557] : memref<10240x128xf32, #tpu.memory_space<vmem_shared>> -> memref<80x128xf32, #tpu.memory_space<vmem_shared>>
    %dma_start3A_559 = arith.constant 0 : i32
    %dma_start3A_560 = tpu.memref_slice %arg20[%add3A_556, %dma_start3A_559] : memref<10240x128xf32, #tpu.memory_space<vmem_shared>> -> memref<80x128xf32, #tpu.memory_space<vmem_shared>>
    tpu.enqueue_dma source(%arg13 : memref<80x128xf32, #tpu.memory_space<vmem>>) target(%dma_start3A_560 : memref<80x128xf32, #tpu.memory_space<vmem_shared>>) target_semaphore(%arg22 : memref<!tpu.dma_semaphore, #tpu.memory_space<semaphore_mem>>)
    %mul3A_561 = arith.constant 640 : i32
    %mul3A_562 = arith.muli %arg1, %mul3A_561 : i32
    %add3A_563 = arith.constant 80 : i32
    %add3A_564 = arith.addi %mul3A_562, %add3A_563 : i32
    %dma_start3A_565 = arith.constant 0 : i32
    %dma_start3A_566 = tpu.memref_slice %arg20[%add3A_564, %dma_start3A_565] : memref<10240x128xf32, #tpu.memory_space<vmem_shared>> -> memref<80x128xf32, #tpu.memory_space<vmem_shared>>
    %dma_start3A_567 = arith.constant 0 : i32
    %dma_start3A_568 = tpu.memref_slice %arg20[%add3A_564, %dma_start3A_567] : memref<10240x128xf32, #tpu.memory_space<vmem_shared>> -> memref<80x128xf32, #tpu.memory_space<vmem_shared>>
    tpu.enqueue_dma source(%arg13 : memref<80x128xf32, #tpu.memory_space<vmem>>) target(%dma_start3A_568 : memref<80x128xf32, #tpu.memory_space<vmem_shared>>) target_semaphore(%arg22 : memref<!tpu.dma_semaphore, #tpu.memory_space<semaphore_mem>>)
    %mul3A_569 = arith.constant 640 : i32
    %mul3A_570 = arith.muli %arg1, %mul3A_569 : i32
    %add3A_571 = arith.constant 160 : i32
    %add3A_572 = arith.addi %mul3A_570, %add3A_571 : i32
    %dma_start3A_573 = arith.constant 0 : i32
    %dma_start3A_574 = tpu.memref_slice %arg20[%add3A_572, %dma_start3A_573] : memref<10240x128xf32, #tpu.memory_space<vmem_shared>> -> memref<80x128xf32, #tpu.memory_space<vmem_shared>>
    %dma_start3A_575 = arith.constant 0 : i32
    %dma_start3A_576 = tpu.memref_slice %arg20[%add3A_572, %dma_start3A_575] : memref<10240x128xf32, #tpu.memory_space<vmem_shared>> -> memref<80x128xf32, #tpu.memory_space<vmem_shared>>
    tpu.enqueue_dma source(%arg13 : memref<80x128xf32, #tpu.memory_space<vmem>>) target(%dma_start3A_576 : memref<80x128xf32, #tpu.memory_space<vmem_shared>>) target_semaphore(%arg22 : memref<!tpu.dma_semaphore, #tpu.memory_space<semaphore_mem>>)
    %mul3A_577 = arith.constant 640 : i32
    %mul3A_578 = arith.muli %arg1, %mul3A_577 : i32
    %add3A_579 = arith.constant 240 : i32
    %add3A_580 = arith.addi %mul3A_578, %add3A_579 : i32
    %dma_start3A_581 = arith.constant 0 : i32
    %dma_start3A_582 = tpu.memref_slice %arg20[%add3A_580, %dma_start3A_581] : memref<10240x128xf32, #tpu.memory_space<vmem_shared>> -> memref<80x128xf32, #tpu.memory_space<vmem_shared>>
    %dma_start3A_583 = arith.constant 0 : i32
    %dma_start3A_584 = tpu.memref_slice %arg20[%add3A_580, %dma_start3A_583] : memref<10240x128xf32, #tpu.memory_space<vmem_shared>> -> memref<80x128xf32, #tpu.memory_space<vmem_shared>>
    tpu.enqueue_dma source(%arg13 : memref<80x128xf32, #tpu.memory_space<vmem>>) target(%dma_start3A_584 : memref<80x128xf32, #tpu.memory_space<vmem_shared>>) target_semaphore(%arg22 : memref<!tpu.dma_semaphore, #tpu.memory_space<semaphore_mem>>)
    %mul3A_585 = arith.constant 640 : i32
    %mul3A_586 = arith.muli %arg1, %mul3A_585 : i32
    %add3A_587 = arith.constant 320 : i32
    %add3A_588 = arith.addi %mul3A_586, %add3A_587 : i32
    %dma_start3A_589 = arith.constant 0 : i32
    %dma_start3A_590 = tpu.memref_slice %arg20[%add3A_588, %dma_start3A_589] : memref<10240x128xf32, #tpu.memory_space<vmem_shared>> -> memref<80x128xf32, #tpu.memory_space<vmem_shared>>
    %dma_start3A_591 = arith.constant 0 : i32
    %dma_start3A_592 = tpu.memref_slice %arg20[%add3A_588, %dma_start3A_591] : memref<10240x128xf32, #tpu.memory_space<vmem_shared>> -> memref<80x128xf32, #tpu.memory_space<vmem_shared>>
    tpu.enqueue_dma source(%arg13 : memref<80x128xf32, #tpu.memory_space<vmem>>) target(%dma_start3A_592 : memref<80x128xf32, #tpu.memory_space<vmem_shared>>) target_semaphore(%arg22 : memref<!tpu.dma_semaphore, #tpu.memory_space<semaphore_mem>>)
    %mul3A_593 = arith.constant 640 : i32
    %mul3A_594 = arith.muli %arg1, %mul3A_593 : i32
    %add3A_595 = arith.constant 400 : i32
    %add3A_596 = arith.addi %mul3A_594, %add3A_595 : i32
    %dma_start3A_597 = arith.constant 0 : i32
    %dma_start3A_598 = tpu.memref_slice %arg20[%add3A_596, %dma_start3A_597] : memref<10240x128xf32, #tpu.memory_space<vmem_shared>> -> memref<80x128xf32, #tpu.memory_space<vmem_shared>>
    %dma_start3A_599 = arith.constant 0 : i32
    %dma_start3A_600 = tpu.memref_slice %arg20[%add3A_596, %dma_start3A_599] : memref<10240x128xf32, #tpu.memory_space<vmem_shared>> -> memref<80x128xf32, #tpu.memory_space<vmem_shared>>
    tpu.enqueue_dma source(%arg13 : memref<80x128xf32, #tpu.memory_space<vmem>>) target(%dma_start3A_600 : memref<80x128xf32, #tpu.memory_space<vmem_shared>>) target_semaphore(%arg22 : memref<!tpu.dma_semaphore, #tpu.memory_space<semaphore_mem>>)
    %mul3A_601 = arith.constant 640 : i32
    %mul3A_602 = arith.muli %arg1, %mul3A_601 : i32
    %add3A_603 = arith.constant 480 : i32
    %add3A_604 = arith.addi %mul3A_602, %add3A_603 : i32
    %dma_start3A_605 = arith.constant 0 : i32
    %dma_start3A_606 = tpu.memref_slice %arg20[%add3A_604, %dma_start3A_605] : memref<10240x128xf32, #tpu.memory_space<vmem_shared>> -> memref<80x128xf32, #tpu.memory_space<vmem_shared>>
    %dma_start3A_607 = arith.constant 0 : i32
    %dma_start3A_608 = tpu.memref_slice %arg20[%add3A_604, %dma_start3A_607] : memref<10240x128xf32, #tpu.memory_space<vmem_shared>> -> memref<80x128xf32, #tpu.memory_space<vmem_shared>>
    tpu.enqueue_dma source(%arg13 : memref<80x128xf32, #tpu.memory_space<vmem>>) target(%dma_start3A_608 : memref<80x128xf32, #tpu.memory_space<vmem_shared>>) target_semaphore(%arg22 : memref<!tpu.dma_semaphore, #tpu.memory_space<semaphore_mem>>)
    %mul3A_609 = arith.constant 640 : i32
    %mul3A_610 = arith.muli %arg1, %mul3A_609 : i32
    %add3A_611 = arith.constant 560 : i32
    %add3A_612 = arith.addi %mul3A_610, %add3A_611 : i32
    %dma_start3A_613 = arith.constant 0 : i32
    %dma_start3A_614 = tpu.memref_slice %arg20[%add3A_612, %dma_start3A_613] : memref<10240x128xf32, #tpu.memory_space<vmem_shared>> -> memref<80x128xf32, #tpu.memory_space<vmem_shared>>
    %dma_start3A_615 = arith.constant 0 : i32
    %dma_start3A_616 = tpu.memref_slice %arg20[%add3A_612, %dma_start3A_615] : memref<10240x128xf32, #tpu.memory_space<vmem_shared>> -> memref<80x128xf32, #tpu.memory_space<vmem_shared>>
    tpu.enqueue_dma source(%arg13 : memref<80x128xf32, #tpu.memory_space<vmem>>) target(%dma_start3A_616 : memref<80x128xf32, #tpu.memory_space<vmem_shared>>) target_semaphore(%arg22 : memref<!tpu.dma_semaphore, #tpu.memory_space<semaphore_mem>>)
    %dma_wait3A_617 = arith.constant 0 : i32
    %dma_wait3A_618 = tpu.memref_slice %arg20[%add3A_556, %dma_wait3A_617] : memref<10240x128xf32, #tpu.memory_space<vmem_shared>> -> memref<80x128xf32, #tpu.memory_space<vmem_shared>>
    %dma_wait3A_619 = arith.constant 0 : i32
    %dma_wait3A_620 = tpu.memref_slice %arg20[%add3A_556, %dma_wait3A_619] : memref<10240x128xf32, #tpu.memory_space<vmem_shared>> -> memref<80x128xf32, #tpu.memory_space<vmem_shared>>
    tpu.wait_dma2 semaphore(%arg22 : memref<!tpu.dma_semaphore, #tpu.memory_space<semaphore_mem>>) src(%arg13 : memref<80x128xf32, #tpu.memory_space<vmem>>) dst(%dma_wait3A_620 : memref<80x128xf32, #tpu.memory_space<vmem_shared>>)
    %dma_wait3A_621 = arith.constant 0 : i32
    %dma_wait3A_622 = tpu.memref_slice %arg20[%add3A_564, %dma_wait3A_621] : memref<10240x128xf32, #tpu.memory_space<vmem_shared>> -> memref<80x128xf32, #tpu.memory_space<vmem_shared>>
    %dma_wait3A_623 = arith.constant 0 : i32
    %dma_wait3A_624 = tpu.memref_slice %arg20[%add3A_564, %dma_wait3A_623] : memref<10240x128xf32, #tpu.memory_space<vmem_shared>> -> memref<80x128xf32, #tpu.memory_space<vmem_shared>>
    tpu.wait_dma2 semaphore(%arg22 : memref<!tpu.dma_semaphore, #tpu.memory_space<semaphore_mem>>) src(%arg13 : memref<80x128xf32, #tpu.memory_space<vmem>>) dst(%dma_wait3A_624 : memref<80x128xf32, #tpu.memory_space<vmem_shared>>)
    %dma_wait3A_625 = arith.constant 0 : i32
    %dma_wait3A_626 = tpu.memref_slice %arg20[%add3A_572, %dma_wait3A_625] : memref<10240x128xf32, #tpu.memory_space<vmem_shared>> -> memref<80x128xf32, #tpu.memory_space<vmem_shared>>
    %dma_wait3A_627 = arith.constant 0 : i32
    %dma_wait3A_628 = tpu.memref_slice %arg20[%add3A_572, %dma_wait3A_627] : memref<10240x128xf32, #tpu.memory_space<vmem_shared>> -> memref<80x128xf32, #tpu.memory_space<vmem_shared>>
    tpu.wait_dma2 semaphore(%arg22 : memref<!tpu.dma_semaphore, #tpu.memory_space<semaphore_mem>>) src(%arg13 : memref<80x128xf32, #tpu.memory_space<vmem>>) dst(%dma_wait3A_628 : memref<80x128xf32, #tpu.memory_space<vmem_shared>>)
    %dma_wait3A_629 = arith.constant 0 : i32
    %dma_wait3A_630 = tpu.memref_slice %arg20[%add3A_580, %dma_wait3A_629] : memref<10240x128xf32, #tpu.memory_space<vmem_shared>> -> memref<80x128xf32, #tpu.memory_space<vmem_shared>>
    %dma_wait3A_631 = arith.constant 0 : i32
    %dma_wait3A_632 = tpu.memref_slice %arg20[%add3A_580, %dma_wait3A_631] : memref<10240x128xf32, #tpu.memory_space<vmem_shared>> -> memref<80x128xf32, #tpu.memory_space<vmem_shared>>
    tpu.wait_dma2 semaphore(%arg22 : memref<!tpu.dma_semaphore, #tpu.memory_space<semaphore_mem>>) src(%arg13 : memref<80x128xf32, #tpu.memory_space<vmem>>) dst(%dma_wait3A_632 : memref<80x128xf32, #tpu.memory_space<vmem_shared>>)
    %dma_wait3A_633 = arith.constant 0 : i32
    %dma_wait3A_634 = tpu.memref_slice %arg20[%add3A_588, %dma_wait3A_633] : memref<10240x128xf32, #tpu.memory_space<vmem_shared>> -> memref<80x128xf32, #tpu.memory_space<vmem_shared>>
    %dma_wait3A_635 = arith.constant 0 : i32
    %dma_wait3A_636 = tpu.memref_slice %arg20[%add3A_588, %dma_wait3A_635] : memref<10240x128xf32, #tpu.memory_space<vmem_shared>> -> memref<80x128xf32, #tpu.memory_space<vmem_shared>>
    tpu.wait_dma2 semaphore(%arg22 : memref<!tpu.dma_semaphore, #tpu.memory_space<semaphore_mem>>) src(%arg13 : memref<80x128xf32, #tpu.memory_space<vmem>>) dst(%dma_wait3A_636 : memref<80x128xf32, #tpu.memory_space<vmem_shared>>)
    %dma_wait3A_637 = arith.constant 0 : i32
    %dma_wait3A_638 = tpu.memref_slice %arg20[%add3A_596, %dma_wait3A_637] : memref<10240x128xf32, #tpu.memory_space<vmem_shared>> -> memref<80x128xf32, #tpu.memory_space<vmem_shared>>
    %dma_wait3A_639 = arith.constant 0 : i32
    %dma_wait3A_640 = tpu.memref_slice %arg20[%add3A_596, %dma_wait3A_639] : memref<10240x128xf32, #tpu.memory_space<vmem_shared>> -> memref<80x128xf32, #tpu.memory_space<vmem_shared>>
    tpu.wait_dma2 semaphore(%arg22 : memref<!tpu.dma_semaphore, #tpu.memory_space<semaphore_mem>>) src(%arg13 : memref<80x128xf32, #tpu.memory_space<vmem>>) dst(%dma_wait3A_640 : memref<80x128xf32, #tpu.memory_space<vmem_shared>>)
    %dma_wait3A_641 = arith.constant 0 : i32
    %dma_wait3A_642 = tpu.memref_slice %arg20[%add3A_604, %dma_wait3A_641] : memref<10240x128xf32, #tpu.memory_space<vmem_shared>> -> memref<80x128xf32, #tpu.memory_space<vmem_shared>>
    %dma_wait3A_643 = arith.constant 0 : i32
    %dma_wait3A_644 = tpu.memref_slice %arg20[%add3A_604, %dma_wait3A_643] : memref<10240x128xf32, #tpu.memory_space<vmem_shared>> -> memref<80x128xf32, #tpu.memory_space<vmem_shared>>
    tpu.wait_dma2 semaphore(%arg22 : memref<!tpu.dma_semaphore, #tpu.memory_space<semaphore_mem>>) src(%arg13 : memref<80x128xf32, #tpu.memory_space<vmem>>) dst(%dma_wait3A_644 : memref<80x128xf32, #tpu.memory_space<vmem_shared>>)
    %dma_wait3A_645 = arith.constant 0 : i32
    %dma_wait3A_646 = tpu.memref_slice %arg20[%add3A_612, %dma_wait3A_645] : memref<10240x128xf32, #tpu.memory_space<vmem_shared>> -> memref<80x128xf32, #tpu.memory_space<vmem_shared>>
    %dma_wait3A_647 = arith.constant 0 : i32
    %dma_wait3A_648 = tpu.memref_slice %arg20[%add3A_612, %dma_wait3A_647] : memref<10240x128xf32, #tpu.memory_space<vmem_shared>> -> memref<80x128xf32, #tpu.memory_space<vmem_shared>>
    tpu.wait_dma2 semaphore(%arg22 : memref<!tpu.dma_semaphore, #tpu.memory_space<semaphore_mem>>) src(%arg13 : memref<80x128xf32, #tpu.memory_space<vmem>>) dst(%dma_wait3A_648 : memref<80x128xf32, #tpu.memory_space<vmem_shared>>)
    %barrier3A_649 = arith.constant 0 : index
    tpu.barrier barrier_id(%barrier3A_649)
    %mul3A_650 = arith.constant 10000 : i32
    %mul3A_651 = arith.muli %add3A, %mul3A_650 : i32
    %add3A_652 = arith.constant 0 : i32
    %add3A_653 = arith.addi %mul3A_651, %add3A_652 : i32
    %dma_start3A_654 = tpu.memref_slice %arg4[%add3A_653] : memref<320000xi32, #tpu.memory_space<hbm>> -> memref<80xi32, #tpu.memory_space<hbm>>
    %dma_start3A_655 = tpu.memref_slice %arg4[%add3A_653] : memref<320000xi32, #tpu.memory_space<hbm>> -> memref<80xi32, #tpu.memory_space<hbm>>
    tpu.enqueue_dma source(%dma_start3A_655 : memref<80xi32, #tpu.memory_space<hbm>>) target(%arg12 : memref<80xi32, #tpu.memory_space<vmem>>) target_semaphore(%arg24 : memref<!tpu.dma_semaphore, #tpu.memory_space<semaphore_mem>>)
    %dma_start3A_656 = tpu.memref_slice %arg5[%add3A_653] : memref<320000xi32, #tpu.memory_space<hbm>> -> memref<80xi32, #tpu.memory_space<hbm>>
    %dma_start3A_657 = tpu.memref_slice %arg5[%add3A_653] : memref<320000xi32, #tpu.memory_space<hbm>> -> memref<80xi32, #tpu.memory_space<hbm>>
    tpu.enqueue_dma source(%dma_start3A_657 : memref<80xi32, #tpu.memory_space<hbm>>) target(%arg11 : memref<80xi32, #tpu.memory_space<vmem>>) target_semaphore(%arg24 : memref<!tpu.dma_semaphore, #tpu.memory_space<semaphore_mem>>)
    %mul3A_658 = arith.constant 10000 : i32
    %mul3A_659 = arith.muli %add3A, %mul3A_658 : i32
    %add3A_660 = arith.constant 80 : i32
    %add3A_661 = arith.addi %mul3A_659, %add3A_660 : i32
    %dma_start3A_662 = tpu.memref_slice %arg4[%add3A_661] : memref<320000xi32, #tpu.memory_space<hbm>> -> memref<80xi32, #tpu.memory_space<hbm>>
    %dma_start3A_663 = tpu.memref_slice %arg4[%add3A_661] : memref<320000xi32, #tpu.memory_space<hbm>> -> memref<80xi32, #tpu.memory_space<hbm>>
    tpu.enqueue_dma source(%dma_start3A_663 : memref<80xi32, #tpu.memory_space<hbm>>) target(%arg15 : memref<80xi32, #tpu.memory_space<vmem>>) target_semaphore(%arg25 : memref<!tpu.dma_semaphore, #tpu.memory_space<semaphore_mem>>)
    %dma_start3A_664 = tpu.memref_slice %arg5[%add3A_661] : memref<320000xi32, #tpu.memory_space<hbm>> -> memref<80xi32, #tpu.memory_space<hbm>>
    %dma_start3A_665 = tpu.memref_slice %arg5[%add3A_661] : memref<320000xi32, #tpu.memory_space<hbm>> -> memref<80xi32, #tpu.memory_space<hbm>>
    tpu.enqueue_dma source(%dma_start3A_665 : memref<80xi32, #tpu.memory_space<hbm>>) target(%arg14 : memref<80xi32, #tpu.memory_space<vmem>>) target_semaphore(%arg25 : memref<!tpu.dma_semaphore, #tpu.memory_space<semaphore_mem>>)
    %mul3A_666 = arith.constant 10000 : i32
    %mul3A_667 = arith.muli %add3A, %mul3A_666 : i32
    %add3A_668 = arith.constant 160 : i32
    %add3A_669 = arith.addi %mul3A_667, %add3A_668 : i32
    %dma_start3A_670 = tpu.memref_slice %arg4[%add3A_669] : memref<320000xi32, #tpu.memory_space<hbm>> -> memref<80xi32, #tpu.memory_space<hbm>>
    %dma_start3A_671 = tpu.memref_slice %arg4[%add3A_669] : memref<320000xi32, #tpu.memory_space<hbm>> -> memref<80xi32, #tpu.memory_space<hbm>>
    tpu.enqueue_dma source(%dma_start3A_671 : memref<80xi32, #tpu.memory_space<hbm>>) target(%arg18 : memref<80xi32, #tpu.memory_space<vmem>>) target_semaphore(%arg26 : memref<!tpu.dma_semaphore, #tpu.memory_space<semaphore_mem>>)
    %dma_start3A_672 = tpu.memref_slice %arg5[%add3A_669] : memref<320000xi32, #tpu.memory_space<hbm>> -> memref<80xi32, #tpu.memory_space<hbm>>
    %dma_start3A_673 = tpu.memref_slice %arg5[%add3A_669] : memref<320000xi32, #tpu.memory_space<hbm>> -> memref<80xi32, #tpu.memory_space<hbm>>
    tpu.enqueue_dma source(%dma_start3A_673 : memref<80xi32, #tpu.memory_space<hbm>>) target(%arg17 : memref<80xi32, #tpu.memory_space<vmem>>) target_semaphore(%arg26 : memref<!tpu.dma_semaphore, #tpu.memory_space<semaphore_mem>>)
    %dma_wait3A_674 = tpu.memref_slice %arg4[%add3A_653] : memref<320000xi32, #tpu.memory_space<hbm>> -> memref<80xi32, #tpu.memory_space<hbm>>
    %dma_wait3A_675 = tpu.memref_slice %arg4[%add3A_653] : memref<320000xi32, #tpu.memory_space<hbm>> -> memref<80xi32, #tpu.memory_space<hbm>>
    tpu.wait_dma2 semaphore(%arg24 : memref<!tpu.dma_semaphore, #tpu.memory_space<semaphore_mem>>) src(%dma_wait3A_675 : memref<80xi32, #tpu.memory_space<hbm>>) dst(%arg12 : memref<80xi32, #tpu.memory_space<vmem>>)
    %dma_wait3A_676 = tpu.memref_slice %arg5[%add3A_653] : memref<320000xi32, #tpu.memory_space<hbm>> -> memref<80xi32, #tpu.memory_space<hbm>>
    %dma_wait3A_677 = tpu.memref_slice %arg5[%add3A_653] : memref<320000xi32, #tpu.memory_space<hbm>> -> memref<80xi32, #tpu.memory_space<hbm>>
    tpu.wait_dma2 semaphore(%arg24 : memref<!tpu.dma_semaphore, #tpu.memory_space<semaphore_mem>>) src(%dma_wait3A_677 : memref<80xi32, #tpu.memory_space<hbm>>) dst(%arg11 : memref<80xi32, #tpu.memory_space<vmem>>)
    %dma_start3A_678 = arith.constant 0 : i32
    %dma_start3A_679 = arith.constant 0 : i32
    %dma_start3A_680 = tpu.memref_slice %arg3[%dma_start3A_678, %dma_start3A_679] : memref<10000x128xf32, #tpu.memory_space<hbm>> -> memref<10000x128xf32, #tpu.memory_space<hbm>>
    tpu.enqueue_indirect_dma source(%dma_start3A_680 : memref<10000x128xf32, #tpu.memory_space<hbm>>) target(%arg13 : memref<80x128xf32, #tpu.memory_space<vmem>>) offsets(%arg11 : memref<80xi32, #tpu.memory_space<vmem>>) semaphore(%arg21 : memref<!tpu.dma_semaphore, #tpu.memory_space<semaphore_mem>>)
    %dma_wait3A_681 = tpu.memref_slice %arg4[%add3A_661] : memref<320000xi32, #tpu.memory_space<hbm>> -> memref<80xi32, #tpu.memory_space<hbm>>
    %dma_wait3A_682 = tpu.memref_slice %arg4[%add3A_661] : memref<320000xi32, #tpu.memory_space<hbm>> -> memref<80xi32, #tpu.memory_space<hbm>>
    tpu.wait_dma2 semaphore(%arg25 : memref<!tpu.dma_semaphore, #tpu.memory_space<semaphore_mem>>) src(%dma_wait3A_682 : memref<80xi32, #tpu.memory_space<hbm>>) dst(%arg15 : memref<80xi32, #tpu.memory_space<vmem>>)
    %dma_wait3A_683 = tpu.memref_slice %arg5[%add3A_661] : memref<320000xi32, #tpu.memory_space<hbm>> -> memref<80xi32, #tpu.memory_space<hbm>>
    %dma_wait3A_684 = tpu.memref_slice %arg5[%add3A_661] : memref<320000xi32, #tpu.memory_space<hbm>> -> memref<80xi32, #tpu.memory_space<hbm>>
    tpu.wait_dma2 semaphore(%arg25 : memref<!tpu.dma_semaphore, #tpu.memory_space<semaphore_mem>>) src(%dma_wait3A_684 : memref<80xi32, #tpu.memory_space<hbm>>) dst(%arg14 : memref<80xi32, #tpu.memory_space<vmem>>)
    %dma_start3A_685 = arith.constant 0 : i32
    %dma_start3A_686 = arith.constant 0 : i32
    %dma_start3A_687 = tpu.memref_slice %arg3[%dma_start3A_685, %dma_start3A_686] : memref<10000x128xf32, #tpu.memory_space<hbm>> -> memref<10000x128xf32, #tpu.memory_space<hbm>>
    tpu.enqueue_indirect_dma source(%dma_start3A_687 : memref<10000x128xf32, #tpu.memory_space<hbm>>) target(%arg16 : memref<80x128xf32, #tpu.memory_space<vmem>>) offsets(%arg14 : memref<80xi32, #tpu.memory_space<vmem>>) semaphore(%arg22 : memref<!tpu.dma_semaphore, #tpu.memory_space<semaphore_mem>>)
    %scan3A_688 = arith.constant 0 : i32
    %scan3A_689 = arith.constant 0 : i32
    %scan3A_690 = arith.constant 40 : i32
    %scan3A_691 = arith.addi %scan3A_689, %scan3A_690 : i32
    %scan3A_692 = arith.constant 1 : i32
    scf.for %scan3A_875 = %scan3A_689 to %scan3A_691 step %scan3A_692  : i32 {
      %mul3A_876 = arith.constant 3 : i32
      %mul3A_877 = arith.muli %mul3A_876, %scan3A_875 : i32
      %dma_wait3A_878 = arith.constant 0 : i32
      %dma_wait3A_879 = arith.constant 0 : i32
      %dma_wait3A_880 = tpu.memref_slice %arg3[%dma_wait3A_878, %dma_wait3A_879] : memref<10000x128xf32, #tpu.memory_space<hbm>> -> memref<10000x128xf32, #tpu.memory_space<hbm>>
      tpu.wait_indirect_dma semaphore(%arg21 : memref<!tpu.dma_semaphore, #tpu.memory_space<semaphore_mem>>) src(%dma_wait3A_880 : memref<10000x128xf32, #tpu.memory_space<hbm>>) dst(%arg13 : memref<80x128xf32, #tpu.memory_space<vmem>>)
      "tpu.region"() ({
        %run_scoped3A = tpu.sem_alloc : memref<!tpu.dma_semaphore, #tpu.memory_space<semaphore_mem>>
        %dma_start3A_941 = arith.constant 0 : i32
        %dma_start3A_942 = arith.constant 0 : i32
        %dma_start3A_943 = tpu.memref_slice %arg20[%dma_start3A_941, %dma_start3A_942] : memref<10240x128xf32, #tpu.memory_space<vmem_shared>> -> memref<10240x128xf32, #tpu.memory_space<vmem_shared>>
        tpu.enqueue_indirect_dma source(%arg13 : memref<80x128xf32, #tpu.memory_space<vmem>>) target(%dma_start3A_943 : memref<10240x128xf32, #tpu.memory_space<vmem_shared>>) offsets(%arg12 : memref<80xi32, #tpu.memory_space<vmem>>) semaphore(%run_scoped3A : memref<!tpu.dma_semaphore, #tpu.memory_space<semaphore_mem>>) {add = true}
        %dma_wait3A_944 = arith.constant 0 : i32
        %dma_wait3A_945 = arith.constant 0 : i32
        %dma_wait3A_946 = tpu.memref_slice %arg20[%dma_wait3A_944, %dma_wait3A_945] : memref<10240x128xf32, #tpu.memory_space<vmem_shared>> -> memref<10240x128xf32, #tpu.memory_space<vmem_shared>>
        tpu.wait_indirect_dma semaphore(%run_scoped3A : memref<!tpu.dma_semaphore, #tpu.memory_space<semaphore_mem>>) src(%arg13 : memref<80x128xf32, #tpu.memory_space<vmem>>) dst(%dma_wait3A_946 : memref<10240x128xf32, #tpu.memory_space<vmem_shared>>)
        tpu.yield
      }) : () -> ()
      %add3A_881 = arith.constant 3 : i32
      %add3A_882 = arith.addi %mul3A_877, %add3A_881 : i32
      %mul3A_883 = arith.constant 10000 : i32
      %mul3A_884 = arith.muli %add3A, %mul3A_883 : i32
      %mul3A_885 = arith.constant 80 : i32
      %mul3A_886 = arith.muli %add3A_882, %mul3A_885 : i32
      %add3A_887 = arith.addi %mul3A_884, %mul3A_886 : i32
      %dma_start3A_888 = tpu.memref_slice %arg4[%add3A_887] : memref<320000xi32, #tpu.memory_space<hbm>> -> memref<80xi32, #tpu.memory_space<hbm>>
      %dma_start3A_889 = tpu.memref_slice %arg4[%add3A_887] : memref<320000xi32, #tpu.memory_space<hbm>> -> memref<80xi32, #tpu.memory_space<hbm>>
      tpu.enqueue_dma source(%dma_start3A_889 : memref<80xi32, #tpu.memory_space<hbm>>) target(%arg12 : memref<80xi32, #tpu.memory_space<vmem>>) target_semaphore(%arg24 : memref<!tpu.dma_semaphore, #tpu.memory_space<semaphore_mem>>)
      %dma_start3A_890 = tpu.memref_slice %arg5[%add3A_887] : memref<320000xi32, #tpu.memory_space<hbm>> -> memref<80xi32, #tpu.memory_space<hbm>>
      %dma_start3A_891 = tpu.memref_slice %arg5[%add3A_887] : memref<320000xi32, #tpu.memory_space<hbm>> -> memref<80xi32, #tpu.memory_space<hbm>>
      tpu.enqueue_dma source(%dma_start3A_891 : memref<80xi32, #tpu.memory_space<hbm>>) target(%arg11 : memref<80xi32, #tpu.memory_space<vmem>>) target_semaphore(%arg24 : memref<!tpu.dma_semaphore, #tpu.memory_space<semaphore_mem>>)
      %dma_wait3A_892 = tpu.memref_slice %arg4[%add3A_669] : memref<320000xi32, #tpu.memory_space<hbm>> -> memref<80xi32, #tpu.memory_space<hbm>>
      %dma_wait3A_893 = tpu.memref_slice %arg4[%add3A_669] : memref<320000xi32, #tpu.memory_space<hbm>> -> memref<80xi32, #tpu.memory_space<hbm>>
      tpu.wait_dma2 semaphore(%arg26 : memref<!tpu.dma_semaphore, #tpu.memory_space<semaphore_mem>>) src(%dma_wait3A_893 : memref<80xi32, #tpu.memory_space<hbm>>) dst(%arg18 : memref<80xi32, #tpu.memory_space<vmem>>)
      %dma_wait3A_894 = tpu.memref_slice %arg5[%add3A_669] : memref<320000xi32, #tpu.memory_space<hbm>> -> memref<80xi32, #tpu.memory_space<hbm>>
      %dma_wait3A_895 = tpu.memref_slice %arg5[%add3A_669] : memref<320000xi32, #tpu.memory_space<hbm>> -> memref<80xi32, #tpu.memory_space<hbm>>
      tpu.wait_dma2 semaphore(%arg26 : memref<!tpu.dma_semaphore, #tpu.memory_space<semaphore_mem>>) src(%dma_wait3A_895 : memref<80xi32, #tpu.memory_space<hbm>>) dst(%arg17 : memref<80xi32, #tpu.memory_space<vmem>>)
      %dma_start3A_896 = arith.constant 0 : i32
      %dma_start3A_897 = arith.constant 0 : i32
      %dma_start3A_898 = tpu.memref_slice %arg3[%dma_start3A_896, %dma_start3A_897] : memref<10000x128xf32, #tpu.memory_space<hbm>> -> memref<10000x128xf32, #tpu.memory_space<hbm>>
      tpu.enqueue_indirect_dma source(%dma_start3A_898 : memref<10000x128xf32, #tpu.memory_space<hbm>>) target(%arg19 : memref<80x128xf32, #tpu.memory_space<vmem>>) offsets(%arg17 : memref<80xi32, #tpu.memory_space<vmem>>) semaphore(%arg23 : memref<!tpu.dma_semaphore, #tpu.memory_space<semaphore_mem>>)
      %dma_wait3A_899 = arith.constant 0 : i32
      %dma_wait3A_900 = arith.constant 0 : i32
      %dma_wait3A_901 = tpu.memref_slice %arg3[%dma_wait3A_899, %dma_wait3A_900] : memref<10000x128xf32, #tpu.memory_space<hbm>> -> memref<10000x128xf32, #tpu.memory_space<hbm>>
      tpu.wait_indirect_dma semaphore(%arg22 : memref<!tpu.dma_semaphore, #tpu.memory_space<semaphore_mem>>) src(%dma_wait3A_901 : memref<10000x128xf32, #tpu.memory_space<hbm>>) dst(%arg16 : memref<80x128xf32, #tpu.memory_space<vmem>>)
      "tpu.region"() ({
        %run_scoped3A = tpu.sem_alloc : memref<!tpu.dma_semaphore, #tpu.memory_space<semaphore_mem>>
        %dma_start3A_941 = arith.constant 0 : i32
        %dma_start3A_942 = arith.constant 0 : i32
        %dma_start3A_943 = tpu.memref_slice %arg20[%dma_start3A_941, %dma_start3A_942] : memref<10240x128xf32, #tpu.memory_space<vmem_shared>> -> memref<10240x128xf32, #tpu.memory_space<vmem_shared>>
        tpu.enqueue_indirect_dma source(%arg16 : memref<80x128xf32, #tpu.memory_space<vmem>>) target(%dma_start3A_943 : memref<10240x128xf32, #tpu.memory_space<vmem_shared>>) offsets(%arg15 : memref<80xi32, #tpu.memory_space<vmem>>) semaphore(%run_scoped3A : memref<!tpu.dma_semaphore, #tpu.memory_space<semaphore_mem>>) {add = true}
        %dma_wait3A_944 = arith.constant 0 : i32
        %dma_wait3A_945 = arith.constant 0 : i32
        %dma_wait3A_946 = tpu.memref_slice %arg20[%dma_wait3A_944, %dma_wait3A_945] : memref<10240x128xf32, #tpu.memory_space<vmem_shared>> -> memref<10240x128xf32, #tpu.memory_space<vmem_shared>>
        tpu.wait_indirect_dma semaphore(%run_scoped3A : memref<!tpu.dma_semaphore, #tpu.memory_space<semaphore_mem>>) src(%arg16 : memref<80x128xf32, #tpu.memory_space<vmem>>) dst(%dma_wait3A_946 : memref<10240x128xf32, #tpu.memory_space<vmem_shared>>)
        tpu.yield
      }) : () -> ()
      %add3A_902 = arith.constant 4 : i32
      %add3A_903 = arith.addi %mul3A_877, %add3A_902 : i32
      %mul3A_904 = arith.constant 10000 : i32
      %mul3A_905 = arith.muli %add3A, %mul3A_904 : i32
      %mul3A_906 = arith.constant 80 : i32
      %mul3A_907 = arith.muli %add3A_903, %mul3A_906 : i32
      %add3A_908 = arith.addi %mul3A_905, %mul3A_907 : i32
      %dma_start3A_909 = tpu.memref_slice %arg4[%add3A_908] : memref<320000xi32, #tpu.memory_space<hbm>> -> memref<80xi32, #tpu.memory_space<hbm>>
      %dma_start3A_910 = tpu.memref_slice %arg4[%add3A_908] : memref<320000xi32, #tpu.memory_space<hbm>> -> memref<80xi32, #tpu.memory_space<hbm>>
      tpu.enqueue_dma source(%dma_start3A_910 : memref<80xi32, #tpu.memory_space<hbm>>) target(%arg15 : memref<80xi32, #tpu.memory_space<vmem>>) target_semaphore(%arg25 : memref<!tpu.dma_semaphore, #tpu.memory_space<semaphore_mem>>)
      %dma_start3A_911 = tpu.memref_slice %arg5[%add3A_908] : memref<320000xi32, #tpu.memory_space<hbm>> -> memref<80xi32, #tpu.memory_space<hbm>>
      %dma_start3A_912 = tpu.memref_slice %arg5[%add3A_908] : memref<320000xi32, #tpu.memory_space<hbm>> -> memref<80xi32, #tpu.memory_space<hbm>>
      tpu.enqueue_dma source(%dma_start3A_912 : memref<80xi32, #tpu.memory_space<hbm>>) target(%arg14 : memref<80xi32, #tpu.memory_space<vmem>>) target_semaphore(%arg25 : memref<!tpu.dma_semaphore, #tpu.memory_space<semaphore_mem>>)
      %dma_wait3A_913 = tpu.memref_slice %arg4[%add3A_653] : memref<320000xi32, #tpu.memory_space<hbm>> -> memref<80xi32, #tpu.memory_space<hbm>>
      %dma_wait3A_914 = tpu.memref_slice %arg4[%add3A_653] : memref<320000xi32, #tpu.memory_space<hbm>> -> memref<80xi32, #tpu.memory_space<hbm>>
      tpu.wait_dma2 semaphore(%arg24 : memref<!tpu.dma_semaphore, #tpu.memory_space<semaphore_mem>>) src(%dma_wait3A_914 : memref<80xi32, #tpu.memory_space<hbm>>) dst(%arg12 : memref<80xi32, #tpu.memory_space<vmem>>)
      %dma_wait3A_915 = tpu.memref_slice %arg5[%add3A_653] : memref<320000xi32, #tpu.memory_space<hbm>> -> memref<80xi32, #tpu.memory_space<hbm>>
      %dma_wait3A_916 = tpu.memref_slice %arg5[%add3A_653] : memref<320000xi32, #tpu.memory_space<hbm>> -> memref<80xi32, #tpu.memory_space<hbm>>
      tpu.wait_dma2 semaphore(%arg24 : memref<!tpu.dma_semaphore, #tpu.memory_space<semaphore_mem>>) src(%dma_wait3A_916 : memref<80xi32, #tpu.memory_space<hbm>>) dst(%arg11 : memref<80xi32, #tpu.memory_space<vmem>>)
      %dma_start3A_917 = arith.constant 0 : i32
      %dma_start3A_918 = arith.constant 0 : i32
      %dma_start3A_919 = tpu.memref_slice %arg3[%dma_start3A_917, %dma_start3A_918] : memref<10000x128xf32, #tpu.memory_space<hbm>> -> memref<10000x128xf32, #tpu.memory_space<hbm>>
      tpu.enqueue_indirect_dma source(%dma_start3A_919 : memref<10000x128xf32, #tpu.memory_space<hbm>>) target(%arg13 : memref<80x128xf32, #tpu.memory_space<vmem>>) offsets(%arg11 : memref<80xi32, #tpu.memory_space<vmem>>) semaphore(%arg21 : memref<!tpu.dma_semaphore, #tpu.memory_space<semaphore_mem>>)
      %dma_wait3A_920 = arith.constant 0 : i32
      %dma_wait3A_921 = arith.constant 0 : i32
      %dma_wait3A_922 = tpu.memref_slice %arg3[%dma_wait3A_920, %dma_wait3A_921] : memref<10000x128xf32, #tpu.memory_space<hbm>> -> memref<10000x128xf32, #tpu.memory_space<hbm>>
      tpu.wait_indirect_dma semaphore(%arg23 : memref<!tpu.dma_semaphore, #tpu.memory_space<semaphore_mem>>) src(%dma_wait3A_922 : memref<10000x128xf32, #tpu.memory_space<hbm>>) dst(%arg19 : memref<80x128xf32, #tpu.memory_space<vmem>>)
      "tpu.region"() ({
        %run_scoped3A = tpu.sem_alloc : memref<!tpu.dma_semaphore, #tpu.memory_space<semaphore_mem>>
        %dma_start3A_941 = arith.constant 0 : i32
        %dma_start3A_942 = arith.constant 0 : i32
        %dma_start3A_943 = tpu.memref_slice %arg20[%dma_start3A_941, %dma_start3A_942] : memref<10240x128xf32, #tpu.memory_space<vmem_shared>> -> memref<10240x128xf32, #tpu.memory_space<vmem_shared>>
        tpu.enqueue_indirect_dma source(%arg19 : memref<80x128xf32, #tpu.memory_space<vmem>>) target(%dma_start3A_943 : memref<10240x128xf32, #tpu.memory_space<vmem_shared>>) offsets(%arg18 : memref<80xi32, #tpu.memory_space<vmem>>) semaphore(%run_scoped3A : memref<!tpu.dma_semaphore, #tpu.memory_space<semaphore_mem>>) {add = true}
        %dma_wait3A_944 = arith.constant 0 : i32
        %dma_wait3A_945 = arith.constant 0 : i32
        %dma_wait3A_946 = tpu.memref_slice %arg20[%dma_wait3A_944, %dma_wait3A_945] : memref<10240x128xf32, #tpu.memory_space<vmem_shared>> -> memref<10240x128xf32, #tpu.memory_space<vmem_shared>>
        tpu.wait_indirect_dma semaphore(%run_scoped3A : memref<!tpu.dma_semaphore, #tpu.memory_space<semaphore_mem>>) src(%arg19 : memref<80x128xf32, #tpu.memory_space<vmem>>) dst(%dma_wait3A_946 : memref<10240x128xf32, #tpu.memory_space<vmem_shared>>)
        tpu.yield
      }) : () -> ()
      %add3A_923 = arith.constant 5 : i32
      %add3A_924 = arith.addi %mul3A_877, %add3A_923 : i32
      %mul3A_925 = arith.constant 10000 : i32
      %mul3A_926 = arith.muli %add3A, %mul3A_925 : i32
      %mul3A_927 = arith.constant 80 : i32
      %mul3A_928 = arith.muli %add3A_924, %mul3A_927 : i32
      %add3A_929 = arith.addi %mul3A_926, %mul3A_928 : i32
      %dma_start3A_930 = tpu.memref_slice %arg4[%add3A_929] : memref<320000xi32, #tpu.memory_space<hbm>> -> memref<80xi32, #tpu.memory_space<hbm>>
      %dma_start3A_931 = tpu.memref_slice %arg4[%add3A_929] : memref<320000xi32, #tpu.memory_space<hbm>> -> memref<80xi32, #tpu.memory_space<hbm>>
      tpu.enqueue_dma source(%dma_start3A_931 : memref<80xi32, #tpu.memory_space<hbm>>) target(%arg18 : memref<80xi32, #tpu.memory_space<vmem>>) target_semaphore(%arg26 : memref<!tpu.dma_semaphore, #tpu.memory_space<semaphore_mem>>)
      %dma_start3A_932 = tpu.memref_slice %arg5[%add3A_929] : memref<320000xi32, #tpu.memory_space<hbm>> -> memref<80xi32, #tpu.memory_space<hbm>>
      %dma_start3A_933 = tpu.memref_slice %arg5[%add3A_929] : memref<320000xi32, #tpu.memory_space<hbm>> -> memref<80xi32, #tpu.memory_space<hbm>>
      tpu.enqueue_dma source(%dma_start3A_933 : memref<80xi32, #tpu.memory_space<hbm>>) target(%arg17 : memref<80xi32, #tpu.memory_space<vmem>>) target_semaphore(%arg26 : memref<!tpu.dma_semaphore, #tpu.memory_space<semaphore_mem>>)
      %dma_wait3A_934 = tpu.memref_slice %arg4[%add3A_661] : memref<320000xi32, #tpu.memory_space<hbm>> -> memref<80xi32, #tpu.memory_space<hbm>>
      %dma_wait3A_935 = tpu.memref_slice %arg4[%add3A_661] : memref<320000xi32, #tpu.memory_space<hbm>> -> memref<80xi32, #tpu.memory_space<hbm>>
      tpu.wait_dma2 semaphore(%arg25 : memref<!tpu.dma_semaphore, #tpu.memory_space<semaphore_mem>>) src(%dma_wait3A_935 : memref<80xi32, #tpu.memory_space<hbm>>) dst(%arg15 : memref<80xi32, #tpu.memory_space<vmem>>)
      %dma_wait3A_936 = tpu.memref_slice %arg5[%add3A_661] : memref<320000xi32, #tpu.memory_space<hbm>> -> memref<80xi32, #tpu.memory_space<hbm>>
      %dma_wait3A_937 = tpu.memref_slice %arg5[%add3A_661] : memref<320000xi32, #tpu.memory_space<hbm>> -> memref<80xi32, #tpu.memory_space<hbm>>
      tpu.wait_dma2 semaphore(%arg25 : memref<!tpu.dma_semaphore, #tpu.memory_space<semaphore_mem>>) src(%dma_wait3A_937 : memref<80xi32, #tpu.memory_space<hbm>>) dst(%arg14 : memref<80xi32, #tpu.memory_space<vmem>>)
      %dma_start3A_938 = arith.constant 0 : i32
      %dma_start3A_939 = arith.constant 0 : i32
      %dma_start3A_940 = tpu.memref_slice %arg3[%dma_start3A_938, %dma_start3A_939] : memref<10000x128xf32, #tpu.memory_space<hbm>> -> memref<10000x128xf32, #tpu.memory_space<hbm>>
      tpu.enqueue_indirect_dma source(%dma_start3A_940 : memref<10000x128xf32, #tpu.memory_space<hbm>>) target(%arg16 : memref<80x128xf32, #tpu.memory_space<vmem>>) offsets(%arg14 : memref<80xi32, #tpu.memory_space<vmem>>) semaphore(%arg22 : memref<!tpu.dma_semaphore, #tpu.memory_space<semaphore_mem>>)
    }
    %scan3A_693 = arith.constant 40 : i32
    %dma_wait3A_694 = arith.constant 0 : i32
    %dma_wait3A_695 = arith.constant 0 : i32
    %dma_wait3A_696 = tpu.memref_slice %arg3[%dma_wait3A_694, %dma_wait3A_695] : memref<10000x128xf32, #tpu.memory_space<hbm>> -> memref<10000x128xf32, #tpu.memory_space<hbm>>
    tpu.wait_indirect_dma semaphore(%arg21 : memref<!tpu.dma_semaphore, #tpu.memory_space<semaphore_mem>>) src(%dma_wait3A_696 : memref<10000x128xf32, #tpu.memory_space<hbm>>) dst(%arg13 : memref<80x128xf32, #tpu.memory_space<vmem>>)
    "tpu.region"() ({
      %run_scoped3A = tpu.sem_alloc : memref<!tpu.dma_semaphore, #tpu.memory_space<semaphore_mem>>
      %dma_start3A_875 = arith.constant 0 : i32
      %dma_start3A_876 = arith.constant 0 : i32
      %dma_start3A_877 = tpu.memref_slice %arg20[%dma_start3A_875, %dma_start3A_876] : memref<10240x128xf32, #tpu.memory_space<vmem_shared>> -> memref<10240x128xf32, #tpu.memory_space<vmem_shared>>
      tpu.enqueue_indirect_dma source(%arg13 : memref<80x128xf32, #tpu.memory_space<vmem>>) target(%dma_start3A_877 : memref<10240x128xf32, #tpu.memory_space<vmem_shared>>) offsets(%arg12 : memref<80xi32, #tpu.memory_space<vmem>>) semaphore(%run_scoped3A : memref<!tpu.dma_semaphore, #tpu.memory_space<semaphore_mem>>) {add = true}
      %dma_wait3A_878 = arith.constant 0 : i32
      %dma_wait3A_879 = arith.constant 0 : i32
      %dma_wait3A_880 = tpu.memref_slice %arg20[%dma_wait3A_878, %dma_wait3A_879] : memref<10240x128xf32, #tpu.memory_space<vmem_shared>> -> memref<10240x128xf32, #tpu.memory_space<vmem_shared>>
      tpu.wait_indirect_dma semaphore(%run_scoped3A : memref<!tpu.dma_semaphore, #tpu.memory_space<semaphore_mem>>) src(%arg13 : memref<80x128xf32, #tpu.memory_space<vmem>>) dst(%dma_wait3A_880 : memref<10240x128xf32, #tpu.memory_space<vmem_shared>>)
      tpu.yield
    }) : () -> ()
    %mul3A_697 = arith.constant 10000 : i32
    %mul3A_698 = arith.muli %add3A, %mul3A_697 : i32
    %add3A_699 = arith.constant 9840 : i32
    %add3A_700 = arith.addi %mul3A_698, %add3A_699 : i32
    %dma_start3A_701 = tpu.memref_slice %arg4[%add3A_700] : memref<320000xi32, #tpu.memory_space<hbm>> -> memref<80xi32, #tpu.memory_space<hbm>>
    %dma_start3A_702 = tpu.memref_slice %arg4[%add3A_700] : memref<320000xi32, #tpu.memory_space<hbm>> -> memref<80xi32, #tpu.memory_space<hbm>>
    tpu.enqueue_dma source(%dma_start3A_702 : memref<80xi32, #tpu.memory_space<hbm>>) target(%arg12 : memref<80xi32, #tpu.memory_space<vmem>>) target_semaphore(%arg24 : memref<!tpu.dma_semaphore, #tpu.memory_space<semaphore_mem>>)
    %dma_start3A_703 = tpu.memref_slice %arg5[%add3A_700] : memref<320000xi32, #tpu.memory_space<hbm>> -> memref<80xi32, #tpu.memory_space<hbm>>
    %dma_start3A_704 = tpu.memref_slice %arg5[%add3A_700] : memref<320000xi32, #tpu.memory_space<hbm>> -> memref<80xi32, #tpu.memory_space<hbm>>
    tpu.enqueue_dma source(%dma_start3A_704 : memref<80xi32, #tpu.memory_space<hbm>>) target(%arg11 : memref<80xi32, #tpu.memory_space<vmem>>) target_semaphore(%arg24 : memref<!tpu.dma_semaphore, #tpu.memory_space<semaphore_mem>>)
    %dma_wait3A_705 = tpu.memref_slice %arg4[%add3A_669] : memref<320000xi32, #tpu.memory_space<hbm>> -> memref<80xi32, #tpu.memory_space<hbm>>
    %dma_wait3A_706 = tpu.memref_slice %arg4[%add3A_669] : memref<320000xi32, #tpu.memory_space<hbm>> -> memref<80xi32, #tpu.memory_space<hbm>>
    tpu.wait_dma2 semaphore(%arg26 : memref<!tpu.dma_semaphore, #tpu.memory_space<semaphore_mem>>) src(%dma_wait3A_706 : memref<80xi32, #tpu.memory_space<hbm>>) dst(%arg18 : memref<80xi32, #tpu.memory_space<vmem>>)
    %dma_wait3A_707 = tpu.memref_slice %arg5[%add3A_669] : memref<320000xi32, #tpu.memory_space<hbm>> -> memref<80xi32, #tpu.memory_space<hbm>>
    %dma_wait3A_708 = tpu.memref_slice %arg5[%add3A_669] : memref<320000xi32, #tpu.memory_space<hbm>> -> memref<80xi32, #tpu.memory_space<hbm>>
    tpu.wait_dma2 semaphore(%arg26 : memref<!tpu.dma_semaphore, #tpu.memory_space<semaphore_mem>>) src(%dma_wait3A_708 : memref<80xi32, #tpu.memory_space<hbm>>) dst(%arg17 : memref<80xi32, #tpu.memory_space<vmem>>)
    %dma_start3A_709 = arith.constant 0 : i32
    %dma_start3A_710 = arith.constant 0 : i32
    %dma_start3A_711 = tpu.memref_slice %arg3[%dma_start3A_709, %dma_start3A_710] : memref<10000x128xf32, #tpu.memory_space<hbm>> -> memref<10000x128xf32, #tpu.memory_space<hbm>>
    tpu.enqueue_indirect_dma source(%dma_start3A_711 : memref<10000x128xf32, #tpu.memory_space<hbm>>) target(%arg19 : memref<80x128xf32, #tpu.memory_space<vmem>>) offsets(%arg17 : memref<80xi32, #tpu.memory_space<vmem>>) semaphore(%arg23 : memref<!tpu.dma_semaphore, #tpu.memory_space<semaphore_mem>>)
    %dma_wait3A_712 = arith.constant 0 : i32
    %dma_wait3A_713 = arith.constant 0 : i32
    %dma_wait3A_714 = tpu.memref_slice %arg3[%dma_wait3A_712, %dma_wait3A_713] : memref<10000x128xf32, #tpu.memory_space<hbm>> -> memref<10000x128xf32, #tpu.memory_space<hbm>>
    tpu.wait_indirect_dma semaphore(%arg22 : memref<!tpu.dma_semaphore, #tpu.memory_space<semaphore_mem>>) src(%dma_wait3A_714 : memref<10000x128xf32, #tpu.memory_space<hbm>>) dst(%arg16 : memref<80x128xf32, #tpu.memory_space<vmem>>)
    "tpu.region"() ({
      %run_scoped3A = tpu.sem_alloc : memref<!tpu.dma_semaphore, #tpu.memory_space<semaphore_mem>>
      %dma_start3A_875 = arith.constant 0 : i32
      %dma_start3A_876 = arith.constant 0 : i32
      %dma_start3A_877 = tpu.memref_slice %arg20[%dma_start3A_875, %dma_start3A_876] : memref<10240x128xf32, #tpu.memory_space<vmem_shared>> -> memref<10240x128xf32, #tpu.memory_space<vmem_shared>>
      tpu.enqueue_indirect_dma source(%arg16 : memref<80x128xf32, #tpu.memory_space<vmem>>) target(%dma_start3A_877 : memref<10240x128xf32, #tpu.memory_space<vmem_shared>>) offsets(%arg15 : memref<80xi32, #tpu.memory_space<vmem>>) semaphore(%run_scoped3A : memref<!tpu.dma_semaphore, #tpu.memory_space<semaphore_mem>>) {add = true}
      %dma_wait3A_878 = arith.constant 0 : i32
      %dma_wait3A_879 = arith.constant 0 : i32
      %dma_wait3A_880 = tpu.memref_slice %arg20[%dma_wait3A_878, %dma_wait3A_879] : memref<10240x128xf32, #tpu.memory_space<vmem_shared>> -> memref<10240x128xf32, #tpu.memory_space<vmem_shared>>
      tpu.wait_indirect_dma semaphore(%run_scoped3A : memref<!tpu.dma_semaphore, #tpu.memory_space<semaphore_mem>>) src(%arg16 : memref<80x128xf32, #tpu.memory_space<vmem>>) dst(%dma_wait3A_880 : memref<10240x128xf32, #tpu.memory_space<vmem_shared>>)
      tpu.yield
    }) : () -> ()
    %mul3A_715 = arith.constant 10000 : i32
    %mul3A_716 = arith.muli %add3A, %mul3A_715 : i32
    %add3A_717 = arith.constant 9920 : i32
    %add3A_718 = arith.addi %mul3A_716, %add3A_717 : i32
    %dma_start3A_719 = tpu.memref_slice %arg4[%add3A_718] : memref<320000xi32, #tpu.memory_space<hbm>> -> memref<80xi32, #tpu.memory_space<hbm>>
    %dma_start3A_720 = tpu.memref_slice %arg4[%add3A_718] : memref<320000xi32, #tpu.memory_space<hbm>> -> memref<80xi32, #tpu.memory_space<hbm>>
    tpu.enqueue_dma source(%dma_start3A_720 : memref<80xi32, #tpu.memory_space<hbm>>) target(%arg15 : memref<80xi32, #tpu.memory_space<vmem>>) target_semaphore(%arg25 : memref<!tpu.dma_semaphore, #tpu.memory_space<semaphore_mem>>)
    %dma_start3A_721 = tpu.memref_slice %arg5[%add3A_718] : memref<320000xi32, #tpu.memory_space<hbm>> -> memref<80xi32, #tpu.memory_space<hbm>>
    %dma_start3A_722 = tpu.memref_slice %arg5[%add3A_718] : memref<320000xi32, #tpu.memory_space<hbm>> -> memref<80xi32, #tpu.memory_space<hbm>>
    tpu.enqueue_dma source(%dma_start3A_722 : memref<80xi32, #tpu.memory_space<hbm>>) target(%arg14 : memref<80xi32, #tpu.memory_space<vmem>>) target_semaphore(%arg25 : memref<!tpu.dma_semaphore, #tpu.memory_space<semaphore_mem>>)
    %dma_wait3A_723 = tpu.memref_slice %arg4[%add3A_700] : memref<320000xi32, #tpu.memory_space<hbm>> -> memref<80xi32, #tpu.memory_space<hbm>>
    %dma_wait3A_724 = tpu.memref_slice %arg4[%add3A_700] : memref<320000xi32, #tpu.memory_space<hbm>> -> memref<80xi32, #tpu.memory_space<hbm>>
    tpu.wait_dma2 semaphore(%arg24 : memref<!tpu.dma_semaphore, #tpu.memory_space<semaphore_mem>>) src(%dma_wait3A_724 : memref<80xi32, #tpu.memory_space<hbm>>) dst(%arg12 : memref<80xi32, #tpu.memory_space<vmem>>)
    %dma_wait3A_725 = tpu.memref_slice %arg5[%add3A_700] : memref<320000xi32, #tpu.memory_space<hbm>> -> memref<80xi32, #tpu.memory_space<hbm>>
    %dma_wait3A_726 = tpu.memref_slice %arg5[%add3A_700] : memref<320000xi32, #tpu.memory_space<hbm>> -> memref<80xi32, #tpu.memory_space<hbm>>
    tpu.wait_dma2 semaphore(%arg24 : memref<!tpu.dma_semaphore, #tpu.memory_space<semaphore_mem>>) src(%dma_wait3A_726 : memref<80xi32, #tpu.memory_space<hbm>>) dst(%arg11 : memref<80xi32, #tpu.memory_space<vmem>>)
    %dma_start3A_727 = arith.constant 0 : i32
    %dma_start3A_728 = arith.constant 0 : i32
    %dma_start3A_729 = tpu.memref_slice %arg3[%dma_start3A_727, %dma_start3A_728] : memref<10000x128xf32, #tpu.memory_space<hbm>> -> memref<10000x128xf32, #tpu.memory_space<hbm>>
    tpu.enqueue_indirect_dma source(%dma_start3A_729 : memref<10000x128xf32, #tpu.memory_space<hbm>>) target(%arg13 : memref<80x128xf32, #tpu.memory_space<vmem>>) offsets(%arg11 : memref<80xi32, #tpu.memory_space<vmem>>) semaphore(%arg21 : memref<!tpu.dma_semaphore, #tpu.memory_space<semaphore_mem>>)
    %dma_wait3A_730 = arith.constant 0 : i32
    %dma_wait3A_731 = arith.constant 0 : i32
    %dma_wait3A_732 = tpu.memref_slice %arg3[%dma_wait3A_730, %dma_wait3A_731] : memref<10000x128xf32, #tpu.memory_space<hbm>> -> memref<10000x128xf32, #tpu.memory_space<hbm>>
    tpu.wait_indirect_dma semaphore(%arg23 : memref<!tpu.dma_semaphore, #tpu.memory_space<semaphore_mem>>) src(%dma_wait3A_732 : memref<10000x128xf32, #tpu.memory_space<hbm>>) dst(%arg19 : memref<80x128xf32, #tpu.memory_space<vmem>>)
    "tpu.region"() ({
      %run_scoped3A = tpu.sem_alloc : memref<!tpu.dma_semaphore, #tpu.memory_space<semaphore_mem>>
      %dma_start3A_875 = arith.constant 0 : i32
      %dma_start3A_876 = arith.constant 0 : i32
      %dma_start3A_877 = tpu.memref_slice %arg20[%dma_start3A_875, %dma_start3A_876] : memref<10240x128xf32, #tpu.memory_space<vmem_shared>> -> memref<10240x128xf32, #tpu.memory_space<vmem_shared>>
      tpu.enqueue_indirect_dma source(%arg19 : memref<80x128xf32, #tpu.memory_space<vmem>>) target(%dma_start3A_877 : memref<10240x128xf32, #tpu.memory_space<vmem_shared>>) offsets(%arg18 : memref<80xi32, #tpu.memory_space<vmem>>) semaphore(%run_scoped3A : memref<!tpu.dma_semaphore, #tpu.memory_space<semaphore_mem>>) {add = true}
      %dma_wait3A_878 = arith.constant 0 : i32
      %dma_wait3A_879 = arith.constant 0 : i32
      %dma_wait3A_880 = tpu.memref_slice %arg20[%dma_wait3A_878, %dma_wait3A_879] : memref<10240x128xf32, #tpu.memory_space<vmem_shared>> -> memref<10240x128xf32, #tpu.memory_space<vmem_shared>>
      tpu.wait_indirect_dma semaphore(%run_scoped3A : memref<!tpu.dma_semaphore, #tpu.memory_space<semaphore_mem>>) src(%arg19 : memref<80x128xf32, #tpu.memory_space<vmem>>) dst(%dma_wait3A_880 : memref<10240x128xf32, #tpu.memory_space<vmem_shared>>)
      tpu.yield
    }) : () -> ()
    %dma_wait3A_733 = tpu.memref_slice %arg4[%add3A_718] : memref<320000xi32, #tpu.memory_space<hbm>> -> memref<80xi32, #tpu.memory_space<hbm>>
    %dma_wait3A_734 = tpu.memref_slice %arg4[%add3A_718] : memref<320000xi32, #tpu.memory_space<hbm>> -> memref<80xi32, #tpu.memory_space<hbm>>
    tpu.wait_dma2 semaphore(%arg25 : memref<!tpu.dma_semaphore, #tpu.memory_space<semaphore_mem>>) src(%dma_wait3A_734 : memref<80xi32, #tpu.memory_space<hbm>>) dst(%arg15 : memref<80xi32, #tpu.memory_space<vmem>>)
    %dma_wait3A_735 = tpu.memref_slice %arg5[%add3A_718] : memref<320000xi32, #tpu.memory_space<hbm>> -> memref<80xi32, #tpu.memory_space<hbm>>
    %dma_wait3A_736 = tpu.memref_slice %arg5[%add3A_718] : memref<320000xi32, #tpu.memory_space<hbm>> -> memref<80xi32, #tpu.memory_space<hbm>>
    tpu.wait_dma2 semaphore(%arg25 : memref<!tpu.dma_semaphore, #tpu.memory_space<semaphore_mem>>) src(%dma_wait3A_736 : memref<80xi32, #tpu.memory_space<hbm>>) dst(%arg14 : memref<80xi32, #tpu.memory_space<vmem>>)
    %dma_start3A_737 = arith.constant 0 : i32
    %dma_start3A_738 = arith.constant 0 : i32
    %dma_start3A_739 = tpu.memref_slice %arg3[%dma_start3A_737, %dma_start3A_738] : memref<10000x128xf32, #tpu.memory_space<hbm>> -> memref<10000x128xf32, #tpu.memory_space<hbm>>
    tpu.enqueue_indirect_dma source(%dma_start3A_739 : memref<10000x128xf32, #tpu.memory_space<hbm>>) target(%arg16 : memref<80x128xf32, #tpu.memory_space<vmem>>) offsets(%arg14 : memref<80xi32, #tpu.memory_space<vmem>>) semaphore(%arg22 : memref<!tpu.dma_semaphore, #tpu.memory_space<semaphore_mem>>)
    %dma_wait3A_740 = arith.constant 0 : i32
    %dma_wait3A_741 = arith.constant 0 : i32
    %dma_wait3A_742 = tpu.memref_slice %arg3[%dma_wait3A_740, %dma_wait3A_741] : memref<10000x128xf32, #tpu.memory_space<hbm>> -> memref<10000x128xf32, #tpu.memory_space<hbm>>
    tpu.wait_indirect_dma semaphore(%arg21 : memref<!tpu.dma_semaphore, #tpu.memory_space<semaphore_mem>>) src(%dma_wait3A_742 : memref<10000x128xf32, #tpu.memory_space<hbm>>) dst(%arg13 : memref<80x128xf32, #tpu.memory_space<vmem>>)
    "tpu.region"() ({
      %run_scoped3A = tpu.sem_alloc : memref<!tpu.dma_semaphore, #tpu.memory_space<semaphore_mem>>
      %dma_start3A_875 = arith.constant 0 : i32
      %dma_start3A_876 = arith.constant 0 : i32
      %dma_start3A_877 = tpu.memref_slice %arg20[%dma_start3A_875, %dma_start3A_876] : memref<10240x128xf32, #tpu.memory_space<vmem_shared>> -> memref<10240x128xf32, #tpu.memory_space<vmem_shared>>
      tpu.enqueue_indirect_dma source(%arg13 : memref<80x128xf32, #tpu.memory_space<vmem>>) target(%dma_start3A_877 : memref<10240x128xf32, #tpu.memory_space<vmem_shared>>) offsets(%arg12 : memref<80xi32, #tpu.memory_space<vmem>>) semaphore(%run_scoped3A : memref<!tpu.dma_semaphore, #tpu.memory_space<semaphore_mem>>) {add = true}
      %dma_wait3A_878 = arith.constant 0 : i32
      %dma_wait3A_879 = arith.constant 0 : i32
      %dma_wait3A_880 = tpu.memref_slice %arg20[%dma_wait3A_878, %dma_wait3A_879] : memref<10240x128xf32, #tpu.memory_space<vmem_shared>> -> memref<10240x128xf32, #tpu.memory_space<vmem_shared>>
      tpu.wait_indirect_dma semaphore(%run_scoped3A : memref<!tpu.dma_semaphore, #tpu.memory_space<semaphore_mem>>) src(%arg13 : memref<80x128xf32, #tpu.memory_space<vmem>>) dst(%dma_wait3A_880 : memref<10240x128xf32, #tpu.memory_space<vmem_shared>>)
      tpu.yield
    }) : () -> ()
    %dma_wait3A_743 = arith.constant 0 : i32
    %dma_wait3A_744 = arith.constant 0 : i32
    %dma_wait3A_745 = tpu.memref_slice %arg3[%dma_wait3A_743, %dma_wait3A_744] : memref<10000x128xf32, #tpu.memory_space<hbm>> -> memref<10000x128xf32, #tpu.memory_space<hbm>>
    tpu.wait_indirect_dma semaphore(%arg22 : memref<!tpu.dma_semaphore, #tpu.memory_space<semaphore_mem>>) src(%dma_wait3A_745 : memref<10000x128xf32, #tpu.memory_space<hbm>>) dst(%arg16 : memref<80x128xf32, #tpu.memory_space<vmem>>)
    "tpu.region"() ({
      %run_scoped3A = tpu.sem_alloc : memref<!tpu.dma_semaphore, #tpu.memory_space<semaphore_mem>>
      %dma_start3A_875 = arith.constant 0 : i32
      %dma_start3A_876 = arith.constant 0 : i32
      %dma_start3A_877 = tpu.memref_slice %arg20[%dma_start3A_875, %dma_start3A_876] : memref<10240x128xf32, #tpu.memory_space<vmem_shared>> -> memref<10240x128xf32, #tpu.memory_space<vmem_shared>>
      tpu.enqueue_indirect_dma source(%arg16 : memref<80x128xf32, #tpu.memory_space<vmem>>) target(%dma_start3A_877 : memref<10240x128xf32, #tpu.memory_space<vmem_shared>>) offsets(%arg15 : memref<80xi32, #tpu.memory_space<vmem>>) semaphore(%run_scoped3A : memref<!tpu.dma_semaphore, #tpu.memory_space<semaphore_mem>>) {add = true}
      %dma_wait3A_878 = arith.constant 0 : i32
      %dma_wait3A_879 = arith.constant 0 : i32
      %dma_wait3A_880 = tpu.memref_slice %arg20[%dma_wait3A_878, %dma_wait3A_879] : memref<10240x128xf32, #tpu.memory_space<vmem_shared>> -> memref<10240x128xf32, #tpu.memory_space<vmem_shared>>
      tpu.wait_indirect_dma semaphore(%run_scoped3A : memref<!tpu.dma_semaphore, #tpu.memory_space<semaphore_mem>>) src(%arg16 : memref<80x128xf32, #tpu.memory_space<vmem>>) dst(%dma_wait3A_880 : memref<10240x128xf32, #tpu.memory_space<vmem_shared>>)
      tpu.yield
    }) : () -> ()
    %barrier3A_746 = arith.constant 0 : index
    tpu.barrier barrier_id(%barrier3A_746)
    %mul3A_747 = arith.constant 640 : i32
    %mul3A_748 = arith.muli %arg1, %mul3A_747 : i32
    %add3A_749 = arith.constant 0 : i32
    %add3A_750 = arith.addi %mul3A_748, %add3A_749 : i32
    "tpu.region"() ({
      %run_scoped3A = tpu.sem_alloc : memref<!tpu.dma_semaphore, #tpu.memory_space<semaphore_mem>>
      %dma_start3A_875 = arith.constant 0 : i32
      %dma_start3A_876 = tpu.memref_slice %arg20[%add3A_750, %dma_start3A_875] : memref<10240x128xf32, #tpu.memory_space<vmem_shared>> -> memref<80x128xf32, #tpu.memory_space<vmem_shared>>
      %dma_start3A_877 = arith.constant 0 : i32
      %dma_start3A_878 = tpu.memref_slice %arg20[%add3A_750, %dma_start3A_877] : memref<10240x128xf32, #tpu.memory_space<vmem_shared>> -> memref<80x128xf32, #tpu.memory_space<vmem_shared>>
      tpu.enqueue_dma source(%dma_start3A_878 : memref<80x128xf32, #tpu.memory_space<vmem_shared>>) target(%arg16 : memref<80x128xf32, #tpu.memory_space<vmem>>) target_semaphore(%run_scoped3A : memref<!tpu.dma_semaphore, #tpu.memory_space<semaphore_mem>>)
      %dma_wait3A_879 = arith.constant 0 : i32
      %dma_wait3A_880 = tpu.memref_slice %arg20[%add3A_750, %dma_wait3A_879] : memref<10240x128xf32, #tpu.memory_space<vmem_shared>> -> memref<80x128xf32, #tpu.memory_space<vmem_shared>>
      %dma_wait3A_881 = arith.constant 0 : i32
      %dma_wait3A_882 = tpu.memref_slice %arg20[%add3A_750, %dma_wait3A_881] : memref<10240x128xf32, #tpu.memory_space<vmem_shared>> -> memref<80x128xf32, #tpu.memory_space<vmem_shared>>
      tpu.wait_dma2 semaphore(%run_scoped3A : memref<!tpu.dma_semaphore, #tpu.memory_space<semaphore_mem>>) src(%dma_wait3A_882 : memref<80x128xf32, #tpu.memory_space<vmem_shared>>) dst(%arg16 : memref<80x128xf32, #tpu.memory_space<vmem>>)
      tpu.yield
    }) : () -> ()
    %dma_start3A_751 = arith.constant 0 : i32
    %dma_start3A_752 = tpu.memref_slice %arg9[%arg0, %add3A_750, %dma_start3A_751] : memref<2x10240x128xf32, #tpu.memory_space<hbm>> -> memref<1x80x128xf32, #tpu.memory_space<hbm>>
    %dma_start3A_753 = tpu.memref_squeeze %dma_start3A_752 : memref<1x80x128xf32, #tpu.memory_space<hbm>> -> memref<80x128xf32, #tpu.memory_space<hbm>>
    %dma_start3A_754 = arith.constant 0 : i32
    %dma_start3A_755 = tpu.memref_slice %arg9[%arg0, %add3A_750, %dma_start3A_754] : memref<2x10240x128xf32, #tpu.memory_space<hbm>> -> memref<1x80x128xf32, #tpu.memory_space<hbm>>
    %dma_start3A_756 = tpu.memref_squeeze %dma_start3A_755 : memref<1x80x128xf32, #tpu.memory_space<hbm>> -> memref<80x128xf32, #tpu.memory_space<hbm>>
    tpu.enqueue_dma source(%arg16 : memref<80x128xf32, #tpu.memory_space<vmem>>) target(%dma_start3A_756 : memref<80x128xf32, #tpu.memory_space<hbm>>) target_semaphore(%arg21 : memref<!tpu.dma_semaphore, #tpu.memory_space<semaphore_mem>>)
    %mul3A_757 = arith.constant 640 : i32
    %mul3A_758 = arith.muli %arg1, %mul3A_757 : i32
    %add3A_759 = arith.constant 80 : i32
    %add3A_760 = arith.addi %mul3A_758, %add3A_759 : i32
    "tpu.region"() ({
      %run_scoped3A = tpu.sem_alloc : memref<!tpu.dma_semaphore, #tpu.memory_space<semaphore_mem>>
      %dma_start3A_875 = arith.constant 0 : i32
      %dma_start3A_876 = tpu.memref_slice %arg20[%add3A_760, %dma_start3A_875] : memref<10240x128xf32, #tpu.memory_space<vmem_shared>> -> memref<80x128xf32, #tpu.memory_space<vmem_shared>>
      %dma_start3A_877 = arith.constant 0 : i32
      %dma_start3A_878 = tpu.memref_slice %arg20[%add3A_760, %dma_start3A_877] : memref<10240x128xf32, #tpu.memory_space<vmem_shared>> -> memref<80x128xf32, #tpu.memory_space<vmem_shared>>
      tpu.enqueue_dma source(%dma_start3A_878 : memref<80x128xf32, #tpu.memory_space<vmem_shared>>) target(%arg19 : memref<80x128xf32, #tpu.memory_space<vmem>>) target_semaphore(%run_scoped3A : memref<!tpu.dma_semaphore, #tpu.memory_space<semaphore_mem>>)
      %dma_wait3A_879 = arith.constant 0 : i32
      %dma_wait3A_880 = tpu.memref_slice %arg20[%add3A_760, %dma_wait3A_879] : memref<10240x128xf32, #tpu.memory_space<vmem_shared>> -> memref<80x128xf32, #tpu.memory_space<vmem_shared>>
      %dma_wait3A_881 = arith.constant 0 : i32
      %dma_wait3A_882 = tpu.memref_slice %arg20[%add3A_760, %dma_wait3A_881] : memref<10240x128xf32, #tpu.memory_space<vmem_shared>> -> memref<80x128xf32, #tpu.memory_space<vmem_shared>>
      tpu.wait_dma2 semaphore(%run_scoped3A : memref<!tpu.dma_semaphore, #tpu.memory_space<semaphore_mem>>) src(%dma_wait3A_882 : memref<80x128xf32, #tpu.memory_space<vmem_shared>>) dst(%arg19 : memref<80x128xf32, #tpu.memory_space<vmem>>)
      tpu.yield
    }) : () -> ()
    %dma_start3A_761 = arith.constant 0 : i32
    %dma_start3A_762 = tpu.memref_slice %arg9[%arg0, %add3A_760, %dma_start3A_761] : memref<2x10240x128xf32, #tpu.memory_space<hbm>> -> memref<1x80x128xf32, #tpu.memory_space<hbm>>
    %dma_start3A_763 = tpu.memref_squeeze %dma_start3A_762 : memref<1x80x128xf32, #tpu.memory_space<hbm>> -> memref<80x128xf32, #tpu.memory_space<hbm>>
    %dma_start3A_764 = arith.constant 0 : i32
    %dma_start3A_765 = tpu.memref_slice %arg9[%arg0, %add3A_760, %dma_start3A_764] : memref<2x10240x128xf32, #tpu.memory_space<hbm>> -> memref<1x80x128xf32, #tpu.memory_space<hbm>>
    %dma_start3A_766 = tpu.memref_squeeze %dma_start3A_765 : memref<1x80x128xf32, #tpu.memory_space<hbm>> -> memref<80x128xf32, #tpu.memory_space<hbm>>
    tpu.enqueue_dma source(%arg19 : memref<80x128xf32, #tpu.memory_space<vmem>>) target(%dma_start3A_766 : memref<80x128xf32, #tpu.memory_space<hbm>>) target_semaphore(%arg21 : memref<!tpu.dma_semaphore, #tpu.memory_space<semaphore_mem>>)
    %dma_wait3A_767 = arith.constant 0 : i32
    %dma_wait3A_768 = tpu.memref_slice %arg9[%arg0, %add3A_750, %dma_wait3A_767] : memref<2x10240x128xf32, #tpu.memory_space<hbm>> -> memref<1x80x128xf32, #tpu.memory_space<hbm>>
    %dma_wait3A_769 = tpu.memref_squeeze %dma_wait3A_768 : memref<1x80x128xf32, #tpu.memory_space<hbm>> -> memref<80x128xf32, #tpu.memory_space<hbm>>
    %dma_wait3A_770 = arith.constant 0 : i32
    %dma_wait3A_771 = tpu.memref_slice %arg9[%arg0, %add3A_750, %dma_wait3A_770] : memref<2x10240x128xf32, #tpu.memory_space<hbm>> -> memref<1x80x128xf32, #tpu.memory_space<hbm>>
    %dma_wait3A_772 = tpu.memref_squeeze %dma_wait3A_771 : memref<1x80x128xf32, #tpu.memory_space<hbm>> -> memref<80x128xf32, #tpu.memory_space<hbm>>
    tpu.wait_dma2 semaphore(%arg21 : memref<!tpu.dma_semaphore, #tpu.memory_space<semaphore_mem>>) src(%arg16 : memref<80x128xf32, #tpu.memory_space<vmem>>) dst(%dma_wait3A_772 : memref<80x128xf32, #tpu.memory_space<hbm>>)
    %mul3A_773 = arith.constant 640 : i32
    %mul3A_774 = arith.muli %arg1, %mul3A_773 : i32
    %add3A_775 = arith.constant 160 : i32
    %add3A_776 = arith.addi %mul3A_774, %add3A_775 : i32
    "tpu.region"() ({
      %run_scoped3A = tpu.sem_alloc : memref<!tpu.dma_semaphore, #tpu.memory_space<semaphore_mem>>
      %dma_start3A_875 = arith.constant 0 : i32
      %dma_start3A_876 = tpu.memref_slice %arg20[%add3A_776, %dma_start3A_875] : memref<10240x128xf32, #tpu.memory_space<vmem_shared>> -> memref<80x128xf32, #tpu.memory_space<vmem_shared>>
      %dma_start3A_877 = arith.constant 0 : i32
      %dma_start3A_878 = tpu.memref_slice %arg20[%add3A_776, %dma_start3A_877] : memref<10240x128xf32, #tpu.memory_space<vmem_shared>> -> memref<80x128xf32, #tpu.memory_space<vmem_shared>>
      tpu.enqueue_dma source(%dma_start3A_878 : memref<80x128xf32, #tpu.memory_space<vmem_shared>>) target(%arg16 : memref<80x128xf32, #tpu.memory_space<vmem>>) target_semaphore(%run_scoped3A : memref<!tpu.dma_semaphore, #tpu.memory_space<semaphore_mem>>)
      %dma_wait3A_879 = arith.constant 0 : i32
      %dma_wait3A_880 = tpu.memref_slice %arg20[%add3A_776, %dma_wait3A_879] : memref<10240x128xf32, #tpu.memory_space<vmem_shared>> -> memref<80x128xf32, #tpu.memory_space<vmem_shared>>
      %dma_wait3A_881 = arith.constant 0 : i32
      %dma_wait3A_882 = tpu.memref_slice %arg20[%add3A_776, %dma_wait3A_881] : memref<10240x128xf32, #tpu.memory_space<vmem_shared>> -> memref<80x128xf32, #tpu.memory_space<vmem_shared>>
      tpu.wait_dma2 semaphore(%run_scoped3A : memref<!tpu.dma_semaphore, #tpu.memory_space<semaphore_mem>>) src(%dma_wait3A_882 : memref<80x128xf32, #tpu.memory_space<vmem_shared>>) dst(%arg16 : memref<80x128xf32, #tpu.memory_space<vmem>>)
      tpu.yield
    }) : () -> ()
    %dma_start3A_777 = arith.constant 0 : i32
    %dma_start3A_778 = tpu.memref_slice %arg9[%arg0, %add3A_776, %dma_start3A_777] : memref<2x10240x128xf32, #tpu.memory_space<hbm>> -> memref<1x80x128xf32, #tpu.memory_space<hbm>>
    %dma_start3A_779 = tpu.memref_squeeze %dma_start3A_778 : memref<1x80x128xf32, #tpu.memory_space<hbm>> -> memref<80x128xf32, #tpu.memory_space<hbm>>
    %dma_start3A_780 = arith.constant 0 : i32
    %dma_start3A_781 = tpu.memref_slice %arg9[%arg0, %add3A_776, %dma_start3A_780] : memref<2x10240x128xf32, #tpu.memory_space<hbm>> -> memref<1x80x128xf32, #tpu.memory_space<hbm>>
    %dma_start3A_782 = tpu.memref_squeeze %dma_start3A_781 : memref<1x80x128xf32, #tpu.memory_space<hbm>> -> memref<80x128xf32, #tpu.memory_space<hbm>>
    tpu.enqueue_dma source(%arg16 : memref<80x128xf32, #tpu.memory_space<vmem>>) target(%dma_start3A_782 : memref<80x128xf32, #tpu.memory_space<hbm>>) target_semaphore(%arg21 : memref<!tpu.dma_semaphore, #tpu.memory_space<semaphore_mem>>)
    %dma_wait3A_783 = arith.constant 0 : i32
    %dma_wait3A_784 = tpu.memref_slice %arg9[%arg0, %add3A_760, %dma_wait3A_783] : memref<2x10240x128xf32, #tpu.memory_space<hbm>> -> memref<1x80x128xf32, #tpu.memory_space<hbm>>
    %dma_wait3A_785 = tpu.memref_squeeze %dma_wait3A_784 : memref<1x80x128xf32, #tpu.memory_space<hbm>> -> memref<80x128xf32, #tpu.memory_space<hbm>>
    %dma_wait3A_786 = arith.constant 0 : i32
    %dma_wait3A_787 = tpu.memref_slice %arg9[%arg0, %add3A_760, %dma_wait3A_786] : memref<2x10240x128xf32, #tpu.memory_space<hbm>> -> memref<1x80x128xf32, #tpu.memory_space<hbm>>
    %dma_wait3A_788 = tpu.memref_squeeze %dma_wait3A_787 : memref<1x80x128xf32, #tpu.memory_space<hbm>> -> memref<80x128xf32, #tpu.memory_space<hbm>>
    tpu.wait_dma2 semaphore(%arg21 : memref<!tpu.dma_semaphore, #tpu.memory_space<semaphore_mem>>) src(%arg19 : memref<80x128xf32, #tpu.memory_space<vmem>>) dst(%dma_wait3A_788 : memref<80x128xf32, #tpu.memory_space<hbm>>)
    %mul3A_789 = arith.constant 640 : i32
    %mul3A_790 = arith.muli %arg1, %mul3A_789 : i32
    %add3A_791 = arith.constant 240 : i32
    %add3A_792 = arith.addi %mul3A_790, %add3A_791 : i32
    "tpu.region"() ({
      %run_scoped3A = tpu.sem_alloc : memref<!tpu.dma_semaphore, #tpu.memory_space<semaphore_mem>>
      %dma_start3A_875 = arith.constant 0 : i32
      %dma_start3A_876 = tpu.memref_slice %arg20[%add3A_792, %dma_start3A_875] : memref<10240x128xf32, #tpu.memory_space<vmem_shared>> -> memref<80x128xf32, #tpu.memory_space<vmem_shared>>
      %dma_start3A_877 = arith.constant 0 : i32
      %dma_start3A_878 = tpu.memref_slice %arg20[%add3A_792, %dma_start3A_877] : memref<10240x128xf32, #tpu.memory_space<vmem_shared>> -> memref<80x128xf32, #tpu.memory_space<vmem_shared>>
      tpu.enqueue_dma source(%dma_start3A_878 : memref<80x128xf32, #tpu.memory_space<vmem_shared>>) target(%arg19 : memref<80x128xf32, #tpu.memory_space<vmem>>) target_semaphore(%run_scoped3A : memref<!tpu.dma_semaphore, #tpu.memory_space<semaphore_mem>>)
      %dma_wait3A_879 = arith.constant 0 : i32
      %dma_wait3A_880 = tpu.memref_slice %arg20[%add3A_792, %dma_wait3A_879] : memref<10240x128xf32, #tpu.memory_space<vmem_shared>> -> memref<80x128xf32, #tpu.memory_space<vmem_shared>>
      %dma_wait3A_881 = arith.constant 0 : i32
      %dma_wait3A_882 = tpu.memref_slice %arg20[%add3A_792, %dma_wait3A_881] : memref<10240x128xf32, #tpu.memory_space<vmem_shared>> -> memref<80x128xf32, #tpu.memory_space<vmem_shared>>
      tpu.wait_dma2 semaphore(%run_scoped3A : memref<!tpu.dma_semaphore, #tpu.memory_space<semaphore_mem>>) src(%dma_wait3A_882 : memref<80x128xf32, #tpu.memory_space<vmem_shared>>) dst(%arg19 : memref<80x128xf32, #tpu.memory_space<vmem>>)
      tpu.yield
    }) : () -> ()
    %dma_start3A_793 = arith.constant 0 : i32
    %dma_start3A_794 = tpu.memref_slice %arg9[%arg0, %add3A_792, %dma_start3A_793] : memref<2x10240x128xf32, #tpu.memory_space<hbm>> -> memref<1x80x128xf32, #tpu.memory_space<hbm>>
    %dma_start3A_795 = tpu.memref_squeeze %dma_start3A_794 : memref<1x80x128xf32, #tpu.memory_space<hbm>> -> memref<80x128xf32, #tpu.memory_space<hbm>>
    %dma_start3A_796 = arith.constant 0 : i32
    %dma_start3A_797 = tpu.memref_slice %arg9[%arg0, %add3A_792, %dma_start3A_796] : memref<2x10240x128xf32, #tpu.memory_space<hbm>> -> memref<1x80x128xf32, #tpu.memory_space<hbm>>
    %dma_start3A_798 = tpu.memref_squeeze %dma_start3A_797 : memref<1x80x128xf32, #tpu.memory_space<hbm>> -> memref<80x128xf32, #tpu.memory_space<hbm>>
    tpu.enqueue_dma source(%arg19 : memref<80x128xf32, #tpu.memory_space<vmem>>) target(%dma_start3A_798 : memref<80x128xf32, #tpu.memory_space<hbm>>) target_semaphore(%arg21 : memref<!tpu.dma_semaphore, #tpu.memory_space<semaphore_mem>>)
    %dma_wait3A_799 = arith.constant 0 : i32
    %dma_wait3A_800 = tpu.memref_slice %arg9[%arg0, %add3A_776, %dma_wait3A_799] : memref<2x10240x128xf32, #tpu.memory_space<hbm>> -> memref<1x80x128xf32, #tpu.memory_space<hbm>>
    %dma_wait3A_801 = tpu.memref_squeeze %dma_wait3A_800 : memref<1x80x128xf32, #tpu.memory_space<hbm>> -> memref<80x128xf32, #tpu.memory_space<hbm>>
    %dma_wait3A_802 = arith.constant 0 : i32
    %dma_wait3A_803 = tpu.memref_slice %arg9[%arg0, %add3A_776, %dma_wait3A_802] : memref<2x10240x128xf32, #tpu.memory_space<hbm>> -> memref<1x80x128xf32, #tpu.memory_space<hbm>>
    %dma_wait3A_804 = tpu.memref_squeeze %dma_wait3A_803 : memref<1x80x128xf32, #tpu.memory_space<hbm>> -> memref<80x128xf32, #tpu.memory_space<hbm>>
    tpu.wait_dma2 semaphore(%arg21 : memref<!tpu.dma_semaphore, #tpu.memory_space<semaphore_mem>>) src(%arg16 : memref<80x128xf32, #tpu.memory_space<vmem>>) dst(%dma_wait3A_804 : memref<80x128xf32, #tpu.memory_space<hbm>>)
    %mul3A_805 = arith.constant 640 : i32
    %mul3A_806 = arith.muli %arg1, %mul3A_805 : i32
    %add3A_807 = arith.constant 320 : i32
    %add3A_808 = arith.addi %mul3A_806, %add3A_807 : i32
    "tpu.region"() ({
      %run_scoped3A = tpu.sem_alloc : memref<!tpu.dma_semaphore, #tpu.memory_space<semaphore_mem>>
      %dma_start3A_875 = arith.constant 0 : i32
      %dma_start3A_876 = tpu.memref_slice %arg20[%add3A_808, %dma_start3A_875] : memref<10240x128xf32, #tpu.memory_space<vmem_shared>> -> memref<80x128xf32, #tpu.memory_space<vmem_shared>>
      %dma_start3A_877 = arith.constant 0 : i32
      %dma_start3A_878 = tpu.memref_slice %arg20[%add3A_808, %dma_start3A_877] : memref<10240x128xf32, #tpu.memory_space<vmem_shared>> -> memref<80x128xf32, #tpu.memory_space<vmem_shared>>
      tpu.enqueue_dma source(%dma_start3A_878 : memref<80x128xf32, #tpu.memory_space<vmem_shared>>) target(%arg16 : memref<80x128xf32, #tpu.memory_space<vmem>>) target_semaphore(%run_scoped3A : memref<!tpu.dma_semaphore, #tpu.memory_space<semaphore_mem>>)
      %dma_wait3A_879 = arith.constant 0 : i32
      %dma_wait3A_880 = tpu.memref_slice %arg20[%add3A_808, %dma_wait3A_879] : memref<10240x128xf32, #tpu.memory_space<vmem_shared>> -> memref<80x128xf32, #tpu.memory_space<vmem_shared>>
      %dma_wait3A_881 = arith.constant 0 : i32
      %dma_wait3A_882 = tpu.memref_slice %arg20[%add3A_808, %dma_wait3A_881] : memref<10240x128xf32, #tpu.memory_space<vmem_shared>> -> memref<80x128xf32, #tpu.memory_space<vmem_shared>>
      tpu.wait_dma2 semaphore(%run_scoped3A : memref<!tpu.dma_semaphore, #tpu.memory_space<semaphore_mem>>) src(%dma_wait3A_882 : memref<80x128xf32, #tpu.memory_space<vmem_shared>>) dst(%arg16 : memref<80x128xf32, #tpu.memory_space<vmem>>)
      tpu.yield
    }) : () -> ()
    %dma_start3A_809 = arith.constant 0 : i32
    %dma_start3A_810 = tpu.memref_slice %arg9[%arg0, %add3A_808, %dma_start3A_809] : memref<2x10240x128xf32, #tpu.memory_space<hbm>> -> memref<1x80x128xf32, #tpu.memory_space<hbm>>
    %dma_start3A_811 = tpu.memref_squeeze %dma_start3A_810 : memref<1x80x128xf32, #tpu.memory_space<hbm>> -> memref<80x128xf32, #tpu.memory_space<hbm>>
    %dma_start3A_812 = arith.constant 0 : i32
    %dma_start3A_813 = tpu.memref_slice %arg9[%arg0, %add3A_808, %dma_start3A_812] : memref<2x10240x128xf32, #tpu.memory_space<hbm>> -> memref<1x80x128xf32, #tpu.memory_space<hbm>>
    %dma_start3A_814 = tpu.memref_squeeze %dma_start3A_813 : memref<1x80x128xf32, #tpu.memory_space<hbm>> -> memref<80x128xf32, #tpu.memory_space<hbm>>
    tpu.enqueue_dma source(%arg16 : memref<80x128xf32, #tpu.memory_space<vmem>>) target(%dma_start3A_814 : memref<80x128xf32, #tpu.memory_space<hbm>>) target_semaphore(%arg21 : memref<!tpu.dma_semaphore, #tpu.memory_space<semaphore_mem>>)
    %dma_wait3A_815 = arith.constant 0 : i32
    %dma_wait3A_816 = tpu.memref_slice %arg9[%arg0, %add3A_792, %dma_wait3A_815] : memref<2x10240x128xf32, #tpu.memory_space<hbm>> -> memref<1x80x128xf32, #tpu.memory_space<hbm>>
    %dma_wait3A_817 = tpu.memref_squeeze %dma_wait3A_816 : memref<1x80x128xf32, #tpu.memory_space<hbm>> -> memref<80x128xf32, #tpu.memory_space<hbm>>
    %dma_wait3A_818 = arith.constant 0 : i32
    %dma_wait3A_819 = tpu.memref_slice %arg9[%arg0, %add3A_792, %dma_wait3A_818] : memref<2x10240x128xf32, #tpu.memory_space<hbm>> -> memref<1x80x128xf32, #tpu.memory_space<hbm>>
    %dma_wait3A_820 = tpu.memref_squeeze %dma_wait3A_819 : memref<1x80x128xf32, #tpu.memory_space<hbm>> -> memref<80x128xf32, #tpu.memory_space<hbm>>
    tpu.wait_dma2 semaphore(%arg21 : memref<!tpu.dma_semaphore, #tpu.memory_space<semaphore_mem>>) src(%arg19 : memref<80x128xf32, #tpu.memory_space<vmem>>) dst(%dma_wait3A_820 : memref<80x128xf32, #tpu.memory_space<hbm>>)
    %mul3A_821 = arith.constant 640 : i32
    %mul3A_822 = arith.muli %arg1, %mul3A_821 : i32
    %add3A_823 = arith.constant 400 : i32
    %add3A_824 = arith.addi %mul3A_822, %add3A_823 : i32
    "tpu.region"() ({
      %run_scoped3A = tpu.sem_alloc : memref<!tpu.dma_semaphore, #tpu.memory_space<semaphore_mem>>
      %dma_start3A_875 = arith.constant 0 : i32
      %dma_start3A_876 = tpu.memref_slice %arg20[%add3A_824, %dma_start3A_875] : memref<10240x128xf32, #tpu.memory_space<vmem_shared>> -> memref<80x128xf32, #tpu.memory_space<vmem_shared>>
      %dma_start3A_877 = arith.constant 0 : i32
      %dma_start3A_878 = tpu.memref_slice %arg20[%add3A_824, %dma_start3A_877] : memref<10240x128xf32, #tpu.memory_space<vmem_shared>> -> memref<80x128xf32, #tpu.memory_space<vmem_shared>>
      tpu.enqueue_dma source(%dma_start3A_878 : memref<80x128xf32, #tpu.memory_space<vmem_shared>>) target(%arg19 : memref<80x128xf32, #tpu.memory_space<vmem>>) target_semaphore(%run_scoped3A : memref<!tpu.dma_semaphore, #tpu.memory_space<semaphore_mem>>)
      %dma_wait3A_879 = arith.constant 0 : i32
      %dma_wait3A_880 = tpu.memref_slice %arg20[%add3A_824, %dma_wait3A_879] : memref<10240x128xf32, #tpu.memory_space<vmem_shared>> -> memref<80x128xf32, #tpu.memory_space<vmem_shared>>
      %dma_wait3A_881 = arith.constant 0 : i32
      %dma_wait3A_882 = tpu.memref_slice %arg20[%add3A_824, %dma_wait3A_881] : memref<10240x128xf32, #tpu.memory_space<vmem_shared>> -> memref<80x128xf32, #tpu.memory_space<vmem_shared>>
      tpu.wait_dma2 semaphore(%run_scoped3A : memref<!tpu.dma_semaphore, #tpu.memory_space<semaphore_mem>>) src(%dma_wait3A_882 : memref<80x128xf32, #tpu.memory_space<vmem_shared>>) dst(%arg19 : memref<80x128xf32, #tpu.memory_space<vmem>>)
      tpu.yield
    }) : () -> ()
    %dma_start3A_825 = arith.constant 0 : i32
    %dma_start3A_826 = tpu.memref_slice %arg9[%arg0, %add3A_824, %dma_start3A_825] : memref<2x10240x128xf32, #tpu.memory_space<hbm>> -> memref<1x80x128xf32, #tpu.memory_space<hbm>>
    %dma_start3A_827 = tpu.memref_squeeze %dma_start3A_826 : memref<1x80x128xf32, #tpu.memory_space<hbm>> -> memref<80x128xf32, #tpu.memory_space<hbm>>
    %dma_start3A_828 = arith.constant 0 : i32
    %dma_start3A_829 = tpu.memref_slice %arg9[%arg0, %add3A_824, %dma_start3A_828] : memref<2x10240x128xf32, #tpu.memory_space<hbm>> -> memref<1x80x128xf32, #tpu.memory_space<hbm>>
    %dma_start3A_830 = tpu.memref_squeeze %dma_start3A_829 : memref<1x80x128xf32, #tpu.memory_space<hbm>> -> memref<80x128xf32, #tpu.memory_space<hbm>>
    tpu.enqueue_dma source(%arg19 : memref<80x128xf32, #tpu.memory_space<vmem>>) target(%dma_start3A_830 : memref<80x128xf32, #tpu.memory_space<hbm>>) target_semaphore(%arg21 : memref<!tpu.dma_semaphore, #tpu.memory_space<semaphore_mem>>)
    %dma_wait3A_831 = arith.constant 0 : i32
    %dma_wait3A_832 = tpu.memref_slice %arg9[%arg0, %add3A_808, %dma_wait3A_831] : memref<2x10240x128xf32, #tpu.memory_space<hbm>> -> memref<1x80x128xf32, #tpu.memory_space<hbm>>
    %dma_wait3A_833 = tpu.memref_squeeze %dma_wait3A_832 : memref<1x80x128xf32, #tpu.memory_space<hbm>> -> memref<80x128xf32, #tpu.memory_space<hbm>>
    %dma_wait3A_834 = arith.constant 0 : i32
    %dma_wait3A_835 = tpu.memref_slice %arg9[%arg0, %add3A_808, %dma_wait3A_834] : memref<2x10240x128xf32, #tpu.memory_space<hbm>> -> memref<1x80x128xf32, #tpu.memory_space<hbm>>
    %dma_wait3A_836 = tpu.memref_squeeze %dma_wait3A_835 : memref<1x80x128xf32, #tpu.memory_space<hbm>> -> memref<80x128xf32, #tpu.memory_space<hbm>>
    tpu.wait_dma2 semaphore(%arg21 : memref<!tpu.dma_semaphore, #tpu.memory_space<semaphore_mem>>) src(%arg16 : memref<80x128xf32, #tpu.memory_space<vmem>>) dst(%dma_wait3A_836 : memref<80x128xf32, #tpu.memory_space<hbm>>)
    %mul3A_837 = arith.constant 640 : i32
    %mul3A_838 = arith.muli %arg1, %mul3A_837 : i32
    %add3A_839 = arith.constant 480 : i32
    %add3A_840 = arith.addi %mul3A_838, %add3A_839 : i32
    "tpu.region"() ({
      %run_scoped3A = tpu.sem_alloc : memref<!tpu.dma_semaphore, #tpu.memory_space<semaphore_mem>>
      %dma_start3A_875 = arith.constant 0 : i32
      %dma_start3A_876 = tpu.memref_slice %arg20[%add3A_840, %dma_start3A_875] : memref<10240x128xf32, #tpu.memory_space<vmem_shared>> -> memref<80x128xf32, #tpu.memory_space<vmem_shared>>
      %dma_start3A_877 = arith.constant 0 : i32
      %dma_start3A_878 = tpu.memref_slice %arg20[%add3A_840, %dma_start3A_877] : memref<10240x128xf32, #tpu.memory_space<vmem_shared>> -> memref<80x128xf32, #tpu.memory_space<vmem_shared>>
      tpu.enqueue_dma source(%dma_start3A_878 : memref<80x128xf32, #tpu.memory_space<vmem_shared>>) target(%arg16 : memref<80x128xf32, #tpu.memory_space<vmem>>) target_semaphore(%run_scoped3A : memref<!tpu.dma_semaphore, #tpu.memory_space<semaphore_mem>>)
      %dma_wait3A_879 = arith.constant 0 : i32
      %dma_wait3A_880 = tpu.memref_slice %arg20[%add3A_840, %dma_wait3A_879] : memref<10240x128xf32, #tpu.memory_space<vmem_shared>> -> memref<80x128xf32, #tpu.memory_space<vmem_shared>>
      %dma_wait3A_881 = arith.constant 0 : i32
      %dma_wait3A_882 = tpu.memref_slice %arg20[%add3A_840, %dma_wait3A_881] : memref<10240x128xf32, #tpu.memory_space<vmem_shared>> -> memref<80x128xf32, #tpu.memory_space<vmem_shared>>
      tpu.wait_dma2 semaphore(%run_scoped3A : memref<!tpu.dma_semaphore, #tpu.memory_space<semaphore_mem>>) src(%dma_wait3A_882 : memref<80x128xf32, #tpu.memory_space<vmem_shared>>) dst(%arg16 : memref<80x128xf32, #tpu.memory_space<vmem>>)
      tpu.yield
    }) : () -> ()
    %dma_start3A_841 = arith.constant 0 : i32
    %dma_start3A_842 = tpu.memref_slice %arg9[%arg0, %add3A_840, %dma_start3A_841] : memref<2x10240x128xf32, #tpu.memory_space<hbm>> -> memref<1x80x128xf32, #tpu.memory_space<hbm>>
    %dma_start3A_843 = tpu.memref_squeeze %dma_start3A_842 : memref<1x80x128xf32, #tpu.memory_space<hbm>> -> memref<80x128xf32, #tpu.memory_space<hbm>>
    %dma_start3A_844 = arith.constant 0 : i32
    %dma_start3A_845 = tpu.memref_slice %arg9[%arg0, %add3A_840, %dma_start3A_844] : memref<2x10240x128xf32, #tpu.memory_space<hbm>> -> memref<1x80x128xf32, #tpu.memory_space<hbm>>
    %dma_start3A_846 = tpu.memref_squeeze %dma_start3A_845 : memref<1x80x128xf32, #tpu.memory_space<hbm>> -> memref<80x128xf32, #tpu.memory_space<hbm>>
    tpu.enqueue_dma source(%arg16 : memref<80x128xf32, #tpu.memory_space<vmem>>) target(%dma_start3A_846 : memref<80x128xf32, #tpu.memory_space<hbm>>) target_semaphore(%arg21 : memref<!tpu.dma_semaphore, #tpu.memory_space<semaphore_mem>>)
    %dma_wait3A_847 = arith.constant 0 : i32
    %dma_wait3A_848 = tpu.memref_slice %arg9[%arg0, %add3A_824, %dma_wait3A_847] : memref<2x10240x128xf32, #tpu.memory_space<hbm>> -> memref<1x80x128xf32, #tpu.memory_space<hbm>>
    %dma_wait3A_849 = tpu.memref_squeeze %dma_wait3A_848 : memref<1x80x128xf32, #tpu.memory_space<hbm>> -> memref<80x128xf32, #tpu.memory_space<hbm>>
    %dma_wait3A_850 = arith.constant 0 : i32
    %dma_wait3A_851 = tpu.memref_slice %arg9[%arg0, %add3A_824, %dma_wait3A_850] : memref<2x10240x128xf32, #tpu.memory_space<hbm>> -> memref<1x80x128xf32, #tpu.memory_space<hbm>>
    %dma_wait3A_852 = tpu.memref_squeeze %dma_wait3A_851 : memref<1x80x128xf32, #tpu.memory_space<hbm>> -> memref<80x128xf32, #tpu.memory_space<hbm>>
    tpu.wait_dma2 semaphore(%arg21 : memref<!tpu.dma_semaphore, #tpu.memory_space<semaphore_mem>>) src(%arg19 : memref<80x128xf32, #tpu.memory_space<vmem>>) dst(%dma_wait3A_852 : memref<80x128xf32, #tpu.memory_space<hbm>>)
    %mul3A_853 = arith.constant 640 : i32
    %mul3A_854 = arith.muli %arg1, %mul3A_853 : i32
    %add3A_855 = arith.constant 560 : i32
    %add3A_856 = arith.addi %mul3A_854, %add3A_855 : i32
    "tpu.region"() ({
      %run_scoped3A = tpu.sem_alloc : memref<!tpu.dma_semaphore, #tpu.memory_space<semaphore_mem>>
      %dma_start3A_875 = arith.constant 0 : i32
      %dma_start3A_876 = tpu.memref_slice %arg20[%add3A_856, %dma_start3A_875] : memref<10240x128xf32, #tpu.memory_space<vmem_shared>> -> memref<80x128xf32, #tpu.memory_space<vmem_shared>>
      %dma_start3A_877 = arith.constant 0 : i32
      %dma_start3A_878 = tpu.memref_slice %arg20[%add3A_856, %dma_start3A_877] : memref<10240x128xf32, #tpu.memory_space<vmem_shared>> -> memref<80x128xf32, #tpu.memory_space<vmem_shared>>
      tpu.enqueue_dma source(%dma_start3A_878 : memref<80x128xf32, #tpu.memory_space<vmem_shared>>) target(%arg19 : memref<80x128xf32, #tpu.memory_space<vmem>>) target_semaphore(%run_scoped3A : memref<!tpu.dma_semaphore, #tpu.memory_space<semaphore_mem>>)
      %dma_wait3A_879 = arith.constant 0 : i32
      %dma_wait3A_880 = tpu.memref_slice %arg20[%add3A_856, %dma_wait3A_879] : memref<10240x128xf32, #tpu.memory_space<vmem_shared>> -> memref<80x128xf32, #tpu.memory_space<vmem_shared>>
      %dma_wait3A_881 = arith.constant 0 : i32
      %dma_wait3A_882 = tpu.memref_slice %arg20[%add3A_856, %dma_wait3A_881] : memref<10240x128xf32, #tpu.memory_space<vmem_shared>> -> memref<80x128xf32, #tpu.memory_space<vmem_shared>>
      tpu.wait_dma2 semaphore(%run_scoped3A : memref<!tpu.dma_semaphore, #tpu.memory_space<semaphore_mem>>) src(%dma_wait3A_882 : memref<80x128xf32, #tpu.memory_space<vmem_shared>>) dst(%arg19 : memref<80x128xf32, #tpu.memory_space<vmem>>)
      tpu.yield
    }) : () -> ()
    %dma_start3A_857 = arith.constant 0 : i32
    %dma_start3A_858 = tpu.memref_slice %arg9[%arg0, %add3A_856, %dma_start3A_857] : memref<2x10240x128xf32, #tpu.memory_space<hbm>> -> memref<1x80x128xf32, #tpu.memory_space<hbm>>
    %dma_start3A_859 = tpu.memref_squeeze %dma_start3A_858 : memref<1x80x128xf32, #tpu.memory_space<hbm>> -> memref<80x128xf32, #tpu.memory_space<hbm>>
    %dma_start3A_860 = arith.constant 0 : i32
    %dma_start3A_861 = tpu.memref_slice %arg9[%arg0, %add3A_856, %dma_start3A_860] : memref<2x10240x128xf32, #tpu.memory_space<hbm>> -> memref<1x80x128xf32, #tpu.memory_space<hbm>>
    %dma_start3A_862 = tpu.memref_squeeze %dma_start3A_861 : memref<1x80x128xf32, #tpu.memory_space<hbm>> -> memref<80x128xf32, #tpu.memory_space<hbm>>
    tpu.enqueue_dma source(%arg19 : memref<80x128xf32, #tpu.memory_space<vmem>>) target(%dma_start3A_862 : memref<80x128xf32, #tpu.memory_space<hbm>>) target_semaphore(%arg21 : memref<!tpu.dma_semaphore, #tpu.memory_space<semaphore_mem>>)
    %dma_wait3A_863 = arith.constant 0 : i32
    %dma_wait3A_864 = tpu.memref_slice %arg9[%arg0, %add3A_840, %dma_wait3A_863] : memref<2x10240x128xf32, #tpu.memory_space<hbm>> -> memref<1x80x128xf32, #tpu.memory_space<hbm>>
    %dma_wait3A_865 = tpu.memref_squeeze %dma_wait3A_864 : memref<1x80x128xf32, #tpu.memory_space<hbm>> -> memref<80x128xf32, #tpu.memory_space<hbm>>
    %dma_wait3A_866 = arith.constant 0 : i32
    %dma_wait3A_867 = tpu.memref_slice %arg9[%arg0, %add3A_840, %dma_wait3A_866] : memref<2x10240x128xf32, #tpu.memory_space<hbm>> -> memref<1x80x128xf32, #tpu.memory_space<hbm>>
    %dma_wait3A_868 = tpu.memref_squeeze %dma_wait3A_867 : memref<1x80x128xf32, #tpu.memory_space<hbm>> -> memref<80x128xf32, #tpu.memory_space<hbm>>
    tpu.wait_dma2 semaphore(%arg21 : memref<!tpu.dma_semaphore, #tpu.memory_space<semaphore_mem>>) src(%arg16 : memref<80x128xf32, #tpu.memory_space<vmem>>) dst(%dma_wait3A_868 : memref<80x128xf32, #tpu.memory_space<hbm>>)
    %dma_wait3A_869 = arith.constant 0 : i32
    %dma_wait3A_870 = tpu.memref_slice %arg9[%arg0, %add3A_856, %dma_wait3A_869] : memref<2x10240x128xf32, #tpu.memory_space<hbm>> -> memref<1x80x128xf32, #tpu.memory_space<hbm>>
    %dma_wait3A_871 = tpu.memref_squeeze %dma_wait3A_870 : memref<1x80x128xf32, #tpu.memory_space<hbm>> -> memref<80x128xf32, #tpu.memory_space<hbm>>
    %dma_wait3A_872 = arith.constant 0 : i32
    %dma_wait3A_873 = tpu.memref_slice %arg9[%arg0, %add3A_856, %dma_wait3A_872] : memref<2x10240x128xf32, #tpu.memory_space<hbm>> -> memref<1x80x128xf32, #tpu.memory_space<hbm>>
    %dma_wait3A_874 = tpu.memref_squeeze %dma_wait3A_873 : memref<1x80x128xf32, #tpu.memory_space<hbm>> -> memref<80x128xf32, #tpu.memory_space<hbm>>
    tpu.wait_dma2 semaphore(%arg21 : memref<!tpu.dma_semaphore, #tpu.memory_space<semaphore_mem>>) src(%arg19 : memref<80x128xf32, #tpu.memory_space<vmem>>) dst(%dma_wait3A_874 : memref<80x128xf32, #tpu.memory_space<hbm>>)
    return
  }
}

module attributes {stable_mosaic.version = 14 : i64} {
  func.func @_pre_body(%arg0: i32, %arg1: memref<2000x128xf32, #tpu.memory_space<vmem>>, %arg2: memref<128x128xf32, #tpu.memory_space<vmem>>, %arg3: memref<128x128xf32, #tpu.memory_space<vmem>>, %arg4: memref<128x128xf32, #tpu.memory_space<vmem>>, %arg5: memref<2000x128xf32, #tpu.memory_space<vmem>>, %arg6: memref<2000x128xf32, #tpu.memory_space<vmem>>, %arg7: memref<2000x128xf32, #tpu.memory_space<vmem>>) attributes {dimension_semantics = [#tpu.dimension_semantics<arbitrary>], iteration_bounds = array<i64: 5>, scalar_prefetch = 0 : i64, scratch_operands = 0 : i64, tpu.core_type = #tpu.core_type<tc>, window_params = [{transform_indices = @transform_0, window_bounds = array<i64: 2000, 128>}, {pipeline_mode = #tpu.pipeline_mode<synchronous>, transform_indices = @transform_1, window_bounds = array<i64: 128, 128>}, {pipeline_mode = #tpu.pipeline_mode<synchronous>, transform_indices = @transform_2, window_bounds = array<i64: 128, 128>}, {pipeline_mode = #tpu.pipeline_mode<synchronous>, transform_indices = @transform_3, window_bounds = array<i64: 128, 128>}, {transform_indices = @transform_4, window_bounds = array<i64: 2000, 128>}, {transform_indices = @transform_5, window_bounds = array<i64: 2000, 128>}, {transform_indices = @transform_6, window_bounds = array<i64: 2000, 128>}]} {
    %get3A = arith.constant 0 : index
    %get3A_0 = arith.constant 0 : index
    %get3A_1 = vector.load %arg1[%get3A, %get3A_0] : memref<2000x128xf32, #tpu.memory_space<vmem>>, vector<2000x128xf32>
    %get3A_2 = arith.constant 0 : index
    %get3A_3 = arith.constant 0 : index
    %get3A_4 = vector.load %arg2[%get3A_2, %get3A_3] : memref<128x128xf32, #tpu.memory_space<vmem>>, vector<128x128xf32>
    %dot_general3A = arith.constant dense<0.000000e+00> : vector<2000x128xf32>
    %dot_general3A_5 = tpu.matmul %get3A_1, %get3A_4, %dot_general3A {dimension_numbers = #tpu.dot_dimension_numbers<[1], [0], [0], [1], [0, 0, 1, 1], [], []>, transpose_lhs_hint = false} : vector<2000x128xf32>, vector<128x128xf32>, vector<2000x128xf32> -> vector<2000x128xf32>
    %swap3A = arith.constant 0 : index
    %swap3A_6 = arith.constant 0 : index
    %swap3A_7 = vector.load %arg5[%swap3A, %swap3A_6] : memref<2000x128xf32, #tpu.memory_space<vmem>>, vector<2000x128xf32>
    tpu.vector_store %arg5[%swap3A, %swap3A_6], %dot_general3A_5 {strides = array<i32>} : memref<2000x128xf32, #tpu.memory_space<vmem>>, vector<2000x128xf32>,
    %get3A_8 = arith.constant 0 : index
    %get3A_9 = arith.constant 0 : index
    %get3A_10 = vector.load %arg3[%get3A_8, %get3A_9] : memref<128x128xf32, #tpu.memory_space<vmem>>, vector<128x128xf32>
    %dot_general3A_11 = arith.constant dense<0.000000e+00> : vector<2000x128xf32>
    %dot_general3A_12 = tpu.matmul %get3A_1, %get3A_10, %dot_general3A_11 {dimension_numbers = #tpu.dot_dimension_numbers<[1], [0], [0], [1], [0, 0, 1, 1], [], []>, transpose_lhs_hint = false} : vector<2000x128xf32>, vector<128x128xf32>, vector<2000x128xf32> -> vector<2000x128xf32>
    %swap3A_13 = arith.constant 0 : index
    %swap3A_14 = arith.constant 0 : index
    %swap3A_15 = vector.load %arg6[%swap3A_13, %swap3A_14] : memref<2000x128xf32, #tpu.memory_space<vmem>>, vector<2000x128xf32>
    tpu.vector_store %arg6[%swap3A_13, %swap3A_14], %dot_general3A_12 {strides = array<i32>} : memref<2000x128xf32, #tpu.memory_space<vmem>>, vector<2000x128xf32>,
    %get3A_16 = arith.constant 0 : index
    %get3A_17 = arith.constant 0 : index
    %get3A_18 = vector.load %arg4[%get3A_16, %get3A_17] : memref<128x128xf32, #tpu.memory_space<vmem>>, vector<128x128xf32>
    %dot_general3A_19 = arith.constant dense<0.000000e+00> : vector<2000x128xf32>
    %dot_general3A_20 = tpu.matmul %get3A_1, %get3A_18, %dot_general3A_19 {dimension_numbers = #tpu.dot_dimension_numbers<[1], [0], [0], [1], [0, 0, 1, 1], [], []>, transpose_lhs_hint = false} : vector<2000x128xf32>, vector<128x128xf32>, vector<2000x128xf32> -> vector<2000x128xf32>
    %swap3A_21 = arith.constant 0 : index
    %swap3A_22 = arith.constant 0 : index
    %swap3A_23 = vector.load %arg7[%swap3A_21, %swap3A_22] : memref<2000x128xf32, #tpu.memory_space<vmem>>, vector<2000x128xf32>
    tpu.vector_store %arg7[%swap3A_21, %swap3A_22], %dot_general3A_20 {strides = array<i32>} : memref<2000x128xf32, #tpu.memory_space<vmem>>, vector<2000x128xf32>,
    return
  }
  func.func @transform_0(%arg0: i32) -> (i32, i32) {
    %c0_i32 = arith.constant 0 : i32
    %c0_i32_0 = arith.constant 0 : i32
    return %arg0, %c0_i32 : i32, i32
  }
  func.func @transform_1(%arg0: i32) -> (i32, i32) {
    %c0_i32 = arith.constant 0 : i32
    %c0_i32_0 = arith.constant 0 : i32
    %c0_i32_1 = arith.constant 0 : i32
    return %c0_i32, %c0_i32_0 : i32, i32
  }
  func.func @transform_2(%arg0: i32) -> (i32, i32) {
    %c0_i32 = arith.constant 0 : i32
    %c0_i32_0 = arith.constant 0 : i32
    %c0_i32_1 = arith.constant 0 : i32
    return %c0_i32, %c0_i32_0 : i32, i32
  }
  func.func @transform_3(%arg0: i32) -> (i32, i32) {
    %c0_i32 = arith.constant 0 : i32
    %c0_i32_0 = arith.constant 0 : i32
    %c0_i32_1 = arith.constant 0 : i32
    return %c0_i32, %c0_i32_0 : i32, i32
  }
  func.func @transform_4(%arg0: i32) -> (i32, i32) {
    %c0_i32 = arith.constant 0 : i32
    %c0_i32_0 = arith.constant 0 : i32
    return %arg0, %c0_i32 : i32, i32
  }
  func.func @transform_5(%arg0: i32) -> (i32, i32) {
    %c0_i32 = arith.constant 0 : i32
    %c0_i32_0 = arith.constant 0 : i32
    return %arg0, %c0_i32 : i32, i32
  }
  func.func @transform_6(%arg0: i32) -> (i32, i32) {
    %c0_i32 = arith.constant 0 : i32
    %c0_i32_0 = arith.constant 0 : i32
    return %arg0, %c0_i32 : i32, i32
  }
}

module attributes {stable_mosaic.version = 14 : i64} {
  func.func @_post_body(%arg0: i32, %arg1: memref<2000x128xf32, #tpu.memory_space<vmem>>, %arg2: memref<2000x64xf32, #tpu.memory_space<vmem>>, %arg3: memref<2x2000x128xf32, #tpu.memory_space<vmem>>, %arg4: memref<2x2000x128xf32, #tpu.memory_space<vmem>>, %arg5: memref<1x64xf32, #tpu.memory_space<vmem>>, %arg6: memref<1x64xf32, #tpu.memory_space<vmem>>, %arg7: memref<1x64xf32, #tpu.memory_space<vmem>>, %arg8: memref<3x3xf32, #tpu.memory_space<smem>>, %arg9: memref<2000x64xf32, #tpu.memory_space<vmem>>) attributes {dimension_semantics = [#tpu.dimension_semantics<arbitrary>], iteration_bounds = array<i64: 5>, scalar_prefetch = 0 : i64, scratch_operands = 0 : i64, tpu.core_type = #tpu.core_type<tc>, window_params = [{transform_indices = @transform_0, window_bounds = array<i64: 2000, 128>}, {transform_indices = @transform_1, window_bounds = array<i64: 2000, 64>}, {transform_indices = @transform_2, window_bounds = array<i64: 2, 2000, 128>}, {transform_indices = @transform_3, window_bounds = array<i64: 2, 2000, 128>}, {pipeline_mode = #tpu.pipeline_mode<synchronous>, transform_indices = @transform_4, window_bounds = array<i64: 1, 64>}, {pipeline_mode = #tpu.pipeline_mode<synchronous>, transform_indices = @transform_5, window_bounds = array<i64: 1, 64>}, {pipeline_mode = #tpu.pipeline_mode<synchronous>, transform_indices = @transform_6, window_bounds = array<i64: 1, 64>}, {transform_indices = @transform_7, window_bounds = array<i64: 3, 3>}, {transform_indices = @transform_8, window_bounds = array<i64: 2000, 64>}]} {
    %get3A = arith.constant 0 : index
    %get3A_0 = arith.constant 0 : index
    %get3A_1 = arith.constant 0 : index
    %get3A_2 = vector.load %arg4[%get3A, %get3A_0, %get3A_1] : memref<2x2000x128xf32, #tpu.memory_space<vmem>>, vector<1x2000x1xf32>
    %get3A_3 = vector.shape_cast %get3A_2 : vector<1x2000x1xf32> to vector<2000x1xf32>
    %get3A_4 = arith.constant 1 : index
    %get3A_5 = arith.constant 0 : index
    %get3A_6 = arith.constant 0 : index
    %get3A_7 = vector.load %arg4[%get3A_4, %get3A_5, %get3A_6] : memref<2x2000x128xf32, #tpu.memory_space<vmem>>, vector<1x2000x1xf32>
    %get3A_8 = vector.shape_cast %get3A_7 : vector<1x2000x1xf32> to vector<2000x1xf32>
    %add3A = arith.addf %get3A_3, %get3A_8 : vector<2000x1xf32>
    %jit3A = arith.constant 1.000000e+00 : f32
    %max3A = vector.broadcast %jit3A : f32 to vector<2000x1xf32>
    %max3A_9 = arith.maximumf %max3A, %add3A : vector<2000x1xf32>
    %div3A = arith.constant 1.000000e+00 : f32
    %div3A_10 = vector.broadcast %div3A : f32 to vector<2000x1xf32>
    %div3A_11 = arith.divf %div3A_10, %max3A_9 : vector<2000x1xf32>
    %get3A_12 = arith.constant 0 : index
    %get3A_13 = arith.constant 0 : index
    %get3A_14 = arith.constant 0 : index
    %get3A_15 = vector.load %arg3[%get3A_12, %get3A_13, %get3A_14] : memref<2x2000x128xf32, #tpu.memory_space<vmem>>, vector<1x2000x128xf32>
    %get3A_16 = vector.shape_cast %get3A_15 : vector<1x2000x128xf32> to vector<2000x128xf32>
    %get3A_17 = arith.constant 1 : index
    %get3A_18 = arith.constant 0 : index
    %get3A_19 = arith.constant 0 : index
    %get3A_20 = vector.load %arg3[%get3A_17, %get3A_18, %get3A_19] : memref<2x2000x128xf32, #tpu.memory_space<vmem>>, vector<1x2000x128xf32>
    %get3A_21 = vector.shape_cast %get3A_20 : vector<1x2000x128xf32> to vector<2000x128xf32>
    %add3A_22 = arith.addf %get3A_16, %get3A_21 : vector<2000x128xf32>
    %slice3A = vector.extract_strided_slice %add3A_22 {offsets = [0, 0], sizes = [2000, 64], strides = [1, 1]} : vector<2000x128xf32> to vector<2000x64xf32>
    %mul3A = vector.broadcast %div3A_11 : vector<2000x1xf32> to vector<2000x64xf32>
    %mul3A_23 = arith.mulf %mul3A, %slice3A : vector<2000x64xf32>
    %max3A_24 = arith.constant 0.000000e+00 : f32
    %max3A_25 = vector.broadcast %max3A_24 : f32 to vector<2000x64xf32>
    %max3A_26 = arith.maximumf %mul3A_23, %max3A_25 : vector<2000x64xf32>
    %get3A_27 = arith.constant 0 : index
    %get3A_28 = arith.constant 64 : index
    %get3A_29 = vector.load %arg1[%get3A_27, %get3A_28] : memref<2000x128xf32, #tpu.memory_space<vmem>>, vector<2000x64xf32>
    %slice3A_30 = vector.extract_strided_slice %add3A_22 {offsets = [0, 64], sizes = [2000, 64], strides = [1, 1]} : vector<2000x128xf32> to vector<2000x64xf32>
    %mul3A_31 = vector.broadcast %div3A_11 : vector<2000x1xf32> to vector<2000x64xf32>
    %mul3A_32 = arith.mulf %mul3A_31, %slice3A_30 : vector<2000x64xf32>
    %sub3A = arith.subf %get3A_29, %mul3A_32 : vector<2000x64xf32>
    %max3A_33 = arith.constant 0.000000e+00 : f32
    %max3A_34 = vector.broadcast %max3A_33 : f32 to vector<2000x64xf32>
    %max3A_35 = arith.maximumf %sub3A, %max3A_34 : vector<2000x64xf32>
    %get3A_36 = arith.constant 0 : index
    %get3A_37 = arith.constant 0 : index
    %get3A_38 = vector.load %arg2[%get3A_36, %get3A_37] : memref<2000x64xf32, #tpu.memory_space<vmem>>, vector<2000x64xf32>
    %max3A_39 = arith.constant 0.000000e+00 : f32
    %max3A_40 = vector.broadcast %max3A_39 : f32 to vector<2000x64xf32>
    %max3A_41 = arith.maximumf %get3A_38, %max3A_40 : vector<2000x64xf32>
    %get3A_42 = arith.constant 0 : index
    %get3A_43 = arith.constant 0 : index
    %get3A_44 = vector.load %arg5[%get3A_42, %get3A_43] : memref<1x64xf32, #tpu.memory_space<vmem>>, vector<1x64xf32>
    %get3A_45 = arith.constant 0 : index
    %get3A_46 = arith.constant 0 : index
    %get3A_47 = vector.load %arg6[%get3A_45, %get3A_46] : memref<1x64xf32, #tpu.memory_space<vmem>>, vector<1x64xf32>
    %get3A_48 = arith.constant 0 : index
    %get3A_49 = arith.constant 0 : index
    %get3A_50 = vector.load %arg7[%get3A_48, %get3A_49] : memref<1x64xf32, #tpu.memory_space<vmem>>, vector<1x64xf32>
    %mul3A_51 = vector.broadcast %get3A_44 : vector<1x64xf32> to vector<2000x64xf32>
    %mul3A_52 = arith.mulf %max3A_26, %mul3A_51 : vector<2000x64xf32>
    %reduce_sum3A = arith.constant dense<0.000000e+00> : vector<2000xf32>
    %reduce_sum3A_53 = vector.multi_reduction <add>, %mul3A_52, %reduce_sum3A [1] : vector<2000x64xf32> to vector<2000xf32>
    %broadcast_in_dim3A = vector.shape_cast %reduce_sum3A_53 : vector<2000xf32> to vector<2000x1xf32>
    %mul3A_54 = vector.broadcast %get3A_47 : vector<1x64xf32> to vector<2000x64xf32>
    %mul3A_55 = arith.mulf %max3A_35, %mul3A_54 : vector<2000x64xf32>
    %reduce_sum3A_56 = arith.constant dense<0.000000e+00> : vector<2000xf32>
    %reduce_sum3A_57 = vector.multi_reduction <add>, %mul3A_55, %reduce_sum3A_56 [1] : vector<2000x64xf32> to vector<2000xf32>
    %broadcast_in_dim3A_58 = vector.shape_cast %reduce_sum3A_57 : vector<2000xf32> to vector<2000x1xf32>
    %mul3A_59 = vector.broadcast %get3A_50 : vector<1x64xf32> to vector<2000x64xf32>
    %mul3A_60 = arith.mulf %max3A_41, %mul3A_59 : vector<2000x64xf32>
    %reduce_sum3A_61 = arith.constant dense<0.000000e+00> : vector<2000xf32>
    %reduce_sum3A_62 = vector.multi_reduction <add>, %mul3A_60, %reduce_sum3A_61 [1] : vector<2000x64xf32> to vector<2000xf32>
    %broadcast_in_dim3A_63 = vector.shape_cast %reduce_sum3A_62 : vector<2000xf32> to vector<2000x1xf32>
    %logistic3A = arith.negf %broadcast_in_dim3A : vector<2000x1xf32>
    %logistic3A_64 = math.exp %logistic3A : vector<2000x1xf32>
    %logistic3A_65 = arith.constant 1.000000e+00 : f32
    %logistic3A_66 = vector.broadcast %logistic3A_65 : f32 to vector<2000x1xf32>
    %logistic3A_67 = arith.addf %logistic3A_66, %logistic3A_64 : vector<2000x1xf32>
    %logistic3A_68 = arith.divf %logistic3A_66, %logistic3A_67 : vector<2000x1xf32>
    %logistic3A_69 = arith.negf %broadcast_in_dim3A_58 : vector<2000x1xf32>
    %logistic3A_70 = math.exp %logistic3A_69 : vector<2000x1xf32>
    %logistic3A_71 = arith.constant 1.000000e+00 : f32
    %logistic3A_72 = vector.broadcast %logistic3A_71 : f32 to vector<2000x1xf32>
    %logistic3A_73 = arith.addf %logistic3A_72, %logistic3A_70 : vector<2000x1xf32>
    %logistic3A_74 = arith.divf %logistic3A_72, %logistic3A_73 : vector<2000x1xf32>
    %logistic3A_75 = arith.negf %broadcast_in_dim3A_63 : vector<2000x1xf32>
    %logistic3A_76 = math.exp %logistic3A_75 : vector<2000x1xf32>
    %logistic3A_77 = arith.constant 1.000000e+00 : f32
    %logistic3A_78 = vector.broadcast %logistic3A_77 : f32 to vector<2000x1xf32>
    %logistic3A_79 = arith.addf %logistic3A_78, %logistic3A_76 : vector<2000x1xf32>
    %logistic3A_80 = arith.divf %logistic3A_78, %logistic3A_79 : vector<2000x1xf32>
    %get3A_81 = arith.constant 0 : index
    %get3A_82 = arith.constant 0 : index
    %get3A_83 = memref.load %arg8[%get3A_81, %get3A_82] : memref<3x3xf32, #tpu.memory_space<smem>>
    %mul3A_84 = vector.broadcast %get3A_83 : f32 to vector<2000x1xf32>
    %mul3A_85 = arith.mulf %logistic3A_68, %mul3A_84 : vector<2000x1xf32>
    %get3A_86 = arith.constant 1 : index
    %get3A_87 = arith.constant 0 : index
    %get3A_88 = memref.load %arg8[%get3A_86, %get3A_87] : memref<3x3xf32, #tpu.memory_space<smem>>
    %mul3A_89 = vector.broadcast %get3A_88 : f32 to vector<2000x1xf32>
    %mul3A_90 = arith.mulf %logistic3A_74, %mul3A_89 : vector<2000x1xf32>
    %add3A_91 = arith.addf %mul3A_85, %mul3A_90 : vector<2000x1xf32>
    %get3A_92 = arith.constant 2 : index
    %get3A_93 = arith.constant 0 : index
    %get3A_94 = memref.load %arg8[%get3A_92, %get3A_93] : memref<3x3xf32, #tpu.memory_space<smem>>
    %mul3A_95 = vector.broadcast %get3A_94 : f32 to vector<2000x1xf32>
    %mul3A_96 = arith.mulf %logistic3A_80, %mul3A_95 : vector<2000x1xf32>
    %add3A_97 = arith.addf %add3A_91, %mul3A_96 : vector<2000x1xf32>
    %div3A_98 = arith.constant 3.000000e+00 : f32
    %div3A_99 = vector.broadcast %div3A_98 : f32 to vector<2000x1xf32>
    %div3A_100 = arith.divf %add3A_97, %div3A_99 : vector<2000x1xf32>
    %get3A_101 = arith.constant 0 : index
    %get3A_102 = arith.constant 1 : index
    %get3A_103 = memref.load %arg8[%get3A_101, %get3A_102] : memref<3x3xf32, #tpu.memory_space<smem>>
    %mul3A_104 = vector.broadcast %get3A_103 : f32 to vector<2000x1xf32>
    %mul3A_105 = arith.mulf %logistic3A_68, %mul3A_104 : vector<2000x1xf32>
    %get3A_106 = arith.constant 1 : index
    %get3A_107 = arith.constant 1 : index
    %get3A_108 = memref.load %arg8[%get3A_106, %get3A_107] : memref<3x3xf32, #tpu.memory_space<smem>>
    %mul3A_109 = vector.broadcast %get3A_108 : f32 to vector<2000x1xf32>
    %mul3A_110 = arith.mulf %logistic3A_74, %mul3A_109 : vector<2000x1xf32>
    %add3A_111 = arith.addf %mul3A_105, %mul3A_110 : vector<2000x1xf32>
    %get3A_112 = arith.constant 2 : index
    %get3A_113 = arith.constant 1 : index
    %get3A_114 = memref.load %arg8[%get3A_112, %get3A_113] : memref<3x3xf32, #tpu.memory_space<smem>>
    %mul3A_115 = vector.broadcast %get3A_114 : f32 to vector<2000x1xf32>
    %mul3A_116 = arith.mulf %logistic3A_80, %mul3A_115 : vector<2000x1xf32>
    %add3A_117 = arith.addf %add3A_111, %mul3A_116 : vector<2000x1xf32>
    %div3A_118 = arith.constant 3.000000e+00 : f32
    %div3A_119 = vector.broadcast %div3A_118 : f32 to vector<2000x1xf32>
    %div3A_120 = arith.divf %add3A_117, %div3A_119 : vector<2000x1xf32>
    %get3A_121 = arith.constant 0 : index
    %get3A_122 = arith.constant 2 : index
    %get3A_123 = memref.load %arg8[%get3A_121, %get3A_122] : memref<3x3xf32, #tpu.memory_space<smem>>
    %mul3A_124 = vector.broadcast %get3A_123 : f32 to vector<2000x1xf32>
    %mul3A_125 = arith.mulf %logistic3A_68, %mul3A_124 : vector<2000x1xf32>
    %get3A_126 = arith.constant 1 : index
    %get3A_127 = arith.constant 2 : index
    %get3A_128 = memref.load %arg8[%get3A_126, %get3A_127] : memref<3x3xf32, #tpu.memory_space<smem>>
    %mul3A_129 = vector.broadcast %get3A_128 : f32 to vector<2000x1xf32>
    %mul3A_130 = arith.mulf %logistic3A_74, %mul3A_129 : vector<2000x1xf32>
    %add3A_131 = arith.addf %mul3A_125, %mul3A_130 : vector<2000x1xf32>
    %get3A_132 = arith.constant 2 : index
    %get3A_133 = arith.constant 2 : index
    %get3A_134 = memref.load %arg8[%get3A_132, %get3A_133] : memref<3x3xf32, #tpu.memory_space<smem>>
    %mul3A_135 = vector.broadcast %get3A_134 : f32 to vector<2000x1xf32>
    %mul3A_136 = arith.mulf %logistic3A_80, %mul3A_135 : vector<2000x1xf32>
    %add3A_137 = arith.addf %add3A_131, %mul3A_136 : vector<2000x1xf32>
    %div3A_138 = arith.constant 3.000000e+00 : f32
    %div3A_139 = vector.broadcast %div3A_138 : f32 to vector<2000x1xf32>
    %div3A_140 = arith.divf %add3A_137, %div3A_139 : vector<2000x1xf32>
    %max3A_141 = arith.maximumf %div3A_100, %div3A_120 : vector<2000x1xf32>
    %max3A_142 = arith.maximumf %max3A_141, %div3A_140 : vector<2000x1xf32>
    %sub3A_143 = arith.subf %div3A_100, %max3A_142 : vector<2000x1xf32>
    %exp3A = math.exp %sub3A_143 : vector<2000x1xf32>
    %sub3A_144 = arith.subf %div3A_120, %max3A_142 : vector<2000x1xf32>
    %exp3A_145 = math.exp %sub3A_144 : vector<2000x1xf32>
    %sub3A_146 = arith.subf %div3A_140, %max3A_142 : vector<2000x1xf32>
    %exp3A_147 = math.exp %sub3A_146 : vector<2000x1xf32>
    %add3A_148 = arith.addf %exp3A, %exp3A_145 : vector<2000x1xf32>
    %add3A_149 = arith.addf %add3A_148, %exp3A_147 : vector<2000x1xf32>
    %div3A_150 = arith.divf %exp3A, %add3A_149 : vector<2000x1xf32>
    %mul3A_151 = vector.broadcast %div3A_150 : vector<2000x1xf32> to vector<2000x64xf32>
    %mul3A_152 = arith.mulf %mul3A_151, %max3A_26 : vector<2000x64xf32>
    %div3A_153 = arith.divf %exp3A_145, %add3A_149 : vector<2000x1xf32>
    %mul3A_154 = vector.broadcast %div3A_153 : vector<2000x1xf32> to vector<2000x64xf32>
    %mul3A_155 = arith.mulf %mul3A_154, %max3A_35 : vector<2000x64xf32>
    %add3A_156 = arith.addf %mul3A_152, %mul3A_155 : vector<2000x64xf32>
    %div3A_157 = arith.divf %exp3A_147, %add3A_149 : vector<2000x1xf32>
    %mul3A_158 = vector.broadcast %div3A_157 : vector<2000x1xf32> to vector<2000x64xf32>
    %mul3A_159 = arith.mulf %mul3A_158, %max3A_41 : vector<2000x64xf32>
    %add3A_160 = arith.addf %add3A_156, %mul3A_159 : vector<2000x64xf32>
    %mul3A_161 = arith.constant 3.000000e+00 : f32
    %mul3A_162 = vector.broadcast %mul3A_161 : f32 to vector<2000x64xf32>
    %mul3A_163 = arith.mulf %mul3A_162, %add3A_160 : vector<2000x64xf32>
    %swap3A = arith.constant 0 : index
    %swap3A_164 = arith.constant 0 : index
    %swap3A_165 = vector.load %arg9[%swap3A, %swap3A_164] : memref<2000x64xf32, #tpu.memory_space<vmem>>, vector<2000x64xf32>
    tpu.vector_store %arg9[%swap3A, %swap3A_164], %mul3A_163 {strides = array<i32>} : memref<2000x64xf32, #tpu.memory_space<vmem>>, vector<2000x64xf32>,
    return
  }
  func.func @transform_0(%arg0: i32) -> (i32, i32) {
    %c0_i32 = arith.constant 0 : i32
    %c0_i32_0 = arith.constant 0 : i32
    return %arg0, %c0_i32 : i32, i32
  }
  func.func @transform_1(%arg0: i32) -> (i32, i32) {
    %c0_i32 = arith.constant 0 : i32
    %c0_i32_0 = arith.constant 0 : i32
    return %arg0, %c0_i32 : i32, i32
  }
  func.func @transform_2(%arg0: i32) -> (i32, i32, i32) {
    %c0_i32 = arith.constant 0 : i32
    %c0_i32_0 = arith.constant 0 : i32
    %c0_i32_1 = arith.constant 0 : i32
    return %c0_i32, %arg0, %c0_i32_0 : i32, i32, i32
  }
  func.func @transform_3(%arg0: i32) -> (i32, i32, i32) {
    %c0_i32 = arith.constant 0 : i32
    %c0_i32_0 = arith.constant 0 : i32
    %c0_i32_1 = arith.constant 0 : i32
    return %c0_i32, %arg0, %c0_i32_0 : i32, i32, i32
  }
  func.func @transform_4(%arg0: i32) -> (i32, i32) {
    %c0_i32 = arith.constant 0 : i32
    %c0_i32_0 = arith.constant 0 : i32
    %c0_i32_1 = arith.constant 0 : i32
    return %c0_i32, %c0_i32_0 : i32, i32
  }
  func.func @transform_5(%arg0: i32) -> (i32, i32) {
    %c0_i32 = arith.constant 0 : i32
    %c0_i32_0 = arith.constant 0 : i32
    %c0_i32_1 = arith.constant 0 : i32
    return %c0_i32, %c0_i32_0 : i32, i32
  }
  func.func @transform_6(%arg0: i32) -> (i32, i32) {
    %c0_i32 = arith.constant 0 : i32
    %c0_i32_0 = arith.constant 0 : i32
    %c0_i32_1 = arith.constant 0 : i32
    return %c0_i32, %c0_i32_0 : i32, i32
  }
  func.func @transform_7(%arg0: i32) -> (i32, i32) {
    %c0_i32 = arith.constant 0 : i32
    %c0_i32_0 = arith.constant 0 : i32
    %c0_i32_1 = arith.constant 0 : i32
    return %c0_i32, %c0_i32_0 : i32, i32
  }
  func.func @transform_8(%arg0: i32) -> (i32, i32) {
    %c0_i32 = arith.constant 0 : i32
    %c0_i32_0 = arith.constant 0 : i32
    return %arg0, %c0_i32 : i32, i32
  }
}

module attributes {stable_mosaic.version = 14 : i64} {
  func.func @_mid_body(%arg0: i32, %arg1: memref<2000x128xf32, #tpu.memory_space<vmem>>, %arg2: memref<2000x128xf32, #tpu.memory_space<vmem>>, %arg3: memref<2x2000x128xf32, #tpu.memory_space<vmem>>, %arg4: memref<2x2000x128xf32, #tpu.memory_space<vmem>>, %arg5: memref<2x2000x128xf32, #tpu.memory_space<vmem>>, %arg6: memref<1x128xf32, #tpu.memory_space<vmem>>, %arg7: memref<1x128xf32, #tpu.memory_space<vmem>>, %arg8: memref<1x128xf32, #tpu.memory_space<vmem>>, %arg9: memref<3x3xf32, #tpu.memory_space<smem>>, %arg10: memref<1x128xf32, #tpu.memory_space<vmem>>, %arg11: memref<1x128xf32, #tpu.memory_space<vmem>>, %arg12: memref<128x128xf32, #tpu.memory_space<vmem>>, %arg13: memref<128x64xf32, #tpu.memory_space<vmem>>, %arg14: memref<2000x128xf32, #tpu.memory_space<vmem>>, %arg15: memref<2000x64xf32, #tpu.memory_space<vmem>>) attributes {dimension_semantics = [#tpu.dimension_semantics<arbitrary>], iteration_bounds = array<i64: 5>, scalar_prefetch = 0 : i64, scratch_operands = 0 : i64, tpu.core_type = #tpu.core_type<tc>, window_params = [{transform_indices = @transform_0, window_bounds = array<i64: 2000, 128>}, {transform_indices = @transform_1, window_bounds = array<i64: 2000, 128>}, {transform_indices = @transform_2, window_bounds = array<i64: 2, 2000, 128>}, {transform_indices = @transform_3, window_bounds = array<i64: 2, 2000, 128>}, {transform_indices = @transform_4, window_bounds = array<i64: 2, 2000, 128>}, {pipeline_mode = #tpu.pipeline_mode<synchronous>, transform_indices = @transform_5, window_bounds = array<i64: 1, 128>}, {pipeline_mode = #tpu.pipeline_mode<synchronous>, transform_indices = @transform_6, window_bounds = array<i64: 1, 128>}, {pipeline_mode = #tpu.pipeline_mode<synchronous>, transform_indices = @transform_7, window_bounds = array<i64: 1, 128>}, {transform_indices = @transform_8, window_bounds = array<i64: 3, 3>}, {pipeline_mode = #tpu.pipeline_mode<synchronous>, transform_indices = @transform_9, window_bounds = array<i64: 1, 128>}, {pipeline_mode = #tpu.pipeline_mode<synchronous>, transform_indices = @transform_10, window_bounds = array<i64: 1, 128>}, {pipeline_mode = #tpu.pipeline_mode<synchronous>, transform_indices = @transform_11, window_bounds = array<i64: 128, 128>}, {pipeline_mode = #tpu.pipeline_mode<synchronous>, transform_indices = @transform_12, window_bounds = array<i64: 128, 64>}, {transform_indices = @transform_13, window_bounds = array<i64: 2000, 128>}, {transform_indices = @transform_14, window_bounds = array<i64: 2000, 64>}]} {
    %get3A = arith.constant 0 : index
    %get3A_0 = arith.constant 0 : index
    %get3A_1 = arith.constant 0 : index
    %get3A_2 = vector.load %arg5[%get3A, %get3A_0, %get3A_1] : memref<2x2000x128xf32, #tpu.memory_space<vmem>>, vector<1x2000x1xf32>
    %get3A_3 = vector.shape_cast %get3A_2 : vector<1x2000x1xf32> to vector<2000x1xf32>
    %get3A_4 = arith.constant 1 : index
    %get3A_5 = arith.constant 0 : index
    %get3A_6 = arith.constant 0 : index
    %get3A_7 = vector.load %arg5[%get3A_4, %get3A_5, %get3A_6] : memref<2x2000x128xf32, #tpu.memory_space<vmem>>, vector<1x2000x1xf32>
    %get3A_8 = vector.shape_cast %get3A_7 : vector<1x2000x1xf32> to vector<2000x1xf32>
    %add3A = arith.addf %get3A_3, %get3A_8 : vector<2000x1xf32>
    %jit3A = arith.constant 1.000000e+00 : f32
    %max3A = vector.broadcast %jit3A : f32 to vector<2000x1xf32>
    %max3A_9 = arith.maximumf %max3A, %add3A : vector<2000x1xf32>
    %div3A = arith.constant 1.000000e+00 : f32
    %div3A_10 = vector.broadcast %div3A : f32 to vector<2000x1xf32>
    %div3A_11 = arith.divf %div3A_10, %max3A_9 : vector<2000x1xf32>
    %get3A_12 = arith.constant 0 : index
    %get3A_13 = arith.constant 0 : index
    %get3A_14 = arith.constant 0 : index
    %get3A_15 = vector.load %arg3[%get3A_12, %get3A_13, %get3A_14] : memref<2x2000x128xf32, #tpu.memory_space<vmem>>, vector<1x2000x128xf32>
    %get3A_16 = vector.shape_cast %get3A_15 : vector<1x2000x128xf32> to vector<2000x128xf32>
    %get3A_17 = arith.constant 1 : index
    %get3A_18 = arith.constant 0 : index
    %get3A_19 = arith.constant 0 : index
    %get3A_20 = vector.load %arg3[%get3A_17, %get3A_18, %get3A_19] : memref<2x2000x128xf32, #tpu.memory_space<vmem>>, vector<1x2000x128xf32>
    %get3A_21 = vector.shape_cast %get3A_20 : vector<1x2000x128xf32> to vector<2000x128xf32>
    %add3A_22 = arith.addf %get3A_16, %get3A_21 : vector<2000x128xf32>
    %mul3A = vector.broadcast %div3A_11 : vector<2000x1xf32> to vector<2000x128xf32>
    %mul3A_23 = arith.mulf %mul3A, %add3A_22 : vector<2000x128xf32>
    %max3A_24 = arith.constant 0.000000e+00 : f32
    %max3A_25 = vector.broadcast %max3A_24 : f32 to vector<2000x128xf32>
    %max3A_26 = arith.maximumf %mul3A_23, %max3A_25 : vector<2000x128xf32>
    %get3A_27 = arith.constant 0 : index
    %get3A_28 = arith.constant 0 : index
    %get3A_29 = vector.load %arg1[%get3A_27, %get3A_28] : memref<2000x128xf32, #tpu.memory_space<vmem>>, vector<2000x128xf32>
    %get3A_30 = arith.constant 0 : index
    %get3A_31 = arith.constant 0 : index
    %get3A_32 = arith.constant 0 : index
    %get3A_33 = vector.load %arg4[%get3A_30, %get3A_31, %get3A_32] : memref<2x2000x128xf32, #tpu.memory_space<vmem>>, vector<1x2000x128xf32>
    %get3A_34 = vector.shape_cast %get3A_33 : vector<1x2000x128xf32> to vector<2000x128xf32>
    %get3A_35 = arith.constant 1 : index
    %get3A_36 = arith.constant 0 : index
    %get3A_37 = arith.constant 0 : index
    %get3A_38 = vector.load %arg4[%get3A_35, %get3A_36, %get3A_37] : memref<2x2000x128xf32, #tpu.memory_space<vmem>>, vector<1x2000x128xf32>
    %get3A_39 = vector.shape_cast %get3A_38 : vector<1x2000x128xf32> to vector<2000x128xf32>
    %add3A_40 = arith.addf %get3A_34, %get3A_39 : vector<2000x128xf32>
    %mul3A_41 = vector.broadcast %div3A_11 : vector<2000x1xf32> to vector<2000x128xf32>
    %mul3A_42 = arith.mulf %mul3A_41, %add3A_40 : vector<2000x128xf32>
    %sub3A = arith.subf %get3A_29, %mul3A_42 : vector<2000x128xf32>
    %max3A_43 = arith.constant 0.000000e+00 : f32
    %max3A_44 = vector.broadcast %max3A_43 : f32 to vector<2000x128xf32>
    %max3A_45 = arith.maximumf %sub3A, %max3A_44 : vector<2000x128xf32>
    %get3A_46 = arith.constant 0 : index
    %get3A_47 = arith.constant 0 : index
    %get3A_48 = vector.load %arg2[%get3A_46, %get3A_47] : memref<2000x128xf32, #tpu.memory_space<vmem>>, vector<2000x128xf32>
    %max3A_49 = arith.constant 0.000000e+00 : f32
    %max3A_50 = vector.broadcast %max3A_49 : f32 to vector<2000x128xf32>
    %max3A_51 = arith.maximumf %get3A_48, %max3A_50 : vector<2000x128xf32>
    %get3A_52 = arith.constant 0 : index
    %get3A_53 = arith.constant 0 : index
    %get3A_54 = vector.load %arg6[%get3A_52, %get3A_53] : memref<1x128xf32, #tpu.memory_space<vmem>>, vector<1x128xf32>
    %get3A_55 = arith.constant 0 : index
    %get3A_56 = arith.constant 0 : index
    %get3A_57 = vector.load %arg7[%get3A_55, %get3A_56] : memref<1x128xf32, #tpu.memory_space<vmem>>, vector<1x128xf32>
    %get3A_58 = arith.constant 0 : index
    %get3A_59 = arith.constant 0 : index
    %get3A_60 = vector.load %arg8[%get3A_58, %get3A_59] : memref<1x128xf32, #tpu.memory_space<vmem>>, vector<1x128xf32>
    %mul3A_61 = vector.broadcast %get3A_54 : vector<1x128xf32> to vector<2000x128xf32>
    %mul3A_62 = arith.mulf %max3A_26, %mul3A_61 : vector<2000x128xf32>
    %reduce_sum3A = arith.constant dense<0.000000e+00> : vector<2000xf32>
    %reduce_sum3A_63 = vector.multi_reduction <add>, %mul3A_62, %reduce_sum3A [1] : vector<2000x128xf32> to vector<2000xf32>
    %broadcast_in_dim3A = vector.shape_cast %reduce_sum3A_63 : vector<2000xf32> to vector<2000x1xf32>
    %mul3A_64 = vector.broadcast %get3A_57 : vector<1x128xf32> to vector<2000x128xf32>
    %mul3A_65 = arith.mulf %max3A_45, %mul3A_64 : vector<2000x128xf32>
    %reduce_sum3A_66 = arith.constant dense<0.000000e+00> : vector<2000xf32>
    %reduce_sum3A_67 = vector.multi_reduction <add>, %mul3A_65, %reduce_sum3A_66 [1] : vector<2000x128xf32> to vector<2000xf32>
    %broadcast_in_dim3A_68 = vector.shape_cast %reduce_sum3A_67 : vector<2000xf32> to vector<2000x1xf32>
    %mul3A_69 = vector.broadcast %get3A_60 : vector<1x128xf32> to vector<2000x128xf32>
    %mul3A_70 = arith.mulf %max3A_51, %mul3A_69 : vector<2000x128xf32>
    %reduce_sum3A_71 = arith.constant dense<0.000000e+00> : vector<2000xf32>
    %reduce_sum3A_72 = vector.multi_reduction <add>, %mul3A_70, %reduce_sum3A_71 [1] : vector<2000x128xf32> to vector<2000xf32>
    %broadcast_in_dim3A_73 = vector.shape_cast %reduce_sum3A_72 : vector<2000xf32> to vector<2000x1xf32>
    %logistic3A = arith.negf %broadcast_in_dim3A : vector<2000x1xf32>
    %logistic3A_74 = math.exp %logistic3A : vector<2000x1xf32>
    %logistic3A_75 = arith.constant 1.000000e+00 : f32
    %logistic3A_76 = vector.broadcast %logistic3A_75 : f32 to vector<2000x1xf32>
    %logistic3A_77 = arith.addf %logistic3A_76, %logistic3A_74 : vector<2000x1xf32>
    %logistic3A_78 = arith.divf %logistic3A_76, %logistic3A_77 : vector<2000x1xf32>
    %logistic3A_79 = arith.negf %broadcast_in_dim3A_68 : vector<2000x1xf32>
    %logistic3A_80 = math.exp %logistic3A_79 : vector<2000x1xf32>
    %logistic3A_81 = arith.constant 1.000000e+00 : f32
    %logistic3A_82 = vector.broadcast %logistic3A_81 : f32 to vector<2000x1xf32>
    %logistic3A_83 = arith.addf %logistic3A_82, %logistic3A_80 : vector<2000x1xf32>
    %logistic3A_84 = arith.divf %logistic3A_82, %logistic3A_83 : vector<2000x1xf32>
    %logistic3A_85 = arith.negf %broadcast_in_dim3A_73 : vector<2000x1xf32>
    %logistic3A_86 = math.exp %logistic3A_85 : vector<2000x1xf32>
    %logistic3A_87 = arith.constant 1.000000e+00 : f32
    %logistic3A_88 = vector.broadcast %logistic3A_87 : f32 to vector<2000x1xf32>
    %logistic3A_89 = arith.addf %logistic3A_88, %logistic3A_86 : vector<2000x1xf32>
    %logistic3A_90 = arith.divf %logistic3A_88, %logistic3A_89 : vector<2000x1xf32>
    %get3A_91 = arith.constant 0 : index
    %get3A_92 = arith.constant 0 : index
    %get3A_93 = memref.load %arg9[%get3A_91, %get3A_92] : memref<3x3xf32, #tpu.memory_space<smem>>
    %mul3A_94 = vector.broadcast %get3A_93 : f32 to vector<2000x1xf32>
    %mul3A_95 = arith.mulf %logistic3A_78, %mul3A_94 : vector<2000x1xf32>
    %get3A_96 = arith.constant 1 : index
    %get3A_97 = arith.constant 0 : index
    %get3A_98 = memref.load %arg9[%get3A_96, %get3A_97] : memref<3x3xf32, #tpu.memory_space<smem>>
    %mul3A_99 = vector.broadcast %get3A_98 : f32 to vector<2000x1xf32>
    %mul3A_100 = arith.mulf %logistic3A_84, %mul3A_99 : vector<2000x1xf32>
    %add3A_101 = arith.addf %mul3A_95, %mul3A_100 : vector<2000x1xf32>
    %get3A_102 = arith.constant 2 : index
    %get3A_103 = arith.constant 0 : index
    %get3A_104 = memref.load %arg9[%get3A_102, %get3A_103] : memref<3x3xf32, #tpu.memory_space<smem>>
    %mul3A_105 = vector.broadcast %get3A_104 : f32 to vector<2000x1xf32>
    %mul3A_106 = arith.mulf %logistic3A_90, %mul3A_105 : vector<2000x1xf32>
    %add3A_107 = arith.addf %add3A_101, %mul3A_106 : vector<2000x1xf32>
    %div3A_108 = arith.constant 3.000000e+00 : f32
    %div3A_109 = vector.broadcast %div3A_108 : f32 to vector<2000x1xf32>
    %div3A_110 = arith.divf %add3A_107, %div3A_109 : vector<2000x1xf32>
    %get3A_111 = arith.constant 0 : index
    %get3A_112 = arith.constant 1 : index
    %get3A_113 = memref.load %arg9[%get3A_111, %get3A_112] : memref<3x3xf32, #tpu.memory_space<smem>>
    %mul3A_114 = vector.broadcast %get3A_113 : f32 to vector<2000x1xf32>
    %mul3A_115 = arith.mulf %logistic3A_78, %mul3A_114 : vector<2000x1xf32>
    %get3A_116 = arith.constant 1 : index
    %get3A_117 = arith.constant 1 : index
    %get3A_118 = memref.load %arg9[%get3A_116, %get3A_117] : memref<3x3xf32, #tpu.memory_space<smem>>
    %mul3A_119 = vector.broadcast %get3A_118 : f32 to vector<2000x1xf32>
    %mul3A_120 = arith.mulf %logistic3A_84, %mul3A_119 : vector<2000x1xf32>
    %add3A_121 = arith.addf %mul3A_115, %mul3A_120 : vector<2000x1xf32>
    %get3A_122 = arith.constant 2 : index
    %get3A_123 = arith.constant 1 : index
    %get3A_124 = memref.load %arg9[%get3A_122, %get3A_123] : memref<3x3xf32, #tpu.memory_space<smem>>
    %mul3A_125 = vector.broadcast %get3A_124 : f32 to vector<2000x1xf32>
    %mul3A_126 = arith.mulf %logistic3A_90, %mul3A_125 : vector<2000x1xf32>
    %add3A_127 = arith.addf %add3A_121, %mul3A_126 : vector<2000x1xf32>
    %div3A_128 = arith.constant 3.000000e+00 : f32
    %div3A_129 = vector.broadcast %div3A_128 : f32 to vector<2000x1xf32>
    %div3A_130 = arith.divf %add3A_127, %div3A_129 : vector<2000x1xf32>
    %get3A_131 = arith.constant 0 : index
    %get3A_132 = arith.constant 2 : index
    %get3A_133 = memref.load %arg9[%get3A_131, %get3A_132] : memref<3x3xf32, #tpu.memory_space<smem>>
    %mul3A_134 = vector.broadcast %get3A_133 : f32 to vector<2000x1xf32>
    %mul3A_135 = arith.mulf %logistic3A_78, %mul3A_134 : vector<2000x1xf32>
    %get3A_136 = arith.constant 1 : index
    %get3A_137 = arith.constant 2 : index
    %get3A_138 = memref.load %arg9[%get3A_136, %get3A_137] : memref<3x3xf32, #tpu.memory_space<smem>>
    %mul3A_139 = vector.broadcast %get3A_138 : f32 to vector<2000x1xf32>
    %mul3A_140 = arith.mulf %logistic3A_84, %mul3A_139 : vector<2000x1xf32>
    %add3A_141 = arith.addf %mul3A_135, %mul3A_140 : vector<2000x1xf32>
    %get3A_142 = arith.constant 2 : index
    %get3A_143 = arith.constant 2 : index
    %get3A_144 = memref.load %arg9[%get3A_142, %get3A_143] : memref<3x3xf32, #tpu.memory_space<smem>>
    %mul3A_145 = vector.broadcast %get3A_144 : f32 to vector<2000x1xf32>
    %mul3A_146 = arith.mulf %logistic3A_90, %mul3A_145 : vector<2000x1xf32>
    %add3A_147 = arith.addf %add3A_141, %mul3A_146 : vector<2000x1xf32>
    %div3A_148 = arith.constant 3.000000e+00 : f32
    %div3A_149 = vector.broadcast %div3A_148 : f32 to vector<2000x1xf32>
    %div3A_150 = arith.divf %add3A_147, %div3A_149 : vector<2000x1xf32>
    %max3A_151 = arith.maximumf %div3A_110, %div3A_130 : vector<2000x1xf32>
    %max3A_152 = arith.maximumf %max3A_151, %div3A_150 : vector<2000x1xf32>
    %sub3A_153 = arith.subf %div3A_110, %max3A_152 : vector<2000x1xf32>
    %exp3A = math.exp %sub3A_153 : vector<2000x1xf32>
    %sub3A_154 = arith.subf %div3A_130, %max3A_152 : vector<2000x1xf32>
    %exp3A_155 = math.exp %sub3A_154 : vector<2000x1xf32>
    %sub3A_156 = arith.subf %div3A_150, %max3A_152 : vector<2000x1xf32>
    %exp3A_157 = math.exp %sub3A_156 : vector<2000x1xf32>
    %add3A_158 = arith.addf %exp3A, %exp3A_155 : vector<2000x1xf32>
    %add3A_159 = arith.addf %add3A_158, %exp3A_157 : vector<2000x1xf32>
    %div3A_160 = arith.divf %exp3A, %add3A_159 : vector<2000x1xf32>
    %mul3A_161 = vector.broadcast %div3A_160 : vector<2000x1xf32> to vector<2000x128xf32>
    %mul3A_162 = arith.mulf %mul3A_161, %max3A_26 : vector<2000x128xf32>
    %div3A_163 = arith.divf %exp3A_155, %add3A_159 : vector<2000x1xf32>
    %mul3A_164 = vector.broadcast %div3A_163 : vector<2000x1xf32> to vector<2000x128xf32>
    %mul3A_165 = arith.mulf %mul3A_164, %max3A_45 : vector<2000x128xf32>
    %add3A_166 = arith.addf %mul3A_162, %mul3A_165 : vector<2000x128xf32>
    %div3A_167 = arith.divf %exp3A_157, %add3A_159 : vector<2000x1xf32>
    %mul3A_168 = vector.broadcast %div3A_167 : vector<2000x1xf32> to vector<2000x128xf32>
    %mul3A_169 = arith.mulf %mul3A_168, %max3A_51 : vector<2000x128xf32>
    %add3A_170 = arith.addf %add3A_166, %mul3A_169 : vector<2000x128xf32>
    %mul3A_171 = arith.constant 3.000000e+00 : f32
    %mul3A_172 = vector.broadcast %mul3A_171 : f32 to vector<2000x128xf32>
    %mul3A_173 = arith.mulf %mul3A_172, %add3A_170 : vector<2000x128xf32>
    %reduce_sum3A_174 = arith.constant dense<0.000000e+00> : vector<2000xf32>
    %reduce_sum3A_175 = vector.multi_reduction <add>, %mul3A_173, %reduce_sum3A_174 [1] : vector<2000x128xf32> to vector<2000xf32>
    %broadcast_in_dim3A_176 = vector.shape_cast %reduce_sum3A_175 : vector<2000xf32> to vector<2000x1xf32>
    %div3A_177 = arith.constant 1.280000e+02 : f32
    %div3A_178 = vector.broadcast %div3A_177 : f32 to vector<2000x1xf32>
    %div3A_179 = arith.divf %broadcast_in_dim3A_176, %div3A_178 : vector<2000x1xf32>
    %sub3A_180 = vector.broadcast %div3A_179 : vector<2000x1xf32> to vector<2000x128xf32>
    %sub3A_181 = arith.subf %mul3A_173, %sub3A_180 : vector<2000x128xf32>
    %mul3A_182 = arith.mulf %sub3A_181, %sub3A_181 : vector<2000x128xf32>
    %reduce_sum3A_183 = arith.constant dense<0.000000e+00> : vector<2000xf32>
    %reduce_sum3A_184 = vector.multi_reduction <add>, %mul3A_182, %reduce_sum3A_183 [1] : vector<2000x128xf32> to vector<2000xf32>
    %broadcast_in_dim3A_185 = vector.shape_cast %reduce_sum3A_184 : vector<2000xf32> to vector<2000x1xf32>
    %div3A_186 = arith.constant 1.280000e+02 : f32
    %div3A_187 = vector.broadcast %div3A_186 : f32 to vector<2000x1xf32>
    %div3A_188 = arith.divf %broadcast_in_dim3A_185, %div3A_187 : vector<2000x1xf32>
    %add3A_189 = arith.constant 9.99999971E-10 : f32
    %add3A_190 = vector.broadcast %add3A_189 : f32 to vector<2000x1xf32>
    %add3A_191 = arith.addf %div3A_188, %add3A_190 : vector<2000x1xf32>
    %sqrt3A = math.sqrt %add3A_191 : vector<2000x1xf32>
    %div3A_192 = vector.broadcast %sqrt3A : vector<2000x1xf32> to vector<2000x128xf32>
    %div3A_193 = arith.divf %sub3A_181, %div3A_192 : vector<2000x128xf32>
    %get3A_194 = arith.constant 0 : index
    %get3A_195 = arith.constant 0 : index
    %get3A_196 = vector.load %arg10[%get3A_194, %get3A_195] : memref<1x128xf32, #tpu.memory_space<vmem>>, vector<1x128xf32>
    %mul3A_197 = vector.broadcast %get3A_196 : vector<1x128xf32> to vector<2000x128xf32>
    %mul3A_198 = arith.mulf %div3A_193, %mul3A_197 : vector<2000x128xf32>
    %get3A_199 = arith.constant 0 : index
    %get3A_200 = arith.constant 0 : index
    %get3A_201 = vector.load %arg11[%get3A_199, %get3A_200] : memref<1x128xf32, #tpu.memory_space<vmem>>, vector<1x128xf32>
    %add3A_202 = vector.broadcast %get3A_201 : vector<1x128xf32> to vector<2000x128xf32>
    %add3A_203 = arith.addf %mul3A_198, %add3A_202 : vector<2000x128xf32>
    %max3A_204 = arith.constant 0.000000e+00 : f32
    %max3A_205 = vector.broadcast %max3A_204 : f32 to vector<2000x128xf32>
    %max3A_206 = arith.maximumf %add3A_203, %max3A_205 : vector<2000x128xf32>
    %get3A_207 = arith.constant 0 : index
    %get3A_208 = arith.constant 0 : index
    %get3A_209 = vector.load %arg12[%get3A_207, %get3A_208] : memref<128x128xf32, #tpu.memory_space<vmem>>, vector<128x128xf32>
    %dot_general3A = arith.constant dense<0.000000e+00> : vector<2000x128xf32>
    %dot_general3A_210 = tpu.matmul %max3A_206, %get3A_209, %dot_general3A {dimension_numbers = #tpu.dot_dimension_numbers<[1], [0], [0], [1], [0, 0, 1, 1], [], []>, transpose_lhs_hint = false} : vector<2000x128xf32>, vector<128x128xf32>, vector<2000x128xf32> -> vector<2000x128xf32>
    %swap3A = arith.constant 0 : index
    %swap3A_211 = arith.constant 0 : index
    %swap3A_212 = vector.load %arg14[%swap3A, %swap3A_211] : memref<2000x128xf32, #tpu.memory_space<vmem>>, vector<2000x128xf32>
    tpu.vector_store %arg14[%swap3A, %swap3A_211], %dot_general3A_210 {strides = array<i32>} : memref<2000x128xf32, #tpu.memory_space<vmem>>, vector<2000x128xf32>,
    %get3A_213 = arith.constant 0 : index
    %get3A_214 = arith.constant 0 : index
    %get3A_215 = vector.load %arg13[%get3A_213, %get3A_214] : memref<128x64xf32, #tpu.memory_space<vmem>>, vector<128x64xf32>
    %dot_general3A_216 = arith.constant dense<0.000000e+00> : vector<2000x64xf32>
    %dot_general3A_217 = tpu.matmul %max3A_206, %get3A_215, %dot_general3A_216 {dimension_numbers = #tpu.dot_dimension_numbers<[1], [0], [0], [1], [0, 0, 1, 1], [], []>, transpose_lhs_hint = false} : vector<2000x128xf32>, vector<128x64xf32>, vector<2000x64xf32> -> vector<2000x64xf32>
    %swap3A_218 = arith.constant 0 : index
    %swap3A_219 = arith.constant 0 : index
    %swap3A_220 = vector.load %arg15[%swap3A_218, %swap3A_219] : memref<2000x64xf32, #tpu.memory_space<vmem>>, vector<2000x64xf32>
    tpu.vector_store %arg15[%swap3A_218, %swap3A_219], %dot_general3A_217 {strides = array<i32>} : memref<2000x64xf32, #tpu.memory_space<vmem>>, vector<2000x64xf32>,
    return
  }
  func.func @transform_0(%arg0: i32) -> (i32, i32) {
    %c0_i32 = arith.constant 0 : i32
    %c0_i32_0 = arith.constant 0 : i32
    return %arg0, %c0_i32 : i32, i32
  }
  func.func @transform_1(%arg0: i32) -> (i32, i32) {
    %c0_i32 = arith.constant 0 : i32
    %c0_i32_0 = arith.constant 0 : i32
    return %arg0, %c0_i32 : i32, i32
  }
  func.func @transform_2(%arg0: i32) -> (i32, i32, i32) {
    %c0_i32 = arith.constant 0 : i32
    %c0_i32_0 = arith.constant 0 : i32
    %c0_i32_1 = arith.constant 0 : i32
    return %c0_i32, %arg0, %c0_i32_0 : i32, i32, i32
  }
  func.func @transform_3(%arg0: i32) -> (i32, i32, i32) {
    %c0_i32 = arith.constant 0 : i32
    %c0_i32_0 = arith.constant 0 : i32
    %c0_i32_1 = arith.constant 0 : i32
    return %c0_i32, %arg0, %c0_i32_0 : i32, i32, i32
  }
  func.func @transform_4(%arg0: i32) -> (i32, i32, i32) {
    %c0_i32 = arith.constant 0 : i32
    %c0_i32_0 = arith.constant 0 : i32
    %c0_i32_1 = arith.constant 0 : i32
    return %c0_i32, %arg0, %c0_i32_0 : i32, i32, i32
  }
  func.func @transform_5(%arg0: i32) -> (i32, i32) {
    %c0_i32 = arith.constant 0 : i32
    %c0_i32_0 = arith.constant 0 : i32
    %c0_i32_1 = arith.constant 0 : i32
    return %c0_i32, %c0_i32_0 : i32, i32
  }
  func.func @transform_6(%arg0: i32) -> (i32, i32) {
    %c0_i32 = arith.constant 0 : i32
    %c0_i32_0 = arith.constant 0 : i32
    %c0_i32_1 = arith.constant 0 : i32
    return %c0_i32, %c0_i32_0 : i32, i32
  }
  func.func @transform_7(%arg0: i32) -> (i32, i32) {
    %c0_i32 = arith.constant 0 : i32
    %c0_i32_0 = arith.constant 0 : i32
    %c0_i32_1 = arith.constant 0 : i32
    return %c0_i32, %c0_i32_0 : i32, i32
  }
  func.func @transform_8(%arg0: i32) -> (i32, i32) {
    %c0_i32 = arith.constant 0 : i32
    %c0_i32_0 = arith.constant 0 : i32
    %c0_i32_1 = arith.constant 0 : i32
    return %c0_i32, %c0_i32_0 : i32, i32
  }
  func.func @transform_9(%arg0: i32) -> (i32, i32) {
    %c0_i32 = arith.constant 0 : i32
    %c0_i32_0 = arith.constant 0 : i32
    %c0_i32_1 = arith.constant 0 : i32
    return %c0_i32, %c0_i32_0 : i32, i32
  }
  func.func @transform_10(%arg0: i32) -> (i32, i32) {
    %c0_i32 = arith.constant 0 : i32
    %c0_i32_0 = arith.constant 0 : i32
    %c0_i32_1 = arith.constant 0 : i32
    return %c0_i32, %c0_i32_0 : i32, i32
  }
  func.func @transform_11(%arg0: i32) -> (i32, i32) {
    %c0_i32 = arith.constant 0 : i32
    %c0_i32_0 = arith.constant 0 : i32
    %c0_i32_1 = arith.constant 0 : i32
    return %c0_i32, %c0_i32_0 : i32, i32
  }
  func.func @transform_12(%arg0: i32) -> (i32, i32) {
    %c0_i32 = arith.constant 0 : i32
    %c0_i32_0 = arith.constant 0 : i32
    %c0_i32_1 = arith.constant 0 : i32
    return %c0_i32, %c0_i32_0 : i32, i32
  }
  func.func @transform_13(%arg0: i32) -> (i32, i32) {
    %c0_i32 = arith.constant 0 : i32
    %c0_i32_0 = arith.constant 0 : i32
    return %arg0, %c0_i32 : i32, i32
  }
  func.func @transform_14(%arg0: i32) -> (i32, i32) {
    %c0_i32 = arith.constant 0 : i32
    %c0_i32_0 = arith.constant 0 : i32
    return %arg0, %c0_i32 : i32, i32
  }
}

</mosaic_0001>

<sc_bundles>
// kernel: kernel.10.cloned.1.call-start
scs
__scs_entry_jumppad:
0x0: {  	(pc) =	sbr.rel $0x88, $3  }
0x1: {  	(tag) =	ssettag $0x0;
	lr =	simm.s32 $0x1  }
0x2: {  	[smem:$0x3F8F] =	sst lr;
	_ =	strace $0xD0000000  }
0x3: {  	_ = 	snop  }
0x4: {  	_ = 	snop  }
0x5: {  	_ = 	snop  }
0x6: {  	_ = 	snop  }
0x7: {  	_ = 	snop  }
__scs_overlays_trampoline_lowered:
0x8: {  	[smem:$0x3F9E] =	sst s0  }
0x9: {  	[smem:$0x3F9F] =	sst s1  }
0xa: {  	[smem:$0x3FA0] =	sst s2  }
0xb: {  	[smem:$0x3FA1] =	sst s3  }
0xc: {  	[smem:$0x3FA2] =	sst s4  }
0xd: {  	[smem:$0x3FA3] =	sst s5  }
0xe: {  	[smem:$0x3FA4] =	sst s6  }
0xf: {  	[smem:$0x3FA5] =	sst s7  }
0x10: {  	[smem:$0x3FA6] =	sst s8  }
0x11: {  	[smem:$0x3FA7] =	sst s9;
	s0 =	simm.s32 @!p0 $0x0  }
0x12: {  	s1 =	sld [smem:$0x3F8D];
	s0 =	simm.s32 @p0 $0x1  }
0x13: {  	[smem:$0x3FA8] =	sst s0;
	s0 =	simm.s32 @!p1 $0x0  }
0x14: {  	s2 =	sld [smem:$0x3F8C];
	s0 =	simm.s32 @p1 $0x1  }
0x15: {  	[smem:$0x3FA9] =	sst s0;
	s0 =	simm.s32 @!p2 $0x0  }
0x16: {  	s3 =	sld [smem:$0x3FDB];
	s0 =	simm.s32 @p2 $0x1  }
0x17: {  	s4 =	simm.s32 $0x1BF5;
	[smem:$0x3FAB] =	sst s0  }
0x18: {  	s0 =	sld [smem:$0x3F8E];
	_ =	swait.ge [sflag:s4], $0x0  }
0x19: {  	s7 =	sld [smem:$0x3F8F]  }
0x1a: {  	s8 =	sadd.s32 $0xFFFFE003, lr  }
0x1b: {  	s9 =	sadd.s32 $0xFFFFFEF7, lr;
	s5 =	simm.s32 $0xFFFFFFFF;
	p2 =	slt.u32 s8, $0xFFFFF086  }
0x1c: {  	p1 =	slt.u32 s9, $0xF7A;
	s5 =	simm.s32 @!p2 $0x0  }
0x1d: {  	s5 =	simm.s32 @p1 $0x1;
	p0 =	seq.s32 s7, s2  }
0x1e: {  	s7 =	smul.u32 @!p0 $0xF7A, s2;
	p2 =	seq.s32 @!p0 s5, $0x0  }
0x1f: {  	s9 =	smul.u32 $0xF7A, s1;
	s8 =	simm.s32 @!p0 $0x1BF5;
	p2 =	por !p2, p0  }
0x20: {  	[sflag:s8] =	ssyncset.s32 @!p0 $0xFFFFF086;
	s6 =	sadd.s32 @!p0 s3, s7;
	s7 =	simm.s32 @!p0 $0x108  }
0x21: {  	s3 =	sadd.s32 s3, s9;
	s6 =	sadd.s32 @!p0 $0x88, s6;
	s7 =	simm.s32 @p2 $0x1082  }
0x22: {  	[simem:s7], [sflag:s8] =	dma.local @!p0 [hbm:s6], $0xF7A  }
0x23: {  	s9 =	sor.u32 $0xD0000000, s2;
	s6 =	simm.s32 $0x108;
	_ =	swait.ge @!p0 [sflag:s8], $0x0  }
0x24: {  	s3 =	sadd.s32 $0x88, s3;
	s6 =	simm.s32 @!p1 $0x1082;
	[sflag:s4] =	ssyncset.s32 $0xFFFFF086  }
0x25: {  	[simem:s6], [sflag:s4] =	dma.local [hbm:s3], $0xF7A  }
0x26: {  	[smem:$0x3F8F] =	sst s1;
	(tag) =	ssettag s2;
	_ =	strace s9  }
0x27: {  	s1 =	sld [smem:$0x3F9F]  }
0x28: {  	s2 =	sld [smem:$0x3FA0]  }
0x29: {  	s4 =	sld [smem:$0x3FA2]  }
0x2a: {  	p0 =	seq.s32 s5, $0x0;
	s5 =	sld [smem:$0x3FA3]  }
0x2b: {  	s6 =	sld [smem:$0x3FA4]  }
0x2c: {  	s7 =	sld [smem:$0x3FA5]  }
0x2d: {  	s3 =	simm.s32 $0x108;
	s8 =	sld [smem:$0x3FA6]  }
0x2e: {  	s3 =	simm.s32 @!p0 $0x1082;
	s9 =	sld [smem:$0x3FA7]  }
0x2f: {  	lr =	sadd.s32 s0, s3;
	s0 =	sld [smem:$0x3F9E]  }
0x30: {  	s3 =	sld [smem:$0x3FA1]  }
0x31: {  	[smem:$0x3FAA] =	sst s10  }
0x32: {  	s10 =	sld [smem:$0x3FA8];
	_ =	sdelay $0x3  }
0x33: {  	p0 =	seq.s32 s10, $0x1;
	s10 =	sld [smem:$0x3FAA];
	_ =	sdelay $0x3  }
0x34: {  	[smem:$0x3FAA] =	sst s10  }
0x35: {  	s10 =	sld [smem:$0x3FA9];
	_ =	sdelay $0x3  }
0x36: {  	p1 =	seq.s32 s10, $0x1;
	s10 =	sld [smem:$0x3FAA];
	_ =	sdelay $0x3  }
0x37: {  	[smem:$0x3FAA] =	sst s10  }
0x38: {  	s10 =	sld [smem:$0x3FAB]  }
0x39: {  	_ = 	snop;
	(pc) =	sbr.ind lr, $3  }
0x3a: {  	_ = 	snop  }
0x3b: {  	_ = 	snop  }
0x3c: {  	p2 =	seq.s32 s10, $0x1;
	s10 =	sld [smem:$0x3FAA]  }
0x3d: {  	_ =	shalt  }
0x3e: {  	_ =	shalt  }
0x3f: {  	_ =	shalt  }
0x40: {  	_ =	shalt  }
0x41: {  	_ =	shalt  }
0x42: {  	_ =	shalt  }
0x43: {  	_ =	shalt  }
0x44: {  	_ =	shalt  }
0x45: {  	_ =	shalt  }
0x46: {  	_ =	shalt  }
0x47: {  	_ =	shalt  }
0x48: {  	_ =	shalt  }
0x49: {  	_ =	shalt  }
0x4a: {  	_ =	shalt  }
0x4b: {  	_ =	shalt  }
0x4c: {  	_ =	shalt  }
0x4d: {  	_ =	shalt  }
0x4e: {  	_ =	shalt  }
0x4f: {  	_ =	shalt  }
0x50: {  	_ =	shalt  }
0x51: {  	_ =	shalt  }
0x52: {  	_ =	shalt  }
0x53: {  	_ =	shalt  }
0x54: {  	_ =	shalt  }
0x55: {  	_ =	shalt  }
0x56: {  	_ =	shalt  }
0x57: {  	_ =	shalt  }
0x58: {  	_ =	shalt  }
0x59: {  	_ =	shalt  }
0x5a: {  	_ =	shalt  }
0x5b: {  	_ =	shalt  }
0x5c: {  	_ =	shalt  }
0x5d: {  	_ =	shalt  }
0x5e: {  	_ =	shalt  }
0x5f: {  	_ =	shalt  }
0x60: {  	_ =	shalt  }
0x61: {  	_ =	shalt  }
0x62: {  	_ =	shalt  }
0x63: {  	_ =	shalt  }
0x64: {  	_ =	shalt  }
0x65: {  	_ =	shalt  }
0x66: {  	_ =	shalt  }
0x67: {  	_ =	shalt  }
0x68: {  	_ =	shalt  }
0x69: {  	_ =	shalt  }
0x6a: {  	_ =	shalt  }
0x6b: {  	_ =	shalt  }
0x6c: {  	_ =	shalt  }
0x6d: {  	_ =	shalt  }
0x6e: {  	_ =	shalt  }
0x6f: {  	_ =	shalt  }
0x70: {  	_ =	shalt  }
0x71: {  	_ =	shalt  }
0x72: {  	_ =	shalt  }
0x73: {  	_ =	shalt  }
0x74: {  	_ =	shalt  }
0x75: {  	_ =	shalt  }
0x76: {  	_ =	shalt  }
0x77: {  	_ =	shalt  }
0x78: {  	_ =	shalt  }
0x79: {  	_ =	shalt  }
0x7a: {  	_ =	shalt  }
0x7b: {  	_ =	shalt  }
0x7c: {  	_ =	shalt  }
0x7d: {  	_ =	shalt  }
0x7e: {  	_ =	shalt  }
0x7f: {  	_ =	shalt  }
0x80: {  	_ =	shalt  }
0x81: {  	_ =	shalt  }
0x82: {  	_ =	shalt  }
0x83: {  	_ =	shalt  }
0x84: {  	_ =	shalt  }
0x85: {  	_ =	shalt  }
0x86: {  	_ =	shalt  }
0x87: {  	_ =	shalt  }
.Lfunc_end0:
.L_simem_size_0:
called_computation.1_lowered:
.L_overlay_start_0:
0x88: {  	s2 =	sld [smem:$0x3FD9]  }
0x89: {  	s3 =	sld [smem:$0x3FFE];
	_ =	sdelay $0x1  }
0x8a: {  	s1 =	srdreg.scid  }
0x8b: {  	s0 =	sand.u32 $0x1, s1  }
0x8c: {  	s17 =	sshll.u32 s0, $0xA;
	s2 =	sadd.s32 s3, s2  }
0x8d: {  	s2 =	sadd.s32 s2, s17  }
0x8e: {  	[smem:$0x3FB6] =	sst s2  }
0x8f: {  	_ = 	snop  }
0x90: {  	s2 =	sld [smem:$0x3FD0];
	(tm) =	ssettm $0x1  }
0x91: {  	s18 =	sld [smem:$0x3FFB];
	_ =	sdelay $0x3  }
0x92: {  	_ =	strace s18  }
0x93: {  	s3 =	sld [smem:$0x3FFC];
	_ =	sdelay $0x3  }
0x94: {  	_ =	strace s3  }
0x95: {  	s3 =	sld [smem:$0x3FFD];
	_ =	sdelay $0x3  }
0x96: {  	_ =	strace s3  }
0x97: {  	_ =	strace $0x8FFFFFFF  }
0x98: {  	s19 =	sld [smem:$0x3FDB];
	_ =	sdelay $0x1  }
0x99: {  	s4 =	simm.s32 $_scs_section_size  }
0x9a: {  	s5 =	simm.s32 $_size__tile_overlayer_lowered;
	s6 =	simm.s32 $_tile_overlayer_lowered  }
0x9b: {  	s22 =	simm.s32 $0x1BFF;
	s21 =	sshll.u32 s6, $0x1;
	s3 =	sadd.s32 s4, s19  }
0x9c: {  	s7 =	simm.s32 $0x0;
	s20 =	sshll.u32 s5, $0x1;
	s5 =	sadd.s32 s21, s3  }
0x9d: {  	[timem:s7], [sflag:s22] =	dma.local [hbm:s5], s20  }
0x9e: {  	_ =	swait.ge [sflag:s22], s20  }
0x9f: {  	s4 =	ssub.s32 $0x0, s20;
	[sflag:s22] =	ssyncset.done $0x0  }
0xa0: {  	[sflag:s22] =	ssyncadd.s32 s4;
	_ =	sdelay $0x1  }
0xa1: {  	s23 =	simm.s32 $0x1B8B  }
0xa2: {  	_ =	swait.ge [sflag:s23], $0x1  }
0xa3: {  	[sflag:s23] =	ssyncset.done $0x0  }
0xa4: {  	s25 =	simm.s32 $0x1B8E;
	s24 =	sld [smem:$0x3FFE];
	[sflag:s23] =	ssyncadd.s32 $0xFFFFFFFF  }
0xa5: {  	s26 =	simm.s32 $execute0_lowered;
	[smem:$0x3FD2] =	sst s25  }
0xa6: {  	s5 =	sshll.u32 s26, $0x1;
	_ =	strace $0x80000049;
	[dreg:$0x1] =	wrdreg $0xFFFFFFFF  }
0xa7: {  	s28 =	simm.s32 $_size_execute0_lowered;
	s3 =	sadd.s32 s3, s5;
	[dreg:$0x0] =	wrdreg $0x0  }
0xa8: {  	s5 =	sshll.u32 s28, $0x1;
	[dreg:$0x2] =	wrdreg s3  }
0xa9: {  	[dreg:$0x3] =	wrdreg s5  }
0xaa: {  	[dreg:$0x4] =	wrdreg $0xC0  }
0xab: {  	_ =	task [dreg:s7], $0x5FFFF  }
0xac: {  	[dreg:$0x1] =	wrdreg $0xFFFFFFFF  }
0xad: {  	[dreg:$0x0] =	wrdreg $0x60  }
0xae: {  	[dreg:$0x2] =	wrdreg s24  }
0xaf: {  	[dreg:$0x3] =	wrdreg s2  }
0xb0: {  	[dreg:$0x4] =	wrdreg $0x7B000  }
0xb1: {  	[dreg:$0x5] =	wrdreg $0x9  }
0xb2: {  	_ =	task.clear_ibuf [dreg:s7], $0x6FFFF;
	_ =	strace $0x90000049  }
0xb3: {  	s29 =	simm.s32 $0x9;
	_ =	strace $0x8000004B  }
0xb4: {  	_ =	swait.ge [sflag:s29], $0x1  }
0xb5: {  	[sflag:s29] =	ssyncadd.s32 $0xFFFFFFFF  }
0xb6: {  	_ =	strace $0x9000004B  }
0xb7: {  	_ =	sfence  }
0xb8: {  	s30 =	sld [smem:$0x0];
	_ =	sdelay $0x2  }
0xb9: {  	s31 =	sshll.u32 s1, $0xD;
	s1 =	sshrl.u32 s1, $0x2  }
0xba: {  	s3 =	sand.u32 $0x4000, s31;
	s1 =	sadd.s32 s1, s30  }
0xbb: {  	s0 =	sor.u32 s3, s0;
	s1 =	sshll.u32 s1, $0x11  }
0xbc: {  	s0 =	sor.u32 s1, s0  }
0xbd: {  	s0 =	sadd.s32 $0x8F2B, s0  }
0xbe: {  	[sflag:s0] =	ssyncadd.remote.s32 $0x1  }
0xbf: {  	_ =	sfence.sel $0xFFFF  }
0xc0: {  	[dreg:$0x0] =	wrdreg $0xFFFFFFFF;
	(pc) =	sbr.abs _section_cstart, $3  }
0xc1: {  	[dreg:$0x1] =	wrdreg $0xFFFFFFFF  }
0xc2: {  	_ =	task.clear_ibuf [dreg:s7], $0x2FFFF;
	_ =	strace $0x9FFFFFFF  }
0xc3: {  	(tm) =	ssettm $0x7FFFFFFF  }
tec
execute0_lowered:
.L_overlay_start_1:
0x0: {  	(tag) =	ssettag $0x1  }
0x1: {  	s3 =	rddreg [dreg:$0x0]  }
0x2: {  	s1 =	rddreg [dreg:$0x1]  }
0x3: {  	s2 =	rddreg [dreg:$0x2]  }
0x4: {  	s4 =	simm.s32 $0x0;
	s0 =	srdreg.scid;
	s21 =	stileid.u32  }
0x5: {  	s28 =	simm.s32 $0x50;
	s29 =	simm.s32 $0x5;
	[smem:$0x7FF] =	sst s4  }
0x6: {  	s6 =	sand.u32 $0x1, s0;
	s5 =	sadd.s32 $0x3400, s3;
	s7 =	smul.u32 $0x14000, s21  }
0x7: {  	s8 =	sadd.s32 $0x5BC00, s3;
	s10 =	sshll.u32 s21, $0x1;
	s14 =	smul.u32 $0x4E20, s21  }
0x8: {  	s21 =	smul.u32 $0x50000, s21;
	_ =	strace $0x8000004A;
	s0 =	ssub.s32 $0x2, s6  }
0x9: {  	s13 =	smul.u32 $0x140000, s6;
	s9 =	sshrl.u32 s0, $0x1;
	s11 =	sadd.s32 $0x5000, s7  }
0xa: {  	s12 =	sadd.s32 $0x7800, s7;
	s15 =	sadd.s32 $0xA000, s7;
	s16 =	sadd.s32 $0xC800, s7  }
0xb: {  	s17 =	sadd.s32 $0xF000, s7;
	s0 =	ssub.s32 s0, s9;
	s9 =	sor.u32 s6, s10  }
0xc: {  	s10 =	sor.u32 $0x2800, s7;
	s18 =	sadd.s32 s7, s13;
	s6 =	smul.u32 $0x2710, s6  }
0xd: {  	s7 =	sadd.s32 $0x11800, s7;
	s24 =	sadd.s32 s13, s11;
	s26 =	sadd.s32 s13, s12  }
0xe: {  	s18 =	sshrl.u32 s18, $0x3;
	s19 =	sadd.s32 s13, s10;
	s0 =	smax.u32 s0, $0x1  }
0xf: {  	s18 =	sadd.s32 s8, s18;
	s22 =	sshrl.u32 s19, $0x3;
	s6 =	sadd.s32 s6, s14  }
0x10: {  	s14 =	sshrl.u32 s24, $0x3;
	s19 =	sshrl.u32 s26, $0x3;
	[smem:$0x7FC] =	sst s0  }
0x11: {  	[dreg:$0x8] =	wrdreg s18;
	s23 =	sadd.s32 s8, s22;
	s25 =	sadd.s32 $0x190, s6  }
0x12: {  	s14 =	sadd.s32 s8, s14;
	s22 =	sadd.s32 $0x140, s6;
	[dreg:$0x9] =	wrdreg s23  }
0x13: {  	s18 =	sshrl.u32 s25, $0x3;
	[dreg:$0xa] =	wrdreg s14;
	s14 =	sadd.s32 s8, s19  }
0x14: {  	s23 =	sadd.s32 s13, s15;
	s25 =	sadd.s32 s13, s16;
	s20 =	sadd.s32 s18, s1  }
0x15: {  	[dreg:$0xb] =	wrdreg s14;
	s18 =	sadd.s32 s18, s5;
	s14 =	sshrl.u32 s22, $0x3  }
0x16: {  	s19 =	sshrl.u32 s23, $0x3;
	s22 =	sshrl.u32 s21, $0x2;
	[dreg:$0x4] =	wrdreg s20  }
0x17: {  	s23 =	smul.u32 $0x2710, s9;
	s21 =	sadd.s32 s15, s2;
	[dreg:$0x5] =	wrdreg s18  }
0x18: {  	s24 =	sadd.s32 s14, s1;
	s20 =	sadd.s32 s13, s17;
	[dreg:$0x11] =	wrdreg s21  }
0x19: {  	s19 =	sadd.s32 s8, s19;
	s18 =	sshrl.u32 s25, $0x3;
	[dreg:$0x6] =	wrdreg s24  }
0x1a: {  	s13 =	sadd.s32 s13, s7;
	s14 =	sadd.s32 s14, s5;
	[dreg:$0xc] =	wrdreg s19  }
0x1b: {  	s26 =	sshrl.u32 s20, $0x3;
	s18 =	sadd.s32 s8, s18;
	[dreg:$0x7] =	wrdreg s14  }
0x1c: {  	s14 =	sadd.s32 $0xD200, s3;
	s3 =	sadd.s32 $0x5B600, s3;
	[dreg:$0xd] =	wrdreg s18  }
0x1d: {  	s13 =	sshrl.u32 s13, $0x3;
	s20 =	sadd.s32 s8, s26;
	[dreg:$0x10] =	wrdreg s3  }
0x1e: {  	s24 =	sadd.s32 s12, s2;
	s8 =	sadd.s32 s8, s13;
	[dreg:$0xe] =	wrdreg s20  }
0x1f: {  	s18 =	sadd.s32 s22, s2;
	s22 =	sadd.s32 s16, s2;
	[dreg:$0xf] =	wrdreg s8  }
0x20: {  	s3 =	sshrl.u32 s23, $0x3;
	s23 =	sadd.s32 s17, s2;
	[dreg:$0x12] =	wrdreg s22  }
0x21: {  	s30 =	simm.s32 $0x2A00;
	s17 =	smov.u32 s24;
	[dreg:$0x13] =	wrdreg s23  }
0x22: {  	s31 =	simm.s32 $0x6;
	s16 =	sadd.s32 s5, s3;
	[dreg:$0x15] =	wrdreg s17  }
0x23: {  	s0 =	simm.s32 $0x5300;
	s24 =	sadd.s32 s1, s3;
	[dreg:$0x1c] =	wrdreg s16  }
0x24: {  	s25 =	sadd.s32 $0xA, s3;
	s8 =	sadd.s32 s7, s2;
	[dreg:$0x1d] =	wrdreg s24  }
0x25: {  	s19 =	sadd.s32 s10, s2;
	s26 =	sadd.s32 s5, s25;
	[dreg:$0x14] =	wrdreg s8  }
0x26: {  	s10 =	sadd.s32 $0x14, s3;
	s9 =	sadd.s32 s1, s25;
	[dreg:$0x16] =	wrdreg s26  }
0x27: {  	s20 =	sadd.s32 s11, s2;
	s11 =	sadd.s32 s5, s10;
	[dreg:$0x17] =	wrdreg s9  }
0x28: {  	s12 =	sadd.s32 $0x4CE, s3;
	s7 =	sadd.s32 s1, s10;
	[dreg:$0x18] =	wrdreg s11  }
0x29: {  	s3 =	sadd.s32 $0x4D8, s3;
	s13 =	sadd.s32 s5, s12;
	[dreg:$0x19] =	wrdreg s7  }
0x2a: {  	s15 =	sadd.s32 s1, s12;
	s25 =	sadd.s32 s5, s3;
	[dreg:$0x1a] =	wrdreg s13  }
0x2b: {  	s3 =	sadd.s32 s1, s3;
	s10 =	simm.s32 $0x7;
	[dreg:$0x1b] =	wrdreg s15  }
0x2c: {  	s12 =	simm.s32 $0x80;
	s24 =	simm.s32 $0x5280;
	[dreg:$0x1e] =	wrdreg s25  }
0x2d: {  	[dreg:$0x1f] =	wrdreg s3;
	s26 =	sadd.s32 $0xF0, s6;
	s9 =	simm.s32 $0x100  }
0x2e: {  	s11 =	simm.s32 $0x1;
	s13 =	simm.s32 $0x2980;
	s15 =	simm.s32 $0x2900  }
0x2f: {  	s25 =	simm.s32 $0x5200;
	s3 =	simm.s32 $0x2;
	s6 =	simm.s32 $0x3  }
0x30: {  	s7 =	simm.s32 $0x0;
	[smem:$0x7FD] =	sst s26;
	s26 =	simm.s32 $0x4  }
.LBB2_1:
0x31: {  	s16 =	rddreg [dreg:$0x10]  }
0x32: {  	[tilespmem:s9], [sflag:$0x7] =	stream.linear.gather [hbm4b:s16+s4], $0x2800, $0x38;
	[tilespmem:$0x1BB00] =	vst v63  }
0x33: {  	_ =	swait.ge [sflag:s10], $0x2800  }
0x34: {  	[sflag:s10] =	ssyncset.done $0x0  }
0x35: {  	[sflag:s10] =	ssyncadd.s32 $0xFFFFD800  }
0x36: {  	[spmem:s18] =	stream.linear.scatter [tilespmem:s9], [sflag:$0x1], $0x2800, $0x38;
	[tilespmem:$0x1BB00] =	vst v63  }
0x37: {  	_ = 	snop  }
0x38: {  	[spmem:s19] =	stream.linear.scatter [tilespmem:s9], [sflag:$0x1], $0x2800, $0x38;
	[tilespmem:$0x1BB00] =	vst v63  }
0x39: {  	_ = 	snop  }
0x3a: {  	[spmem:s20] =	stream.linear.scatter [tilespmem:s9], [sflag:$0x1], $0x2800, $0x38;
	[tilespmem:$0x1BB00] =	vst v63  }
0x3b: {  	_ = 	snop  }
0x3c: {  	[spmem:s17] =	stream.linear.scatter [tilespmem:s9], [sflag:$0x1], $0x2800, $0x38;
	[tilespmem:$0x1BB00] =	vst v63  }
0x3d: {  	s16 =	smov.u32 s21  }
0x3e: {  	[spmem:s16] =	stream.linear.scatter [tilespmem:s9], [sflag:$0x1], $0x2800, $0x38;
	[tilespmem:$0x1BB00] =	vst v63  }
0x3f: {  	s21 =	smov.u32 s18;
	s18 =	smov.u32 s22  }
0x40: {  	[spmem:s18] =	stream.linear.scatter [tilespmem:s9], [sflag:$0x1], $0x2800, $0x38;
	[tilespmem:$0x1BB00] =	vst v63  }
0x41: {  	s22 =	smov.u32 s19;
	s19 =	smov.u32 s23  }
0x42: {  	[spmem:s19] =	stream.linear.scatter [tilespmem:s9], [sflag:$0x1], $0x2800, $0x38;
	[tilespmem:$0x1BB00] =	vst v63  }
0x43: {  	_ = 	snop  }
0x44: {  	[spmem:s8] =	stream.linear.scatter [tilespmem:s9], [sflag:$0x1], $0x2800, $0x38;
	[tilespmem:$0x1BB00] =	vst v63  }
0x45: {  	_ =	swait.ge [sflag:s11], $0x2800  }
0x46: {  	[sflag:s11] =	ssyncset.done $0x0  }
0x47: {  	[sflag:s11] =	ssyncadd.s32 $0xFFFFD800  }
0x48: {  	_ =	swait.ge [sflag:s11], $0x2800  }
0x49: {  	[sflag:s11] =	ssyncset.done $0x0  }
0x4a: {  	[sflag:s11] =	ssyncadd.s32 $0xFFFFD800  }
0x4b: {  	_ =	swait.ge [sflag:s11], $0x2800  }
0x4c: {  	[sflag:s11] =	ssyncset.done $0x0  }
0x4d: {  	[sflag:s11] =	ssyncadd.s32 $0xFFFFD800  }
0x4e: {  	_ =	swait.ge [sflag:s11], $0x2800  }
0x4f: {  	[sflag:s11] =	ssyncset.done $0x0  }
0x50: {  	[sflag:s11] =	ssyncadd.s32 $0xFFFFD800  }
0x51: {  	_ =	swait.ge [sflag:s11], $0x2800  }
0x52: {  	[sflag:s11] =	ssyncset.done $0x0  }
0x53: {  	[sflag:s11] =	ssyncadd.s32 $0xFFFFD800  }
0x54: {  	_ =	swait.ge [sflag:s11], $0x2800  }
0x55: {  	[sflag:s11] =	ssyncset.done $0x0  }
0x56: {  	[sflag:s11] =	ssyncadd.s32 $0xFFFFD800  }
0x57: {  	_ =	swait.ge [sflag:s11], $0x2800  }
0x58: {  	[sflag:s11] =	ssyncset.done $0x0  }
0x59: {  	[sflag:s11] =	ssyncadd.s32 $0xFFFFD800  }
0x5a: {  	_ =	swait.ge [sflag:s11], $0x2800  }
0x5b: {  	[sflag:s11] =	ssyncset.done $0x0  }
0x5c: {  	[sflag:s11] =	ssyncadd.s32 $0xFFFFD800  }
0x5d: {  	[bflag:$0x0] =	sbarrier.arrive $0xFFFF  }
0x5e: {  	s19 =	rddreg [dreg:$0x1c]  }
0x5f: {  	[tilespmem:s12], [sflag:$0x4] =	stream.linear.gather [hbm4b:s19+s4], $0x50, $0x38;
	[tilespmem:$0x1BB00] =	vst v63  }
0x60: {  	s23 =	smov.u32 s20;
	s20 =	rddreg [dreg:$0x1d]  }
0x61: {  	[tilespmem:s4], [sflag:$0x4] =	stream.linear.gather [hbm4b:s20+s4], $0x50, $0x38;
	[tilespmem:$0x1BB00] =	vst v63  }
0x62: {  	s16 =	rddreg [dreg:$0x16]  }
0x63: {  	[tilespmem:s13], [sflag:$0x5] =	stream.linear.gather [hbm4b:s16+s4], $0x50, $0x38;
	[tilespmem:$0x1BB00] =	vst v63  }
0x64: {  	s17 =	rddreg [dreg:$0x17]  }
0x65: {  	[tilespmem:s15], [sflag:$0x5] =	stream.linear.gather [hbm4b:s17+s4], $0x50, $0x38;
	[tilespmem:$0x1BB00] =	vst v63  }
0x66: {  	s18 =	rddreg [dreg:$0x18]  }
0x67: {  	[tilespmem:s24], [sflag:$0x6] =	stream.linear.gather [hbm4b:s18+s4], $0x50, $0x38;
	[tilespmem:$0x1BB00] =	vst v63  }
0x68: {  	s19 =	rddreg [dreg:$0x19]  }
0x69: {  	[tilespmem:s25], [sflag:$0x6] =	stream.linear.gather [hbm4b:s19+s4], $0x50, $0x38;
	[tilespmem:$0x1BB00] =	vst v63  }
0x6a: {  	_ =	swait.ge [sflag:s26], $0x50  }
0x6b: {  	[sflag:s26] =	ssyncset.done $0x0  }
0x6c: {  	[sflag:s26] =	ssyncadd.s32 $0xFFFFFFB0  }
0x6d: {  	_ =	swait.ge [sflag:s26], $0x50  }
0x6e: {  	[sflag:s26] =	ssyncset.done $0x0  }
0x6f: {  	[sflag:s26] =	ssyncadd.s32 $0xFFFFFFB0  }
0x70: {  	[tilespmem:s9], [sflag:$0x1] =	stream.indirect.gather [hbm4b:s14+s28], $0x80, s4, s28, $0xb8;
	[tilespmem:$0x1BB00] =	vst v63  }
0x71: {  	_ =	swait.ge [sflag:s29], $0x50  }
0x72: {  	[sflag:s29] =	ssyncset.done $0x0  }
0x73: {  	[sflag:s29] =	ssyncadd.s32 $0xFFFFFFB0  }
0x74: {  	_ =	swait.ge [sflag:s29], $0x50  }
0x75: {  	[sflag:s29] =	ssyncset.done $0x0  }
0x76: {  	[sflag:s29] =	ssyncadd.s32 $0xFFFFFFB0  }
0x77: {  	[tilespmem:s30], [sflag:$0x2] =	stream.indirect.gather [hbm4b:s14+s28], $0x80, s15, s28, $0xb8;
	[tilespmem:$0x1BB00] =	vst v63  }
0x78: {  	_ =	swait.ge [sflag:s11], $0x2800  }
0x79: {  	[sflag:s11] =	ssyncset.done $0x0  }
0x7a: {  	[sflag:s11] =	ssyncadd.s32 $0xFFFFD800  }
0x7b: {  	[spmem:s2] =	stream.indirect.scatter.add.f32 [tilespmem:s9], [sflag:$0x7], $0x80, s12, s28, $0xb8;
	[tilespmem:$0x1BB00] =	vst v63  }
0x7c: {  	_ =	swait.ge [sflag:s10], $0x2800  }
0x7d: {  	s8 =	sld [smem:$0x7FD];
	_ =	sdelay $0x2  }
0x7e: {  	[sflag:s10] =	ssyncset.done $0x0;
	s20 =	sshrl.u32 s8, $0x3  }
0x7f: {  	[sflag:s10] =	ssyncadd.s32 $0xFFFFD800;
	s18 =	sadd.s32 s5, s20  }
0x80: {  	[tilespmem:s12], [sflag:$0x4] =	stream.linear.gather [hbm4b:s18+s4], $0x50, $0x38;
	[tilespmem:$0x1BB00] =	vst v63  }
0x81: {  	s16 =	sadd.s32 s1, s20  }
0x82: {  	[tilespmem:s4], [sflag:$0x4] =	stream.linear.gather [hbm4b:s16+s4], $0x50, $0x38;
	[tilespmem:$0x1BB00] =	vst v63  }
0x83: {  	_ =	swait.ge [sflag:s31], $0x50  }
0x84: {  	[sflag:s31] =	ssyncset.done $0x0  }
0x85: {  	[sflag:s31] =	ssyncadd.s32 $0xFFFFFFB0  }
0x86: {  	_ =	swait.ge [sflag:s31], $0x50  }
0x87: {  	[sflag:s31] =	ssyncset.done $0x0  }
0x88: {  	[sflag:s31] =	ssyncadd.s32 $0xFFFFFFB0  }
0x89: {  	[tilespmem:s0], [sflag:$0x3] =	stream.indirect.gather [hbm4b:s14+s28], $0x80, s25, s28, $0xb8;
	[tilespmem:$0x1BB00] =	vst v63  }
0x8a: {  	_ =	swait.ge [sflag:s3], $0x2800  }
0x8b: {  	[sflag:s3] =	ssyncset.done $0x0  }
0x8c: {  	[sflag:s3] =	ssyncadd.s32 $0xFFFFD800  }
0x8d: {  	[spmem:s2] =	stream.indirect.scatter.add.f32 [tilespmem:s30], [sflag:$0x7], $0x80, s13, s28, $0xb8;
	[tilespmem:$0x1BB00] =	vst v63  }
0x8e: {  	_ =	swait.ge [sflag:s10], $0x2800  }
0x8f: {  	s19 =	rddreg [dreg:$0x7];
	[sflag:s10] =	ssyncset.done $0x0  }
0x90: {  	s20 =	rddreg [dreg:$0x6];
	[sflag:s10] =	ssyncadd.s32 $0xFFFFD800;
	s16 =	sadd.s32 $0x0, s19  }
0x91: {  	[tilespmem:s13], [sflag:$0x5] =	stream.linear.gather [hbm4b:s16+s4], $0x50, $0x38;
	[tilespmem:$0x1BB00] =	vst v63  }
0x92: {  	s17 =	sadd.s32 $0x0, s20  }
0x93: {  	[tilespmem:s15], [sflag:$0x5] =	stream.linear.gather [hbm4b:s17+s4], $0x50, $0x38;
	[tilespmem:$0x1BB00] =	vst v63  }
0x94: {  	_ =	swait.ge [sflag:s26], $0x50  }
0x95: {  	[sflag:s26] =	ssyncset.done $0x0  }
0x96: {  	[sflag:s26] =	ssyncadd.s32 $0xFFFFFFB0  }
0x97: {  	_ =	swait.ge [sflag:s26], $0x50  }
0x98: {  	[sflag:s26] =	ssyncset.done $0x0  }
0x99: {  	[sflag:s26] =	ssyncadd.s32 $0xFFFFFFB0  }
0x9a: {  	[tilespmem:s9], [sflag:$0x1] =	stream.indirect.gather [hbm4b:s14+s28], $0x80, s4, s28, $0xb8;
	[tilespmem:$0x1BB00] =	vst v63  }
0x9b: {  	_ =	swait.ge [sflag:s6], $0x2800  }
0x9c: {  	[sflag:s6] =	ssyncset.done $0x0  }
0x9d: {  	[sflag:s6] =	ssyncadd.s32 $0xFFFFD800  }
0x9e: {  	[spmem:s2] =	stream.indirect.scatter.add.f32 [tilespmem:s0], [sflag:$0x7], $0x80, s24, s28, $0xb8;
	[tilespmem:$0x1BB00] =	vst v63  }
0x9f: {  	_ =	swait.ge [sflag:s10], $0x2800  }
0xa0: {  	s18 =	rddreg [dreg:$0x5];
	[sflag:s10] =	ssyncset.done $0x0  }
0xa1: {  	s19 =	rddreg [dreg:$0x4];
	[sflag:s10] =	ssyncadd.s32 $0xFFFFD800;
	s16 =	sadd.s32 $0x0, s18  }
0xa2: {  	[tilespmem:s24], [sflag:$0x6] =	stream.linear.gather [hbm4b:s16+s4], $0x50, $0x38;
	[tilespmem:$0x1BB00] =	vst v63  }
0xa3: {  	s20 =	sadd.s32 $0x0, s19  }
0xa4: {  	[tilespmem:s25], [sflag:$0x6] =	stream.linear.gather [hbm4b:s20+s4], $0x50, $0x38;
	[tilespmem:$0x1BB00] =	vst v63  }
0xa5: {  	_ =	swait.ge [sflag:s29], $0x50  }
0xa6: {  	[sflag:s29] =	ssyncset.done $0x0  }
0xa7: {  	[sflag:s29] =	ssyncadd.s32 $0xFFFFFFB0  }
0xa8: {  	_ =	swait.ge [sflag:s29], $0x50  }
0xa9: {  	[sflag:s29] =	ssyncset.done $0x0  }
0xaa: {  	s17 =	sadd.s32 $0xF0, s8;
	s16 =	simm.s32 $0x1E;
	[sflag:s29] =	ssyncadd.s32 $0xFFFFFFB0  }
.LBB2_2:
0xab: {  	[tilespmem:s30], [sflag:$0x2] =	stream.indirect.gather [hbm4b:s14+s28], $0x80, s15, s28, $0xb8;
	[tilespmem:$0x1BB00] =	vst v63  }
0xac: {  	_ =	swait.ge [sflag:s11], $0x2800  }
0xad: {  	[sflag:s11] =	ssyncset.done $0x0  }
0xae: {  	[sflag:s11] =	ssyncadd.s32 $0xFFFFD800  }
0xaf: {  	[spmem:s2] =	stream.indirect.scatter.add.f32 [tilespmem:s9], [sflag:$0x7], $0x80, s12, s28, $0xb8;
	[tilespmem:$0x1BB00] =	vst v63  }
0xb0: {  	_ =	swait.ge [sflag:s10], $0x2800  }
0xb1: {  	s19 =	sshrl.u32 s17, $0x3;
	[sflag:s10] =	ssyncset.done $0x0  }
0xb2: {  	s20 =	sadd.s32 s5, s19;
	[sflag:s10] =	ssyncadd.s32 $0xFFFFD800  }
0xb3: {  	[tilespmem:s12], [sflag:$0x4] =	stream.linear.gather [hbm4b:s20+s4], $0x50, $0x38;
	[tilespmem:$0x1BB00] =	vst v63  }
0xb4: {  	s19 =	sadd.s32 s1, s19  }
0xb5: {  	[tilespmem:s4], [sflag:$0x4] =	stream.linear.gather [hbm4b:s19+s4], $0x50, $0x38;
	[tilespmem:$0x1BB00] =	vst v63  }
0xb6: {  	_ =	swait.ge [sflag:s31], $0x50  }
0xb7: {  	[sflag:s31] =	ssyncset.done $0x0  }
0xb8: {  	[sflag:s31] =	ssyncadd.s32 $0xFFFFFFB0  }
0xb9: {  	_ =	swait.ge [sflag:s31], $0x50  }
0xba: {  	[sflag:s31] =	ssyncset.done $0x0  }
0xbb: {  	[sflag:s31] =	ssyncadd.s32 $0xFFFFFFB0  }
0xbc: {  	[tilespmem:s0], [sflag:$0x3] =	stream.indirect.gather [hbm4b:s14+s28], $0x80, s25, s28, $0xb8;
	[tilespmem:$0x1BB00] =	vst v63  }
0xbd: {  	_ =	swait.ge [sflag:s3], $0x2800  }
0xbe: {  	[sflag:s3] =	ssyncset.done $0x0  }
0xbf: {  	[sflag:s3] =	ssyncadd.s32 $0xFFFFD800  }
0xc0: {  	[spmem:s2] =	stream.indirect.scatter.add.f32 [tilespmem:s30], [sflag:$0x7], $0x80, s13, s28, $0xb8;
	[tilespmem:$0x1BB00] =	vst v63  }
0xc1: {  	_ =	swait.ge [sflag:s10], $0x2800  }
0xc2: {  	s18 =	smov.u32 s16;
	s20 =	rddreg [dreg:$0x7];
	[sflag:s10] =	ssyncset.done $0x0  }
0xc3: {  	s8 =	rddreg [dreg:$0x6];
	[sflag:s10] =	ssyncadd.s32 $0xFFFFD800;
	s19 =	sadd.s32 s18, s20  }
0xc4: {  	[tilespmem:s13], [sflag:$0x5] =	stream.linear.gather [hbm4b:s19+s4], $0x50, $0x38;
	[tilespmem:$0x1BB00] =	vst v63  }
0xc5: {  	s8 =	sadd.s32 s18, s8  }
0xc6: {  	[tilespmem:s15], [sflag:$0x5] =	stream.linear.gather [hbm4b:s8+s4], $0x50, $0x38;
	[tilespmem:$0x1BB00] =	vst v63  }
0xc7: {  	_ =	swait.ge [sflag:s26], $0x50  }
0xc8: {  	[sflag:s26] =	ssyncset.done $0x0  }
0xc9: {  	[sflag:s26] =	ssyncadd.s32 $0xFFFFFFB0  }
0xca: {  	_ =	swait.ge [sflag:s26], $0x50  }
0xcb: {  	[sflag:s26] =	ssyncset.done $0x0  }
0xcc: {  	[sflag:s26] =	ssyncadd.s32 $0xFFFFFFB0  }
0xcd: {  	[tilespmem:s9], [sflag:$0x1] =	stream.indirect.gather [hbm4b:s14+s28], $0x80, s4, s28, $0xb8;
	[tilespmem:$0x1BB00] =	vst v63  }
0xce: {  	_ =	swait.ge [sflag:s6], $0x2800  }
0xcf: {  	[sflag:s6] =	ssyncset.done $0x0  }
0xd0: {  	[sflag:s6] =	ssyncadd.s32 $0xFFFFD800  }
0xd1: {  	[spmem:s2] =	stream.indirect.scatter.add.f32 [tilespmem:s0], [sflag:$0x7], $0x80, s24, s28, $0xb8;
	[tilespmem:$0x1BB00] =	vst v63  }
0xd2: {  	_ =	swait.ge [sflag:s10], $0x2800  }
0xd3: {  	s20 =	rddreg [dreg:$0x5];
	[sflag:s10] =	ssyncset.done $0x0  }
0xd4: {  	s8 =	rddreg [dreg:$0x4];
	[sflag:s10] =	ssyncadd.s32 $0xFFFFD800;
	s19 =	sadd.s32 s18, s20  }
0xd5: {  	[tilespmem:s24], [sflag:$0x6] =	stream.linear.gather [hbm4b:s19+s4], $0x50, $0x38;
	[tilespmem:$0x1BB00] =	vst v63  }
0xd6: {  	s18 =	sadd.s32 s18, s8  }
0xd7: {  	[tilespmem:s25], [sflag:$0x6] =	stream.linear.gather [hbm4b:s18+s4], $0x50, $0x38;
	[tilespmem:$0x1BB00] =	vst v63  }
0xd8: {  	p0 =	sne.s32 s16, $0x492;
	_ =	swait.ge [sflag:s29], $0x50  }
.Ltmp0:
0xd9: {  	[sflag:s29] =	ssyncset.done $0x0;
	(pc) =	sbr.rel @p0 .LBB2_2-.Ltmp0, $4  }
0xda: {  	[sflag:s29] =	ssyncadd.s32 $0xFFFFFFB0  }
0xdb: {  	_ =	swait.ge [sflag:s29], $0x50  }
0xdc: {  	[sflag:s29] =	ssyncset.done $0x0  }
0xdd: {  	s16 =	sadd.s32 $0x1E, s16;
	s17 =	sadd.s32 $0xF0, s17;
	[sflag:s29] =	ssyncadd.s32 $0xFFFFFFB0  }
0xde: {  	[tilespmem:s30], [sflag:$0x2] =	stream.indirect.gather [hbm4b:s14+s28], $0x80, s15, s28, $0xb8;
	[tilespmem:$0x1BB00] =	vst v63  }
0xdf: {  	_ =	swait.ge [sflag:s11], $0x2800  }
0xe0: {  	[sflag:s11] =	ssyncset.done $0x0  }
0xe1: {  	[sflag:s11] =	ssyncadd.s32 $0xFFFFD800  }
0xe2: {  	[spmem:s2] =	stream.indirect.scatter.add.f32 [tilespmem:s9], [sflag:$0x7], $0x80, s12, s28, $0xb8;
	[tilespmem:$0x1BB00] =	vst v63  }
0xe3: {  	_ =	swait.ge [sflag:s10], $0x2800  }
0xe4: {  	[sflag:s10] =	ssyncset.done $0x0  }
0xe5: {  	s8 =	rddreg [dreg:$0x1a];
	[sflag:s10] =	ssyncadd.s32 $0xFFFFD800  }
0xe6: {  	[tilespmem:s12], [sflag:$0x4] =	stream.linear.gather [hbm4b:s8+s4], $0x50, $0x38;
	[tilespmem:$0x1BB00] =	vst v63  }
0xe7: {  	s18 =	rddreg [dreg:$0x1b]  }
0xe8: {  	[tilespmem:s4], [sflag:$0x4] =	stream.linear.gather [hbm4b:s18+s4], $0x50, $0x38;
	[tilespmem:$0x1BB00] =	vst v63  }
0xe9: {  	_ =	swait.ge [sflag:s31], $0x50  }
0xea: {  	[sflag:s31] =	ssyncset.done $0x0  }
0xeb: {  	[sflag:s31] =	ssyncadd.s32 $0xFFFFFFB0  }
0xec: {  	_ =	swait.ge [sflag:s31], $0x50  }
0xed: {  	[sflag:s31] =	ssyncset.done $0x0  }
0xee: {  	[sflag:s31] =	ssyncadd.s32 $0xFFFFFFB0  }
0xef: {  	[tilespmem:s0], [sflag:$0x3] =	stream.indirect.gather [hbm4b:s14+s28], $0x80, s25, s28, $0xb8;
	[tilespmem:$0x1BB00] =	vst v63  }
0xf0: {  	_ =	swait.ge [sflag:s3], $0x2800  }
0xf1: {  	[sflag:s3] =	ssyncset.done $0x0  }
0xf2: {  	[sflag:s3] =	ssyncadd.s32 $0xFFFFD800  }
0xf3: {  	[spmem:s2] =	stream.indirect.scatter.add.f32 [tilespmem:s30], [sflag:$0x7], $0x80, s13, s28, $0xb8;
	[tilespmem:$0x1BB00] =	vst v63  }
0xf4: {  	_ =	swait.ge [sflag:s10], $0x2800  }
0xf5: {  	[sflag:s10] =	ssyncset.done $0x0  }
0xf6: {  	s19 =	rddreg [dreg:$0x1e];
	[sflag:s10] =	ssyncadd.s32 $0xFFFFD800  }
0xf7: {  	[tilespmem:s13], [sflag:$0x5] =	stream.linear.gather [hbm4b:s19+s4], $0x50, $0x38;
	[tilespmem:$0x1BB00] =	vst v63  }
0xf8: {  	s20 =	rddreg [dreg:$0x1f]  }
0xf9: {  	[tilespmem:s15], [sflag:$0x5] =	stream.linear.gather [hbm4b:s20+s4], $0x50, $0x38;
	[tilespmem:$0x1BB00] =	vst v63  }
0xfa: {  	_ =	swait.ge [sflag:s26], $0x50  }
0xfb: {  	[sflag:s26] =	ssyncset.done $0x0  }
0xfc: {  	[sflag:s26] =	ssyncadd.s32 $0xFFFFFFB0  }
0xfd: {  	_ =	swait.ge [sflag:s26], $0x50  }
0xfe: {  	[sflag:s26] =	ssyncset.done $0x0  }
0xff: {  	[sflag:s26] =	ssyncadd.s32 $0xFFFFFFB0  }
0x100: {  	[tilespmem:s9], [sflag:$0x1] =	stream.indirect.gather [hbm4b:s14+s28], $0x80, s4, s28, $0xb8;
	[tilespmem:$0x1BB00] =	vst v63  }
0x101: {  	_ =	swait.ge [sflag:s6], $0x2800  }
0x102: {  	[sflag:s6] =	ssyncset.done $0x0  }
0x103: {  	[sflag:s6] =	ssyncadd.s32 $0xFFFFD800  }
0x104: {  	[spmem:s2] =	stream.indirect.scatter.add.f32 [tilespmem:s0], [sflag:$0x7], $0x80, s24, s28, $0xb8;
	[tilespmem:$0x1BB00] =	vst v63  }
0x105: {  	_ =	swait.ge [sflag:s10], $0x2800  }
0x106: {  	[sflag:s10] =	ssyncset.done $0x0  }
0x107: {  	[sflag:s10] =	ssyncadd.s32 $0xFFFFD800  }
0x108: {  	_ =	swait.ge [sflag:s29], $0x50  }
0x109: {  	[sflag:s29] =	ssyncset.done $0x0  }
0x10a: {  	[sflag:s29] =	ssyncadd.s32 $0xFFFFFFB0  }
0x10b: {  	_ =	swait.ge [sflag:s29], $0x50  }
0x10c: {  	[sflag:s29] =	ssyncset.done $0x0  }
0x10d: {  	[sflag:s29] =	ssyncadd.s32 $0xFFFFFFB0  }
0x10e: {  	[tilespmem:s30], [sflag:$0x2] =	stream.indirect.gather [hbm4b:s14+s28], $0x80, s15, s28, $0xb8;
	[tilespmem:$0x1BB00] =	vst v63  }
0x10f: {  	_ =	swait.ge [sflag:s11], $0x2800  }
0x110: {  	[sflag:s11] =	ssyncset.done $0x0  }
0x111: {  	[sflag:s11] =	ssyncadd.s32 $0xFFFFD800  }
0x112: {  	[spmem:s2] =	stream.indirect.scatter.add.f32 [tilespmem:s9], [sflag:$0x7], $0x80, s12, s28, $0xb8;
	[tilespmem:$0x1BB00] =	vst v63  }
0x113: {  	_ =	swait.ge [sflag:s10], $0x2800  }
0x114: {  	[sflag:s10] =	ssyncset.done $0x0  }
0x115: {  	[sflag:s10] =	ssyncadd.s32 $0xFFFFD800  }
0x116: {  	_ =	swait.ge [sflag:s3], $0x2800  }
0x117: {  	[sflag:s3] =	ssyncset.done $0x0  }
0x118: {  	[sflag:s3] =	ssyncadd.s32 $0xFFFFD800  }
0x119: {  	[spmem:s2] =	stream.indirect.scatter.add.f32 [tilespmem:s30], [sflag:$0x7], $0x80, s13, s28, $0xb8;
	[tilespmem:$0x1BB00] =	vst v63  }
0x11a: {  	_ =	swait.ge [sflag:s10], $0x2800  }
0x11b: {  	[sflag:s10] =	ssyncset.done $0x0  }
0x11c: {  	[sflag:s10] =	ssyncadd.s32 $0xFFFFD800  }
0x11d: {  	[bflag:$0x0] =	sbarrier.arrive $0xFFFF  }
0x11e: {  	[tilespmem:s30], [sflag:$0x7] =	stream.linear.gather [spmem:s21], $0x2800, $0x38;
	[tilespmem:$0x1BB00] =	vst v63  }
0x11f: {  	_ =	swait.ge [sflag:s10], $0x2800  }
0x120: {  	[sflag:s10] =	ssyncset.done $0x0  }
0x121: {  	s16 =	rddreg [dreg:$0x8];
	[sflag:s10] =	ssyncadd.s32 $0xFFFFD800  }
0x122: {  	[hbm4b:s16+s4] =	stream.linear.scatter [tilespmem:s30], [sflag:$0x1], $0x2800, $0x38;
	[tilespmem:$0x1BB00] =	vst v63  }
0x123: {  	_ = 	snop  }
0x124: {  	[tilespmem:s0], [sflag:$0x7] =	stream.linear.gather [spmem:s22], $0x2800, $0x38;
	[tilespmem:$0x1BB00] =	vst v63  }
0x125: {  	_ =	swait.ge [sflag:s10], $0x2800  }
0x126: {  	[sflag:s10] =	ssyncset.done $0x0  }
0x127: {  	s8 =	rddreg [dreg:$0x9];
	[sflag:s10] =	ssyncadd.s32 $0xFFFFD800  }
0x128: {  	[hbm4b:s8+s4] =	stream.linear.scatter [tilespmem:s0], [sflag:$0x1], $0x2800, $0x38;
	[tilespmem:$0x1BB00] =	vst v63  }
0x129: {  	_ =	swait.ge [sflag:s11], $0x2800  }
0x12a: {  	[sflag:s11] =	ssyncset.done $0x0  }
0x12b: {  	[sflag:s11] =	ssyncadd.s32 $0xFFFFD800  }
0x12c: {  	[tilespmem:s30], [sflag:$0x7] =	stream.linear.gather [spmem:s23], $0x2800, $0x38;
	[tilespmem:$0x1BB00] =	vst v63  }
0x12d: {  	_ =	swait.ge [sflag:s10], $0x2800  }
0x12e: {  	[sflag:s10] =	ssyncset.done $0x0  }
0x12f: {  	s17 =	rddreg [dreg:$0xa];
	[sflag:s10] =	ssyncadd.s32 $0xFFFFD800  }
0x130: {  	[hbm4b:s17+s4] =	stream.linear.scatter [tilespmem:s30], [sflag:$0x1], $0x2800, $0x38;
	[tilespmem:$0x1BB00] =	vst v63  }
0x131: {  	_ =	swait.ge [sflag:s11], $0x2800  }
0x132: {  	[sflag:s11] =	ssyncset.done $0x0  }
0x133: {  	s17 =	rddreg [dreg:$0x15];
	[sflag:s11] =	ssyncadd.s32 $0xFFFFD800  }
0x134: {  	[tilespmem:s0], [sflag:$0x7] =	stream.linear.gather [spmem:s17], $0x2800, $0x38;
	[tilespmem:$0x1BB00] =	vst v63  }
0x135: {  	_ =	swait.ge [sflag:s10], $0x2800  }
0x136: {  	[sflag:s10] =	ssyncset.done $0x0  }
0x137: {  	s18 =	smov.u32 s21;
	s21 =	rddreg [dreg:$0xb];
	[sflag:s10] =	ssyncadd.s32 $0xFFFFD800  }
0x138: {  	[hbm4b:s21+s4] =	stream.linear.scatter [tilespmem:s0], [sflag:$0x1], $0x2800, $0x38;
	[tilespmem:$0x1BB00] =	vst v63  }
0x139: {  	_ =	swait.ge [sflag:s11], $0x2800  }
0x13a: {  	[sflag:s11] =	ssyncset.done $0x0  }
0x13b: {  	s21 =	rddreg [dreg:$0x11];
	[sflag:s11] =	ssyncadd.s32 $0xFFFFD800  }
0x13c: {  	[tilespmem:s30], [sflag:$0x7] =	stream.linear.gather [spmem:s21], $0x2800, $0x38;
	[tilespmem:$0x1BB00] =	vst v63  }
0x13d: {  	_ =	swait.ge [sflag:s10], $0x2800  }
0x13e: {  	[sflag:s10] =	ssyncset.done $0x0  }
0x13f: {  	s19 =	smov.u32 s22;
	s22 =	rddreg [dreg:$0xc];
	[sflag:s10] =	ssyncadd.s32 $0xFFFFD800  }
0x140: {  	[hbm4b:s22+s4] =	stream.linear.scatter [tilespmem:s30], [sflag:$0x1], $0x2800, $0x38;
	[tilespmem:$0x1BB00] =	vst v63  }
0x141: {  	_ =	swait.ge [sflag:s11], $0x2800  }
0x142: {  	[sflag:s11] =	ssyncset.done $0x0  }
0x143: {  	s22 =	rddreg [dreg:$0x12];
	[sflag:s11] =	ssyncadd.s32 $0xFFFFD800  }
0x144: {  	[tilespmem:s0], [sflag:$0x7] =	stream.linear.gather [spmem:s22], $0x2800, $0x38;
	[tilespmem:$0x1BB00] =	vst v63  }
0x145: {  	_ =	swait.ge [sflag:s10], $0x2800  }
0x146: {  	[sflag:s10] =	ssyncset.done $0x0  }
0x147: {  	s20 =	smov.u32 s23;
	s23 =	rddreg [dreg:$0xd];
	[sflag:s10] =	ssyncadd.s32 $0xFFFFD800  }
0x148: {  	[hbm4b:s23+s4] =	stream.linear.scatter [tilespmem:s0], [sflag:$0x1], $0x2800, $0x38;
	[tilespmem:$0x1BB00] =	vst v63  }
0x149: {  	_ =	swait.ge [sflag:s11], $0x2800  }
0x14a: {  	[sflag:s11] =	ssyncset.done $0x0  }
0x14b: {  	s23 =	rddreg [dreg:$0x13];
	[sflag:s11] =	ssyncadd.s32 $0xFFFFD800  }
0x14c: {  	[tilespmem:s30], [sflag:$0x7] =	stream.linear.gather [spmem:s23], $0x2800, $0x38;
	[tilespmem:$0x1BB00] =	vst v63  }
0x14d: {  	_ =	swait.ge [sflag:s10], $0x2800  }
0x14e: {  	[sflag:s10] =	ssyncset.done $0x0  }
0x14f: {  	s8 =	rddreg [dreg:$0xe];
	[sflag:s10] =	ssyncadd.s32 $0xFFFFD800  }
0x150: {  	[hbm4b:s8+s4] =	stream.linear.scatter [tilespmem:s30], [sflag:$0x1], $0x2800, $0x38;
	[tilespmem:$0x1BB00] =	vst v63  }
0x151: {  	_ =	swait.ge [sflag:s11], $0x2800  }
0x152: {  	[sflag:s11] =	ssyncset.done $0x0  }
0x153: {  	s8 =	rddreg [dreg:$0x14];
	[sflag:s11] =	ssyncadd.s32 $0xFFFFD800  }
0x154: {  	[tilespmem:s0], [sflag:$0x7] =	stream.linear.gather [spmem:s8], $0x2800, $0x38;
	[tilespmem:$0x1BB00] =	vst v63  }
0x155: {  	_ =	swait.ge [sflag:s10], $0x2800  }
0x156: {  	[sflag:s10] =	ssyncset.done $0x0  }
0x157: {  	s16 =	rddreg [dreg:$0xf];
	[sflag:s10] =	ssyncadd.s32 $0xFFFFD800  }
0x158: {  	[hbm4b:s16+s4] =	stream.linear.scatter [tilespmem:s0], [sflag:$0x1], $0x2800, $0x38;
	[tilespmem:$0x1BB00] =	vst v63  }
0x159: {  	_ =	swait.ge [sflag:s11], $0x2800  }
0x15a: {  	[sflag:s11] =	ssyncset.done $0x0  }
0x15b: {  	[sflag:s11] =	ssyncadd.s32 $0xFFFFD800  }
0x15c: {  	_ =	swait.ge [sflag:s11], $0x2800  }
0x15d: {  	s16 =	sld [smem:$0x7FC];
	_ =	sdelay $0x1  }
0x15e: {  	s7 =	sadd.s32 $0x1, s7  }
0x15f: {  	p0 =	sne.s32 s7, s16  }
.Ltmp1:
0x160: {  	_ = 	snop;
	(pc) =	sbr.rel @p0 .LBB2_1-.Ltmp1, $3  }
0x161: {  	_ =	sdelay $0x1  }
0x162: {  	[sflag:s11] =	ssyncset.done $0x0  }
0x163: {  	[sflag:s11] =	ssyncadd.s32 $0xFFFFD800  }
0x164: {  	_ =	sfence.sel $0x180000  }
0x165: {  	[bflag:$0x0] =	sbarrier.arrive $0xFFFF  }
0x166: {  	_ =	strace $0x9000004A  }
0x167: {  	s0 =	stileid.u32;
	[bflag:$0x2] =	sbarrier.arrive $0xFFFF  }
0x168: {  	p0 =	sne.s32 s0, $0x0;
	s0 =	rddreg [dreg:$0x3]  }
0x169: {  	s0 =	sadd.s32 @!p0 $0x100000, s0  }
0x16a: {  	[sflag:s0] =	ssyncadd.tile.s32 @!p0 $0x1;
	_ =	shalt  }
.Lfunc_end2:
_tile_overlayer_lowered:
.L_overlay_start_2:
0x16b: {  	(tag) =	ssettag $0x2  }
0x16c: {  	s0 =	rddreg [dreg:$0x0];
	s2 =	stileid.u32  }
0x16d: {  	s1 =	rddreg [dreg:$0x1];
	p0 =	sne.s32 s2, $0x0  }
0x16e: {  	s3 =	rddreg [dreg:$0x2];
	[bflag:$0x3] =	sbarrier.arrive $0xFFFF;
	s2 =	simm.s32 @!p0 $0x1C07  }
0x16f: {  	[timem:s3], [sflag:s2] =	dma.local @!p0 [hbm:s0], s1  }
0x170: {  	s0 =	simm.s32 @!p0 $0x7  }
0x171: {  	_ =	swait.ge @!p0 [sflag:s0], s1  }
0x172: {  	s1 =	ssub.s32 @!p0 $0x0, s1;
	[sflag:s0] =	ssyncset.done @!p0 $0x0  }
0x173: {  	[sflag:s0] =	ssyncadd.s32 @!p0 s1  }
0x174: {  	[bflag:$0x3] =	sbarrier.arrive $0xFFFF  }
0x175: {  	_ =	shalt  }

// kernel: kernel.7.cloned.1.call-start
scs
__scs_entry_jumppad:
0x0: {  	(pc) =	sbr.rel $0x88, $3  }
0x1: {  	(tag) =	ssettag $0x0;
	lr =	simm.s32 $0x1  }
0x2: {  	[smem:$0x3F8F] =	sst lr;
	_ =	strace $0xD0000000  }
0x3: {  	_ = 	snop  }
0x4: {  	_ = 	snop  }
0x5: {  	_ = 	snop  }
0x6: {  	_ = 	snop  }
0x7: {  	_ = 	snop  }
__scs_overlays_trampoline_lowered:
0x8: {  	[smem:$0x3F9E] =	sst s0  }
0x9: {  	[smem:$0x3F9F] =	sst s1  }
0xa: {  	[smem:$0x3FA0] =	sst s2  }
0xb: {  	[smem:$0x3FA1] =	sst s3  }
0xc: {  	[smem:$0x3FA2] =	sst s4  }
0xd: {  	[smem:$0x3FA3] =	sst s5  }
0xe: {  	[smem:$0x3FA4] =	sst s6  }
0xf: {  	[smem:$0x3FA5] =	sst s7  }
0x10: {  	[smem:$0x3FA6] =	sst s8  }
0x11: {  	[smem:$0x3FA7] =	sst s9;
	s0 =	simm.s32 @!p0 $0x0  }
0x12: {  	s1 =	sld [smem:$0x3F8D];
	s0 =	simm.s32 @p0 $0x1  }
0x13: {  	[smem:$0x3FA8] =	sst s0;
	s0 =	simm.s32 @!p1 $0x0  }
0x14: {  	s2 =	sld [smem:$0x3F8C];
	s0 =	simm.s32 @p1 $0x1  }
0x15: {  	[smem:$0x3FA9] =	sst s0;
	s0 =	simm.s32 @!p2 $0x0  }
0x16: {  	s3 =	sld [smem:$0x3FDB];
	s0 =	simm.s32 @p2 $0x1  }
0x17: {  	s4 =	simm.s32 $0x1BF5;
	[smem:$0x3FAB] =	sst s0  }
0x18: {  	s0 =	sld [smem:$0x3F8E];
	_ =	swait.ge [sflag:s4], $0x0  }
0x19: {  	s7 =	sld [smem:$0x3F8F]  }
0x1a: {  	s8 =	sadd.s32 $0xFFFFE003, lr  }
0x1b: {  	s9 =	sadd.s32 $0xFFFFFEF7, lr;
	s5 =	simm.s32 $0xFFFFFFFF;
	p2 =	slt.u32 s8, $0xFFFFF086  }
0x1c: {  	p1 =	slt.u32 s9, $0xF7A;
	s5 =	simm.s32 @!p2 $0x0  }
0x1d: {  	s5 =	simm.s32 @p1 $0x1;
	p0 =	seq.s32 s7, s2  }
0x1e: {  	s7 =	smul.u32 @!p0 $0xF7A, s2;
	p2 =	seq.s32 @!p0 s5, $0x0  }
0x1f: {  	s9 =	smul.u32 $0xF7A, s1;
	s8 =	simm.s32 @!p0 $0x1BF5;
	p2 =	por !p2, p0  }
0x20: {  	[sflag:s8] =	ssyncset.s32 @!p0 $0xFFFFF086;
	s6 =	sadd.s32 @!p0 s3, s7;
	s7 =	simm.s32 @!p0 $0x108  }
0x21: {  	s3 =	sadd.s32 s3, s9;
	s6 =	sadd.s32 @!p0 $0x88, s6;
	s7 =	simm.s32 @p2 $0x1082  }
0x22: {  	[simem:s7], [sflag:s8] =	dma.local @!p0 [hbm:s6], $0xF7A  }
0x23: {  	s9 =	sor.u32 $0xD0000000, s2;
	s6 =	simm.s32 $0x108;
	_ =	swait.ge @!p0 [sflag:s8], $0x0  }
0x24: {  	s3 =	sadd.s32 $0x88, s3;
	s6 =	simm.s32 @!p1 $0x1082;
	[sflag:s4] =	ssyncset.s32 $0xFFFFF086  }
0x25: {  	[simem:s6], [sflag:s4] =	dma.local [hbm:s3], $0xF7A  }
0x26: {  	[smem:$0x3F8F] =	sst s1;
	(tag) =	ssettag s2;
	_ =	strace s9  }
0x27: {  	s1 =	sld [smem:$0x3F9F]  }
0x28: {  	s2 =	sld [smem:$0x3FA0]  }
0x29: {  	s4 =	sld [smem:$0x3FA2]  }
0x2a: {  	p0 =	seq.s32 s5, $0x0;
	s5 =	sld [smem:$0x3FA3]  }
0x2b: {  	s6 =	sld [smem:$0x3FA4]  }
0x2c: {  	s7 =	sld [smem:$0x3FA5]  }
0x2d: {  	s3 =	simm.s32 $0x108;
	s8 =	sld [smem:$0x3FA6]  }
0x2e: {  	s3 =	simm.s32 @!p0 $0x1082;
	s9 =	sld [smem:$0x3FA7]  }
0x2f: {  	lr =	sadd.s32 s0, s3;
	s0 =	sld [smem:$0x3F9E]  }
0x30: {  	s3 =	sld [smem:$0x3FA1]  }
0x31: {  	[smem:$0x3FAA] =	sst s10  }
0x32: {  	s10 =	sld [smem:$0x3FA8];
	_ =	sdelay $0x3  }
0x33: {  	p0 =	seq.s32 s10, $0x1;
	s10 =	sld [smem:$0x3FAA];
	_ =	sdelay $0x3  }
0x34: {  	[smem:$0x3FAA] =	sst s10  }
0x35: {  	s10 =	sld [smem:$0x3FA9];
	_ =	sdelay $0x3  }
0x36: {  	p1 =	seq.s32 s10, $0x1;
	s10 =	sld [smem:$0x3FAA];
	_ =	sdelay $0x3  }
0x37: {  	[smem:$0x3FAA] =	sst s10  }
0x38: {  	s10 =	sld [smem:$0x3FAB]  }
0x39: {  	_ = 	snop;
	(pc) =	sbr.ind lr, $3  }
0x3a: {  	_ = 	snop  }
0x3b: {  	_ = 	snop  }
0x3c: {  	p2 =	seq.s32 s10, $0x1;
	s10 =	sld [smem:$0x3FAA]  }
0x3d: {  	_ =	shalt  }
0x3e: {  	_ =	shalt  }
0x3f: {  	_ =	shalt  }
0x40: {  	_ =	shalt  }
0x41: {  	_ =	shalt  }
0x42: {  	_ =	shalt  }
0x43: {  	_ =	shalt  }
0x44: {  	_ =	shalt  }
0x45: {  	_ =	shalt  }
0x46: {  	_ =	shalt  }
0x47: {  	_ =	shalt  }
0x48: {  	_ =	shalt  }
0x49: {  	_ =	shalt  }
0x4a: {  	_ =	shalt  }
0x4b: {  	_ =	shalt  }
0x4c: {  	_ =	shalt  }
0x4d: {  	_ =	shalt  }
0x4e: {  	_ =	shalt  }
0x4f: {  	_ =	shalt  }
0x50: {  	_ =	shalt  }
0x51: {  	_ =	shalt  }
0x52: {  	_ =	shalt  }
0x53: {  	_ =	shalt  }
0x54: {  	_ =	shalt  }
0x55: {  	_ =	shalt  }
0x56: {  	_ =	shalt  }
0x57: {  	_ =	shalt  }
0x58: {  	_ =	shalt  }
0x59: {  	_ =	shalt  }
0x5a: {  	_ =	shalt  }
0x5b: {  	_ =	shalt  }
0x5c: {  	_ =	shalt  }
0x5d: {  	_ =	shalt  }
0x5e: {  	_ =	shalt  }
0x5f: {  	_ =	shalt  }
0x60: {  	_ =	shalt  }
0x61: {  	_ =	shalt  }
0x62: {  	_ =	shalt  }
0x63: {  	_ =	shalt  }
0x64: {  	_ =	shalt  }
0x65: {  	_ =	shalt  }
0x66: {  	_ =	shalt  }
0x67: {  	_ =	shalt  }
0x68: {  	_ =	shalt  }
0x69: {  	_ =	shalt  }
0x6a: {  	_ =	shalt  }
0x6b: {  	_ =	shalt  }
0x6c: {  	_ =	shalt  }
0x6d: {  	_ =	shalt  }
0x6e: {  	_ =	shalt  }
0x6f: {  	_ =	shalt  }
0x70: {  	_ =	shalt  }
0x71: {  	_ =	shalt  }
0x72: {  	_ =	shalt  }
0x73: {  	_ =	shalt  }
0x74: {  	_ =	shalt  }
0x75: {  	_ =	shalt  }
0x76: {  	_ =	shalt  }
0x77: {  	_ =	shalt  }
0x78: {  	_ =	shalt  }
0x79: {  	_ =	shalt  }
0x7a: {  	_ =	shalt  }
0x7b: {  	_ =	shalt  }
0x7c: {  	_ =	shalt  }
0x7d: {  	_ =	shalt  }
0x7e: {  	_ =	shalt  }
0x7f: {  	_ =	shalt  }
0x80: {  	_ =	shalt  }
0x81: {  	_ =	shalt  }
0x82: {  	_ =	shalt  }
0x83: {  	_ =	shalt  }
0x84: {  	_ =	shalt  }
0x85: {  	_ =	shalt  }
0x86: {  	_ =	shalt  }
0x87: {  	_ =	shalt  }
.Lfunc_end0:
.L_simem_size_0:
called_computation_lowered:
.L_overlay_start_0:
0x88: {  	s2 =	sld [smem:$0x3FD9]  }
0x89: {  	s3 =	sld [smem:$0x3FFE];
	_ =	sdelay $0x1  }
0x8a: {  	s1 =	srdreg.scid  }
0x8b: {  	s0 =	sand.u32 $0x1, s1  }
0x8c: {  	s17 =	sshll.u32 s0, $0xA;
	s2 =	sadd.s32 s3, s2  }
0x8d: {  	s2 =	sadd.s32 s2, s17  }
0x8e: {  	[smem:$0x3FB6] =	sst s2  }
0x8f: {  	_ = 	snop  }
0x90: {  	s2 =	sld [smem:$0x3FD0];
	(tm) =	ssettm $0x1  }
0x91: {  	s18 =	sld [smem:$0x3FFB];
	_ =	sdelay $0x3  }
0x92: {  	_ =	strace s18  }
0x93: {  	s3 =	sld [smem:$0x3FFC];
	_ =	sdelay $0x3  }
0x94: {  	_ =	strace s3  }
0x95: {  	s3 =	sld [smem:$0x3FFD];
	_ =	sdelay $0x3  }
0x96: {  	_ =	strace s3  }
0x97: {  	_ =	strace $0x8FFFFFFF  }
0x98: {  	s19 =	sld [smem:$0x3FDB];
	_ =	sdelay $0x1  }
0x99: {  	s4 =	simm.s32 $_scs_section_size  }
0x9a: {  	s5 =	simm.s32 $_size__tile_overlayer_lowered;
	s6 =	simm.s32 $_tile_overlayer_lowered  }
0x9b: {  	s22 =	simm.s32 $0x1BFF;
	s21 =	sshll.u32 s6, $0x1;
	s3 =	sadd.s32 s4, s19  }
0x9c: {  	s7 =	simm.s32 $0x0;
	s20 =	sshll.u32 s5, $0x1;
	s5 =	sadd.s32 s21, s3  }
0x9d: {  	[timem:s7], [sflag:s22] =	dma.local [hbm:s5], s20  }
0x9e: {  	_ =	swait.ge [sflag:s22], s20  }
0x9f: {  	s4 =	ssub.s32 $0x0, s20;
	[sflag:s22] =	ssyncset.done $0x0  }
0xa0: {  	[sflag:s22] =	ssyncadd.s32 s4;
	_ =	sdelay $0x1  }
0xa1: {  	s23 =	simm.s32 $0x1B8B  }
0xa2: {  	_ =	swait.ge [sflag:s23], $0x1  }
0xa3: {  	[sflag:s23] =	ssyncset.done $0x0  }
0xa4: {  	s25 =	simm.s32 $0x1B8E;
	s24 =	sld [smem:$0x3FFE];
	[sflag:s23] =	ssyncadd.s32 $0xFFFFFFFF  }
0xa5: {  	s26 =	simm.s32 $execute0_lowered;
	[smem:$0x3FD2] =	sst s25  }
0xa6: {  	s5 =	sshll.u32 s26, $0x1;
	_ =	strace $0x80000046;
	[dreg:$0x1] =	wrdreg $0xFFFFFFFF  }
0xa7: {  	s28 =	simm.s32 $_size_execute0_lowered;
	s3 =	sadd.s32 s3, s5;
	[dreg:$0x0] =	wrdreg $0x0  }
0xa8: {  	s5 =	sshll.u32 s28, $0x1;
	[dreg:$0x2] =	wrdreg s3  }
0xa9: {  	[dreg:$0x3] =	wrdreg s5  }
0xaa: {  	[dreg:$0x4] =	wrdreg $0xC0  }
0xab: {  	_ =	task [dreg:s7], $0x5FFFF  }
0xac: {  	[dreg:$0x1] =	wrdreg $0xFFFFFFFF  }
0xad: {  	[dreg:$0x0] =	wrdreg $0x60  }
0xae: {  	[dreg:$0x2] =	wrdreg s24  }
0xaf: {  	[dreg:$0x3] =	wrdreg s2  }
0xb0: {  	[dreg:$0x4] =	wrdreg $0x7B000  }
0xb1: {  	[dreg:$0x5] =	wrdreg $0x9  }
0xb2: {  	_ =	task.clear_ibuf [dreg:s7], $0x6FFFF;
	_ =	strace $0x90000046  }
0xb3: {  	s29 =	simm.s32 $0x9;
	_ =	strace $0x80000048  }
0xb4: {  	_ =	swait.ge [sflag:s29], $0x1  }
0xb5: {  	[sflag:s29] =	ssyncadd.s32 $0xFFFFFFFF  }
0xb6: {  	_ =	strace $0x90000048  }
0xb7: {  	_ =	sfence  }
0xb8: {  	s30 =	sld [smem:$0x0];
	_ =	sdelay $0x2  }
0xb9: {  	s31 =	sshll.u32 s1, $0xD;
	s1 =	sshrl.u32 s1, $0x2  }
0xba: {  	s3 =	sand.u32 $0x4000, s31;
	s1 =	sadd.s32 s1, s30  }
0xbb: {  	s0 =	sor.u32 s3, s0;
	s1 =	sshll.u32 s1, $0x11  }
0xbc: {  	s0 =	sor.u32 s1, s0  }
0xbd: {  	s0 =	sadd.s32 $0x8F2B, s0  }
0xbe: {  	[sflag:s0] =	ssyncadd.remote.s32 $0x1  }
0xbf: {  	_ =	sfence.sel $0xFFFF  }
0xc0: {  	[dreg:$0x0] =	wrdreg $0xFFFFFFFF;
	(pc) =	sbr.abs _section_cstart, $3  }
0xc1: {  	[dreg:$0x1] =	wrdreg $0xFFFFFFFF  }
0xc2: {  	_ =	task.clear_ibuf [dreg:s7], $0x2FFFF;
	_ =	strace $0x9FFFFFFF  }
0xc3: {  	(tm) =	ssettm $0x7FFFFFFF  }
tec
execute0_lowered:
.L_overlay_start_1:
0x0: {  	(tag) =	ssettag $0x1  }
0x1: {  	s2 =	rddreg [dreg:$0x0];
	s0 =	srdreg.scid  }
0x2: {  	s1 =	simm.s32 $0x0;
	s22 =	stileid.u32;
	s28 =	rddreg [dreg:$0x2]  }
0x3: {  	[smem:$0x7FF] =	sst s1;
	s11 =	sand.u32 $0x1, s0;
	s12 =	sadd.s32 $0x5C200, s2  }
0x4: {  	s13 =	smul.u32 $0x14000, s22;
	s14 =	sadd.s32 $0xFC200, s2;
	s4 =	sshll.u32 s22, $0x1  }
0x5: {  	s0 =	ssub.s32 $0x2, s11;
	s9 =	sor.u32 s11, s4;
	s15 =	smul.u32 $0x140000, s11  }
0x6: {  	s3 =	sshrl.u32 s0, $0x1;
	s4 =	sor.u32 $0x2800, s13;
	s5 =	sadd.s32 $0x5000, s13  }
0x7: {  	s6 =	sadd.s32 $0x7800, s13;
	s10 =	sadd.s32 $0xA000, s13;
	s7 =	sadd.s32 $0xC800, s13  }
0x8: {  	s25 =	sadd.s32 $0xF000, s13;
	s0 =	ssub.s32 s0, s3;
	s3 =	sadd.s32 $0x11800, s13  }
0x9: {  	s13 =	sadd.s32 s13, s15;
	s16 =	sadd.s32 s15, s4;
	s17 =	sadd.s32 s15, s5  }
0xa: {  	s19 =	sadd.s32 s15, s10;
	s20 =	sadd.s32 s15, s7;
	s13 =	sshrl.u32 s13, $0x3  }
0xb: {  	s21 =	sadd.s32 s15, s25;
	s16 =	sshrl.u32 s16, $0x3;
	s18 =	sadd.s32 s14, s13  }
0xc: {  	s17 =	sshrl.u32 s17, $0x3;
	s24 =	sadd.s32 s14, s16;
	[dreg:$0x5] =	wrdreg s18  }
0xd: {  	s19 =	sshrl.u32 s19, $0x3;
	s26 =	sadd.s32 s14, s17;
	[dreg:$0x6] =	wrdreg s24  }
0xe: {  	s20 =	sshrl.u32 s20, $0x3;
	s8 =	sadd.s32 s14, s19;
	[dreg:$0x7] =	wrdreg s26  }
0xf: {  	s21 =	sshrl.u32 s21, $0x3;
	[dreg:$0x9] =	wrdreg s8;
	s24 =	sadd.s32 s14, s20  }
0x10: {  	s29 =	sadd.s32 s15, s6;
	s26 =	sadd.s32 s14, s21;
	[dreg:$0xa] =	wrdreg s24  }
0x11: {  	s18 =	sshrl.u32 s29, $0x3;
	s29 =	sadd.s32 s12, s13;
	[dreg:$0xb] =	wrdreg s26  }
0x12: {  	s15 =	sadd.s32 s15, s3;
	s8 =	sadd.s32 s12, s16;
	[dreg:$0xd] =	wrdreg s29  }
0x13: {  	s15 =	sshrl.u32 s15, $0x3;
	s23 =	sadd.s32 s14, s18;
	[dreg:$0xe] =	wrdreg s8  }
0x14: {  	s14 =	sadd.s32 s14, s15;
	[dreg:$0x8] =	wrdreg s23  }
0x15: {  	s24 =	sadd.s32 s12, s17;
	[dreg:$0xc] =	wrdreg s14  }
0x16: {  	s26 =	sadd.s32 s12, s18;
	[dreg:$0xf] =	wrdreg s24  }
0x17: {  	s29 =	sadd.s32 s12, s19;
	[dreg:$0x10] =	wrdreg s26  }
0x18: {  	s8 =	sadd.s32 s12, s20;
	[dreg:$0x11] =	wrdreg s29  }
0x19: {  	[dreg:$0x12] =	wrdreg s8  }
0x1a: {  	s24 =	sadd.s32 s12, s21;
	s23 =	rddreg [dreg:$0x1]  }
0x1b: {  	s14 =	sadd.s32 $0xAC200, s2;
	s12 =	sadd.s32 s12, s15;
	[dreg:$0x13] =	wrdreg s24  }
0x1c: {  	[dreg:$0x14] =	wrdreg s12;
	s26 =	sadd.s32 s14, s13  }
0x1d: {  	s29 =	sadd.s32 s14, s16;
	[dreg:$0x15] =	wrdreg s26  }
0x1e: {  	s8 =	sadd.s32 s14, s17;
	[dreg:$0x16] =	wrdreg s29  }
0x1f: {  	s13 =	sadd.s32 s14, s18;
	[dreg:$0x17] =	wrdreg s8  }
0x20: {  	s30 =	sadd.s32 $0x34400, s2;
	s16 =	sadd.s32 s14, s19;
	[dreg:$0x18] =	wrdreg s13  }
0x21: {  	s31 =	sadd.s32 $0xD200, s2;
	s18 =	sadd.s32 s14, s20;
	[dreg:$0x19] =	wrdreg s16  }
0x22: {  	s17 =	smul.u32 $0x4E20, s22;
	s19 =	sadd.s32 s14, s21;
	[dreg:$0x1a] =	wrdreg s18  }
0x23: {  	s20 =	sadd.s32 s14, s15;
	s21 =	smul.u32 $0x50000, s22;
	[dreg:$0x1b] =	wrdreg s19  }
0x24: {  	s24 =	sadd.s32 $0x3400, s2;
	s22 =	sadd.s32 $0x5B600, s2;
	[dreg:$0x1c] =	wrdreg s20  }
0x25: {  	s2 =	sadd.s32 $0x5BC00, s2;
	_ =	strace $0x80000047;
	[dreg:$0x1d] =	wrdreg s22  }
0x26: {  	s29 =	sadd.s32 s4, s28;
	[dreg:$0x1e] =	wrdreg s2  }
0x27: {  	s9 =	smul.u32 $0x2710, s9;
	s4 =	sadd.s32 s6, s28;
	[smem:$0x7E6] =	sst s29  }
0x28: {  	s0 =	smax.u32 s0, $0x1;
	[smem:$0x7E7] =	sst s4  }
0x29: {  	s6 =	sshrl.u32 s9, $0x3;
	s9 =	sadd.s32 s7, s28;
	[smem:$0x7F3] =	sst s0  }
0x2a: {  	s11 =	smul.u32 $0x2710, s11;
	s8 =	sadd.s32 s25, s28;
	[smem:$0x7F8] =	sst s9  }
0x2b: {  	s22 =	sadd.s32 s5, s28;
	s5 =	sadd.s32 s10, s28;
	[smem:$0x7F9] =	sst s8  }
0x2c: {  	s11 =	sadd.s32 s11, s17;
	s19 =	sadd.s32 s24, s6;
	[smem:$0x7E8] =	sst s5  }
0x2d: {  	s26 =	sshrl.u32 s21, $0x2;
	s20 =	sadd.s32 s23, s6;
	[smem:$0x7EF] =	sst s19  }
0x2e: {  	s12 =	sadd.s32 $0xA, s6;
	s10 =	sadd.s32 s3, s28;
	[smem:$0x7F0] =	sst s20  }
0x2f: {  	s14 =	sadd.s32 $0x14, s6;
	s16 =	sadd.s32 $0x4CE, s6;
	[smem:$0x7F7] =	sst s22  }
0x30: {  	s2 =	sadd.s32 s26, s28;
	s13 =	sadd.s32 s24, s12;
	[smem:$0x7FA] =	sst s10  }
0x31: {  	s4 =	sadd.s32 s23, s12;
	s15 =	sadd.s32 s24, s14;
	[dreg:$0x1f] =	wrdreg s2  }
0x32: {  	s3 =	sadd.s32 s23, s14;
	s17 =	sadd.s32 s24, s16;
	[smem:$0x7E9] =	sst s13  }
0x33: {  	s18 =	sadd.s32 s23, s16;
	s25 =	sadd.s32 $0x50, s11;
	[smem:$0x7EA] =	sst s4  }
0x34: {  	s29 =	sadd.s32 $0x190, s11;
	s12 =	simm.s32 $0x100;
	[smem:$0x7EB] =	sst s15  }
0x35: {  	s14 =	simm.s32 $0x1;
	s16 =	simm.s32 $0x2980;
	[smem:$0x7EC] =	sst s3  }
0x36: {  	s19 =	simm.s32 $0x5;
	s20 =	simm.s32 $0x4;
	[smem:$0x7ED] =	sst s17  }
0x37: {  	[smem:$0x7EE] =	sst s18;
	s2 =	sadd.s32 $0x4D8, s6;
	s26 =	sshrl.u32 s25, $0x3  }
0x38: {  	s4 =	sadd.s32 $0x140, s11;
	s13 =	simm.s32 $0x7;
	s15 =	simm.s32 $0x80  }
0x39: {  	s18 =	simm.s32 $0x50;
	s17 =	simm.s32 $0x2;
	s21 =	sadd.s32 s24, s2  }
0x3a: {  	s3 =	simm.s32 $0x5280;
	s2 =	sadd.s32 s23, s2;
	[smem:$0x7F1] =	sst s21  }
0x3b: {  	s0 =	sadd.s32 s26, s24;
	s6 =	sshrl.u32 s4, $0x3;
	[smem:$0x7F2] =	sst s2  }
0x3c: {  	s26 =	sadd.s32 $0xF0, s11;
	s4 =	simm.s32 $0x5200;
	[dreg:$0x4] =	wrdreg s0  }
0x3d: {  	s2 =	sshrl.u32 s29, $0x3;
	s21 =	sadd.s32 $0xA0, s11;
	[smem:$0x7F6] =	sst s26  }
0x3e: {  	s7 =	sadd.s32 s6, s24;
	s0 =	simm.s32 $0x5300;
	[smem:$0x7F5] =	sst s21  }
0x3f: {  	s11 =	simm.s32 $0x2900;
	s5 =	sadd.s32 s2, s23;
	[smem:$0x7FD] =	sst s7  }
0x40: {  	s26 =	simm.s32 $0x0;
	s29 =	sadd.s32 s2, s24;
	[smem:$0x7F4] =	sst s5  }
0x41: {  	s2 =	sadd.s32 s6, s23;
	s21 =	simm.s32 $0x2A00;
	[smem:$0x7FB] =	sst s29  }
0x42: {  	s6 =	simm.s32 $0x3;
	s5 =	simm.s32 $0x6;
	[smem:$0x7FC] =	sst s2  }
.LBB2_1:
0x43: {  	[smem:$0x7E5] =	sst s26  }
0x44: {  	s7 =	rddreg [dreg:$0x1d]  }
0x45: {  	[tilespmem:s12], [sflag:$0x7] =	stream.linear.gather [hbm4b:s7+s1], $0x2800, $0x38;
	[tilespmem:$0x1BB00] =	vst v63  }
0x46: {  	_ =	swait.ge [sflag:s13], $0x2800  }
0x47: {  	[sflag:s13] =	ssyncset.done $0x0;
	s25 =	rddreg [dreg:$0x1f]  }
0x48: {  	s26 =	sld [smem:$0x7E6];
	[sflag:s13] =	ssyncadd.s32 $0xFFFFD800  }
0x49: {  	[spmem:s25] =	stream.linear.scatter [tilespmem:s12], [sflag:$0x1], $0x2800, $0x38;
	[tilespmem:$0x1BB00] =	vst v63  }
0x4a: {  	_ = 	snop  }
0x4b: {  	[spmem:s26] =	stream.linear.scatter [tilespmem:s12], [sflag:$0x1], $0x2800, $0x38;
	[tilespmem:$0x1BB00] =	vst v63  }
0x4c: {  	s29 =	smov.u32 s22  }
0x4d: {  	[spmem:s29] =	stream.linear.scatter [tilespmem:s12], [sflag:$0x1], $0x2800, $0x38;
	[tilespmem:$0x1BB00] =	vst v63  }
0x4e: {  	s29 =	sld [smem:$0x7E7]  }
0x4f: {  	s2 =	smov.u32 s10  }
0x50: {  	s10 =	smov.u32 s8;
	s8 =	smov.u32 s9;
	s9 =	sld [smem:$0x7E8]  }
0x51: {  	[spmem:s29] =	stream.linear.scatter [tilespmem:s12], [sflag:$0x1], $0x2800, $0x38;
	[tilespmem:$0x1BB00] =	vst v63  }
0x52: {  	_ = 	snop  }
0x53: {  	[spmem:s9] =	stream.linear.scatter [tilespmem:s12], [sflag:$0x1], $0x2800, $0x38;
	[tilespmem:$0x1BB00] =	vst v63  }
0x54: {  	_ = 	snop  }
0x55: {  	[spmem:s8] =	stream.linear.scatter [tilespmem:s12], [sflag:$0x1], $0x2800, $0x38;
	[tilespmem:$0x1BB00] =	vst v63  }
0x56: {  	_ = 	snop  }
0x57: {  	[spmem:s10] =	stream.linear.scatter [tilespmem:s12], [sflag:$0x1], $0x2800, $0x38;
	[tilespmem:$0x1BB00] =	vst v63  }
0x58: {  	_ = 	snop  }
0x59: {  	[spmem:s2] =	stream.linear.scatter [tilespmem:s12], [sflag:$0x1], $0x2800, $0x38;
	[tilespmem:$0x1BB00] =	vst v63  }
0x5a: {  	_ =	swait.ge [sflag:s14], $0x2800  }
0x5b: {  	[sflag:s14] =	ssyncset.done $0x0  }
0x5c: {  	[sflag:s14] =	ssyncadd.s32 $0xFFFFD800  }
0x5d: {  	_ =	swait.ge [sflag:s14], $0x2800  }
0x5e: {  	[sflag:s14] =	ssyncset.done $0x0  }
0x5f: {  	[sflag:s14] =	ssyncadd.s32 $0xFFFFD800  }
0x60: {  	_ =	swait.ge [sflag:s14], $0x2800  }
0x61: {  	[sflag:s14] =	ssyncset.done $0x0  }
0x62: {  	[sflag:s14] =	ssyncadd.s32 $0xFFFFD800  }
0x63: {  	_ =	swait.ge [sflag:s14], $0x2800  }
0x64: {  	[sflag:s14] =	ssyncset.done $0x0  }
0x65: {  	[sflag:s14] =	ssyncadd.s32 $0xFFFFD800  }
0x66: {  	_ =	swait.ge [sflag:s14], $0x2800  }
0x67: {  	[sflag:s14] =	ssyncset.done $0x0  }
0x68: {  	[sflag:s14] =	ssyncadd.s32 $0xFFFFD800  }
0x69: {  	_ =	swait.ge [sflag:s14], $0x2800  }
0x6a: {  	[sflag:s14] =	ssyncset.done $0x0  }
0x6b: {  	[sflag:s14] =	ssyncadd.s32 $0xFFFFD800  }
0x6c: {  	_ =	swait.ge [sflag:s14], $0x2800  }
0x6d: {  	[sflag:s14] =	ssyncset.done $0x0  }
0x6e: {  	[sflag:s14] =	ssyncadd.s32 $0xFFFFD800  }
0x6f: {  	_ =	swait.ge [sflag:s14], $0x2800  }
0x70: {  	[sflag:s14] =	ssyncset.done $0x0  }
0x71: {  	s10 =	rddreg [dreg:$0x1e];
	[sflag:s14] =	ssyncadd.s32 $0xFFFFD800  }
0x72: {  	[tilespmem:s12], [sflag:$0x7] =	stream.linear.gather [hbm4b:s10+s1], $0x2800, $0x38;
	[tilespmem:$0x1BB00] =	vst v63  }
0x73: {  	_ =	swait.ge [sflag:s13], $0x2800  }
0x74: {  	[sflag:s13] =	ssyncset.done $0x0  }
0x75: {  	[sflag:s13] =	ssyncadd.s32 $0xFFFFD800  }
0x76: {  	[bflag:$0x0] =	sbarrier.arrive $0xFFFF  }
0x77: {  	s22 =	smov.u32 s23;
	s23 =	sld [smem:$0x7EF];
	_ =	sdelay $0x2  }
0x78: {  	[tilespmem:s15], [sflag:$0x7] =	stream.linear.gather [hbm4b:s23+s1], $0x50, $0x38;
	[tilespmem:$0x1BB00] =	vst v63  }
0x79: {  	_ =	swait.ge [sflag:s13], $0x50  }
0x7a: {  	[sflag:s13] =	ssyncset.done $0x0;
	s25 =	rddreg [dreg:$0x4]  }
0x7b: {  	[sflag:s13] =	ssyncadd.s32 $0xFFFFFFB0;
	s7 =	sadd.s32 $0x0, s25  }
0x7c: {  	[tilespmem:s16], [sflag:$0x5] =	stream.linear.gather [hbm4b:s7+s1], $0x50, $0x38;
	[tilespmem:$0x1BB00] =	vst v63  }
0x7d: {  	_ = 	snop  }
0x7e: {  	[spmem:s28] =	stream.indirect.scatter.add.f32 [tilespmem:s12], [sflag:$0x7], $0x80, s15, s18, $0xb8;
	[tilespmem:$0x1BB00] =	vst v63  }
0x7f: {  	_ =	swait.ge [sflag:s13], $0x2800  }
0x80: {  	[sflag:s13] =	ssyncset.done $0x0  }
0x81: {  	[sflag:s13] =	ssyncadd.s32 $0xFFFFD800  }
0x82: {  	_ =	swait.ge [sflag:s19], $0x50  }
0x83: {  	s26 =	sld [smem:$0x7F5];
	_ =	sdelay $0x2  }
0x84: {  	[sflag:s19] =	ssyncset.done $0x0;
	s29 =	sshrl.u32 s26, $0x3  }
0x85: {  	[sflag:s19] =	ssyncadd.s32 $0xFFFFFFB0;
	s7 =	sadd.s32 s24, s29  }
0x86: {  	[tilespmem:s15], [sflag:$0x4] =	stream.linear.gather [hbm4b:s7+s1], $0x50, $0x38;
	[tilespmem:$0x1BB00] =	vst v63  }
0x87: {  	_ = 	snop  }
0x88: {  	[spmem:s28] =	stream.indirect.scatter.add.f32 [tilespmem:s12], [sflag:$0x7], $0x80, s16, s18, $0xb8;
	[tilespmem:$0x1BB00] =	vst v63  }
0x89: {  	_ =	swait.ge [sflag:s13], $0x2800  }
0x8a: {  	[sflag:s13] =	ssyncset.done $0x0  }
0x8b: {  	[sflag:s13] =	ssyncadd.s32 $0xFFFFD800  }
0x8c: {  	s9 =	simm.s32 $0x28;
	_ =	swait.ge [sflag:s20], $0x50  }
0x8d: {  	s8 =	simm.s32 $0x14;
	s7 =	sadd.s32 $0xA0, s26;
	[sflag:s20] =	ssyncset.done $0x0  }
.LBB2_2:
0x8e: {  	s10 =	rddreg [dreg:$0x4]  }
0x8f: {  	[sflag:s20] =	ssyncadd.s32 $0xFFFFFFB0;
	s10 =	sadd.s32 s8, s10  }
0x90: {  	[tilespmem:s16], [sflag:$0x5] =	stream.linear.gather [hbm4b:s10+s1], $0x50, $0x38;
	[tilespmem:$0x1BB00] =	vst v63  }
0x91: {  	_ = 	snop  }
0x92: {  	[spmem:s28] =	stream.indirect.scatter.add.f32 [tilespmem:s12], [sflag:$0x7], $0x80, s15, s18, $0xb8;
	[tilespmem:$0x1BB00] =	vst v63  }
0x93: {  	s10 =	rddreg [dreg:$0x4];
	_ =	swait.ge [sflag:s13], $0x2800  }
0x94: {  	[sflag:s13] =	ssyncset.done $0x0  }
0x95: {  	[sflag:s13] =	ssyncadd.s32 $0xFFFFD800  }
0x96: {  	s23 =	sadd.s32 $0x14, s9;
	_ =	swait.ge [sflag:s19], $0x50  }
0x97: {  	p0 =	sne.s32 s9, $0x4C4;
	s29 =	sshrl.u32 s7, $0x3;
	[sflag:s19] =	ssyncset.done $0x0  }
0x98: {  	s8 =	smov.u32 s9;
	s9 =	sadd.s32 s24, s29;
	[sflag:s19] =	ssyncadd.s32 $0xFFFFFFB0  }
0x99: {  	[tilespmem:s15], [sflag:$0x4] =	stream.linear.gather [hbm4b:s9+s1], $0x50, $0x38;
	[tilespmem:$0x1BB00] =	vst v63  }
0x9a: {  	_ = 	snop  }
0x9b: {  	[spmem:s28] =	stream.indirect.scatter.add.f32 [tilespmem:s12], [sflag:$0x7], $0x80, s16, s18, $0xb8;
	[tilespmem:$0x1BB00] =	vst v63  }
.Ltmp0:
0x9c: {  	_ =	swait.ge [sflag:s13], $0x2800;
	(pc) =	sbr.rel @p0 .LBB2_2-.Ltmp0, $4  }
0x9d: {  	[sflag:s13] =	ssyncset.done $0x0  }
0x9e: {  	[sflag:s13] =	ssyncadd.s32 $0xFFFFD800  }
0x9f: {  	_ =	swait.ge [sflag:s20], $0x50  }
0xa0: {  	s7 =	sadd.s32 $0xA0, s7;
	s9 =	smov.u32 s23;
	[sflag:s20] =	ssyncset.done $0x0  }
0xa1: {  	s8 =	sadd.s32 s8, s10;
	[sflag:s20] =	ssyncadd.s32 $0xFFFFFFB0  }
0xa2: {  	[tilespmem:s16], [sflag:$0x5] =	stream.linear.gather [hbm4b:s8+s1], $0x50, $0x38;
	[tilespmem:$0x1BB00] =	vst v63  }
0xa3: {  	_ = 	snop  }
0xa4: {  	[spmem:s28] =	stream.indirect.scatter.add.f32 [tilespmem:s12], [sflag:$0x7], $0x80, s15, s18, $0xb8;
	[tilespmem:$0x1BB00] =	vst v63  }
0xa5: {  	_ =	swait.ge [sflag:s13], $0x2800  }
0xa6: {  	[sflag:s13] =	ssyncset.done $0x0  }
0xa7: {  	[sflag:s13] =	ssyncadd.s32 $0xFFFFD800  }
0xa8: {  	_ =	swait.ge [sflag:s19], $0x50  }
0xa9: {  	s7 =	sshrl.u32 s7, $0x3;
	[sflag:s19] =	ssyncset.done $0x0  }
0xaa: {  	s7 =	sadd.s32 s24, s7;
	[sflag:s19] =	ssyncadd.s32 $0xFFFFFFB0  }
0xab: {  	[tilespmem:s15], [sflag:$0x4] =	stream.linear.gather [hbm4b:s7+s1], $0x50, $0x38;
	[tilespmem:$0x1BB00] =	vst v63  }
0xac: {  	_ = 	snop  }
0xad: {  	[spmem:s28] =	stream.indirect.scatter.add.f32 [tilespmem:s12], [sflag:$0x7], $0x80, s16, s18, $0xb8;
	[tilespmem:$0x1BB00] =	vst v63  }
0xae: {  	_ =	swait.ge [sflag:s13], $0x2800  }
0xaf: {  	[sflag:s13] =	ssyncset.done $0x0  }
0xb0: {  	[sflag:s13] =	ssyncadd.s32 $0xFFFFD800  }
0xb1: {  	_ =	swait.ge [sflag:s20], $0x50  }
0xb2: {  	[sflag:s20] =	ssyncset.done $0x0  }
0xb3: {  	[sflag:s20] =	ssyncadd.s32 $0xFFFFFFB0  }
0xb4: {  	[spmem:s28] =	stream.indirect.scatter.add.f32 [tilespmem:s12], [sflag:$0x7], $0x80, s15, s18, $0xb8;
	[tilespmem:$0x1BB00] =	vst v63  }
0xb5: {  	_ =	swait.ge [sflag:s13], $0x2800  }
0xb6: {  	[sflag:s13] =	ssyncset.done $0x0  }
0xb7: {  	[sflag:s13] =	ssyncadd.s32 $0xFFFFD800  }
0xb8: {  	[bflag:$0x0] =	sbarrier.arrive $0xFFFF  }
0xb9: {  	s26 =	rddreg [dreg:$0x1f]  }
0xba: {  	[tilespmem:s21], [sflag:$0x7] =	stream.linear.gather [spmem:s26], $0x2800, $0x38;
	[tilespmem:$0x1BB00] =	vst v63  }
0xbb: {  	_ =	swait.ge [sflag:s13], $0x2800  }
0xbc: {  	[sflag:s13] =	ssyncset.done $0x0;
	s10 =	rddreg [dreg:$0x5]  }
0xbd: {  	s9 =	simm.s32 $0x0;
	s2 =	sld [smem:$0x7E6];
	[sflag:s13] =	ssyncadd.s32 $0xFFFFD800  }
0xbe: {  	[hbm4b:s10+s9] =	stream.linear.scatter [tilespmem:s21], [sflag:$0x1], $0x2800, $0x38;
	[tilespmem:$0x1BB00] =	vst v63  }
0xbf: {  	_ = 	snop  }
0xc0: {  	[tilespmem:s0], [sflag:$0x7] =	stream.linear.gather [spmem:s2], $0x2800, $0x38;
	[tilespmem:$0x1BB00] =	vst v63  }
0xc1: {  	_ =	swait.ge [sflag:s13], $0x2800  }
0xc2: {  	[sflag:s13] =	ssyncset.done $0x0  }
0xc3: {  	s23 =	rddreg [dreg:$0x6];
	[sflag:s13] =	ssyncadd.s32 $0xFFFFD800  }
0xc4: {  	[hbm4b:s23+s9] =	stream.linear.scatter [tilespmem:s0], [sflag:$0x1], $0x2800, $0x38;
	[tilespmem:$0x1BB00] =	vst v63  }
0xc5: {  	_ =	swait.ge [sflag:s14], $0x2800  }
0xc6: {  	s29 =	sld [smem:$0x7F7]  }
0xc7: {  	[sflag:s14] =	ssyncset.done $0x0  }
0xc8: {  	[sflag:s14] =	ssyncadd.s32 $0xFFFFD800  }
0xc9: {  	[tilespmem:s21], [sflag:$0x7] =	stream.linear.gather [spmem:s29], $0x2800, $0x38;
	[tilespmem:$0x1BB00] =	vst v63  }
0xca: {  	_ =	swait.ge [sflag:s13], $0x2800  }
0xcb: {  	[sflag:s13] =	ssyncset.done $0x0  }
0xcc: {  	s25 =	rddreg [dreg:$0x7];
	[sflag:s13] =	ssyncadd.s32 $0xFFFFD800  }
0xcd: {  	[hbm4b:s25+s9] =	stream.linear.scatter [tilespmem:s21], [sflag:$0x1], $0x2800, $0x38;
	[tilespmem:$0x1BB00] =	vst v63  }
0xce: {  	_ =	swait.ge [sflag:s14], $0x2800  }
0xcf: {  	s25 =	sld [smem:$0x7E7]  }
0xd0: {  	[sflag:s14] =	ssyncset.done $0x0  }
0xd1: {  	[sflag:s14] =	ssyncadd.s32 $0xFFFFD800  }
0xd2: {  	[tilespmem:s0], [sflag:$0x7] =	stream.linear.gather [spmem:s25], $0x2800, $0x38;
	[tilespmem:$0x1BB00] =	vst v63  }
0xd3: {  	_ =	swait.ge [sflag:s13], $0x2800  }
0xd4: {  	[sflag:s13] =	ssyncset.done $0x0  }
0xd5: {  	s2 =	rddreg [dreg:$0x8];
	[sflag:s13] =	ssyncadd.s32 $0xFFFFD800  }
0xd6: {  	[hbm4b:s2+s9] =	stream.linear.scatter [tilespmem:s0], [sflag:$0x1], $0x2800, $0x38;
	[tilespmem:$0x1BB00] =	vst v63  }
0xd7: {  	_ =	swait.ge [sflag:s14], $0x2800  }
0xd8: {  	s2 =	sld [smem:$0x7E8]  }
0xd9: {  	[sflag:s14] =	ssyncset.done $0x0  }
0xda: {  	[sflag:s14] =	ssyncadd.s32 $0xFFFFD800  }
0xdb: {  	[tilespmem:s21], [sflag:$0x7] =	stream.linear.gather [spmem:s2], $0x2800, $0x38;
	[tilespmem:$0x1BB00] =	vst v63  }
0xdc: {  	_ =	swait.ge [sflag:s13], $0x2800  }
0xdd: {  	[sflag:s13] =	ssyncset.done $0x0  }
0xde: {  	s7 =	rddreg [dreg:$0x9];
	[sflag:s13] =	ssyncadd.s32 $0xFFFFD800  }
0xdf: {  	[hbm4b:s7+s9] =	stream.linear.scatter [tilespmem:s21], [sflag:$0x1], $0x2800, $0x38;
	[tilespmem:$0x1BB00] =	vst v63  }
0xe0: {  	_ =	swait.ge [sflag:s14], $0x2800  }
0xe1: {  	s23 =	sld [smem:$0x7F8]  }
0xe2: {  	[sflag:s14] =	ssyncset.done $0x0  }
0xe3: {  	[sflag:s14] =	ssyncadd.s32 $0xFFFFD800  }
0xe4: {  	[tilespmem:s0], [sflag:$0x7] =	stream.linear.gather [spmem:s23], $0x2800, $0x38;
	[tilespmem:$0x1BB00] =	vst v63  }
0xe5: {  	_ =	swait.ge [sflag:s13], $0x2800  }
0xe6: {  	[sflag:s13] =	ssyncset.done $0x0  }
0xe7: {  	s10 =	rddreg [dreg:$0xa];
	[sflag:s13] =	ssyncadd.s32 $0xFFFFD800  }
0xe8: {  	[hbm4b:s10+s9] =	stream.linear.scatter [tilespmem:s0], [sflag:$0x1], $0x2800, $0x38;
	[tilespmem:$0x1BB00] =	vst v63  }
0xe9: {  	_ =	swait.ge [sflag:s14], $0x2800  }
0xea: {  	s10 =	sld [smem:$0x7F9]  }
0xeb: {  	[sflag:s14] =	ssyncset.done $0x0  }
0xec: {  	[sflag:s14] =	ssyncadd.s32 $0xFFFFD800  }
0xed: {  	[tilespmem:s21], [sflag:$0x7] =	stream.linear.gather [spmem:s10], $0x2800, $0x38;
	[tilespmem:$0x1BB00] =	vst v63  }
0xee: {  	_ =	swait.ge [sflag:s13], $0x2800  }
0xef: {  	[sflag:s13] =	ssyncset.done $0x0  }
0xf0: {  	s7 =	rddreg [dreg:$0xb];
	[sflag:s13] =	ssyncadd.s32 $0xFFFFD800  }
0xf1: {  	[hbm4b:s7+s9] =	stream.linear.scatter [tilespmem:s21], [sflag:$0x1], $0x2800, $0x38;
	[tilespmem:$0x1BB00] =	vst v63  }
0xf2: {  	_ =	swait.ge [sflag:s14], $0x2800  }
0xf3: {  	s7 =	sld [smem:$0x7FA]  }
0xf4: {  	[sflag:s14] =	ssyncset.done $0x0  }
0xf5: {  	[sflag:s14] =	ssyncadd.s32 $0xFFFFD800  }
0xf6: {  	[tilespmem:s0], [sflag:$0x7] =	stream.linear.gather [spmem:s7], $0x2800, $0x38;
	[tilespmem:$0x1BB00] =	vst v63  }
0xf7: {  	_ =	swait.ge [sflag:s13], $0x2800  }
0xf8: {  	[sflag:s13] =	ssyncset.done $0x0  }
0xf9: {  	s8 =	rddreg [dreg:$0xc];
	[sflag:s13] =	ssyncadd.s32 $0xFFFFD800  }
0xfa: {  	[hbm4b:s8+s9] =	stream.linear.scatter [tilespmem:s0], [sflag:$0x1], $0x2800, $0x38;
	[tilespmem:$0x1BB00] =	vst v63  }
0xfb: {  	_ =	swait.ge [sflag:s14], $0x2800  }
0xfc: {  	[sflag:s14] =	ssyncset.done $0x0  }
0xfd: {  	[sflag:s14] =	ssyncadd.s32 $0xFFFFD800  }
0xfe: {  	_ =	swait.ge [sflag:s14], $0x2800  }
0xff: {  	[sflag:s14] =	ssyncset.done $0x0  }
0x100: {  	s8 =	rddreg [dreg:$0x1d];
	[sflag:s14] =	ssyncadd.s32 $0xFFFFD800  }
0x101: {  	[tilespmem:s12], [sflag:$0x7] =	stream.linear.gather [hbm4b:s8+s9], $0x2800, $0x38;
	[tilespmem:$0x1BB00] =	vst v63  }
0x102: {  	_ =	swait.ge [sflag:s13], $0x2800  }
0x103: {  	[sflag:s13] =	ssyncset.done $0x0  }
0x104: {  	[sflag:s13] =	ssyncadd.s32 $0xFFFFD800  }
0x105: {  	[spmem:s26] =	stream.linear.scatter [tilespmem:s12], [sflag:$0x2], $0x2800, $0x38;
	[tilespmem:$0x1BB00] =	vst v63  }
0x106: {  	s26 =	sld [smem:$0x7E6];
	_ =	sdelay $0x2  }
0x107: {  	[spmem:s26] =	stream.linear.scatter [tilespmem:s12], [sflag:$0x2], $0x2800, $0x38;
	[tilespmem:$0x1BB00] =	vst v63  }
0x108: {  	_ = 	snop  }
0x109: {  	[spmem:s29] =	stream.linear.scatter [tilespmem:s12], [sflag:$0x2], $0x2800, $0x38;
	[tilespmem:$0x1BB00] =	vst v63  }
0x10a: {  	_ = 	snop  }
0x10b: {  	[spmem:s25] =	stream.linear.scatter [tilespmem:s12], [sflag:$0x2], $0x2800, $0x38;
	[tilespmem:$0x1BB00] =	vst v63  }
0x10c: {  	_ = 	snop  }
0x10d: {  	[spmem:s2] =	stream.linear.scatter [tilespmem:s12], [sflag:$0x2], $0x2800, $0x38;
	[tilespmem:$0x1BB00] =	vst v63  }
0x10e: {  	_ = 	snop  }
0x10f: {  	[spmem:s23] =	stream.linear.scatter [tilespmem:s12], [sflag:$0x2], $0x2800, $0x38;
	[tilespmem:$0x1BB00] =	vst v63  }
0x110: {  	_ = 	snop  }
0x111: {  	[spmem:s10] =	stream.linear.scatter [tilespmem:s12], [sflag:$0x2], $0x2800, $0x38;
	[tilespmem:$0x1BB00] =	vst v63  }
0x112: {  	_ = 	snop  }
0x113: {  	[spmem:s7] =	stream.linear.scatter [tilespmem:s12], [sflag:$0x2], $0x2800, $0x38;
	[tilespmem:$0x1BB00] =	vst v63  }
0x114: {  	_ =	swait.ge [sflag:s17], $0x2800  }
0x115: {  	[sflag:s17] =	ssyncset.done $0x0  }
0x116: {  	[sflag:s17] =	ssyncadd.s32 $0xFFFFD800  }
0x117: {  	_ =	swait.ge [sflag:s17], $0x2800  }
0x118: {  	[sflag:s17] =	ssyncset.done $0x0  }
0x119: {  	[sflag:s17] =	ssyncadd.s32 $0xFFFFD800  }
0x11a: {  	_ =	swait.ge [sflag:s17], $0x2800  }
0x11b: {  	[sflag:s17] =	ssyncset.done $0x0  }
0x11c: {  	[sflag:s17] =	ssyncadd.s32 $0xFFFFD800  }
0x11d: {  	_ =	swait.ge [sflag:s17], $0x2800  }
0x11e: {  	[sflag:s17] =	ssyncset.done $0x0  }
0x11f: {  	[sflag:s17] =	ssyncadd.s32 $0xFFFFD800  }
0x120: {  	_ =	swait.ge [sflag:s17], $0x2800  }
0x121: {  	[sflag:s17] =	ssyncset.done $0x0  }
0x122: {  	[sflag:s17] =	ssyncadd.s32 $0xFFFFD800  }
0x123: {  	_ =	swait.ge [sflag:s17], $0x2800  }
0x124: {  	[sflag:s17] =	ssyncset.done $0x0  }
0x125: {  	[sflag:s17] =	ssyncadd.s32 $0xFFFFD800  }
0x126: {  	_ =	swait.ge [sflag:s17], $0x2800  }
0x127: {  	[sflag:s17] =	ssyncset.done $0x0  }
0x128: {  	[sflag:s17] =	ssyncadd.s32 $0xFFFFD800  }
0x129: {  	_ =	swait.ge [sflag:s17], $0x2800  }
0x12a: {  	[sflag:s17] =	ssyncset.done $0x0  }
0x12b: {  	[sflag:s17] =	ssyncadd.s32 $0xFFFFD800  }
0x12c: {  	[bflag:$0x0] =	sbarrier.arrive $0xFFFF  }
0x12d: {  	s25 =	sld [smem:$0x7EF];
	_ =	sdelay $0x1  }
0x12e: {  	s26 =	sld [smem:$0x7F0]  }
0x12f: {  	[tilespmem:s15], [sflag:$0x4] =	stream.linear.gather [hbm4b:s25+s9], $0x50, $0x38;
	[tilespmem:$0x1BB00] =	vst v63  }
0x130: {  	s2 =	sld [smem:$0x7E9]  }
0x131: {  	[tilespmem:s9], [sflag:$0x4] =	stream.linear.gather [hbm4b:s26+s9], $0x50, $0x38;
	[tilespmem:$0x1BB00] =	vst v63  }
0x132: {  	s8 =	sld [smem:$0x7EA]  }
0x133: {  	[tilespmem:s16], [sflag:$0x5] =	stream.linear.gather [hbm4b:s2+s9], $0x50, $0x38;
	[tilespmem:$0x1BB00] =	vst v63  }
0x134: {  	s10 =	sld [smem:$0x7EB]  }
0x135: {  	[tilespmem:s11], [sflag:$0x5] =	stream.linear.gather [hbm4b:s8+s9], $0x50, $0x38;
	[tilespmem:$0x1BB00] =	vst v63  }
0x136: {  	s23 =	sld [smem:$0x7EC]  }
0x137: {  	[tilespmem:s3], [sflag:$0x6] =	stream.linear.gather [hbm4b:s10+s9], $0x50, $0x38;
	[tilespmem:$0x1BB00] =	vst v63  }
0x138: {  	_ = 	snop  }
0x139: {  	[tilespmem:s4], [sflag:$0x6] =	stream.linear.gather [hbm4b:s23+s9], $0x50, $0x38;
	[tilespmem:$0x1BB00] =	vst v63  }
0x13a: {  	_ =	swait.ge [sflag:s20], $0x50  }
0x13b: {  	[sflag:s20] =	ssyncset.done $0x0  }
0x13c: {  	[sflag:s20] =	ssyncadd.s32 $0xFFFFFFB0  }
0x13d: {  	_ =	swait.ge [sflag:s20], $0x50  }
0x13e: {  	[sflag:s20] =	ssyncset.done $0x0  }
0x13f: {  	[sflag:s20] =	ssyncadd.s32 $0xFFFFFFB0  }
0x140: {  	[tilespmem:s12], [sflag:$0x1] =	stream.indirect.gather [hbm4b:s30+s18], $0x80, s9, s18, $0xb8;
	[tilespmem:$0x1BB00] =	vst v63  }
0x141: {  	_ =	swait.ge [sflag:s19], $0x50  }
0x142: {  	[sflag:s19] =	ssyncset.done $0x0  }
0x143: {  	[sflag:s19] =	ssyncadd.s32 $0xFFFFFFB0  }
0x144: {  	_ =	swait.ge [sflag:s19], $0x50  }
0x145: {  	[sflag:s19] =	ssyncset.done $0x0  }
0x146: {  	[sflag:s19] =	ssyncadd.s32 $0xFFFFFFB0  }
0x147: {  	[tilespmem:s21], [sflag:$0x2] =	stream.indirect.gather [hbm4b:s30+s18], $0x80, s11, s18, $0xb8;
	[tilespmem:$0x1BB00] =	vst v63  }
0x148: {  	_ =	swait.ge [sflag:s14], $0x2800  }
0x149: {  	[sflag:s14] =	ssyncset.done $0x0  }
0x14a: {  	[sflag:s14] =	ssyncadd.s32 $0xFFFFD800  }
0x14b: {  	[spmem:s28] =	stream.indirect.scatter.add.f32 [tilespmem:s12], [sflag:$0x7], $0x80, s15, s18, $0xb8;
	[tilespmem:$0x1BB00] =	vst v63  }
0x14c: {  	_ =	swait.ge [sflag:s13], $0x2800  }
0x14d: {  	s9 =	sld [smem:$0x7F6];
	_ =	sdelay $0x2  }
0x14e: {  	s25 =	sshrl.u32 s9, $0x3  }
0x14f: {  	[sflag:s13] =	ssyncset.done $0x0;
	s26 =	sadd.s32 s24, s25  }
0x150: {  	[sflag:s13] =	ssyncadd.s32 $0xFFFFD800;
	s7 =	sadd.s32 s22, s25;
	[smem:$0x7E3] =	sst s26  }
0x151: {  	[tilespmem:s15], [sflag:$0x4] =	stream.linear.gather [hbm4b:s26+s1], $0x50, $0x38;
	[tilespmem:$0x1BB00] =	vst v63  }
0x152: {  	[smem:$0x7E4] =	sst s7  }
0x153: {  	[tilespmem:s1], [sflag:$0x4] =	stream.linear.gather [hbm4b:s7+s1], $0x50, $0x38;
	[tilespmem:$0x1BB00] =	vst v63  }
0x154: {  	_ =	swait.ge [sflag:s5], $0x50  }
0x155: {  	[sflag:s5] =	ssyncset.done $0x0  }
0x156: {  	[sflag:s5] =	ssyncadd.s32 $0xFFFFFFB0  }
0x157: {  	_ =	swait.ge [sflag:s5], $0x50  }
0x158: {  	[sflag:s5] =	ssyncset.done $0x0  }
0x159: {  	[sflag:s5] =	ssyncadd.s32 $0xFFFFFFB0  }
0x15a: {  	[tilespmem:s0], [sflag:$0x3] =	stream.indirect.gather [hbm4b:s30+s18], $0x80, s4, s18, $0xb8;
	[tilespmem:$0x1BB00] =	vst v63  }
0x15b: {  	_ =	swait.ge [sflag:s17], $0x2800  }
0x15c: {  	[sflag:s17] =	ssyncset.done $0x0  }
0x15d: {  	[sflag:s17] =	ssyncadd.s32 $0xFFFFD800  }
0x15e: {  	[spmem:s28] =	stream.indirect.scatter.add.f32 [tilespmem:s21], [sflag:$0x7], $0x80, s16, s18, $0xb8;
	[tilespmem:$0x1BB00] =	vst v63  }
0x15f: {  	_ =	swait.ge [sflag:s13], $0x2800  }
0x160: {  	s25 =	sld [smem:$0x7FD];
	_ =	sdelay $0x1  }
0x161: {  	[sflag:s13] =	ssyncset.done $0x0  }
0x162: {  	[sflag:s13] =	ssyncadd.s32 $0xFFFFD800;
	s2 =	sadd.s32 $0x0, s25  }
0x163: {  	[tilespmem:s16], [sflag:$0x5] =	stream.linear.gather [hbm4b:s2+s1], $0x50, $0x38;
	[tilespmem:$0x1BB00] =	vst v63  }
0x164: {  	s2 =	sld [smem:$0x7FC];
	_ =	sdelay $0x2  }
0x165: {  	s8 =	sadd.s32 $0x0, s2  }
0x166: {  	[tilespmem:s11], [sflag:$0x5] =	stream.linear.gather [hbm4b:s8+s1], $0x50, $0x38;
	[tilespmem:$0x1BB00] =	vst v63  }
0x167: {  	_ =	swait.ge [sflag:s20], $0x50  }
0x168: {  	[sflag:s20] =	ssyncset.done $0x0  }
0x169: {  	[sflag:s20] =	ssyncadd.s32 $0xFFFFFFB0  }
0x16a: {  	_ =	swait.ge [sflag:s20], $0x50  }
0x16b: {  	[sflag:s20] =	ssyncset.done $0x0  }
0x16c: {  	[sflag:s20] =	ssyncadd.s32 $0xFFFFFFB0  }
0x16d: {  	[tilespmem:s12], [sflag:$0x1] =	stream.indirect.gather [hbm4b:s30+s18], $0x80, s1, s18, $0xb8;
	[tilespmem:$0x1BB00] =	vst v63  }
0x16e: {  	_ =	swait.ge [sflag:s6], $0x2800  }
0x16f: {  	[sflag:s6] =	ssyncset.done $0x0  }
0x170: {  	[sflag:s6] =	ssyncadd.s32 $0xFFFFD800  }
0x171: {  	[spmem:s28] =	stream.indirect.scatter.add.f32 [tilespmem:s0], [sflag:$0x7], $0x80, s3, s18, $0xb8;
	[tilespmem:$0x1BB00] =	vst v63  }
0x172: {  	_ =	swait.ge [sflag:s13], $0x2800  }
0x173: {  	s29 =	sld [smem:$0x7FB];
	_ =	sdelay $0x1  }
0x174: {  	[sflag:s13] =	ssyncset.done $0x0;
	s26 =	sld [smem:$0x7F4]  }
0x175: {  	[sflag:s13] =	ssyncadd.s32 $0xFFFFD800;
	s10 =	sadd.s32 $0x0, s29  }
0x176: {  	[tilespmem:s3], [sflag:$0x6] =	stream.linear.gather [hbm4b:s10+s1], $0x50, $0x38;
	[tilespmem:$0x1BB00] =	vst v63  }
0x177: {  	s23 =	sadd.s32 $0x0, s26  }
0x178: {  	[tilespmem:s4], [sflag:$0x6] =	stream.linear.gather [hbm4b:s23+s1], $0x50, $0x38;
	[tilespmem:$0x1BB00] =	vst v63  }
0x179: {  	_ =	swait.ge [sflag:s19], $0x50  }
0x17a: {  	[sflag:s19] =	ssyncset.done $0x0  }
0x17b: {  	[sflag:s19] =	ssyncadd.s32 $0xFFFFFFB0  }
0x17c: {  	_ =	swait.ge [sflag:s19], $0x50  }
0x17d: {  	[sflag:s19] =	ssyncset.done $0x0  }
0x17e: {  	s7 =	sadd.s32 $0xF0, s9;
	s10 =	simm.s32 $0x1E;
	[sflag:s19] =	ssyncadd.s32 $0xFFFFFFB0  }
.LBB2_4:
0x17f: {  	[tilespmem:s21], [sflag:$0x2] =	stream.indirect.gather [hbm4b:s30+s18], $0x80, s11, s18, $0xb8;
	[tilespmem:$0x1BB00] =	vst v63  }
0x180: {  	s8 =	smov.u32 s10  }
0x181: {  	p0 =	sne.s32 s10, $0x492;
	s10 =	sadd.s32 $0x1E, s10;
	_ =	swait.ge [sflag:s14], $0x2800  }
0x182: {  	[sflag:s14] =	ssyncset.done $0x0  }
0x183: {  	[sflag:s14] =	ssyncadd.s32 $0xFFFFD800  }
0x184: {  	[spmem:s28] =	stream.indirect.scatter.add.f32 [tilespmem:s12], [sflag:$0x7], $0x80, s15, s18, $0xb8;
	[tilespmem:$0x1BB00] =	vst v63  }
0x185: {  	_ =	swait.ge [sflag:s13], $0x2800  }
0x186: {  	s23 =	sshrl.u32 s7, $0x3;
	[sflag:s13] =	ssyncset.done $0x0  }
0x187: {  	s9 =	sadd.s32 s24, s23;
	[sflag:s13] =	ssyncadd.s32 $0xFFFFD800  }
0x188: {  	[tilespmem:s15], [sflag:$0x4] =	stream.linear.gather [hbm4b:s9+s1], $0x50, $0x38;
	[tilespmem:$0x1BB00] =	vst v63  }
0x189: {  	s9 =	sadd.s32 s22, s23  }
0x18a: {  	[tilespmem:s1], [sflag:$0x4] =	stream.linear.gather [hbm4b:s9+s1], $0x50, $0x38;
	[tilespmem:$0x1BB00] =	vst v63  }
0x18b: {  	_ =	swait.ge [sflag:s5], $0x50  }
0x18c: {  	[sflag:s5] =	ssyncset.done $0x0  }
0x18d: {  	[sflag:s5] =	ssyncadd.s32 $0xFFFFFFB0  }
0x18e: {  	_ =	swait.ge [sflag:s5], $0x50  }
0x18f: {  	[sflag:s5] =	ssyncset.done $0x0  }
0x190: {  	[sflag:s5] =	ssyncadd.s32 $0xFFFFFFB0  }
0x191: {  	[tilespmem:s0], [sflag:$0x3] =	stream.indirect.gather [hbm4b:s30+s18], $0x80, s4, s18, $0xb8;
	[tilespmem:$0x1BB00] =	vst v63  }
0x192: {  	_ =	swait.ge [sflag:s17], $0x2800  }
0x193: {  	[sflag:s17] =	ssyncset.done $0x0  }
0x194: {  	[sflag:s17] =	ssyncadd.s32 $0xFFFFD800  }
0x195: {  	[spmem:s28] =	stream.indirect.scatter.add.f32 [tilespmem:s21], [sflag:$0x7], $0x80, s16, s18, $0xb8;
	[tilespmem:$0x1BB00] =	vst v63  }
0x196: {  	_ =	swait.ge [sflag:s13], $0x2800  }
0x197: {  	[sflag:s13] =	ssyncset.done $0x0  }
0x198: {  	s9 =	sadd.s32 s8, s25;
	[sflag:s13] =	ssyncadd.s32 $0xFFFFD800  }
0x199: {  	[tilespmem:s16], [sflag:$0x5] =	stream.linear.gather [hbm4b:s9+s1], $0x50, $0x38;
	[tilespmem:$0x1BB00] =	vst v63  }
0x19a: {  	s9 =	sadd.s32 s8, s2  }
0x19b: {  	[tilespmem:s11], [sflag:$0x5] =	stream.linear.gather [hbm4b:s9+s1], $0x50, $0x38;
	[tilespmem:$0x1BB00] =	vst v63  }
0x19c: {  	_ =	swait.ge [sflag:s20], $0x50  }
0x19d: {  	[sflag:s20] =	ssyncset.done $0x0  }
0x19e: {  	[sflag:s20] =	ssyncadd.s32 $0xFFFFFFB0  }
0x19f: {  	_ =	swait.ge [sflag:s20], $0x50  }
0x1a0: {  	[sflag:s20] =	ssyncset.done $0x0  }
0x1a1: {  	[sflag:s20] =	ssyncadd.s32 $0xFFFFFFB0  }
0x1a2: {  	[tilespmem:s12], [sflag:$0x1] =	stream.indirect.gather [hbm4b:s30+s18], $0x80, s1, s18, $0xb8;
	[tilespmem:$0x1BB00] =	vst v63  }
0x1a3: {  	_ =	swait.ge [sflag:s6], $0x2800  }
0x1a4: {  	[sflag:s6] =	ssyncset.done $0x0  }
0x1a5: {  	[sflag:s6] =	ssyncadd.s32 $0xFFFFD800  }
0x1a6: {  	[spmem:s28] =	stream.indirect.scatter.add.f32 [tilespmem:s0], [sflag:$0x7], $0x80, s3, s18, $0xb8;
	[tilespmem:$0x1BB00] =	vst v63  }
0x1a7: {  	_ =	swait.ge [sflag:s13], $0x2800  }
0x1a8: {  	[sflag:s13] =	ssyncset.done $0x0  }
0x1a9: {  	s9 =	sadd.s32 s8, s29;
	[sflag:s13] =	ssyncadd.s32 $0xFFFFD800  }
0x1aa: {  	[tilespmem:s3], [sflag:$0x6] =	stream.linear.gather [hbm4b:s9+s1], $0x50, $0x38;
	[tilespmem:$0x1BB00] =	vst v63  }
0x1ab: {  	s8 =	sadd.s32 s8, s26  }
0x1ac: {  	[tilespmem:s4], [sflag:$0x6] =	stream.linear.gather [hbm4b:s8+s1], $0x50, $0x38;
	[tilespmem:$0x1BB00] =	vst v63  }
0x1ad: {  	_ =	swait.ge [sflag:s19], $0x50  }
.Ltmp1:
0x1ae: {  	[sflag:s19] =	ssyncset.done $0x0;
	(pc) =	sbr.rel @p0 .LBB2_4-.Ltmp1, $4  }
0x1af: {  	[sflag:s19] =	ssyncadd.s32 $0xFFFFFFB0  }
0x1b0: {  	_ =	swait.ge [sflag:s19], $0x50  }
0x1b1: {  	[sflag:s19] =	ssyncset.done $0x0  }
0x1b2: {  	s7 =	sadd.s32 $0xF0, s7;
	[sflag:s19] =	ssyncadd.s32 $0xFFFFFFB0  }
0x1b3: {  	[tilespmem:s21], [sflag:$0x2] =	stream.indirect.gather [hbm4b:s30+s18], $0x80, s11, s18, $0xb8;
	[tilespmem:$0x1BB00] =	vst v63  }
0x1b4: {  	_ =	swait.ge [sflag:s14], $0x2800  }
0x1b5: {  	[sflag:s14] =	ssyncset.done $0x0  }
0x1b6: {  	[sflag:s14] =	ssyncadd.s32 $0xFFFFD800  }
0x1b7: {  	[spmem:s28] =	stream.indirect.scatter.add.f32 [tilespmem:s12], [sflag:$0x7], $0x80, s15, s18, $0xb8;
	[tilespmem:$0x1BB00] =	vst v63  }
0x1b8: {  	_ =	swait.ge [sflag:s13], $0x2800  }
0x1b9: {  	s7 =	sld [smem:$0x7ED]  }
0x1ba: {  	[sflag:s13] =	ssyncset.done $0x0  }
0x1bb: {  	s10 =	simm.s32 $0x0;
	s8 =	sld [smem:$0x7EE];
	[sflag:s13] =	ssyncadd.s32 $0xFFFFD800  }
0x1bc: {  	[tilespmem:s15], [sflag:$0x4] =	stream.linear.gather [hbm4b:s7+s10], $0x50, $0x38;
	[tilespmem:$0x1BB00] =	vst v63  }
0x1bd: {  	_ = 	snop  }
0x1be: {  	[tilespmem:s10], [sflag:$0x4] =	stream.linear.gather [hbm4b:s8+s10], $0x50, $0x38;
	[tilespmem:$0x1BB00] =	vst v63  }
0x1bf: {  	_ =	swait.ge [sflag:s5], $0x50  }
0x1c0: {  	[sflag:s5] =	ssyncset.done $0x0  }
0x1c1: {  	[sflag:s5] =	ssyncadd.s32 $0xFFFFFFB0  }
0x1c2: {  	_ =	swait.ge [sflag:s5], $0x50  }
0x1c3: {  	[sflag:s5] =	ssyncset.done $0x0  }
0x1c4: {  	[sflag:s5] =	ssyncadd.s32 $0xFFFFFFB0  }
0x1c5: {  	[tilespmem:s0], [sflag:$0x3] =	stream.indirect.gather [hbm4b:s30+s18], $0x80, s4, s18, $0xb8;
	[tilespmem:$0x1BB00] =	vst v63  }
0x1c6: {  	_ =	swait.ge [sflag:s17], $0x2800  }
0x1c7: {  	[sflag:s17] =	ssyncset.done $0x0  }
0x1c8: {  	[sflag:s17] =	ssyncadd.s32 $0xFFFFD800  }
0x1c9: {  	[spmem:s28] =	stream.indirect.scatter.add.f32 [tilespmem:s21], [sflag:$0x7], $0x80, s16, s18, $0xb8;
	[tilespmem:$0x1BB00] =	vst v63  }
0x1ca: {  	_ =	swait.ge [sflag:s13], $0x2800  }
0x1cb: {  	s9 =	sld [smem:$0x7F1]  }
0x1cc: {  	[sflag:s13] =	ssyncset.done $0x0  }
0x1cd: {  	s23 =	sld [smem:$0x7F2];
	[sflag:s13] =	ssyncadd.s32 $0xFFFFD800  }
0x1ce: {  	[tilespmem:s16], [sflag:$0x5] =	stream.linear.gather [hbm4b:s9+s10], $0x50, $0x38;
	[tilespmem:$0x1BB00] =	vst v63  }
0x1cf: {  	_ = 	snop  }
0x1d0: {  	[tilespmem:s11], [sflag:$0x5] =	stream.linear.gather [hbm4b:s23+s10], $0x50, $0x38;
	[tilespmem:$0x1BB00] =	vst v63  }
0x1d1: {  	_ =	swait.ge [sflag:s20], $0x50  }
0x1d2: {  	[sflag:s20] =	ssyncset.done $0x0  }
0x1d3: {  	[sflag:s20] =	ssyncadd.s32 $0xFFFFFFB0  }
0x1d4: {  	_ =	swait.ge [sflag:s20], $0x50  }
0x1d5: {  	[sflag:s20] =	ssyncset.done $0x0  }
0x1d6: {  	[sflag:s20] =	ssyncadd.s32 $0xFFFFFFB0  }
0x1d7: {  	[tilespmem:s12], [sflag:$0x1] =	stream.indirect.gather [hbm4b:s30+s18], $0x80, s10, s18, $0xb8;
	[tilespmem:$0x1BB00] =	vst v63  }
0x1d8: {  	_ =	swait.ge [sflag:s6], $0x2800  }
0x1d9: {  	[sflag:s6] =	ssyncset.done $0x0  }
0x1da: {  	[sflag:s6] =	ssyncadd.s32 $0xFFFFD800  }
0x1db: {  	[spmem:s28] =	stream.indirect.scatter.add.f32 [tilespmem:s0], [sflag:$0x7], $0x80, s3, s18, $0xb8;
	[tilespmem:$0x1BB00] =	vst v63  }
0x1dc: {  	_ =	swait.ge [sflag:s13], $0x2800  }
0x1dd: {  	[sflag:s13] =	ssyncset.done $0x0  }
0x1de: {  	[sflag:s13] =	ssyncadd.s32 $0xFFFFD800  }
0x1df: {  	_ =	swait.ge [sflag:s19], $0x50  }
0x1e0: {  	[sflag:s19] =	ssyncset.done $0x0  }
0x1e1: {  	[sflag:s19] =	ssyncadd.s32 $0xFFFFFFB0  }
0x1e2: {  	_ =	swait.ge [sflag:s19], $0x50  }
0x1e3: {  	[sflag:s19] =	ssyncset.done $0x0  }
0x1e4: {  	[sflag:s19] =	ssyncadd.s32 $0xFFFFFFB0  }
0x1e5: {  	[tilespmem:s21], [sflag:$0x2] =	stream.indirect.gather [hbm4b:s30+s18], $0x80, s11, s18, $0xb8;
	[tilespmem:$0x1BB00] =	vst v63  }
0x1e6: {  	_ =	swait.ge [sflag:s14], $0x2800  }
0x1e7: {  	[sflag:s14] =	ssyncset.done $0x0  }
0x1e8: {  	[sflag:s14] =	ssyncadd.s32 $0xFFFFD800  }
0x1e9: {  	[spmem:s28] =	stream.indirect.scatter.add.f32 [tilespmem:s12], [sflag:$0x7], $0x80, s15, s18, $0xb8;
	[tilespmem:$0x1BB00] =	vst v63  }
0x1ea: {  	_ =	swait.ge [sflag:s13], $0x2800  }
0x1eb: {  	[sflag:s13] =	ssyncset.done $0x0  }
0x1ec: {  	[sflag:s13] =	ssyncadd.s32 $0xFFFFD800  }
0x1ed: {  	_ =	swait.ge [sflag:s17], $0x2800  }
0x1ee: {  	[sflag:s17] =	ssyncset.done $0x0  }
0x1ef: {  	[sflag:s17] =	ssyncadd.s32 $0xFFFFD800  }
0x1f0: {  	[spmem:s28] =	stream.indirect.scatter.add.f32 [tilespmem:s21], [sflag:$0x7], $0x80, s16, s18, $0xb8;
	[tilespmem:$0x1BB00] =	vst v63  }
0x1f1: {  	_ =	swait.ge [sflag:s13], $0x2800  }
0x1f2: {  	[sflag:s13] =	ssyncset.done $0x0  }
0x1f3: {  	[sflag:s13] =	ssyncadd.s32 $0xFFFFD800  }
0x1f4: {  	[bflag:$0x0] =	sbarrier.arrive $0xFFFF  }
0x1f5: {  	s8 =	rddreg [dreg:$0x1f]  }
0x1f6: {  	[tilespmem:s21], [sflag:$0x7] =	stream.linear.gather [spmem:s8], $0x2800, $0x38;
	[tilespmem:$0x1BB00] =	vst v63  }
0x1f7: {  	_ =	swait.ge [sflag:s13], $0x2800  }
0x1f8: {  	[sflag:s13] =	ssyncset.done $0x0;
	s9 =	rddreg [dreg:$0xd]  }
0x1f9: {  	s23 =	sld [smem:$0x7E6];
	[sflag:s13] =	ssyncadd.s32 $0xFFFFD800  }
0x1fa: {  	[hbm4b:s9+s10] =	stream.linear.scatter [tilespmem:s21], [sflag:$0x1], $0x2800, $0x38;
	[tilespmem:$0x1BB00] =	vst v63  }
0x1fb: {  	_ = 	snop  }
0x1fc: {  	[tilespmem:s0], [sflag:$0x7] =	stream.linear.gather [spmem:s23], $0x2800, $0x38;
	[tilespmem:$0x1BB00] =	vst v63  }
0x1fd: {  	_ =	swait.ge [sflag:s13], $0x2800  }
0x1fe: {  	[sflag:s13] =	ssyncset.done $0x0  }
0x1ff: {  	s8 =	rddreg [dreg:$0xe];
	[sflag:s13] =	ssyncadd.s32 $0xFFFFD800  }
0x200: {  	[hbm4b:s8+s10] =	stream.linear.scatter [tilespmem:s0], [sflag:$0x1], $0x2800, $0x38;
	[tilespmem:$0x1BB00] =	vst v63  }
0x201: {  	_ =	swait.ge [sflag:s14], $0x2800  }
0x202: {  	s9 =	sld [smem:$0x7F7]  }
0x203: {  	[sflag:s14] =	ssyncset.done $0x0  }
0x204: {  	[sflag:s14] =	ssyncadd.s32 $0xFFFFD800  }
0x205: {  	[tilespmem:s21], [sflag:$0x7] =	stream.linear.gather [spmem:s9], $0x2800, $0x38;
	[tilespmem:$0x1BB00] =	vst v63  }
0x206: {  	_ =	swait.ge [sflag:s13], $0x2800  }
0x207: {  	[sflag:s13] =	ssyncset.done $0x0  }
0x208: {  	s23 =	rddreg [dreg:$0xf];
	[sflag:s13] =	ssyncadd.s32 $0xFFFFD800  }
0x209: {  	[hbm4b:s23+s10] =	stream.linear.scatter [tilespmem:s21], [sflag:$0x1], $0x2800, $0x38;
	[tilespmem:$0x1BB00] =	vst v63  }
0x20a: {  	_ =	swait.ge [sflag:s14], $0x2800  }
0x20b: {  	s8 =	sld [smem:$0x7E7]  }
0x20c: {  	[sflag:s14] =	ssyncset.done $0x0  }
0x20d: {  	[sflag:s14] =	ssyncadd.s32 $0xFFFFD800  }
0x20e: {  	[tilespmem:s0], [sflag:$0x7] =	stream.linear.gather [spmem:s8], $0x2800, $0x38;
	[tilespmem:$0x1BB00] =	vst v63  }
0x20f: {  	_ =	swait.ge [sflag:s13], $0x2800  }
0x210: {  	[sflag:s13] =	ssyncset.done $0x0  }
0x211: {  	s9 =	rddreg [dreg:$0x10];
	[sflag:s13] =	ssyncadd.s32 $0xFFFFD800  }
0x212: {  	[hbm4b:s9+s10] =	stream.linear.scatter [tilespmem:s0], [sflag:$0x1], $0x2800, $0x38;
	[tilespmem:$0x1BB00] =	vst v63  }
0x213: {  	_ =	swait.ge [sflag:s14], $0x2800  }
0x214: {  	s23 =	sld [smem:$0x7E8]  }
0x215: {  	[sflag:s14] =	ssyncset.done $0x0  }
0x216: {  	[sflag:s14] =	ssyncadd.s32 $0xFFFFD800  }
0x217: {  	[tilespmem:s21], [sflag:$0x7] =	stream.linear.gather [spmem:s23], $0x2800, $0x38;
	[tilespmem:$0x1BB00] =	vst v63  }
0x218: {  	_ =	swait.ge [sflag:s13], $0x2800  }
0x219: {  	[sflag:s13] =	ssyncset.done $0x0  }
0x21a: {  	s8 =	rddreg [dreg:$0x11];
	[sflag:s13] =	ssyncadd.s32 $0xFFFFD800  }
0x21b: {  	[hbm4b:s8+s10] =	stream.linear.scatter [tilespmem:s21], [sflag:$0x1], $0x2800, $0x38;
	[tilespmem:$0x1BB00] =	vst v63  }
0x21c: {  	_ =	swait.ge [sflag:s14], $0x2800  }
0x21d: {  	s23 =	sld [smem:$0x7F8]  }
0x21e: {  	[sflag:s14] =	ssyncset.done $0x0  }
0x21f: {  	[sflag:s14] =	ssyncadd.s32 $0xFFFFD800  }
0x220: {  	[tilespmem:s0], [sflag:$0x7] =	stream.linear.gather [spmem:s23], $0x2800, $0x38;
	[tilespmem:$0x1BB00] =	vst v63  }
0x221: {  	_ =	swait.ge [sflag:s13], $0x2800  }
0x222: {  	[sflag:s13] =	ssyncset.done $0x0  }
0x223: {  	s9 =	rddreg [dreg:$0x12];
	[sflag:s13] =	ssyncadd.s32 $0xFFFFD800  }
0x224: {  	[hbm4b:s9+s10] =	stream.linear.scatter [tilespmem:s0], [sflag:$0x1], $0x2800, $0x38;
	[tilespmem:$0x1BB00] =	vst v63  }
0x225: {  	_ =	swait.ge [sflag:s14], $0x2800  }
0x226: {  	s9 =	sld [smem:$0x7F9]  }
0x227: {  	[sflag:s14] =	ssyncset.done $0x0  }
0x228: {  	[sflag:s14] =	ssyncadd.s32 $0xFFFFD800  }
0x229: {  	[tilespmem:s21], [sflag:$0x7] =	stream.linear.gather [spmem:s9], $0x2800, $0x38;
	[tilespmem:$0x1BB00] =	vst v63  }
0x22a: {  	_ =	swait.ge [sflag:s13], $0x2800  }
0x22b: {  	[sflag:s13] =	ssyncset.done $0x0  }
0x22c: {  	s8 =	rddreg [dreg:$0x13];
	[sflag:s13] =	ssyncadd.s32 $0xFFFFD800  }
0x22d: {  	[hbm4b:s8+s10] =	stream.linear.scatter [tilespmem:s21], [sflag:$0x1], $0x2800, $0x38;
	[tilespmem:$0x1BB00] =	vst v63  }
0x22e: {  	_ =	swait.ge [sflag:s14], $0x2800  }
0x22f: {  	s8 =	sld [smem:$0x7FA]  }
0x230: {  	[sflag:s14] =	ssyncset.done $0x0  }
0x231: {  	[sflag:s14] =	ssyncadd.s32 $0xFFFFD800  }
0x232: {  	[tilespmem:s0], [sflag:$0x7] =	stream.linear.gather [spmem:s8], $0x2800, $0x38;
	[tilespmem:$0x1BB00] =	vst v63  }
0x233: {  	_ =	swait.ge [sflag:s13], $0x2800  }
0x234: {  	[sflag:s13] =	ssyncset.done $0x0  }
0x235: {  	s7 =	rddreg [dreg:$0x14];
	[sflag:s13] =	ssyncadd.s32 $0xFFFFD800  }
0x236: {  	[hbm4b:s7+s10] =	stream.linear.scatter [tilespmem:s0], [sflag:$0x1], $0x2800, $0x38;
	[tilespmem:$0x1BB00] =	vst v63  }
0x237: {  	_ =	swait.ge [sflag:s14], $0x2800  }
0x238: {  	[sflag:s14] =	ssyncset.done $0x0  }
0x239: {  	[sflag:s14] =	ssyncadd.s32 $0xFFFFD800  }
0x23a: {  	_ =	swait.ge [sflag:s14], $0x2800  }
0x23b: {  	[sflag:s14] =	ssyncset.done $0x0  }
0x23c: {  	s7 =	rddreg [dreg:$0x1d];
	[sflag:s14] =	ssyncadd.s32 $0xFFFFD800  }
0x23d: {  	[tilespmem:s12], [sflag:$0x7] =	stream.linear.gather [hbm4b:s7+s10], $0x2800, $0x38;
	[tilespmem:$0x1BB00] =	vst v63  }
0x23e: {  	_ =	swait.ge [sflag:s13], $0x2800  }
0x23f: {  	[sflag:s13] =	ssyncset.done $0x0  }
0x240: {  	s7 =	rddreg [dreg:$0x1f];
	[sflag:s13] =	ssyncadd.s32 $0xFFFFD800  }
0x241: {  	[spmem:s7] =	stream.linear.scatter [tilespmem:s12], [sflag:$0x2], $0x2800, $0x38;
	[tilespmem:$0x1BB00] =	vst v63  }
0x242: {  	s7 =	sld [smem:$0x7E6];
	_ =	sdelay $0x2  }
0x243: {  	[spmem:s7] =	stream.linear.scatter [tilespmem:s12], [sflag:$0x2], $0x2800, $0x38;
	[tilespmem:$0x1BB00] =	vst v63  }
0x244: {  	s7 =	sld [smem:$0x7F7];
	_ =	sdelay $0x2  }
0x245: {  	[spmem:s7] =	stream.linear.scatter [tilespmem:s12], [sflag:$0x2], $0x2800, $0x38;
	[tilespmem:$0x1BB00] =	vst v63  }
0x246: {  	s7 =	sld [smem:$0x7E7];
	_ =	sdelay $0x2  }
0x247: {  	[spmem:s7] =	stream.linear.scatter [tilespmem:s12], [sflag:$0x2], $0x2800, $0x38;
	[tilespmem:$0x1BB00] =	vst v63  }
0x248: {  	s7 =	sld [smem:$0x7E8];
	_ =	sdelay $0x2  }
0x249: {  	[spmem:s7] =	stream.linear.scatter [tilespmem:s12], [sflag:$0x2], $0x2800, $0x38;
	[tilespmem:$0x1BB00] =	vst v63  }
0x24a: {  	_ = 	snop  }
0x24b: {  	[spmem:s23] =	stream.linear.scatter [tilespmem:s12], [sflag:$0x2], $0x2800, $0x38;
	[tilespmem:$0x1BB00] =	vst v63  }
0x24c: {  	_ = 	snop  }
0x24d: {  	[spmem:s9] =	stream.linear.scatter [tilespmem:s12], [sflag:$0x2], $0x2800, $0x38;
	[tilespmem:$0x1BB00] =	vst v63  }
0x24e: {  	_ = 	snop  }
0x24f: {  	[spmem:s8] =	stream.linear.scatter [tilespmem:s12], [sflag:$0x2], $0x2800, $0x38;
	[tilespmem:$0x1BB00] =	vst v63  }
0x250: {  	_ =	swait.ge [sflag:s17], $0x2800  }
0x251: {  	[sflag:s17] =	ssyncset.done $0x0  }
0x252: {  	[sflag:s17] =	ssyncadd.s32 $0xFFFFD800  }
0x253: {  	_ =	swait.ge [sflag:s17], $0x2800  }
0x254: {  	[sflag:s17] =	ssyncset.done $0x0  }
0x255: {  	[sflag:s17] =	ssyncadd.s32 $0xFFFFD800  }
0x256: {  	_ =	swait.ge [sflag:s17], $0x2800  }
0x257: {  	[sflag:s17] =	ssyncset.done $0x0  }
0x258: {  	[sflag:s17] =	ssyncadd.s32 $0xFFFFD800  }
0x259: {  	_ =	swait.ge [sflag:s17], $0x2800  }
0x25a: {  	[sflag:s17] =	ssyncset.done $0x0  }
0x25b: {  	[sflag:s17] =	ssyncadd.s32 $0xFFFFD800  }
0x25c: {  	_ =	swait.ge [sflag:s17], $0x2800  }
0x25d: {  	[sflag:s17] =	ssyncset.done $0x0  }
0x25e: {  	[sflag:s17] =	ssyncadd.s32 $0xFFFFD800  }
0x25f: {  	_ =	swait.ge [sflag:s17], $0x2800  }
0x260: {  	[sflag:s17] =	ssyncset.done $0x0  }
0x261: {  	[sflag:s17] =	ssyncadd.s32 $0xFFFFD800  }
0x262: {  	_ =	swait.ge [sflag:s17], $0x2800  }
0x263: {  	[sflag:s17] =	ssyncset.done $0x0  }
0x264: {  	[sflag:s17] =	ssyncadd.s32 $0xFFFFD800  }
0x265: {  	_ =	swait.ge [sflag:s17], $0x2800  }
0x266: {  	[sflag:s17] =	ssyncset.done $0x0  }
0x267: {  	[sflag:s17] =	ssyncadd.s32 $0xFFFFD800  }
0x268: {  	[bflag:$0x0] =	sbarrier.arrive $0xFFFF  }
0x269: {  	s9 =	sld [smem:$0x7EF];
	_ =	sdelay $0x1  }
0x26a: {  	s23 =	sld [smem:$0x7F0]  }
0x26b: {  	[tilespmem:s15], [sflag:$0x4] =	stream.linear.gather [hbm4b:s9+s10], $0x50, $0x38;
	[tilespmem:$0x1BB00] =	vst v63  }
0x26c: {  	s8 =	sld [smem:$0x7E9]  }
0x26d: {  	[tilespmem:s10], [sflag:$0x4] =	stream.linear.gather [hbm4b:s23+s10], $0x50, $0x38;
	[tilespmem:$0x1BB00] =	vst v63  }
0x26e: {  	s9 =	sld [smem:$0x7EA]  }
0x26f: {  	[tilespmem:s16], [sflag:$0x5] =	stream.linear.gather [hbm4b:s8+s10], $0x50, $0x38;
	[tilespmem:$0x1BB00] =	vst v63  }
0x270: {  	s23 =	sld [smem:$0x7EB]  }
0x271: {  	[tilespmem:s11], [sflag:$0x5] =	stream.linear.gather [hbm4b:s9+s10], $0x50, $0x38;
	[tilespmem:$0x1BB00] =	vst v63  }
0x272: {  	s8 =	sld [smem:$0x7EC]  }
0x273: {  	[tilespmem:s3], [sflag:$0x6] =	stream.linear.gather [hbm4b:s23+s10], $0x50, $0x38;
	[tilespmem:$0x1BB00] =	vst v63  }
0x274: {  	_ = 	snop  }
0x275: {  	[tilespmem:s4], [sflag:$0x6] =	stream.linear.gather [hbm4b:s8+s10], $0x50, $0x38;
	[tilespmem:$0x1BB00] =	vst v63  }
0x276: {  	_ =	swait.ge [sflag:s20], $0x50  }
0x277: {  	[sflag:s20] =	ssyncset.done $0x0  }
0x278: {  	[sflag:s20] =	ssyncadd.s32 $0xFFFFFFB0  }
0x279: {  	_ =	swait.ge [sflag:s20], $0x50  }
0x27a: {  	[sflag:s20] =	ssyncset.done $0x0  }
0x27b: {  	[sflag:s20] =	ssyncadd.s32 $0xFFFFFFB0  }
0x27c: {  	[tilespmem:s12], [sflag:$0x1] =	stream.indirect.gather [hbm4b:s31+s18], $0x80, s10, s18, $0xb8;
	[tilespmem:$0x1BB00] =	vst v63  }
0x27d: {  	_ =	swait.ge [sflag:s19], $0x50  }
0x27e: {  	[sflag:s19] =	ssyncset.done $0x0  }
0x27f: {  	[sflag:s19] =	ssyncadd.s32 $0xFFFFFFB0  }
0x280: {  	_ =	swait.ge [sflag:s19], $0x50  }
0x281: {  	[sflag:s19] =	ssyncset.done $0x0  }
0x282: {  	[sflag:s19] =	ssyncadd.s32 $0xFFFFFFB0  }
0x283: {  	[tilespmem:s21], [sflag:$0x2] =	stream.indirect.gather [hbm4b:s31+s18], $0x80, s11, s18, $0xb8;
	[tilespmem:$0x1BB00] =	vst v63  }
0x284: {  	_ =	swait.ge [sflag:s14], $0x2800  }
0x285: {  	[sflag:s14] =	ssyncset.done $0x0  }
0x286: {  	[sflag:s14] =	ssyncadd.s32 $0xFFFFD800  }
0x287: {  	[spmem:s28] =	stream.indirect.scatter.add.f32 [tilespmem:s12], [sflag:$0x7], $0x80, s15, s18, $0xb8;
	[tilespmem:$0x1BB00] =	vst v63  }
0x288: {  	_ =	swait.ge [sflag:s13], $0x2800  }
0x289: {  	s9 =	sld [smem:$0x7E3]  }
0x28a: {  	[sflag:s13] =	ssyncset.done $0x0  }
0x28b: {  	s10 =	sld [smem:$0x7E4];
	[sflag:s13] =	ssyncadd.s32 $0xFFFFD800  }
0x28c: {  	[tilespmem:s15], [sflag:$0x4] =	stream.linear.gather [hbm4b:s9+s1], $0x50, $0x38;
	[tilespmem:$0x1BB00] =	vst v63  }
0x28d: {  	_ = 	snop  }
0x28e: {  	[tilespmem:s1], [sflag:$0x4] =	stream.linear.gather [hbm4b:s10+s1], $0x50, $0x38;
	[tilespmem:$0x1BB00] =	vst v63  }
0x28f: {  	_ =	swait.ge [sflag:s5], $0x50  }
0x290: {  	[sflag:s5] =	ssyncset.done $0x0  }
0x291: {  	[sflag:s5] =	ssyncadd.s32 $0xFFFFFFB0  }
0x292: {  	_ =	swait.ge [sflag:s5], $0x50  }
0x293: {  	[sflag:s5] =	ssyncset.done $0x0  }
0x294: {  	[sflag:s5] =	ssyncadd.s32 $0xFFFFFFB0  }
0x295: {  	[tilespmem:s0], [sflag:$0x3] =	stream.indirect.gather [hbm4b:s31+s18], $0x80, s4, s18, $0xb8;
	[tilespmem:$0x1BB00] =	vst v63  }
0x296: {  	_ =	swait.ge [sflag:s17], $0x2800  }
0x297: {  	[sflag:s17] =	ssyncset.done $0x0  }
0x298: {  	[sflag:s17] =	ssyncadd.s32 $0xFFFFD800  }
0x299: {  	[spmem:s28] =	stream.indirect.scatter.add.f32 [tilespmem:s21], [sflag:$0x7], $0x80, s16, s18, $0xb8;
	[tilespmem:$0x1BB00] =	vst v63  }
0x29a: {  	_ =	swait.ge [sflag:s13], $0x2800  }
0x29b: {  	[sflag:s13] =	ssyncset.done $0x0  }
0x29c: {  	s23 =	sadd.s32 $0x0, s25;
	[sflag:s13] =	ssyncadd.s32 $0xFFFFD800  }
0x29d: {  	[tilespmem:s16], [sflag:$0x5] =	stream.linear.gather [hbm4b:s23+s1], $0x50, $0x38;
	[tilespmem:$0x1BB00] =	vst v63  }
0x29e: {  	s8 =	sadd.s32 $0x0, s2  }
0x29f: {  	[tilespmem:s11], [sflag:$0x5] =	stream.linear.gather [hbm4b:s8+s1], $0x50, $0x38;
	[tilespmem:$0x1BB00] =	vst v63  }
0x2a0: {  	_ =	swait.ge [sflag:s20], $0x50  }
0x2a1: {  	[sflag:s20] =	ssyncset.done $0x0  }
0x2a2: {  	[sflag:s20] =	ssyncadd.s32 $0xFFFFFFB0  }
0x2a3: {  	_ =	swait.ge [sflag:s20], $0x50  }
0x2a4: {  	[sflag:s20] =	ssyncset.done $0x0  }
0x2a5: {  	[sflag:s20] =	ssyncadd.s32 $0xFFFFFFB0  }
0x2a6: {  	[tilespmem:s12], [sflag:$0x1] =	stream.indirect.gather [hbm4b:s31+s18], $0x80, s1, s18, $0xb8;
	[tilespmem:$0x1BB00] =	vst v63  }
0x2a7: {  	_ =	swait.ge [sflag:s6], $0x2800  }
0x2a8: {  	[sflag:s6] =	ssyncset.done $0x0  }
0x2a9: {  	[sflag:s6] =	ssyncadd.s32 $0xFFFFD800  }
0x2aa: {  	[spmem:s28] =	stream.indirect.scatter.add.f32 [tilespmem:s0], [sflag:$0x7], $0x80, s3, s18, $0xb8;
	[tilespmem:$0x1BB00] =	vst v63  }
0x2ab: {  	_ =	swait.ge [sflag:s13], $0x2800  }
0x2ac: {  	[sflag:s13] =	ssyncset.done $0x0  }
0x2ad: {  	s9 =	sadd.s32 $0x0, s29;
	[sflag:s13] =	ssyncadd.s32 $0xFFFFD800  }
0x2ae: {  	[tilespmem:s3], [sflag:$0x6] =	stream.linear.gather [hbm4b:s9+s1], $0x50, $0x38;
	[tilespmem:$0x1BB00] =	vst v63  }
0x2af: {  	s10 =	sadd.s32 $0x0, s26  }
0x2b0: {  	[tilespmem:s4], [sflag:$0x6] =	stream.linear.gather [hbm4b:s10+s1], $0x50, $0x38;
	[tilespmem:$0x1BB00] =	vst v63  }
0x2b1: {  	_ =	swait.ge [sflag:s19], $0x50  }
0x2b2: {  	[sflag:s19] =	ssyncset.done $0x0  }
0x2b3: {  	[sflag:s19] =	ssyncadd.s32 $0xFFFFFFB0  }
0x2b4: {  	_ =	swait.ge [sflag:s19], $0x50  }
0x2b5: {  	s23 =	sld [smem:$0x7F6];
	_ =	sdelay $0x1  }
0x2b6: {  	[sflag:s19] =	ssyncset.done $0x0  }
0x2b7: {  	s8 =	simm.s32 $0x1E;
	[sflag:s19] =	ssyncadd.s32 $0xFFFFFFB0;
	s7 =	sadd.s32 $0xF0, s23  }
.LBB2_6:
0x2b8: {  	[tilespmem:s21], [sflag:$0x2] =	stream.indirect.gather [hbm4b:s31+s18], $0x80, s11, s18, $0xb8;
	[tilespmem:$0x1BB00] =	vst v63  }
0x2b9: {  	s9 =	smov.u32 s8  }
0x2ba: {  	p0 =	sne.s32 s8, $0x492;
	s8 =	sadd.s32 $0x1E, s8;
	_ =	swait.ge [sflag:s14], $0x2800  }
0x2bb: {  	[sflag:s14] =	ssyncset.done $0x0  }
0x2bc: {  	[sflag:s14] =	ssyncadd.s32 $0xFFFFD800  }
0x2bd: {  	[spmem:s28] =	stream.indirect.scatter.add.f32 [tilespmem:s12], [sflag:$0x7], $0x80, s15, s18, $0xb8;
	[tilespmem:$0x1BB00] =	vst v63  }
0x2be: {  	_ =	swait.ge [sflag:s13], $0x2800  }
0x2bf: {  	s10 =	sshrl.u32 s7, $0x3;
	[sflag:s13] =	ssyncset.done $0x0  }
0x2c0: {  	s23 =	sadd.s32 s24, s10;
	[sflag:s13] =	ssyncadd.s32 $0xFFFFD800  }
0x2c1: {  	[tilespmem:s15], [sflag:$0x4] =	stream.linear.gather [hbm4b:s23+s1], $0x50, $0x38;
	[tilespmem:$0x1BB00] =	vst v63  }
0x2c2: {  	s10 =	sadd.s32 s22, s10  }
0x2c3: {  	[tilespmem:s1], [sflag:$0x4] =	stream.linear.gather [hbm4b:s10+s1], $0x50, $0x38;
	[tilespmem:$0x1BB00] =	vst v63  }
0x2c4: {  	_ =	swait.ge [sflag:s5], $0x50  }
0x2c5: {  	[sflag:s5] =	ssyncset.done $0x0  }
0x2c6: {  	[sflag:s5] =	ssyncadd.s32 $0xFFFFFFB0  }
0x2c7: {  	_ =	swait.ge [sflag:s5], $0x50  }
0x2c8: {  	[sflag:s5] =	ssyncset.done $0x0  }
0x2c9: {  	[sflag:s5] =	ssyncadd.s32 $0xFFFFFFB0  }
0x2ca: {  	[tilespmem:s0], [sflag:$0x3] =	stream.indirect.gather [hbm4b:s31+s18], $0x80, s4, s18, $0xb8;
	[tilespmem:$0x1BB00] =	vst v63  }
0x2cb: {  	_ =	swait.ge [sflag:s17], $0x2800  }
0x2cc: {  	[sflag:s17] =	ssyncset.done $0x0  }
0x2cd: {  	[sflag:s17] =	ssyncadd.s32 $0xFFFFD800  }
0x2ce: {  	[spmem:s28] =	stream.indirect.scatter.add.f32 [tilespmem:s21], [sflag:$0x7], $0x80, s16, s18, $0xb8;
	[tilespmem:$0x1BB00] =	vst v63  }
0x2cf: {  	_ =	swait.ge [sflag:s13], $0x2800  }
0x2d0: {  	[sflag:s13] =	ssyncset.done $0x0  }
0x2d1: {  	s10 =	sadd.s32 s9, s25;
	[sflag:s13] =	ssyncadd.s32 $0xFFFFD800  }
0x2d2: {  	[tilespmem:s16], [sflag:$0x5] =	stream.linear.gather [hbm4b:s10+s1], $0x50, $0x38;
	[tilespmem:$0x1BB00] =	vst v63  }
0x2d3: {  	s10 =	sadd.s32 s9, s2  }
0x2d4: {  	[tilespmem:s11], [sflag:$0x5] =	stream.linear.gather [hbm4b:s10+s1], $0x50, $0x38;
	[tilespmem:$0x1BB00] =	vst v63  }
0x2d5: {  	_ =	swait.ge [sflag:s20], $0x50  }
0x2d6: {  	[sflag:s20] =	ssyncset.done $0x0  }
0x2d7: {  	[sflag:s20] =	ssyncadd.s32 $0xFFFFFFB0  }
0x2d8: {  	_ =	swait.ge [sflag:s20], $0x50  }
0x2d9: {  	[sflag:s20] =	ssyncset.done $0x0  }
0x2da: {  	[sflag:s20] =	ssyncadd.s32 $0xFFFFFFB0  }
0x2db: {  	[tilespmem:s12], [sflag:$0x1] =	stream.indirect.gather [hbm4b:s31+s18], $0x80, s1, s18, $0xb8;
	[tilespmem:$0x1BB00] =	vst v63  }
0x2dc: {  	_ =	swait.ge [sflag:s6], $0x2800  }
0x2dd: {  	[sflag:s6] =	ssyncset.done $0x0  }
0x2de: {  	[sflag:s6] =	ssyncadd.s32 $0xFFFFD800  }
0x2df: {  	[spmem:s28] =	stream.indirect.scatter.add.f32 [tilespmem:s0], [sflag:$0x7], $0x80, s3, s18, $0xb8;
	[tilespmem:$0x1BB00] =	vst v63  }
0x2e0: {  	_ =	swait.ge [sflag:s13], $0x2800  }
0x2e1: {  	[sflag:s13] =	ssyncset.done $0x0  }
0x2e2: {  	s10 =	sadd.s32 s9, s29;
	[sflag:s13] =	ssyncadd.s32 $0xFFFFD800  }
0x2e3: {  	[tilespmem:s3], [sflag:$0x6] =	stream.linear.gather [hbm4b:s10+s1], $0x50, $0x38;
	[tilespmem:$0x1BB00] =	vst v63  }
0x2e4: {  	s9 =	sadd.s32 s9, s26  }
0x2e5: {  	[tilespmem:s4], [sflag:$0x6] =	stream.linear.gather [hbm4b:s9+s1], $0x50, $0x38;
	[tilespmem:$0x1BB00] =	vst v63  }
0x2e6: {  	_ =	swait.ge [sflag:s19], $0x50  }
.Ltmp2:
0x2e7: {  	[sflag:s19] =	ssyncset.done $0x0;
	(pc) =	sbr.rel @p0 .LBB2_6-.Ltmp2, $4  }
0x2e8: {  	[sflag:s19] =	ssyncadd.s32 $0xFFFFFFB0  }
0x2e9: {  	_ =	swait.ge [sflag:s19], $0x50  }
0x2ea: {  	[sflag:s19] =	ssyncset.done $0x0  }
0x2eb: {  	s7 =	sadd.s32 $0xF0, s7;
	[sflag:s19] =	ssyncadd.s32 $0xFFFFFFB0  }
0x2ec: {  	[tilespmem:s21], [sflag:$0x2] =	stream.indirect.gather [hbm4b:s31+s18], $0x80, s11, s18, $0xb8;
	[tilespmem:$0x1BB00] =	vst v63  }
0x2ed: {  	_ =	swait.ge [sflag:s14], $0x2800  }
0x2ee: {  	[sflag:s14] =	ssyncset.done $0x0  }
0x2ef: {  	[sflag:s14] =	ssyncadd.s32 $0xFFFFD800  }
0x2f0: {  	[spmem:s28] =	stream.indirect.scatter.add.f32 [tilespmem:s12], [sflag:$0x7], $0x80, s15, s18, $0xb8;
	[tilespmem:$0x1BB00] =	vst v63  }
0x2f1: {  	_ =	swait.ge [sflag:s13], $0x2800  }
0x2f2: {  	s7 =	sld [smem:$0x7ED]  }
0x2f3: {  	[sflag:s13] =	ssyncset.done $0x0  }
0x2f4: {  	s29 =	sld [smem:$0x7EE];
	[sflag:s13] =	ssyncadd.s32 $0xFFFFD800  }
0x2f5: {  	[tilespmem:s15], [sflag:$0x4] =	stream.linear.gather [hbm4b:s7+s1], $0x50, $0x38;
	[tilespmem:$0x1BB00] =	vst v63  }
0x2f6: {  	_ = 	snop  }
0x2f7: {  	[tilespmem:s1], [sflag:$0x4] =	stream.linear.gather [hbm4b:s29+s1], $0x50, $0x38;
	[tilespmem:$0x1BB00] =	vst v63  }
0x2f8: {  	_ =	swait.ge [sflag:s5], $0x50  }
0x2f9: {  	[sflag:s5] =	ssyncset.done $0x0  }
0x2fa: {  	[sflag:s5] =	ssyncadd.s32 $0xFFFFFFB0  }
0x2fb: {  	_ =	swait.ge [sflag:s5], $0x50  }
0x2fc: {  	[sflag:s5] =	ssyncset.done $0x0  }
0x2fd: {  	[sflag:s5] =	ssyncadd.s32 $0xFFFFFFB0  }
0x2fe: {  	[tilespmem:s0], [sflag:$0x3] =	stream.indirect.gather [hbm4b:s31+s18], $0x80, s4, s18, $0xb8;
	[tilespmem:$0x1BB00] =	vst v63  }
0x2ff: {  	_ =	swait.ge [sflag:s17], $0x2800  }
0x300: {  	[sflag:s17] =	ssyncset.done $0x0  }
0x301: {  	[sflag:s17] =	ssyncadd.s32 $0xFFFFD800  }
0x302: {  	[spmem:s28] =	stream.indirect.scatter.add.f32 [tilespmem:s21], [sflag:$0x7], $0x80, s16, s18, $0xb8;
	[tilespmem:$0x1BB00] =	vst v63  }
0x303: {  	_ =	swait.ge [sflag:s13], $0x2800  }
0x304: {  	s2 =	sld [smem:$0x7F1]  }
0x305: {  	[sflag:s13] =	ssyncset.done $0x0  }
0x306: {  	s8 =	sld [smem:$0x7F2];
	[sflag:s13] =	ssyncadd.s32 $0xFFFFD800  }
0x307: {  	[tilespmem:s16], [sflag:$0x5] =	stream.linear.gather [hbm4b:s2+s1], $0x50, $0x38;
	[tilespmem:$0x1BB00] =	vst v63  }
0x308: {  	_ = 	snop  }
0x309: {  	[tilespmem:s11], [sflag:$0x5] =	stream.linear.gather [hbm4b:s8+s1], $0x50, $0x38;
	[tilespmem:$0x1BB00] =	vst v63  }
0x30a: {  	_ =	swait.ge [sflag:s20], $0x50  }
0x30b: {  	[sflag:s20] =	ssyncset.done $0x0  }
0x30c: {  	[sflag:s20] =	ssyncadd.s32 $0xFFFFFFB0  }
0x30d: {  	_ =	swait.ge [sflag:s20], $0x50  }
0x30e: {  	[sflag:s20] =	ssyncset.done $0x0  }
0x30f: {  	[sflag:s20] =	ssyncadd.s32 $0xFFFFFFB0  }
0x310: {  	[tilespmem:s12], [sflag:$0x1] =	stream.indirect.gather [hbm4b:s31+s18], $0x80, s1, s18, $0xb8;
	[tilespmem:$0x1BB00] =	vst v63  }
0x311: {  	_ =	swait.ge [sflag:s6], $0x2800  }
0x312: {  	[sflag:s6] =	ssyncset.done $0x0  }
0x313: {  	[sflag:s6] =	ssyncadd.s32 $0xFFFFD800  }
0x314: {  	[spmem:s28] =	stream.indirect.scatter.add.f32 [tilespmem:s0], [sflag:$0x7], $0x80, s3, s18, $0xb8;
	[tilespmem:$0x1BB00] =	vst v63  }
0x315: {  	_ =	swait.ge [sflag:s13], $0x2800  }
0x316: {  	[sflag:s13] =	ssyncset.done $0x0  }
0x317: {  	[sflag:s13] =	ssyncadd.s32 $0xFFFFD800  }
0x318: {  	_ =	swait.ge [sflag:s19], $0x50  }
0x319: {  	[sflag:s19] =	ssyncset.done $0x0  }
0x31a: {  	[sflag:s19] =	ssyncadd.s32 $0xFFFFFFB0  }
0x31b: {  	_ =	swait.ge [sflag:s19], $0x50  }
0x31c: {  	[sflag:s19] =	ssyncset.done $0x0  }
0x31d: {  	[sflag:s19] =	ssyncadd.s32 $0xFFFFFFB0  }
0x31e: {  	[tilespmem:s21], [sflag:$0x2] =	stream.indirect.gather [hbm4b:s31+s18], $0x80, s11, s18, $0xb8;
	[tilespmem:$0x1BB00] =	vst v63  }
0x31f: {  	_ =	swait.ge [sflag:s14], $0x2800  }
0x320: {  	[sflag:s14] =	ssyncset.done $0x0  }
0x321: {  	[sflag:s14] =	ssyncadd.s32 $0xFFFFD800  }
0x322: {  	[spmem:s28] =	stream.indirect.scatter.add.f32 [tilespmem:s12], [sflag:$0x7], $0x80, s15, s18, $0xb8;
	[tilespmem:$0x1BB00] =	vst v63  }
0x323: {  	_ =	swait.ge [sflag:s13], $0x2800  }
0x324: {  	[sflag:s13] =	ssyncset.done $0x0  }
0x325: {  	[sflag:s13] =	ssyncadd.s32 $0xFFFFD800  }
0x326: {  	_ =	swait.ge [sflag:s17], $0x2800  }
0x327: {  	[sflag:s17] =	ssyncset.done $0x0  }
0x328: {  	[sflag:s17] =	ssyncadd.s32 $0xFFFFD800  }
0x329: {  	[spmem:s28] =	stream.indirect.scatter.add.f32 [tilespmem:s21], [sflag:$0x7], $0x80, s16, s18, $0xb8;
	[tilespmem:$0x1BB00] =	vst v63  }
0x32a: {  	_ =	swait.ge [sflag:s13], $0x2800  }
0x32b: {  	[sflag:s13] =	ssyncset.done $0x0  }
0x32c: {  	[sflag:s13] =	ssyncadd.s32 $0xFFFFD800  }
0x32d: {  	[bflag:$0x0] =	sbarrier.arrive $0xFFFF  }
0x32e: {  	s9 =	rddreg [dreg:$0x1f]  }
0x32f: {  	[tilespmem:s21], [sflag:$0x7] =	stream.linear.gather [spmem:s9], $0x2800, $0x38;
	[tilespmem:$0x1BB00] =	vst v63  }
0x330: {  	_ =	swait.ge [sflag:s13], $0x2800  }
0x331: {  	[sflag:s13] =	ssyncset.done $0x0;
	s10 =	rddreg [dreg:$0x15]  }
0x332: {  	s23 =	smov.u32 s22;
	s22 =	sld [smem:$0x7E6];
	[sflag:s13] =	ssyncadd.s32 $0xFFFFD800  }
0x333: {  	[hbm4b:s10+s1] =	stream.linear.scatter [tilespmem:s21], [sflag:$0x1], $0x2800, $0x38;
	[tilespmem:$0x1BB00] =	vst v63  }
0x334: {  	_ = 	snop  }
0x335: {  	[tilespmem:s0], [sflag:$0x7] =	stream.linear.gather [spmem:s22], $0x2800, $0x38;
	[tilespmem:$0x1BB00] =	vst v63  }
0x336: {  	_ =	swait.ge [sflag:s13], $0x2800  }
0x337: {  	[sflag:s13] =	ssyncset.done $0x0  }
0x338: {  	s25 =	rddreg [dreg:$0x16];
	[sflag:s13] =	ssyncadd.s32 $0xFFFFD800  }
0x339: {  	[hbm4b:s25+s1] =	stream.linear.scatter [tilespmem:s0], [sflag:$0x1], $0x2800, $0x38;
	[tilespmem:$0x1BB00] =	vst v63  }
0x33a: {  	_ =	swait.ge [sflag:s14], $0x2800  }
0x33b: {  	s22 =	sld [smem:$0x7F7]  }
0x33c: {  	[sflag:s14] =	ssyncset.done $0x0  }
0x33d: {  	[sflag:s14] =	ssyncadd.s32 $0xFFFFD800  }
0x33e: {  	[tilespmem:s21], [sflag:$0x7] =	stream.linear.gather [spmem:s22], $0x2800, $0x38;
	[tilespmem:$0x1BB00] =	vst v63  }
0x33f: {  	_ =	swait.ge [sflag:s13], $0x2800  }
0x340: {  	[sflag:s13] =	ssyncset.done $0x0  }
0x341: {  	s26 =	rddreg [dreg:$0x17];
	[sflag:s13] =	ssyncadd.s32 $0xFFFFD800  }
0x342: {  	[hbm4b:s26+s1] =	stream.linear.scatter [tilespmem:s21], [sflag:$0x1], $0x2800, $0x38;
	[tilespmem:$0x1BB00] =	vst v63  }
0x343: {  	_ =	swait.ge [sflag:s14], $0x2800  }
0x344: {  	s29 =	sld [smem:$0x7E7]  }
0x345: {  	[sflag:s14] =	ssyncset.done $0x0  }
0x346: {  	[sflag:s14] =	ssyncadd.s32 $0xFFFFD800  }
0x347: {  	[tilespmem:s0], [sflag:$0x7] =	stream.linear.gather [spmem:s29], $0x2800, $0x38;
	[tilespmem:$0x1BB00] =	vst v63  }
0x348: {  	_ =	swait.ge [sflag:s13], $0x2800  }
0x349: {  	[sflag:s13] =	ssyncset.done $0x0  }
0x34a: {  	s2 =	rddreg [dreg:$0x18];
	[sflag:s13] =	ssyncadd.s32 $0xFFFFD800  }
0x34b: {  	[hbm4b:s2+s1] =	stream.linear.scatter [tilespmem:s0], [sflag:$0x1], $0x2800, $0x38;
	[tilespmem:$0x1BB00] =	vst v63  }
0x34c: {  	_ =	swait.ge [sflag:s14], $0x2800  }
0x34d: {  	s8 =	sld [smem:$0x7E8]  }
0x34e: {  	[sflag:s14] =	ssyncset.done $0x0  }
0x34f: {  	[sflag:s14] =	ssyncadd.s32 $0xFFFFD800  }
0x350: {  	[tilespmem:s21], [sflag:$0x7] =	stream.linear.gather [spmem:s8], $0x2800, $0x38;
	[tilespmem:$0x1BB00] =	vst v63  }
0x351: {  	_ =	swait.ge [sflag:s13], $0x2800  }
0x352: {  	[sflag:s13] =	ssyncset.done $0x0  }
0x353: {  	s9 =	rddreg [dreg:$0x19];
	[sflag:s13] =	ssyncadd.s32 $0xFFFFD800  }
0x354: {  	[hbm4b:s9+s1] =	stream.linear.scatter [tilespmem:s21], [sflag:$0x1], $0x2800, $0x38;
	[tilespmem:$0x1BB00] =	vst v63  }
0x355: {  	_ =	swait.ge [sflag:s14], $0x2800  }
0x356: {  	s9 =	sld [smem:$0x7F8]  }
0x357: {  	[sflag:s14] =	ssyncset.done $0x0  }
0x358: {  	[sflag:s14] =	ssyncadd.s32 $0xFFFFD800  }
0x359: {  	[tilespmem:s0], [sflag:$0x7] =	stream.linear.gather [spmem:s9], $0x2800, $0x38;
	[tilespmem:$0x1BB00] =	vst v63  }
0x35a: {  	_ =	swait.ge [sflag:s13], $0x2800  }
0x35b: {  	[sflag:s13] =	ssyncset.done $0x0  }
0x35c: {  	s10 =	rddreg [dreg:$0x1a];
	[sflag:s13] =	ssyncadd.s32 $0xFFFFD800  }
0x35d: {  	[hbm4b:s10+s1] =	stream.linear.scatter [tilespmem:s0], [sflag:$0x1], $0x2800, $0x38;
	[tilespmem:$0x1BB00] =	vst v63  }
0x35e: {  	_ =	swait.ge [sflag:s14], $0x2800  }
0x35f: {  	s8 =	sld [smem:$0x7F9]  }
0x360: {  	[sflag:s14] =	ssyncset.done $0x0  }
0x361: {  	[sflag:s14] =	ssyncadd.s32 $0xFFFFD800  }
0x362: {  	[tilespmem:s21], [sflag:$0x7] =	stream.linear.gather [spmem:s8], $0x2800, $0x38;
	[tilespmem:$0x1BB00] =	vst v63  }
0x363: {  	_ =	swait.ge [sflag:s13], $0x2800  }
0x364: {  	[sflag:s13] =	ssyncset.done $0x0  }
0x365: {  	s25 =	rddreg [dreg:$0x1b];
	[sflag:s13] =	ssyncadd.s32 $0xFFFFD800  }
0x366: {  	[hbm4b:s25+s1] =	stream.linear.scatter [tilespmem:s21], [sflag:$0x1], $0x2800, $0x38;
	[tilespmem:$0x1BB00] =	vst v63  }
0x367: {  	_ =	swait.ge [sflag:s14], $0x2800  }
0x368: {  	s10 =	sld [smem:$0x7FA]  }
0x369: {  	[sflag:s14] =	ssyncset.done $0x0  }
0x36a: {  	[sflag:s14] =	ssyncadd.s32 $0xFFFFD800  }
0x36b: {  	[tilespmem:s0], [sflag:$0x7] =	stream.linear.gather [spmem:s10], $0x2800, $0x38;
	[tilespmem:$0x1BB00] =	vst v63  }
0x36c: {  	_ =	swait.ge [sflag:s13], $0x2800  }
0x36d: {  	[sflag:s13] =	ssyncset.done $0x0  }
0x36e: {  	s26 =	rddreg [dreg:$0x1c];
	[sflag:s13] =	ssyncadd.s32 $0xFFFFD800  }
0x36f: {  	[hbm4b:s26+s1] =	stream.linear.scatter [tilespmem:s0], [sflag:$0x1], $0x2800, $0x38;
	[tilespmem:$0x1BB00] =	vst v63  }
0x370: {  	_ =	swait.ge [sflag:s14], $0x2800  }
0x371: {  	[sflag:s14] =	ssyncset.done $0x0  }
0x372: {  	[sflag:s14] =	ssyncadd.s32 $0xFFFFD800  }
0x373: {  	_ =	swait.ge [sflag:s14], $0x2800  }
0x374: {  	s26 =	sld [smem:$0x7E5]  }
0x375: {  	s29 =	sld [smem:$0x7F3];
	_ =	sdelay $0x1  }
0x376: {  	s26 =	sadd.s32 $0x1, s26  }
0x377: {  	p0 =	sne.s32 s26, s29  }
.Ltmp3:
0x378: {  	_ = 	snop;
	(pc) =	sbr.rel @p0 .LBB2_1-.Ltmp3, $3  }
0x379: {  	_ =	sdelay $0x1  }
0x37a: {  	[sflag:s14] =	ssyncset.done $0x0  }
0x37b: {  	[sflag:s14] =	ssyncadd.s32 $0xFFFFD800  }
0x37c: {  	_ =	sfence.sel $0x180000  }
0x37d: {  	[bflag:$0x0] =	sbarrier.arrive $0xFFFF  }
0x37e: {  	_ =	strace $0x90000047  }
0x37f: {  	s0 =	stileid.u32;
	[bflag:$0x2] =	sbarrier.arrive $0xFFFF  }
0x380: {  	p0 =	sne.s32 s0, $0x0;
	s0 =	rddreg [dreg:$0x3]  }
0x381: {  	s0 =	sadd.s32 @!p0 $0x100000, s0  }
0x382: {  	[sflag:s0] =	ssyncadd.tile.s32 @!p0 $0x1;
	_ =	shalt  }
.Lfunc_end2:
_tile_overlayer_lowered:
.L_overlay_start_2:
0x383: {  	(tag) =	ssettag $0x2  }
0x384: {  	s0 =	rddreg [dreg:$0x0];
	s2 =	stileid.u32  }
0x385: {  	s1 =	rddreg [dreg:$0x1];
	p0 =	sne.s32 s2, $0x0  }
0x386: {  	s3 =	rddreg [dreg:$0x2];
	[bflag:$0x3] =	sbarrier.arrive $0xFFFF;
	s2 =	simm.s32 @!p0 $0x1C07  }
0x387: {  	[timem:s3], [sflag:s2] =	dma.local @!p0 [hbm:s0], s1  }
0x388: {  	s0 =	simm.s32 @!p0 $0x7  }
0x389: {  	_ =	swait.ge @!p0 [sflag:s0], s1  }
0x38a: {  	s1 =	ssub.s32 @!p0 $0x0, s1;
	[sflag:s0] =	ssyncset.done @!p0 $0x0  }
0x38b: {  	[sflag:s0] =	ssyncadd.s32 @!p0 s1  }
0x38c: {  	[bflag:$0x3] =	sbarrier.arrive $0xFFFF  }
0x38d: {  	_ =	shalt  }

</sc_bundles>
